<compile_context>
chip_gen: v7x
topology: tpu7x:2x2x1
jax: 0.10.2.dev20260603
libtpu: 0.0.44.dev20260713+nightly
codegen_flags: <defaults>
</compile_context>

<pallas_src>
import functools

import jax
import jax.numpy as jnp
from jax import lax
from jax.experimental import pallas as pl
from jax.experimental.pallas import tpu as pltpu
from jax.experimental.pallas import tpu_sc as plsc

N = 512
E = 8192
H = 16
D = 256
NEG = -200000000.0

_MESH = plsc.VectorSubcoreMesh(core_axis_name="c", subcore_axis_name="s")


def _adj_body(ei_hbm, adj_hbm, ei_v, slab_v, sem):
    wid = lax.axis_index("s") * 2 + lax.axis_index("c")
    lo = wid * 16
    ld = pltpu.async_copy(ei_hbm, ei_v, sem)
    zeros = jnp.zeros((16,), jnp.int32)
    for q in range(4):
        for r in range(16):
            @plsc.parallel_loop(0, 8, unroll=4)
            def zb(c, q=q, r=r):
                slab_v[q, r, pl.ds(c * 16, 16)] = zeros

    ld.wait()
    ones = jnp.ones((16,), jnp.int32)

    @plsc.parallel_loop(0, E // 16, unroll=4)
    def ebody(e):
        s = ei_v[0, pl.ds(e * 16, 16)]
        d = ei_v[1, pl.ds(e * 16, 16)]
        m = (s >= lo) & (s < lo + 16)
        plsc.store_scatter(slab_v, [d >> 7, s - lo, d & 127], ones,
                           mask=m)

    for q in range(4):
        pltpu.sync_copy(slab_v.at[q], adj_hbm.at[q, pl.ds(lo, 16), :])


_adj_call = functools.partial(
    pl.kernel,
    out_type=jax.ShapeDtypeStruct((4, N, 128), jnp.int32),
    mesh=_MESH,
    compiler_params=pltpu.CompilerParams(use_tc_tiling_on_sc=False,
                                         needs_layout_passes=False),
    scratch_types=[
        pltpu.VMEM((2, E), jnp.int32),
        pltpu.VMEM((4, 16, 128), jnp.int32),
        pltpu.SemaphoreType.DMA,
    ],
)(_adj_body)


def _tc_body(adj_ref, x_ref, it_ref, ot_ref, rpt_ref, vd_ref,
             relp_ref, nf_ref, augt_ref, reach_ref,
             adjb_ref, rel_ref):
    adj = jnp.concatenate([adj_ref[q] for q in range(4)], axis=1)
    adjb_ref[...] = adj.astype(jnp.bfloat16)
    row = lax.broadcasted_iota(jnp.int32, (N, N), 0)
    col = lax.broadcasted_iota(jnp.int32, (N, N), 1)
    reach_ref[...] = (row == col).astype(jnp.float32)
    rel_ref[...] = jnp.zeros((N, N), jnp.int32)

    def cond(c):
        return c[1] & (c[0] < N)

    def body(c):
        t, _ = c
        reach = reach_ref[...]
        rel_ref[...] = rel_ref[...] + (reach == 0).astype(jnp.int32)
        prod = jnp.dot(reach.astype(jnp.bfloat16), adjb_ref[...],
                       preferred_element_type=jnp.float32)
        new = jnp.where(prod + reach > 0.0, jnp.float32(1), jnp.float32(0))
        reach_ref[...] = new
        return (t + 1, jnp.any(new != reach))

    lax.while_loop(cond, body, (jnp.int32(0), jnp.bool_(True)))

    relc = jnp.where(reach_ref[...] > 0,
                     jnp.minimum(rel_ref[...], 20), 20)
    relp_ref[pl.ds(1, N), :] = relc
    relp_ref[pl.ds(0, 1), :] = jnp.full((1, N), 21, jnp.int32)
    relp_ref[pl.ds(N + 1, 127), :] = jnp.full((127, N), 21, jnp.int32)

    onesc = jnp.ones((N, 1), jnp.bfloat16)
    adjb = adjb_ref[...]
    in_deg = lax.dot_general(adjb, onesc, (((1,), (0,)), ((), ())),
                             preferred_element_type=jnp.float32)
    out_deg = lax.dot_general(adjb, onesc, (((0,), (0,)), ((), ())),
                              preferred_element_type=jnp.float32)
    in_deg = jnp.minimum(in_deg, 511.0).astype(jnp.int32)
    out_deg = jnp.minimum(out_deg, 511.0).astype(jnp.int32)
    oh_in = (in_deg == col).astype(jnp.bfloat16)
    oh_out = (out_deg == col).astype(jnp.bfloat16)
    it = it_ref[...]
    ot = ot_ref[...]
    it_hi = it.astype(jnp.bfloat16)
    ot_hi = ot.astype(jnp.bfloat16)
    it_lo = (it - it_hi.astype(jnp.float32)).astype(jnp.bfloat16)
    ot_lo = (ot - ot_hi.astype(jnp.float32)).astype(jnp.bfloat16)
    nf_ref[...] = (x_ref[...]
                   + jnp.dot(oh_in, it_hi,
                             preferred_element_type=jnp.float32)
                   + jnp.dot(oh_in, it_lo,
                             preferred_element_type=jnp.float32)
                   + jnp.dot(oh_out, ot_hi,
                             preferred_element_type=jnp.float32)
                   + jnp.dot(oh_out, ot_lo,
                             preferred_element_type=jnp.float32))

    t32 = jnp.transpose(rpt_ref[0:24, :])
    vdc = jnp.transpose(vd_ref[...])
    vl = lax.broadcasted_iota(jnp.int32, (H, 24), 1)
    augt = jnp.where(vl >= 21, jnp.float32(0.0), t32 + vdc)
    hi = augt.astype(jnp.bfloat16)
    lo = (augt - hi.astype(jnp.float32)).astype(jnp.bfloat16)
    augt_ref[...] = jnp.concatenate([hi, lo], axis=0)


def _tc_call(adj, x, it, ot, rpt, vd):
    return pl.pallas_call(
        _tc_body,
        out_shape=(
            jax.ShapeDtypeStruct((N + 128, N), jnp.int32),
            jax.ShapeDtypeStruct((N, D), jnp.float32),
            jax.ShapeDtypeStruct((2 * H, 24), jnp.bfloat16),
        ),
        scratch_shapes=[
            pltpu.VMEM((N, N), jnp.float32),
            pltpu.VMEM((N, N), jnp.bfloat16),
            pltpu.VMEM((N, N), jnp.int32),
        ],
    )(adj, x, it, ot, rpt, vd)


IB = 128


def _gab_tc_body(relp_ref, augt_ref, out_ref):
    relb = relp_ref[...]
    iota_v = lax.broadcasted_iota(jnp.int32, (24, N), 0)
    parts = []
    negs = []
    for r in range(IB):
        rowr = relb[r:r + 1, :]
        ohr = (jnp.broadcast_to(rowr, (24, N)) == iota_v)
        parts.append(jnp.where(ohr, jnp.float32(1.0), jnp.float32(0.0))
                     .astype(jnp.bfloat16))
        negs.append(jnp.where(jnp.broadcast_to(rowr == 20, (H, N)),
                              jnp.float32(NEG), jnp.float32(0.0)))
    oh = jnp.concatenate(parts, axis=1)
    res2 = jnp.dot(augt_ref[...], oh,
                   preferred_element_type=jnp.float32)
    res = res2[0:H, :] + res2[H:2 * H, :]
    for r in range(IB):
        out_ref[pl.ds(r * H, H), pl.ds(1, N)] = (
            res[:, r * N:(r + 1) * N] + negs[r])
    out_ref[:, pl.ds(0, 1)] = jnp.zeros((IB * H, 1), jnp.float32)


def _gab_tc_call(relp, augt):
    nsteps = ((N + 1) * H + IB * H - 1) // (IB * H)
    return pl.pallas_call(
        _gab_tc_body,
        grid=(nsteps,),
        in_specs=[
            pl.BlockSpec((IB, N), lambda g: (g, 0)),
            pl.BlockSpec((2 * H, 24), lambda g: (0, 0)),
        ],
        out_specs=pl.BlockSpec((IB * H, N + 1), lambda g: (g, 0)),
        out_shape=jax.ShapeDtypeStruct(((N + 1) * H, N + 1), jnp.float32),
    )(relp, augt)


def kernel(x, edge_feature, edge_index, in_deg_table, out_deg_table,
           rel_pos_table, virt_dist):
    del edge_feature
    adj = _adj_call(edge_index.astype(jnp.int32))
    relp, node_feature, augt = _tc_call(
        adj, x, in_deg_table, out_deg_table, rel_pos_table, virt_dist)
    gab2d = _gab_tc_call(relp, augt)
    gab = gab2d.reshape(N + 1, H, N + 1)
    return node_feature, gab

# --- scband reference (transcript-rebuilt; emitter-appended) ---
"""Pipeline reference for scband-get-atten-bias-63299228009187 (READ-ONLY COPY).

The authoritative reference and input builder live on the scoring server;
editing this copy changes nothing except your own understanding.
"""

import jax, jax.numpy as jnp
import numpy as np

N = 512
E = 8192
D_NODE = 256
D_EDGE = 4
H = 16


def floyd_warshall(adj):
    n = adj.shape[0]
    INF = 510
    dist = jnp.where(adj, 1, INF).astype(jnp.int32)
    dist = dist.at[jnp.arange(n), jnp.arange(n)].set(0)
    def body(k, d):
        dk = d[:, k][:, None] + d[k, :][None, :]
        return jnp.minimum(d, dk)
    dist = jax.lax.fori_loop(0, n, body, dist)
    return jnp.minimum(dist, 510)


def setup_inputs(seed: int = 0):
    key = jax.random.key(seed)
    ks = jax.random.split(key, 8)
    x = jax.random.normal(ks[0], (N, D_NODE), dtype=jnp.float32)
    edge_feature = jax.random.randint(ks[1], (E, D_EDGE), 0, 500)
    edge_index = jax.random.randint(ks[2], (2, E), 0, N)
    in_deg_table = (0.02 * jax.random.normal(ks[3], (512, D_NODE), dtype=jnp.float32)).at[0].set(0.0)
    out_deg_table = (0.02 * jax.random.normal(ks[4], (512, D_NODE), dtype=jnp.float32)).at[0].set(0.0)
    rel_pos_table = (0.02 * jax.random.normal(ks[5], (512, H), dtype=jnp.float32)).at[0].set(0.0)
    virt_dist = 0.02 * jax.random.normal(ks[6], (1, H), dtype=jnp.float32)
    return {"x": x, "edge_feature": edge_feature, "edge_index": edge_index,
            "in_deg_table": in_deg_table, "out_deg_table": out_deg_table,
            "rel_pos_table": rel_pos_table, "virt_dist": virt_dist}


def reference(x, edge_feature, edge_index, in_deg_table, out_deg_table, rel_pos_table, virt_dist):
    n = x.shape[0]
    h = rel_pos_table.shape[1]
    nvt = 1
    src = edge_index[0]
    dst = edge_index[1]
    adj = jnp.zeros((n, n), dtype=bool).at[src, dst].set(True)
    # convert_to_single_emb + attn_edge_type (computed in original, unused in returned outputs)
    ef = edge_feature.astype(jnp.int32)
    fo = 1 + jnp.arange(0, ef.shape[-1] * 512, 512, dtype=jnp.int32)
    attn_edge_type = jnp.zeros((n, n, ef.shape[-1]), jnp.int32).at[src, dst].set(ef + fo + 1)
    del attn_edge_type
    rel_pos = floyd_warshall(adj)
    attn_bias = jnp.zeros((n + nvt, n + nvt), jnp.float32)
    attn_bias = attn_bias.at[nvt:, nvt:].set(jnp.where(rel_pos >= 20, jnp.float32(-99999999.0), jnp.float32(0.0)))
    in_degree = jnp.minimum(adj.sum(axis=1), 511).astype(jnp.int32)
    out_degree = jnp.minimum(adj.sum(axis=0), 511).astype(jnp.int32)
    node_feature = x + jnp.take(in_deg_table, in_degree, axis=0) + jnp.take(out_deg_table, out_degree, axis=0)
    gab = jnp.broadcast_to(attn_bias[:, None, :], (n + nvt, h, n + nvt))
    rel_pos_bias = jnp.transpose(jnp.take(rel_pos_table, rel_pos, axis=0), (0, 2, 1))
    t = virt_dist.reshape(1, h, 1)
    inner = gab[nvt:, :, nvt:] + rel_pos_bias + t
    gab = gab.at[nvt:, :, nvt:].set(inner)
    gab = gab + attn_bias[:, None, :]
    return (node_feature, gab)

if __name__ == "__main__":
    import jax
    _d = setup_inputs()
    print(jax.jit(kernel)(*tuple(_d.values())))

</pallas_src>

<mosaic_0001>
#map = affine_map<(d0, d1) -> (0, 0)>
#map1 = affine_map<(d0, d1) -> (0, 0, 0)>
module attributes {stable_mosaic.version = 14 : i64} {
  func.func @_adj_body(%arg0: i32, %arg1: i32, %arg2: memref<2x8192xi32, #tpu.memory_space<hbm>>, %arg3: memref<4x512x128xi32, #tpu.memory_space<hbm>>, %arg4: memref<2x8192xi32, #tpu.memory_space<vmem>>, %arg5: memref<4x16x128xi32, #tpu.memory_space<vmem>>, %arg6: memref<!tpu.dma_semaphore, #tpu.memory_space<semaphore_mem>>) attributes {dimension_semantics = [#tpu.dimension_semantics<core_parallel>, #tpu.dimension_semantics<subcore_parallel>], iteration_bounds = array<i64: 2, 16>, scalar_prefetch = 0 : i64, scratch_operands = 3 : i64, tpu.core_type = #tpu.core_type<sc_vector_subcore>, window_params = [{transform_indices = #map}, {transform_indices = #map1}]} {
    %mul3A = arith.constant 2 : i32
    %mul3A_0 = arith.muli %arg1, %mul3A : i32
    %add3A = arith.addi %mul3A_0, %arg0 : i32
    %mul3A_1 = arith.constant 16 : i32
    %mul3A_2 = arith.muli %add3A, %mul3A_1 : i32
    tpu.enqueue_dma source(%arg2 : memref<2x8192xi32, #tpu.memory_space<hbm>>) target(%arg4 : memref<2x8192xi32, #tpu.memory_space<vmem>>) target_semaphore(%arg6 : memref<!tpu.dma_semaphore, #tpu.memory_space<semaphore_mem>>)
    %broadcast_in_dim3A = arith.constant 0 : i32
    %broadcast_in_dim3A_3 = vector.broadcast %broadcast_in_dim3A : i32 to vector<16xi32>
    %parallel_loop3A = arith.constant 0 : i32
    %parallel_loop3A_4 = arith.constant 8 : i32
    %parallel_loop3A_5 = arith.constant 1 : i32
    scf.for %parallel_loop3A_207 = %parallel_loop3A to %parallel_loop3A_4 step %parallel_loop3A_5  : i32 {
      %parallel_loop3A_208 = arith.constant 16 : i32
      %parallel_loop3A_209 = arith.muli %parallel_loop3A_207, %parallel_loop3A_208 : i32
      %parallel_loop3A_210 = arith.constant 0 : i32
      %parallel_loop3A_211 = arith.constant 0 : i32
      %parallel_loop3A_212 = arith.index_cast %parallel_loop3A_210 : i32 to index
      %parallel_loop3A_213 = arith.index_cast %parallel_loop3A_211 : i32 to index
      %parallel_loop3A_214 = arith.index_cast %parallel_loop3A_209 : i32 to index
      %parallel_loop3A_215 = tpu.vector_load %arg5[%parallel_loop3A_212, %parallel_loop3A_213, %parallel_loop3A_214] {strides = array<i32>} : memref<4x16x128xi32, #tpu.memory_space<vmem>>, vector<16xi32>,
      tpu.vector_store %arg5[%parallel_loop3A_212, %parallel_loop3A_213, %parallel_loop3A_214], %broadcast_in_dim3A_3 {strides = array<i32>} : memref<4x16x128xi32, #tpu.memory_space<vmem>>, vector<16xi32>,
    } {sc.loop_unroll_factor = 4 : i64, sc.parallel_access}
    %parallel_loop3A_6 = arith.constant 0 : i32
    %parallel_loop3A_7 = arith.constant 8 : i32
    %parallel_loop3A_8 = arith.constant 1 : i32
    scf.for %parallel_loop3A_207 = %parallel_loop3A_6 to %parallel_loop3A_7 step %parallel_loop3A_8  : i32 {
      %parallel_loop3A_208 = arith.constant 16 : i32
      %parallel_loop3A_209 = arith.muli %parallel_loop3A_207, %parallel_loop3A_208 : i32
      %parallel_loop3A_210 = arith.constant 0 : i32
      %parallel_loop3A_211 = arith.constant 1 : i32
      %parallel_loop3A_212 = arith.index_cast %parallel_loop3A_210 : i32 to index
      %parallel_loop3A_213 = arith.index_cast %parallel_loop3A_211 : i32 to index
      %parallel_loop3A_214 = arith.index_cast %parallel_loop3A_209 : i32 to index
      %parallel_loop3A_215 = tpu.vector_load %arg5[%parallel_loop3A_212, %parallel_loop3A_213, %parallel_loop3A_214] {strides = array<i32>} : memref<4x16x128xi32, #tpu.memory_space<vmem>>, vector<16xi32>,
      tpu.vector_store %arg5[%parallel_loop3A_212, %parallel_loop3A_213, %parallel_loop3A_214], %broadcast_in_dim3A_3 {strides = array<i32>} : memref<4x16x128xi32, #tpu.memory_space<vmem>>, vector<16xi32>,
    } {sc.loop_unroll_factor = 4 : i64, sc.parallel_access}
    %parallel_loop3A_9 = arith.constant 0 : i32
    %parallel_loop3A_10 = arith.constant 8 : i32
    %parallel_loop3A_11 = arith.constant 1 : i32
    scf.for %parallel_loop3A_207 = %parallel_loop3A_9 to %parallel_loop3A_10 step %parallel_loop3A_11  : i32 {
      %parallel_loop3A_208 = arith.constant 16 : i32
      %parallel_loop3A_209 = arith.muli %parallel_loop3A_207, %parallel_loop3A_208 : i32
      %parallel_loop3A_210 = arith.constant 0 : i32
      %parallel_loop3A_211 = arith.constant 2 : i32
      %parallel_loop3A_212 = arith.index_cast %parallel_loop3A_210 : i32 to index
      %parallel_loop3A_213 = arith.index_cast %parallel_loop3A_211 : i32 to index
      %parallel_loop3A_214 = arith.index_cast %parallel_loop3A_209 : i32 to index
      %parallel_loop3A_215 = tpu.vector_load %arg5[%parallel_loop3A_212, %parallel_loop3A_213, %parallel_loop3A_214] {strides = array<i32>} : memref<4x16x128xi32, #tpu.memory_space<vmem>>, vector<16xi32>,
      tpu.vector_store %arg5[%parallel_loop3A_212, %parallel_loop3A_213, %parallel_loop3A_214], %broadcast_in_dim3A_3 {strides = array<i32>} : memref<4x16x128xi32, #tpu.memory_space<vmem>>, vector<16xi32>,
    } {sc.loop_unroll_factor = 4 : i64, sc.parallel_access}
    %parallel_loop3A_12 = arith.constant 0 : i32
    %parallel_loop3A_13 = arith.constant 8 : i32
    %parallel_loop3A_14 = arith.constant 1 : i32
    scf.for %parallel_loop3A_207 = %parallel_loop3A_12 to %parallel_loop3A_13 step %parallel_loop3A_14  : i32 {
      %parallel_loop3A_208 = arith.constant 16 : i32
      %parallel_loop3A_209 = arith.muli %parallel_loop3A_207, %parallel_loop3A_208 : i32
      %parallel_loop3A_210 = arith.constant 0 : i32
      %parallel_loop3A_211 = arith.constant 3 : i32
      %parallel_loop3A_212 = arith.index_cast %parallel_loop3A_210 : i32 to index
      %parallel_loop3A_213 = arith.index_cast %parallel_loop3A_211 : i32 to index
      %parallel_loop3A_214 = arith.index_cast %parallel_loop3A_209 : i32 to index
      %parallel_loop3A_215 = tpu.vector_load %arg5[%parallel_loop3A_212, %parallel_loop3A_213, %parallel_loop3A_214] {strides = array<i32>} : memref<4x16x128xi32, #tpu.memory_space<vmem>>, vector<16xi32>,
      tpu.vector_store %arg5[%parallel_loop3A_212, %parallel_loop3A_213, %parallel_loop3A_214], %broadcast_in_dim3A_3 {strides = array<i32>} : memref<4x16x128xi32, #tpu.memory_space<vmem>>, vector<16xi32>,
    } {sc.loop_unroll_factor = 4 : i64, sc.parallel_access}
    %parallel_loop3A_15 = arith.constant 0 : i32
    %parallel_loop3A_16 = arith.constant 8 : i32
    %parallel_loop3A_17 = arith.constant 1 : i32
    scf.for %parallel_loop3A_207 = %parallel_loop3A_15 to %parallel_loop3A_16 step %parallel_loop3A_17  : i32 {
      %parallel_loop3A_208 = arith.constant 16 : i32
      %parallel_loop3A_209 = arith.muli %parallel_loop3A_207, %parallel_loop3A_208 : i32
      %parallel_loop3A_210 = arith.constant 0 : i32
      %parallel_loop3A_211 = arith.constant 4 : i32
      %parallel_loop3A_212 = arith.index_cast %parallel_loop3A_210 : i32 to index
      %parallel_loop3A_213 = arith.index_cast %parallel_loop3A_211 : i32 to index
      %parallel_loop3A_214 = arith.index_cast %parallel_loop3A_209 : i32 to index
      %parallel_loop3A_215 = tpu.vector_load %arg5[%parallel_loop3A_212, %parallel_loop3A_213, %parallel_loop3A_214] {strides = array<i32>} : memref<4x16x128xi32, #tpu.memory_space<vmem>>, vector<16xi32>,
      tpu.vector_store %arg5[%parallel_loop3A_212, %parallel_loop3A_213, %parallel_loop3A_214], %broadcast_in_dim3A_3 {strides = array<i32>} : memref<4x16x128xi32, #tpu.memory_space<vmem>>, vector<16xi32>,
    } {sc.loop_unroll_factor = 4 : i64, sc.parallel_access}
    %parallel_loop3A_18 = arith.constant 0 : i32
    %parallel_loop3A_19 = arith.constant 8 : i32
    %parallel_loop3A_20 = arith.constant 1 : i32
    scf.for %parallel_loop3A_207 = %parallel_loop3A_18 to %parallel_loop3A_19 step %parallel_loop3A_20  : i32 {
      %parallel_loop3A_208 = arith.constant 16 : i32
      %parallel_loop3A_209 = arith.muli %parallel_loop3A_207, %parallel_loop3A_208 : i32
      %parallel_loop3A_210 = arith.constant 0 : i32
      %parallel_loop3A_211 = arith.constant 5 : i32
      %parallel_loop3A_212 = arith.index_cast %parallel_loop3A_210 : i32 to index
      %parallel_loop3A_213 = arith.index_cast %parallel_loop3A_211 : i32 to index
      %parallel_loop3A_214 = arith.index_cast %parallel_loop3A_209 : i32 to index
      %parallel_loop3A_215 = tpu.vector_load %arg5[%parallel_loop3A_212, %parallel_loop3A_213, %parallel_loop3A_214] {strides = array<i32>} : memref<4x16x128xi32, #tpu.memory_space<vmem>>, vector<16xi32>,
      tpu.vector_store %arg5[%parallel_loop3A_212, %parallel_loop3A_213, %parallel_loop3A_214], %broadcast_in_dim3A_3 {strides = array<i32>} : memref<4x16x128xi32, #tpu.memory_space<vmem>>, vector<16xi32>,
    } {sc.loop_unroll_factor = 4 : i64, sc.parallel_access}
    %parallel_loop3A_21 = arith.constant 0 : i32
    %parallel_loop3A_22 = arith.constant 8 : i32
    %parallel_loop3A_23 = arith.constant 1 : i32
    scf.for %parallel_loop3A_207 = %parallel_loop3A_21 to %parallel_loop3A_22 step %parallel_loop3A_23  : i32 {
      %parallel_loop3A_208 = arith.constant 16 : i32
      %parallel_loop3A_209 = arith.muli %parallel_loop3A_207, %parallel_loop3A_208 : i32
      %parallel_loop3A_210 = arith.constant 0 : i32
      %parallel_loop3A_211 = arith.constant 6 : i32
      %parallel_loop3A_212 = arith.index_cast %parallel_loop3A_210 : i32 to index
      %parallel_loop3A_213 = arith.index_cast %parallel_loop3A_211 : i32 to index
      %parallel_loop3A_214 = arith.index_cast %parallel_loop3A_209 : i32 to index
      %parallel_loop3A_215 = tpu.vector_load %arg5[%parallel_loop3A_212, %parallel_loop3A_213, %parallel_loop3A_214] {strides = array<i32>} : memref<4x16x128xi32, #tpu.memory_space<vmem>>, vector<16xi32>,
      tpu.vector_store %arg5[%parallel_loop3A_212, %parallel_loop3A_213, %parallel_loop3A_214], %broadcast_in_dim3A_3 {strides = array<i32>} : memref<4x16x128xi32, #tpu.memory_space<vmem>>, vector<16xi32>,
    } {sc.loop_unroll_factor = 4 : i64, sc.parallel_access}
    %parallel_loop3A_24 = arith.constant 0 : i32
    %parallel_loop3A_25 = arith.constant 8 : i32
    %parallel_loop3A_26 = arith.constant 1 : i32
    scf.for %parallel_loop3A_207 = %parallel_loop3A_24 to %parallel_loop3A_25 step %parallel_loop3A_26  : i32 {
      %parallel_loop3A_208 = arith.constant 16 : i32
      %parallel_loop3A_209 = arith.muli %parallel_loop3A_207, %parallel_loop3A_208 : i32
      %parallel_loop3A_210 = arith.constant 0 : i32
      %parallel_loop3A_211 = arith.constant 7 : i32
      %parallel_loop3A_212 = arith.index_cast %parallel_loop3A_210 : i32 to index
      %parallel_loop3A_213 = arith.index_cast %parallel_loop3A_211 : i32 to index
      %parallel_loop3A_214 = arith.index_cast %parallel_loop3A_209 : i32 to index
      %parallel_loop3A_215 = tpu.vector_load %arg5[%parallel_loop3A_212, %parallel_loop3A_213, %parallel_loop3A_214] {strides = array<i32>} : memref<4x16x128xi32, #tpu.memory_space<vmem>>, vector<16xi32>,
      tpu.vector_store %arg5[%parallel_loop3A_212, %parallel_loop3A_213, %parallel_loop3A_214], %broadcast_in_dim3A_3 {strides = array<i32>} : memref<4x16x128xi32, #tpu.memory_space<vmem>>, vector<16xi32>,
    } {sc.loop_unroll_factor = 4 : i64, sc.parallel_access}
    %parallel_loop3A_27 = arith.constant 0 : i32
    %parallel_loop3A_28 = arith.constant 8 : i32
    %parallel_loop3A_29 = arith.constant 1 : i32
    scf.for %parallel_loop3A_207 = %parallel_loop3A_27 to %parallel_loop3A_28 step %parallel_loop3A_29  : i32 {
      %parallel_loop3A_208 = arith.constant 16 : i32
      %parallel_loop3A_209 = arith.muli %parallel_loop3A_207, %parallel_loop3A_208 : i32
      %parallel_loop3A_210 = arith.constant 0 : i32
      %parallel_loop3A_211 = arith.constant 8 : i32
      %parallel_loop3A_212 = arith.index_cast %parallel_loop3A_210 : i32 to index
      %parallel_loop3A_213 = arith.index_cast %parallel_loop3A_211 : i32 to index
      %parallel_loop3A_214 = arith.index_cast %parallel_loop3A_209 : i32 to index
      %parallel_loop3A_215 = tpu.vector_load %arg5[%parallel_loop3A_212, %parallel_loop3A_213, %parallel_loop3A_214] {strides = array<i32>} : memref<4x16x128xi32, #tpu.memory_space<vmem>>, vector<16xi32>,
      tpu.vector_store %arg5[%parallel_loop3A_212, %parallel_loop3A_213, %parallel_loop3A_214], %broadcast_in_dim3A_3 {strides = array<i32>} : memref<4x16x128xi32, #tpu.memory_space<vmem>>, vector<16xi32>,
    } {sc.loop_unroll_factor = 4 : i64, sc.parallel_access}
    %parallel_loop3A_30 = arith.constant 0 : i32
    %parallel_loop3A_31 = arith.constant 8 : i32
    %parallel_loop3A_32 = arith.constant 1 : i32
    scf.for %parallel_loop3A_207 = %parallel_loop3A_30 to %parallel_loop3A_31 step %parallel_loop3A_32  : i32 {
      %parallel_loop3A_208 = arith.constant 16 : i32
      %parallel_loop3A_209 = arith.muli %parallel_loop3A_207, %parallel_loop3A_208 : i32
      %parallel_loop3A_210 = arith.constant 0 : i32
      %parallel_loop3A_211 = arith.constant 9 : i32
      %parallel_loop3A_212 = arith.index_cast %parallel_loop3A_210 : i32 to index
      %parallel_loop3A_213 = arith.index_cast %parallel_loop3A_211 : i32 to index
      %parallel_loop3A_214 = arith.index_cast %parallel_loop3A_209 : i32 to index
      %parallel_loop3A_215 = tpu.vector_load %arg5[%parallel_loop3A_212, %parallel_loop3A_213, %parallel_loop3A_214] {strides = array<i32>} : memref<4x16x128xi32, #tpu.memory_space<vmem>>, vector<16xi32>,
      tpu.vector_store %arg5[%parallel_loop3A_212, %parallel_loop3A_213, %parallel_loop3A_214], %broadcast_in_dim3A_3 {strides = array<i32>} : memref<4x16x128xi32, #tpu.memory_space<vmem>>, vector<16xi32>,
    } {sc.loop_unroll_factor = 4 : i64, sc.parallel_access}
    %parallel_loop3A_33 = arith.constant 0 : i32
    %parallel_loop3A_34 = arith.constant 8 : i32
    %parallel_loop3A_35 = arith.constant 1 : i32
    scf.for %parallel_loop3A_207 = %parallel_loop3A_33 to %parallel_loop3A_34 step %parallel_loop3A_35  : i32 {
      %parallel_loop3A_208 = arith.constant 16 : i32
      %parallel_loop3A_209 = arith.muli %parallel_loop3A_207, %parallel_loop3A_208 : i32
      %parallel_loop3A_210 = arith.constant 0 : i32
      %parallel_loop3A_211 = arith.constant 10 : i32
      %parallel_loop3A_212 = arith.index_cast %parallel_loop3A_210 : i32 to index
      %parallel_loop3A_213 = arith.index_cast %parallel_loop3A_211 : i32 to index
      %parallel_loop3A_214 = arith.index_cast %parallel_loop3A_209 : i32 to index
      %parallel_loop3A_215 = tpu.vector_load %arg5[%parallel_loop3A_212, %parallel_loop3A_213, %parallel_loop3A_214] {strides = array<i32>} : memref<4x16x128xi32, #tpu.memory_space<vmem>>, vector<16xi32>,
      tpu.vector_store %arg5[%parallel_loop3A_212, %parallel_loop3A_213, %parallel_loop3A_214], %broadcast_in_dim3A_3 {strides = array<i32>} : memref<4x16x128xi32, #tpu.memory_space<vmem>>, vector<16xi32>,
    } {sc.loop_unroll_factor = 4 : i64, sc.parallel_access}
    %parallel_loop3A_36 = arith.constant 0 : i32
    %parallel_loop3A_37 = arith.constant 8 : i32
    %parallel_loop3A_38 = arith.constant 1 : i32
    scf.for %parallel_loop3A_207 = %parallel_loop3A_36 to %parallel_loop3A_37 step %parallel_loop3A_38  : i32 {
      %parallel_loop3A_208 = arith.constant 16 : i32
      %parallel_loop3A_209 = arith.muli %parallel_loop3A_207, %parallel_loop3A_208 : i32
      %parallel_loop3A_210 = arith.constant 0 : i32
      %parallel_loop3A_211 = arith.constant 11 : i32
      %parallel_loop3A_212 = arith.index_cast %parallel_loop3A_210 : i32 to index
      %parallel_loop3A_213 = arith.index_cast %parallel_loop3A_211 : i32 to index
      %parallel_loop3A_214 = arith.index_cast %parallel_loop3A_209 : i32 to index
      %parallel_loop3A_215 = tpu.vector_load %arg5[%parallel_loop3A_212, %parallel_loop3A_213, %parallel_loop3A_214] {strides = array<i32>} : memref<4x16x128xi32, #tpu.memory_space<vmem>>, vector<16xi32>,
      tpu.vector_store %arg5[%parallel_loop3A_212, %parallel_loop3A_213, %parallel_loop3A_214], %broadcast_in_dim3A_3 {strides = array<i32>} : memref<4x16x128xi32, #tpu.memory_space<vmem>>, vector<16xi32>,
    } {sc.loop_unroll_factor = 4 : i64, sc.parallel_access}
    %parallel_loop3A_39 = arith.constant 0 : i32
    %parallel_loop3A_40 = arith.constant 8 : i32
    %parallel_loop3A_41 = arith.constant 1 : i32
    scf.for %parallel_loop3A_207 = %parallel_loop3A_39 to %parallel_loop3A_40 step %parallel_loop3A_41  : i32 {
      %parallel_loop3A_208 = arith.constant 16 : i32
      %parallel_loop3A_209 = arith.muli %parallel_loop3A_207, %parallel_loop3A_208 : i32
      %parallel_loop3A_210 = arith.constant 0 : i32
      %parallel_loop3A_211 = arith.constant 12 : i32
      %parallel_loop3A_212 = arith.index_cast %parallel_loop3A_210 : i32 to index
      %parallel_loop3A_213 = arith.index_cast %parallel_loop3A_211 : i32 to index
      %parallel_loop3A_214 = arith.index_cast %parallel_loop3A_209 : i32 to index
      %parallel_loop3A_215 = tpu.vector_load %arg5[%parallel_loop3A_212, %parallel_loop3A_213, %parallel_loop3A_214] {strides = array<i32>} : memref<4x16x128xi32, #tpu.memory_space<vmem>>, vector<16xi32>,
      tpu.vector_store %arg5[%parallel_loop3A_212, %parallel_loop3A_213, %parallel_loop3A_214], %broadcast_in_dim3A_3 {strides = array<i32>} : memref<4x16x128xi32, #tpu.memory_space<vmem>>, vector<16xi32>,
    } {sc.loop_unroll_factor = 4 : i64, sc.parallel_access}
    %parallel_loop3A_42 = arith.constant 0 : i32
    %parallel_loop3A_43 = arith.constant 8 : i32
    %parallel_loop3A_44 = arith.constant 1 : i32
    scf.for %parallel_loop3A_207 = %parallel_loop3A_42 to %parallel_loop3A_43 step %parallel_loop3A_44  : i32 {
      %parallel_loop3A_208 = arith.constant 16 : i32
      %parallel_loop3A_209 = arith.muli %parallel_loop3A_207, %parallel_loop3A_208 : i32
      %parallel_loop3A_210 = arith.constant 0 : i32
      %parallel_loop3A_211 = arith.constant 13 : i32
      %parallel_loop3A_212 = arith.index_cast %parallel_loop3A_210 : i32 to index
      %parallel_loop3A_213 = arith.index_cast %parallel_loop3A_211 : i32 to index
      %parallel_loop3A_214 = arith.index_cast %parallel_loop3A_209 : i32 to index
      %parallel_loop3A_215 = tpu.vector_load %arg5[%parallel_loop3A_212, %parallel_loop3A_213, %parallel_loop3A_214] {strides = array<i32>} : memref<4x16x128xi32, #tpu.memory_space<vmem>>, vector<16xi32>,
      tpu.vector_store %arg5[%parallel_loop3A_212, %parallel_loop3A_213, %parallel_loop3A_214], %broadcast_in_dim3A_3 {strides = array<i32>} : memref<4x16x128xi32, #tpu.memory_space<vmem>>, vector<16xi32>,
    } {sc.loop_unroll_factor = 4 : i64, sc.parallel_access}
    %parallel_loop3A_45 = arith.constant 0 : i32
    %parallel_loop3A_46 = arith.constant 8 : i32
    %parallel_loop3A_47 = arith.constant 1 : i32
    scf.for %parallel_loop3A_207 = %parallel_loop3A_45 to %parallel_loop3A_46 step %parallel_loop3A_47  : i32 {
      %parallel_loop3A_208 = arith.constant 16 : i32
      %parallel_loop3A_209 = arith.muli %parallel_loop3A_207, %parallel_loop3A_208 : i32
      %parallel_loop3A_210 = arith.constant 0 : i32
      %parallel_loop3A_211 = arith.constant 14 : i32
      %parallel_loop3A_212 = arith.index_cast %parallel_loop3A_210 : i32 to index
      %parallel_loop3A_213 = arith.index_cast %parallel_loop3A_211 : i32 to index
      %parallel_loop3A_214 = arith.index_cast %parallel_loop3A_209 : i32 to index
      %parallel_loop3A_215 = tpu.vector_load %arg5[%parallel_loop3A_212, %parallel_loop3A_213, %parallel_loop3A_214] {strides = array<i32>} : memref<4x16x128xi32, #tpu.memory_space<vmem>>, vector<16xi32>,
      tpu.vector_store %arg5[%parallel_loop3A_212, %parallel_loop3A_213, %parallel_loop3A_214], %broadcast_in_dim3A_3 {strides = array<i32>} : memref<4x16x128xi32, #tpu.memory_space<vmem>>, vector<16xi32>,
    } {sc.loop_unroll_factor = 4 : i64, sc.parallel_access}
    %parallel_loop3A_48 = arith.constant 0 : i32
    %parallel_loop3A_49 = arith.constant 8 : i32
    %parallel_loop3A_50 = arith.constant 1 : i32
    scf.for %parallel_loop3A_207 = %parallel_loop3A_48 to %parallel_loop3A_49 step %parallel_loop3A_50  : i32 {
      %parallel_loop3A_208 = arith.constant 16 : i32
      %parallel_loop3A_209 = arith.muli %parallel_loop3A_207, %parallel_loop3A_208 : i32
      %parallel_loop3A_210 = arith.constant 0 : i32
      %parallel_loop3A_211 = arith.constant 15 : i32
      %parallel_loop3A_212 = arith.index_cast %parallel_loop3A_210 : i32 to index
      %parallel_loop3A_213 = arith.index_cast %parallel_loop3A_211 : i32 to index
      %parallel_loop3A_214 = arith.index_cast %parallel_loop3A_209 : i32 to index
      %parallel_loop3A_215 = tpu.vector_load %arg5[%parallel_loop3A_212, %parallel_loop3A_213, %parallel_loop3A_214] {strides = array<i32>} : memref<4x16x128xi32, #tpu.memory_space<vmem>>, vector<16xi32>,
      tpu.vector_store %arg5[%parallel_loop3A_212, %parallel_loop3A_213, %parallel_loop3A_214], %broadcast_in_dim3A_3 {strides = array<i32>} : memref<4x16x128xi32, #tpu.memory_space<vmem>>, vector<16xi32>,
    } {sc.loop_unroll_factor = 4 : i64, sc.parallel_access}
    %parallel_loop3A_51 = arith.constant 0 : i32
    %parallel_loop3A_52 = arith.constant 8 : i32
    %parallel_loop3A_53 = arith.constant 1 : i32
    scf.for %parallel_loop3A_207 = %parallel_loop3A_51 to %parallel_loop3A_52 step %parallel_loop3A_53  : i32 {
      %parallel_loop3A_208 = arith.constant 16 : i32
      %parallel_loop3A_209 = arith.muli %parallel_loop3A_207, %parallel_loop3A_208 : i32
      %parallel_loop3A_210 = arith.constant 1 : i32
      %parallel_loop3A_211 = arith.constant 0 : i32
      %parallel_loop3A_212 = arith.index_cast %parallel_loop3A_210 : i32 to index
      %parallel_loop3A_213 = arith.index_cast %parallel_loop3A_211 : i32 to index
      %parallel_loop3A_214 = arith.index_cast %parallel_loop3A_209 : i32 to index
      %parallel_loop3A_215 = tpu.vector_load %arg5[%parallel_loop3A_212, %parallel_loop3A_213, %parallel_loop3A_214] {strides = array<i32>} : memref<4x16x128xi32, #tpu.memory_space<vmem>>, vector<16xi32>,
      tpu.vector_store %arg5[%parallel_loop3A_212, %parallel_loop3A_213, %parallel_loop3A_214], %broadcast_in_dim3A_3 {strides = array<i32>} : memref<4x16x128xi32, #tpu.memory_space<vmem>>, vector<16xi32>,
    } {sc.loop_unroll_factor = 4 : i64, sc.parallel_access}
    %parallel_loop3A_54 = arith.constant 0 : i32
    %parallel_loop3A_55 = arith.constant 8 : i32
    %parallel_loop3A_56 = arith.constant 1 : i32
    scf.for %parallel_loop3A_207 = %parallel_loop3A_54 to %parallel_loop3A_55 step %parallel_loop3A_56  : i32 {
      %parallel_loop3A_208 = arith.constant 16 : i32
      %parallel_loop3A_209 = arith.muli %parallel_loop3A_207, %parallel_loop3A_208 : i32
      %parallel_loop3A_210 = arith.constant 1 : i32
      %parallel_loop3A_211 = arith.constant 1 : i32
      %parallel_loop3A_212 = arith.index_cast %parallel_loop3A_210 : i32 to index
      %parallel_loop3A_213 = arith.index_cast %parallel_loop3A_211 : i32 to index
      %parallel_loop3A_214 = arith.index_cast %parallel_loop3A_209 : i32 to index
      %parallel_loop3A_215 = tpu.vector_load %arg5[%parallel_loop3A_212, %parallel_loop3A_213, %parallel_loop3A_214] {strides = array<i32>} : memref<4x16x128xi32, #tpu.memory_space<vmem>>, vector<16xi32>,
      tpu.vector_store %arg5[%parallel_loop3A_212, %parallel_loop3A_213, %parallel_loop3A_214], %broadcast_in_dim3A_3 {strides = array<i32>} : memref<4x16x128xi32, #tpu.memory_space<vmem>>, vector<16xi32>,
    } {sc.loop_unroll_factor = 4 : i64, sc.parallel_access}
    %parallel_loop3A_57 = arith.constant 0 : i32
    %parallel_loop3A_58 = arith.constant 8 : i32
    %parallel_loop3A_59 = arith.constant 1 : i32
    scf.for %parallel_loop3A_207 = %parallel_loop3A_57 to %parallel_loop3A_58 step %parallel_loop3A_59  : i32 {
      %parallel_loop3A_208 = arith.constant 16 : i32
      %parallel_loop3A_209 = arith.muli %parallel_loop3A_207, %parallel_loop3A_208 : i32
      %parallel_loop3A_210 = arith.constant 1 : i32
      %parallel_loop3A_211 = arith.constant 2 : i32
      %parallel_loop3A_212 = arith.index_cast %parallel_loop3A_210 : i32 to index
      %parallel_loop3A_213 = arith.index_cast %parallel_loop3A_211 : i32 to index
      %parallel_loop3A_214 = arith.index_cast %parallel_loop3A_209 : i32 to index
      %parallel_loop3A_215 = tpu.vector_load %arg5[%parallel_loop3A_212, %parallel_loop3A_213, %parallel_loop3A_214] {strides = array<i32>} : memref<4x16x128xi32, #tpu.memory_space<vmem>>, vector<16xi32>,
      tpu.vector_store %arg5[%parallel_loop3A_212, %parallel_loop3A_213, %parallel_loop3A_214], %broadcast_in_dim3A_3 {strides = array<i32>} : memref<4x16x128xi32, #tpu.memory_space<vmem>>, vector<16xi32>,
    } {sc.loop_unroll_factor = 4 : i64, sc.parallel_access}
    %parallel_loop3A_60 = arith.constant 0 : i32
    %parallel_loop3A_61 = arith.constant 8 : i32
    %parallel_loop3A_62 = arith.constant 1 : i32
    scf.for %parallel_loop3A_207 = %parallel_loop3A_60 to %parallel_loop3A_61 step %parallel_loop3A_62  : i32 {
      %parallel_loop3A_208 = arith.constant 16 : i32
      %parallel_loop3A_209 = arith.muli %parallel_loop3A_207, %parallel_loop3A_208 : i32
      %parallel_loop3A_210 = arith.constant 1 : i32
      %parallel_loop3A_211 = arith.constant 3 : i32
      %parallel_loop3A_212 = arith.index_cast %parallel_loop3A_210 : i32 to index
      %parallel_loop3A_213 = arith.index_cast %parallel_loop3A_211 : i32 to index
      %parallel_loop3A_214 = arith.index_cast %parallel_loop3A_209 : i32 to index
      %parallel_loop3A_215 = tpu.vector_load %arg5[%parallel_loop3A_212, %parallel_loop3A_213, %parallel_loop3A_214] {strides = array<i32>} : memref<4x16x128xi32, #tpu.memory_space<vmem>>, vector<16xi32>,
      tpu.vector_store %arg5[%parallel_loop3A_212, %parallel_loop3A_213, %parallel_loop3A_214], %broadcast_in_dim3A_3 {strides = array<i32>} : memref<4x16x128xi32, #tpu.memory_space<vmem>>, vector<16xi32>,
    } {sc.loop_unroll_factor = 4 : i64, sc.parallel_access}
    %parallel_loop3A_63 = arith.constant 0 : i32
    %parallel_loop3A_64 = arith.constant 8 : i32
    %parallel_loop3A_65 = arith.constant 1 : i32
    scf.for %parallel_loop3A_207 = %parallel_loop3A_63 to %parallel_loop3A_64 step %parallel_loop3A_65  : i32 {
      %parallel_loop3A_208 = arith.constant 16 : i32
      %parallel_loop3A_209 = arith.muli %parallel_loop3A_207, %parallel_loop3A_208 : i32
      %parallel_loop3A_210 = arith.constant 1 : i32
      %parallel_loop3A_211 = arith.constant 4 : i32
      %parallel_loop3A_212 = arith.index_cast %parallel_loop3A_210 : i32 to index
      %parallel_loop3A_213 = arith.index_cast %parallel_loop3A_211 : i32 to index
      %parallel_loop3A_214 = arith.index_cast %parallel_loop3A_209 : i32 to index
      %parallel_loop3A_215 = tpu.vector_load %arg5[%parallel_loop3A_212, %parallel_loop3A_213, %parallel_loop3A_214] {strides = array<i32>} : memref<4x16x128xi32, #tpu.memory_space<vmem>>, vector<16xi32>,
      tpu.vector_store %arg5[%parallel_loop3A_212, %parallel_loop3A_213, %parallel_loop3A_214], %broadcast_in_dim3A_3 {strides = array<i32>} : memref<4x16x128xi32, #tpu.memory_space<vmem>>, vector<16xi32>,
    } {sc.loop_unroll_factor = 4 : i64, sc.parallel_access}
    %parallel_loop3A_66 = arith.constant 0 : i32
    %parallel_loop3A_67 = arith.constant 8 : i32
    %parallel_loop3A_68 = arith.constant 1 : i32
    scf.for %parallel_loop3A_207 = %parallel_loop3A_66 to %parallel_loop3A_67 step %parallel_loop3A_68  : i32 {
      %parallel_loop3A_208 = arith.constant 16 : i32
      %parallel_loop3A_209 = arith.muli %parallel_loop3A_207, %parallel_loop3A_208 : i32
      %parallel_loop3A_210 = arith.constant 1 : i32
      %parallel_loop3A_211 = arith.constant 5 : i32
      %parallel_loop3A_212 = arith.index_cast %parallel_loop3A_210 : i32 to index
      %parallel_loop3A_213 = arith.index_cast %parallel_loop3A_211 : i32 to index
      %parallel_loop3A_214 = arith.index_cast %parallel_loop3A_209 : i32 to index
      %parallel_loop3A_215 = tpu.vector_load %arg5[%parallel_loop3A_212, %parallel_loop3A_213, %parallel_loop3A_214] {strides = array<i32>} : memref<4x16x128xi32, #tpu.memory_space<vmem>>, vector<16xi32>,
      tpu.vector_store %arg5[%parallel_loop3A_212, %parallel_loop3A_213, %parallel_loop3A_214], %broadcast_in_dim3A_3 {strides = array<i32>} : memref<4x16x128xi32, #tpu.memory_space<vmem>>, vector<16xi32>,
    } {sc.loop_unroll_factor = 4 : i64, sc.parallel_access}
    %parallel_loop3A_69 = arith.constant 0 : i32
    %parallel_loop3A_70 = arith.constant 8 : i32
    %parallel_loop3A_71 = arith.constant 1 : i32
    scf.for %parallel_loop3A_207 = %parallel_loop3A_69 to %parallel_loop3A_70 step %parallel_loop3A_71  : i32 {
      %parallel_loop3A_208 = arith.constant 16 : i32
      %parallel_loop3A_209 = arith.muli %parallel_loop3A_207, %parallel_loop3A_208 : i32
      %parallel_loop3A_210 = arith.constant 1 : i32
      %parallel_loop3A_211 = arith.constant 6 : i32
      %parallel_loop3A_212 = arith.index_cast %parallel_loop3A_210 : i32 to index
      %parallel_loop3A_213 = arith.index_cast %parallel_loop3A_211 : i32 to index
      %parallel_loop3A_214 = arith.index_cast %parallel_loop3A_209 : i32 to index
      %parallel_loop3A_215 = tpu.vector_load %arg5[%parallel_loop3A_212, %parallel_loop3A_213, %parallel_loop3A_214] {strides = array<i32>} : memref<4x16x128xi32, #tpu.memory_space<vmem>>, vector<16xi32>,
      tpu.vector_store %arg5[%parallel_loop3A_212, %parallel_loop3A_213, %parallel_loop3A_214], %broadcast_in_dim3A_3 {strides = array<i32>} : memref<4x16x128xi32, #tpu.memory_space<vmem>>, vector<16xi32>,
    } {sc.loop_unroll_factor = 4 : i64, sc.parallel_access}
    %parallel_loop3A_72 = arith.constant 0 : i32
    %parallel_loop3A_73 = arith.constant 8 : i32
    %parallel_loop3A_74 = arith.constant 1 : i32
    scf.for %parallel_loop3A_207 = %parallel_loop3A_72 to %parallel_loop3A_73 step %parallel_loop3A_74  : i32 {
      %parallel_loop3A_208 = arith.constant 16 : i32
      %parallel_loop3A_209 = arith.muli %parallel_loop3A_207, %parallel_loop3A_208 : i32
      %parallel_loop3A_210 = arith.constant 1 : i32
      %parallel_loop3A_211 = arith.constant 7 : i32
      %parallel_loop3A_212 = arith.index_cast %parallel_loop3A_210 : i32 to index
      %parallel_loop3A_213 = arith.index_cast %parallel_loop3A_211 : i32 to index
      %parallel_loop3A_214 = arith.index_cast %parallel_loop3A_209 : i32 to index
      %parallel_loop3A_215 = tpu.vector_load %arg5[%parallel_loop3A_212, %parallel_loop3A_213, %parallel_loop3A_214] {strides = array<i32>} : memref<4x16x128xi32, #tpu.memory_space<vmem>>, vector<16xi32>,
      tpu.vector_store %arg5[%parallel_loop3A_212, %parallel_loop3A_213, %parallel_loop3A_214], %broadcast_in_dim3A_3 {strides = array<i32>} : memref<4x16x128xi32, #tpu.memory_space<vmem>>, vector<16xi32>,
    } {sc.loop_unroll_factor = 4 : i64, sc.parallel_access}
    %parallel_loop3A_75 = arith.constant 0 : i32
    %parallel_loop3A_76 = arith.constant 8 : i32
    %parallel_loop3A_77 = arith.constant 1 : i32
    scf.for %parallel_loop3A_207 = %parallel_loop3A_75 to %parallel_loop3A_76 step %parallel_loop3A_77  : i32 {
      %parallel_loop3A_208 = arith.constant 16 : i32
      %parallel_loop3A_209 = arith.muli %parallel_loop3A_207, %parallel_loop3A_208 : i32
      %parallel_loop3A_210 = arith.constant 1 : i32
      %parallel_loop3A_211 = arith.constant 8 : i32
      %parallel_loop3A_212 = arith.index_cast %parallel_loop3A_210 : i32 to index
      %parallel_loop3A_213 = arith.index_cast %parallel_loop3A_211 : i32 to index
      %parallel_loop3A_214 = arith.index_cast %parallel_loop3A_209 : i32 to index
      %parallel_loop3A_215 = tpu.vector_load %arg5[%parallel_loop3A_212, %parallel_loop3A_213, %parallel_loop3A_214] {strides = array<i32>} : memref<4x16x128xi32, #tpu.memory_space<vmem>>, vector<16xi32>,
      tpu.vector_store %arg5[%parallel_loop3A_212, %parallel_loop3A_213, %parallel_loop3A_214], %broadcast_in_dim3A_3 {strides = array<i32>} : memref<4x16x128xi32, #tpu.memory_space<vmem>>, vector<16xi32>,
    } {sc.loop_unroll_factor = 4 : i64, sc.parallel_access}
    %parallel_loop3A_78 = arith.constant 0 : i32
    %parallel_loop3A_79 = arith.constant 8 : i32
    %parallel_loop3A_80 = arith.constant 1 : i32
    scf.for %parallel_loop3A_207 = %parallel_loop3A_78 to %parallel_loop3A_79 step %parallel_loop3A_80  : i32 {
      %parallel_loop3A_208 = arith.constant 16 : i32
      %parallel_loop3A_209 = arith.muli %parallel_loop3A_207, %parallel_loop3A_208 : i32
      %parallel_loop3A_210 = arith.constant 1 : i32
      %parallel_loop3A_211 = arith.constant 9 : i32
      %parallel_loop3A_212 = arith.index_cast %parallel_loop3A_210 : i32 to index
      %parallel_loop3A_213 = arith.index_cast %parallel_loop3A_211 : i32 to index
      %parallel_loop3A_214 = arith.index_cast %parallel_loop3A_209 : i32 to index
      %parallel_loop3A_215 = tpu.vector_load %arg5[%parallel_loop3A_212, %parallel_loop3A_213, %parallel_loop3A_214] {strides = array<i32>} : memref<4x16x128xi32, #tpu.memory_space<vmem>>, vector<16xi32>,
      tpu.vector_store %arg5[%parallel_loop3A_212, %parallel_loop3A_213, %parallel_loop3A_214], %broadcast_in_dim3A_3 {strides = array<i32>} : memref<4x16x128xi32, #tpu.memory_space<vmem>>, vector<16xi32>,
    } {sc.loop_unroll_factor = 4 : i64, sc.parallel_access}
    %parallel_loop3A_81 = arith.constant 0 : i32
    %parallel_loop3A_82 = arith.constant 8 : i32
    %parallel_loop3A_83 = arith.constant 1 : i32
    scf.for %parallel_loop3A_207 = %parallel_loop3A_81 to %parallel_loop3A_82 step %parallel_loop3A_83  : i32 {
      %parallel_loop3A_208 = arith.constant 16 : i32
      %parallel_loop3A_209 = arith.muli %parallel_loop3A_207, %parallel_loop3A_208 : i32
      %parallel_loop3A_210 = arith.constant 1 : i32
      %parallel_loop3A_211 = arith.constant 10 : i32
      %parallel_loop3A_212 = arith.index_cast %parallel_loop3A_210 : i32 to index
      %parallel_loop3A_213 = arith.index_cast %parallel_loop3A_211 : i32 to index
      %parallel_loop3A_214 = arith.index_cast %parallel_loop3A_209 : i32 to index
      %parallel_loop3A_215 = tpu.vector_load %arg5[%parallel_loop3A_212, %parallel_loop3A_213, %parallel_loop3A_214] {strides = array<i32>} : memref<4x16x128xi32, #tpu.memory_space<vmem>>, vector<16xi32>,
      tpu.vector_store %arg5[%parallel_loop3A_212, %parallel_loop3A_213, %parallel_loop3A_214], %broadcast_in_dim3A_3 {strides = array<i32>} : memref<4x16x128xi32, #tpu.memory_space<vmem>>, vector<16xi32>,
    } {sc.loop_unroll_factor = 4 : i64, sc.parallel_access}
    %parallel_loop3A_84 = arith.constant 0 : i32
    %parallel_loop3A_85 = arith.constant 8 : i32
    %parallel_loop3A_86 = arith.constant 1 : i32
    scf.for %parallel_loop3A_207 = %parallel_loop3A_84 to %parallel_loop3A_85 step %parallel_loop3A_86  : i32 {
      %parallel_loop3A_208 = arith.constant 16 : i32
      %parallel_loop3A_209 = arith.muli %parallel_loop3A_207, %parallel_loop3A_208 : i32
      %parallel_loop3A_210 = arith.constant 1 : i32
      %parallel_loop3A_211 = arith.constant 11 : i32
      %parallel_loop3A_212 = arith.index_cast %parallel_loop3A_210 : i32 to index
      %parallel_loop3A_213 = arith.index_cast %parallel_loop3A_211 : i32 to index
      %parallel_loop3A_214 = arith.index_cast %parallel_loop3A_209 : i32 to index
      %parallel_loop3A_215 = tpu.vector_load %arg5[%parallel_loop3A_212, %parallel_loop3A_213, %parallel_loop3A_214] {strides = array<i32>} : memref<4x16x128xi32, #tpu.memory_space<vmem>>, vector<16xi32>,
      tpu.vector_store %arg5[%parallel_loop3A_212, %parallel_loop3A_213, %parallel_loop3A_214], %broadcast_in_dim3A_3 {strides = array<i32>} : memref<4x16x128xi32, #tpu.memory_space<vmem>>, vector<16xi32>,
    } {sc.loop_unroll_factor = 4 : i64, sc.parallel_access}
    %parallel_loop3A_87 = arith.constant 0 : i32
    %parallel_loop3A_88 = arith.constant 8 : i32
    %parallel_loop3A_89 = arith.constant 1 : i32
    scf.for %parallel_loop3A_207 = %parallel_loop3A_87 to %parallel_loop3A_88 step %parallel_loop3A_89  : i32 {
      %parallel_loop3A_208 = arith.constant 16 : i32
      %parallel_loop3A_209 = arith.muli %parallel_loop3A_207, %parallel_loop3A_208 : i32
      %parallel_loop3A_210 = arith.constant 1 : i32
      %parallel_loop3A_211 = arith.constant 12 : i32
      %parallel_loop3A_212 = arith.index_cast %parallel_loop3A_210 : i32 to index
      %parallel_loop3A_213 = arith.index_cast %parallel_loop3A_211 : i32 to index
      %parallel_loop3A_214 = arith.index_cast %parallel_loop3A_209 : i32 to index
      %parallel_loop3A_215 = tpu.vector_load %arg5[%parallel_loop3A_212, %parallel_loop3A_213, %parallel_loop3A_214] {strides = array<i32>} : memref<4x16x128xi32, #tpu.memory_space<vmem>>, vector<16xi32>,
      tpu.vector_store %arg5[%parallel_loop3A_212, %parallel_loop3A_213, %parallel_loop3A_214], %broadcast_in_dim3A_3 {strides = array<i32>} : memref<4x16x128xi32, #tpu.memory_space<vmem>>, vector<16xi32>,
    } {sc.loop_unroll_factor = 4 : i64, sc.parallel_access}
    %parallel_loop3A_90 = arith.constant 0 : i32
    %parallel_loop3A_91 = arith.constant 8 : i32
    %parallel_loop3A_92 = arith.constant 1 : i32
    scf.for %parallel_loop3A_207 = %parallel_loop3A_90 to %parallel_loop3A_91 step %parallel_loop3A_92  : i32 {
      %parallel_loop3A_208 = arith.constant 16 : i32
      %parallel_loop3A_209 = arith.muli %parallel_loop3A_207, %parallel_loop3A_208 : i32
      %parallel_loop3A_210 = arith.constant 1 : i32
      %parallel_loop3A_211 = arith.constant 13 : i32
      %parallel_loop3A_212 = arith.index_cast %parallel_loop3A_210 : i32 to index
      %parallel_loop3A_213 = arith.index_cast %parallel_loop3A_211 : i32 to index
      %parallel_loop3A_214 = arith.index_cast %parallel_loop3A_209 : i32 to index
      %parallel_loop3A_215 = tpu.vector_load %arg5[%parallel_loop3A_212, %parallel_loop3A_213, %parallel_loop3A_214] {strides = array<i32>} : memref<4x16x128xi32, #tpu.memory_space<vmem>>, vector<16xi32>,
      tpu.vector_store %arg5[%parallel_loop3A_212, %parallel_loop3A_213, %parallel_loop3A_214], %broadcast_in_dim3A_3 {strides = array<i32>} : memref<4x16x128xi32, #tpu.memory_space<vmem>>, vector<16xi32>,
    } {sc.loop_unroll_factor = 4 : i64, sc.parallel_access}
    %parallel_loop3A_93 = arith.constant 0 : i32
    %parallel_loop3A_94 = arith.constant 8 : i32
    %parallel_loop3A_95 = arith.constant 1 : i32
    scf.for %parallel_loop3A_207 = %parallel_loop3A_93 to %parallel_loop3A_94 step %parallel_loop3A_95  : i32 {
      %parallel_loop3A_208 = arith.constant 16 : i32
      %parallel_loop3A_209 = arith.muli %parallel_loop3A_207, %parallel_loop3A_208 : i32
      %parallel_loop3A_210 = arith.constant 1 : i32
      %parallel_loop3A_211 = arith.constant 14 : i32
      %parallel_loop3A_212 = arith.index_cast %parallel_loop3A_210 : i32 to index
      %parallel_loop3A_213 = arith.index_cast %parallel_loop3A_211 : i32 to index
      %parallel_loop3A_214 = arith.index_cast %parallel_loop3A_209 : i32 to index
      %parallel_loop3A_215 = tpu.vector_load %arg5[%parallel_loop3A_212, %parallel_loop3A_213, %parallel_loop3A_214] {strides = array<i32>} : memref<4x16x128xi32, #tpu.memory_space<vmem>>, vector<16xi32>,
      tpu.vector_store %arg5[%parallel_loop3A_212, %parallel_loop3A_213, %parallel_loop3A_214], %broadcast_in_dim3A_3 {strides = array<i32>} : memref<4x16x128xi32, #tpu.memory_space<vmem>>, vector<16xi32>,
    } {sc.loop_unroll_factor = 4 : i64, sc.parallel_access}
    %parallel_loop3A_96 = arith.constant 0 : i32
    %parallel_loop3A_97 = arith.constant 8 : i32
    %parallel_loop3A_98 = arith.constant 1 : i32
    scf.for %parallel_loop3A_207 = %parallel_loop3A_96 to %parallel_loop3A_97 step %parallel_loop3A_98  : i32 {
      %parallel_loop3A_208 = arith.constant 16 : i32
      %parallel_loop3A_209 = arith.muli %parallel_loop3A_207, %parallel_loop3A_208 : i32
      %parallel_loop3A_210 = arith.constant 1 : i32
      %parallel_loop3A_211 = arith.constant 15 : i32
      %parallel_loop3A_212 = arith.index_cast %parallel_loop3A_210 : i32 to index
      %parallel_loop3A_213 = arith.index_cast %parallel_loop3A_211 : i32 to index
      %parallel_loop3A_214 = arith.index_cast %parallel_loop3A_209 : i32 to index
      %parallel_loop3A_215 = tpu.vector_load %arg5[%parallel_loop3A_212, %parallel_loop3A_213, %parallel_loop3A_214] {strides = array<i32>} : memref<4x16x128xi32, #tpu.memory_space<vmem>>, vector<16xi32>,
      tpu.vector_store %arg5[%parallel_loop3A_212, %parallel_loop3A_213, %parallel_loop3A_214], %broadcast_in_dim3A_3 {strides = array<i32>} : memref<4x16x128xi32, #tpu.memory_space<vmem>>, vector<16xi32>,
    } {sc.loop_unroll_factor = 4 : i64, sc.parallel_access}
    %parallel_loop3A_99 = arith.constant 0 : i32
    %parallel_loop3A_100 = arith.constant 8 : i32
    %parallel_loop3A_101 = arith.constant 1 : i32
    scf.for %parallel_loop3A_207 = %parallel_loop3A_99 to %parallel_loop3A_100 step %parallel_loop3A_101  : i32 {
      %parallel_loop3A_208 = arith.constant 16 : i32
      %parallel_loop3A_209 = arith.muli %parallel_loop3A_207, %parallel_loop3A_208 : i32
      %parallel_loop3A_210 = arith.constant 2 : i32
      %parallel_loop3A_211 = arith.constant 0 : i32
      %parallel_loop3A_212 = arith.index_cast %parallel_loop3A_210 : i32 to index
      %parallel_loop3A_213 = arith.index_cast %parallel_loop3A_211 : i32 to index
      %parallel_loop3A_214 = arith.index_cast %parallel_loop3A_209 : i32 to index
      %parallel_loop3A_215 = tpu.vector_load %arg5[%parallel_loop3A_212, %parallel_loop3A_213, %parallel_loop3A_214] {strides = array<i32>} : memref<4x16x128xi32, #tpu.memory_space<vmem>>, vector<16xi32>,
      tpu.vector_store %arg5[%parallel_loop3A_212, %parallel_loop3A_213, %parallel_loop3A_214], %broadcast_in_dim3A_3 {strides = array<i32>} : memref<4x16x128xi32, #tpu.memory_space<vmem>>, vector<16xi32>,
    } {sc.loop_unroll_factor = 4 : i64, sc.parallel_access}
    %parallel_loop3A_102 = arith.constant 0 : i32
    %parallel_loop3A_103 = arith.constant 8 : i32
    %parallel_loop3A_104 = arith.constant 1 : i32
    scf.for %parallel_loop3A_207 = %parallel_loop3A_102 to %parallel_loop3A_103 step %parallel_loop3A_104  : i32 {
      %parallel_loop3A_208 = arith.constant 16 : i32
      %parallel_loop3A_209 = arith.muli %parallel_loop3A_207, %parallel_loop3A_208 : i32
      %parallel_loop3A_210 = arith.constant 2 : i32
      %parallel_loop3A_211 = arith.constant 1 : i32
      %parallel_loop3A_212 = arith.index_cast %parallel_loop3A_210 : i32 to index
      %parallel_loop3A_213 = arith.index_cast %parallel_loop3A_211 : i32 to index
      %parallel_loop3A_214 = arith.index_cast %parallel_loop3A_209 : i32 to index
      %parallel_loop3A_215 = tpu.vector_load %arg5[%parallel_loop3A_212, %parallel_loop3A_213, %parallel_loop3A_214] {strides = array<i32>} : memref<4x16x128xi32, #tpu.memory_space<vmem>>, vector<16xi32>,
      tpu.vector_store %arg5[%parallel_loop3A_212, %parallel_loop3A_213, %parallel_loop3A_214], %broadcast_in_dim3A_3 {strides = array<i32>} : memref<4x16x128xi32, #tpu.memory_space<vmem>>, vector<16xi32>,
    } {sc.loop_unroll_factor = 4 : i64, sc.parallel_access}
    %parallel_loop3A_105 = arith.constant 0 : i32
    %parallel_loop3A_106 = arith.constant 8 : i32
    %parallel_loop3A_107 = arith.constant 1 : i32
    scf.for %parallel_loop3A_207 = %parallel_loop3A_105 to %parallel_loop3A_106 step %parallel_loop3A_107  : i32 {
      %parallel_loop3A_208 = arith.constant 16 : i32
      %parallel_loop3A_209 = arith.muli %parallel_loop3A_207, %parallel_loop3A_208 : i32
      %parallel_loop3A_210 = arith.constant 2 : i32
      %parallel_loop3A_211 = arith.constant 2 : i32
      %parallel_loop3A_212 = arith.index_cast %parallel_loop3A_210 : i32 to index
      %parallel_loop3A_213 = arith.index_cast %parallel_loop3A_211 : i32 to index
      %parallel_loop3A_214 = arith.index_cast %parallel_loop3A_209 : i32 to index
      %parallel_loop3A_215 = tpu.vector_load %arg5[%parallel_loop3A_212, %parallel_loop3A_213, %parallel_loop3A_214] {strides = array<i32>} : memref<4x16x128xi32, #tpu.memory_space<vmem>>, vector<16xi32>,
      tpu.vector_store %arg5[%parallel_loop3A_212, %parallel_loop3A_213, %parallel_loop3A_214], %broadcast_in_dim3A_3 {strides = array<i32>} : memref<4x16x128xi32, #tpu.memory_space<vmem>>, vector<16xi32>,
    } {sc.loop_unroll_factor = 4 : i64, sc.parallel_access}
    %parallel_loop3A_108 = arith.constant 0 : i32
    %parallel_loop3A_109 = arith.constant 8 : i32
    %parallel_loop3A_110 = arith.constant 1 : i32
    scf.for %parallel_loop3A_207 = %parallel_loop3A_108 to %parallel_loop3A_109 step %parallel_loop3A_110  : i32 {
      %parallel_loop3A_208 = arith.constant 16 : i32
      %parallel_loop3A_209 = arith.muli %parallel_loop3A_207, %parallel_loop3A_208 : i32
      %parallel_loop3A_210 = arith.constant 2 : i32
      %parallel_loop3A_211 = arith.constant 3 : i32
      %parallel_loop3A_212 = arith.index_cast %parallel_loop3A_210 : i32 to index
      %parallel_loop3A_213 = arith.index_cast %parallel_loop3A_211 : i32 to index
      %parallel_loop3A_214 = arith.index_cast %parallel_loop3A_209 : i32 to index
      %parallel_loop3A_215 = tpu.vector_load %arg5[%parallel_loop3A_212, %parallel_loop3A_213, %parallel_loop3A_214] {strides = array<i32>} : memref<4x16x128xi32, #tpu.memory_space<vmem>>, vector<16xi32>,
      tpu.vector_store %arg5[%parallel_loop3A_212, %parallel_loop3A_213, %parallel_loop3A_214], %broadcast_in_dim3A_3 {strides = array<i32>} : memref<4x16x128xi32, #tpu.memory_space<vmem>>, vector<16xi32>,
    } {sc.loop_unroll_factor = 4 : i64, sc.parallel_access}
    %parallel_loop3A_111 = arith.constant 0 : i32
    %parallel_loop3A_112 = arith.constant 8 : i32
    %parallel_loop3A_113 = arith.constant 1 : i32
    scf.for %parallel_loop3A_207 = %parallel_loop3A_111 to %parallel_loop3A_112 step %parallel_loop3A_113  : i32 {
      %parallel_loop3A_208 = arith.constant 16 : i32
      %parallel_loop3A_209 = arith.muli %parallel_loop3A_207, %parallel_loop3A_208 : i32
      %parallel_loop3A_210 = arith.constant 2 : i32
      %parallel_loop3A_211 = arith.constant 4 : i32
      %parallel_loop3A_212 = arith.index_cast %parallel_loop3A_210 : i32 to index
      %parallel_loop3A_213 = arith.index_cast %parallel_loop3A_211 : i32 to index
      %parallel_loop3A_214 = arith.index_cast %parallel_loop3A_209 : i32 to index
      %parallel_loop3A_215 = tpu.vector_load %arg5[%parallel_loop3A_212, %parallel_loop3A_213, %parallel_loop3A_214] {strides = array<i32>} : memref<4x16x128xi32, #tpu.memory_space<vmem>>, vector<16xi32>,
      tpu.vector_store %arg5[%parallel_loop3A_212, %parallel_loop3A_213, %parallel_loop3A_214], %broadcast_in_dim3A_3 {strides = array<i32>} : memref<4x16x128xi32, #tpu.memory_space<vmem>>, vector<16xi32>,
    } {sc.loop_unroll_factor = 4 : i64, sc.parallel_access}
    %parallel_loop3A_114 = arith.constant 0 : i32
    %parallel_loop3A_115 = arith.constant 8 : i32
    %parallel_loop3A_116 = arith.constant 1 : i32
    scf.for %parallel_loop3A_207 = %parallel_loop3A_114 to %parallel_loop3A_115 step %parallel_loop3A_116  : i32 {
      %parallel_loop3A_208 = arith.constant 16 : i32
      %parallel_loop3A_209 = arith.muli %parallel_loop3A_207, %parallel_loop3A_208 : i32
      %parallel_loop3A_210 = arith.constant 2 : i32
      %parallel_loop3A_211 = arith.constant 5 : i32
      %parallel_loop3A_212 = arith.index_cast %parallel_loop3A_210 : i32 to index
      %parallel_loop3A_213 = arith.index_cast %parallel_loop3A_211 : i32 to index
      %parallel_loop3A_214 = arith.index_cast %parallel_loop3A_209 : i32 to index
      %parallel_loop3A_215 = tpu.vector_load %arg5[%parallel_loop3A_212, %parallel_loop3A_213, %parallel_loop3A_214] {strides = array<i32>} : memref<4x16x128xi32, #tpu.memory_space<vmem>>, vector<16xi32>,
      tpu.vector_store %arg5[%parallel_loop3A_212, %parallel_loop3A_213, %parallel_loop3A_214], %broadcast_in_dim3A_3 {strides = array<i32>} : memref<4x16x128xi32, #tpu.memory_space<vmem>>, vector<16xi32>,
    } {sc.loop_unroll_factor = 4 : i64, sc.parallel_access}
    %parallel_loop3A_117 = arith.constant 0 : i32
    %parallel_loop3A_118 = arith.constant 8 : i32
    %parallel_loop3A_119 = arith.constant 1 : i32
    scf.for %parallel_loop3A_207 = %parallel_loop3A_117 to %parallel_loop3A_118 step %parallel_loop3A_119  : i32 {
      %parallel_loop3A_208 = arith.constant 16 : i32
      %parallel_loop3A_209 = arith.muli %parallel_loop3A_207, %parallel_loop3A_208 : i32
      %parallel_loop3A_210 = arith.constant 2 : i32
      %parallel_loop3A_211 = arith.constant 6 : i32
      %parallel_loop3A_212 = arith.index_cast %parallel_loop3A_210 : i32 to index
      %parallel_loop3A_213 = arith.index_cast %parallel_loop3A_211 : i32 to index
      %parallel_loop3A_214 = arith.index_cast %parallel_loop3A_209 : i32 to index
      %parallel_loop3A_215 = tpu.vector_load %arg5[%parallel_loop3A_212, %parallel_loop3A_213, %parallel_loop3A_214] {strides = array<i32>} : memref<4x16x128xi32, #tpu.memory_space<vmem>>, vector<16xi32>,
      tpu.vector_store %arg5[%parallel_loop3A_212, %parallel_loop3A_213, %parallel_loop3A_214], %broadcast_in_dim3A_3 {strides = array<i32>} : memref<4x16x128xi32, #tpu.memory_space<vmem>>, vector<16xi32>,
    } {sc.loop_unroll_factor = 4 : i64, sc.parallel_access}
    %parallel_loop3A_120 = arith.constant 0 : i32
    %parallel_loop3A_121 = arith.constant 8 : i32
    %parallel_loop3A_122 = arith.constant 1 : i32
    scf.for %parallel_loop3A_207 = %parallel_loop3A_120 to %parallel_loop3A_121 step %parallel_loop3A_122  : i32 {
      %parallel_loop3A_208 = arith.constant 16 : i32
      %parallel_loop3A_209 = arith.muli %parallel_loop3A_207, %parallel_loop3A_208 : i32
      %parallel_loop3A_210 = arith.constant 2 : i32
      %parallel_loop3A_211 = arith.constant 7 : i32
      %parallel_loop3A_212 = arith.index_cast %parallel_loop3A_210 : i32 to index
      %parallel_loop3A_213 = arith.index_cast %parallel_loop3A_211 : i32 to index
      %parallel_loop3A_214 = arith.index_cast %parallel_loop3A_209 : i32 to index
      %parallel_loop3A_215 = tpu.vector_load %arg5[%parallel_loop3A_212, %parallel_loop3A_213, %parallel_loop3A_214] {strides = array<i32>} : memref<4x16x128xi32, #tpu.memory_space<vmem>>, vector<16xi32>,
      tpu.vector_store %arg5[%parallel_loop3A_212, %parallel_loop3A_213, %parallel_loop3A_214], %broadcast_in_dim3A_3 {strides = array<i32>} : memref<4x16x128xi32, #tpu.memory_space<vmem>>, vector<16xi32>,
    } {sc.loop_unroll_factor = 4 : i64, sc.parallel_access}
    %parallel_loop3A_123 = arith.constant 0 : i32
    %parallel_loop3A_124 = arith.constant 8 : i32
    %parallel_loop3A_125 = arith.constant 1 : i32
    scf.for %parallel_loop3A_207 = %parallel_loop3A_123 to %parallel_loop3A_124 step %parallel_loop3A_125  : i32 {
      %parallel_loop3A_208 = arith.constant 16 : i32
      %parallel_loop3A_209 = arith.muli %parallel_loop3A_207, %parallel_loop3A_208 : i32
      %parallel_loop3A_210 = arith.constant 2 : i32
      %parallel_loop3A_211 = arith.constant 8 : i32
      %parallel_loop3A_212 = arith.index_cast %parallel_loop3A_210 : i32 to index
      %parallel_loop3A_213 = arith.index_cast %parallel_loop3A_211 : i32 to index
      %parallel_loop3A_214 = arith.index_cast %parallel_loop3A_209 : i32 to index
      %parallel_loop3A_215 = tpu.vector_load %arg5[%parallel_loop3A_212, %parallel_loop3A_213, %parallel_loop3A_214] {strides = array<i32>} : memref<4x16x128xi32, #tpu.memory_space<vmem>>, vector<16xi32>,
      tpu.vector_store %arg5[%parallel_loop3A_212, %parallel_loop3A_213, %parallel_loop3A_214], %broadcast_in_dim3A_3 {strides = array<i32>} : memref<4x16x128xi32, #tpu.memory_space<vmem>>, vector<16xi32>,
    } {sc.loop_unroll_factor = 4 : i64, sc.parallel_access}
    %parallel_loop3A_126 = arith.constant 0 : i32
    %parallel_loop3A_127 = arith.constant 8 : i32
    %parallel_loop3A_128 = arith.constant 1 : i32
    scf.for %parallel_loop3A_207 = %parallel_loop3A_126 to %parallel_loop3A_127 step %parallel_loop3A_128  : i32 {
      %parallel_loop3A_208 = arith.constant 16 : i32
      %parallel_loop3A_209 = arith.muli %parallel_loop3A_207, %parallel_loop3A_208 : i32
      %parallel_loop3A_210 = arith.constant 2 : i32
      %parallel_loop3A_211 = arith.constant 9 : i32
      %parallel_loop3A_212 = arith.index_cast %parallel_loop3A_210 : i32 to index
      %parallel_loop3A_213 = arith.index_cast %parallel_loop3A_211 : i32 to index
      %parallel_loop3A_214 = arith.index_cast %parallel_loop3A_209 : i32 to index
      %parallel_loop3A_215 = tpu.vector_load %arg5[%parallel_loop3A_212, %parallel_loop3A_213, %parallel_loop3A_214] {strides = array<i32>} : memref<4x16x128xi32, #tpu.memory_space<vmem>>, vector<16xi32>,
      tpu.vector_store %arg5[%parallel_loop3A_212, %parallel_loop3A_213, %parallel_loop3A_214], %broadcast_in_dim3A_3 {strides = array<i32>} : memref<4x16x128xi32, #tpu.memory_space<vmem>>, vector<16xi32>,
    } {sc.loop_unroll_factor = 4 : i64, sc.parallel_access}
    %parallel_loop3A_129 = arith.constant 0 : i32
    %parallel_loop3A_130 = arith.constant 8 : i32
    %parallel_loop3A_131 = arith.constant 1 : i32
    scf.for %parallel_loop3A_207 = %parallel_loop3A_129 to %parallel_loop3A_130 step %parallel_loop3A_131  : i32 {
      %parallel_loop3A_208 = arith.constant 16 : i32
      %parallel_loop3A_209 = arith.muli %parallel_loop3A_207, %parallel_loop3A_208 : i32
      %parallel_loop3A_210 = arith.constant 2 : i32
      %parallel_loop3A_211 = arith.constant 10 : i32
      %parallel_loop3A_212 = arith.index_cast %parallel_loop3A_210 : i32 to index
      %parallel_loop3A_213 = arith.index_cast %parallel_loop3A_211 : i32 to index
      %parallel_loop3A_214 = arith.index_cast %parallel_loop3A_209 : i32 to index
      %parallel_loop3A_215 = tpu.vector_load %arg5[%parallel_loop3A_212, %parallel_loop3A_213, %parallel_loop3A_214] {strides = array<i32>} : memref<4x16x128xi32, #tpu.memory_space<vmem>>, vector<16xi32>,
      tpu.vector_store %arg5[%parallel_loop3A_212, %parallel_loop3A_213, %parallel_loop3A_214], %broadcast_in_dim3A_3 {strides = array<i32>} : memref<4x16x128xi32, #tpu.memory_space<vmem>>, vector<16xi32>,
    } {sc.loop_unroll_factor = 4 : i64, sc.parallel_access}
    %parallel_loop3A_132 = arith.constant 0 : i32
    %parallel_loop3A_133 = arith.constant 8 : i32
    %parallel_loop3A_134 = arith.constant 1 : i32
    scf.for %parallel_loop3A_207 = %parallel_loop3A_132 to %parallel_loop3A_133 step %parallel_loop3A_134  : i32 {
      %parallel_loop3A_208 = arith.constant 16 : i32
      %parallel_loop3A_209 = arith.muli %parallel_loop3A_207, %parallel_loop3A_208 : i32
      %parallel_loop3A_210 = arith.constant 2 : i32
      %parallel_loop3A_211 = arith.constant 11 : i32
      %parallel_loop3A_212 = arith.index_cast %parallel_loop3A_210 : i32 to index
      %parallel_loop3A_213 = arith.index_cast %parallel_loop3A_211 : i32 to index
      %parallel_loop3A_214 = arith.index_cast %parallel_loop3A_209 : i32 to index
      %parallel_loop3A_215 = tpu.vector_load %arg5[%parallel_loop3A_212, %parallel_loop3A_213, %parallel_loop3A_214] {strides = array<i32>} : memref<4x16x128xi32, #tpu.memory_space<vmem>>, vector<16xi32>,
      tpu.vector_store %arg5[%parallel_loop3A_212, %parallel_loop3A_213, %parallel_loop3A_214], %broadcast_in_dim3A_3 {strides = array<i32>} : memref<4x16x128xi32, #tpu.memory_space<vmem>>, vector<16xi32>,
    } {sc.loop_unroll_factor = 4 : i64, sc.parallel_access}
    %parallel_loop3A_135 = arith.constant 0 : i32
    %parallel_loop3A_136 = arith.constant 8 : i32
    %parallel_loop3A_137 = arith.constant 1 : i32
    scf.for %parallel_loop3A_207 = %parallel_loop3A_135 to %parallel_loop3A_136 step %parallel_loop3A_137  : i32 {
      %parallel_loop3A_208 = arith.constant 16 : i32
      %parallel_loop3A_209 = arith.muli %parallel_loop3A_207, %parallel_loop3A_208 : i32
      %parallel_loop3A_210 = arith.constant 2 : i32
      %parallel_loop3A_211 = arith.constant 12 : i32
      %parallel_loop3A_212 = arith.index_cast %parallel_loop3A_210 : i32 to index
      %parallel_loop3A_213 = arith.index_cast %parallel_loop3A_211 : i32 to index
      %parallel_loop3A_214 = arith.index_cast %parallel_loop3A_209 : i32 to index
      %parallel_loop3A_215 = tpu.vector_load %arg5[%parallel_loop3A_212, %parallel_loop3A_213, %parallel_loop3A_214] {strides = array<i32>} : memref<4x16x128xi32, #tpu.memory_space<vmem>>, vector<16xi32>,
      tpu.vector_store %arg5[%parallel_loop3A_212, %parallel_loop3A_213, %parallel_loop3A_214], %broadcast_in_dim3A_3 {strides = array<i32>} : memref<4x16x128xi32, #tpu.memory_space<vmem>>, vector<16xi32>,
    } {sc.loop_unroll_factor = 4 : i64, sc.parallel_access}
    %parallel_loop3A_138 = arith.constant 0 : i32
    %parallel_loop3A_139 = arith.constant 8 : i32
    %parallel_loop3A_140 = arith.constant 1 : i32
    scf.for %parallel_loop3A_207 = %parallel_loop3A_138 to %parallel_loop3A_139 step %parallel_loop3A_140  : i32 {
      %parallel_loop3A_208 = arith.constant 16 : i32
      %parallel_loop3A_209 = arith.muli %parallel_loop3A_207, %parallel_loop3A_208 : i32
      %parallel_loop3A_210 = arith.constant 2 : i32
      %parallel_loop3A_211 = arith.constant 13 : i32
      %parallel_loop3A_212 = arith.index_cast %parallel_loop3A_210 : i32 to index
      %parallel_loop3A_213 = arith.index_cast %parallel_loop3A_211 : i32 to index
      %parallel_loop3A_214 = arith.index_cast %parallel_loop3A_209 : i32 to index
      %parallel_loop3A_215 = tpu.vector_load %arg5[%parallel_loop3A_212, %parallel_loop3A_213, %parallel_loop3A_214] {strides = array<i32>} : memref<4x16x128xi32, #tpu.memory_space<vmem>>, vector<16xi32>,
      tpu.vector_store %arg5[%parallel_loop3A_212, %parallel_loop3A_213, %parallel_loop3A_214], %broadcast_in_dim3A_3 {strides = array<i32>} : memref<4x16x128xi32, #tpu.memory_space<vmem>>, vector<16xi32>,
    } {sc.loop_unroll_factor = 4 : i64, sc.parallel_access}
    %parallel_loop3A_141 = arith.constant 0 : i32
    %parallel_loop3A_142 = arith.constant 8 : i32
    %parallel_loop3A_143 = arith.constant 1 : i32
    scf.for %parallel_loop3A_207 = %parallel_loop3A_141 to %parallel_loop3A_142 step %parallel_loop3A_143  : i32 {
      %parallel_loop3A_208 = arith.constant 16 : i32
      %parallel_loop3A_209 = arith.muli %parallel_loop3A_207, %parallel_loop3A_208 : i32
      %parallel_loop3A_210 = arith.constant 2 : i32
      %parallel_loop3A_211 = arith.constant 14 : i32
      %parallel_loop3A_212 = arith.index_cast %parallel_loop3A_210 : i32 to index
      %parallel_loop3A_213 = arith.index_cast %parallel_loop3A_211 : i32 to index
      %parallel_loop3A_214 = arith.index_cast %parallel_loop3A_209 : i32 to index
      %parallel_loop3A_215 = tpu.vector_load %arg5[%parallel_loop3A_212, %parallel_loop3A_213, %parallel_loop3A_214] {strides = array<i32>} : memref<4x16x128xi32, #tpu.memory_space<vmem>>, vector<16xi32>,
      tpu.vector_store %arg5[%parallel_loop3A_212, %parallel_loop3A_213, %parallel_loop3A_214], %broadcast_in_dim3A_3 {strides = array<i32>} : memref<4x16x128xi32, #tpu.memory_space<vmem>>, vector<16xi32>,
    } {sc.loop_unroll_factor = 4 : i64, sc.parallel_access}
    %parallel_loop3A_144 = arith.constant 0 : i32
    %parallel_loop3A_145 = arith.constant 8 : i32
    %parallel_loop3A_146 = arith.constant 1 : i32
    scf.for %parallel_loop3A_207 = %parallel_loop3A_144 to %parallel_loop3A_145 step %parallel_loop3A_146  : i32 {
      %parallel_loop3A_208 = arith.constant 16 : i32
      %parallel_loop3A_209 = arith.muli %parallel_loop3A_207, %parallel_loop3A_208 : i32
      %parallel_loop3A_210 = arith.constant 2 : i32
      %parallel_loop3A_211 = arith.constant 15 : i32
      %parallel_loop3A_212 = arith.index_cast %parallel_loop3A_210 : i32 to index
      %parallel_loop3A_213 = arith.index_cast %parallel_loop3A_211 : i32 to index
      %parallel_loop3A_214 = arith.index_cast %parallel_loop3A_209 : i32 to index
      %parallel_loop3A_215 = tpu.vector_load %arg5[%parallel_loop3A_212, %parallel_loop3A_213, %parallel_loop3A_214] {strides = array<i32>} : memref<4x16x128xi32, #tpu.memory_space<vmem>>, vector<16xi32>,
      tpu.vector_store %arg5[%parallel_loop3A_212, %parallel_loop3A_213, %parallel_loop3A_214], %broadcast_in_dim3A_3 {strides = array<i32>} : memref<4x16x128xi32, #tpu.memory_space<vmem>>, vector<16xi32>,
    } {sc.loop_unroll_factor = 4 : i64, sc.parallel_access}
    %parallel_loop3A_147 = arith.constant 0 : i32
    %parallel_loop3A_148 = arith.constant 8 : i32
    %parallel_loop3A_149 = arith.constant 1 : i32
    scf.for %parallel_loop3A_207 = %parallel_loop3A_147 to %parallel_loop3A_148 step %parallel_loop3A_149  : i32 {
      %parallel_loop3A_208 = arith.constant 16 : i32
      %parallel_loop3A_209 = arith.muli %parallel_loop3A_207, %parallel_loop3A_208 : i32
      %parallel_loop3A_210 = arith.constant 3 : i32
      %parallel_loop3A_211 = arith.constant 0 : i32
      %parallel_loop3A_212 = arith.index_cast %parallel_loop3A_210 : i32 to index
      %parallel_loop3A_213 = arith.index_cast %parallel_loop3A_211 : i32 to index
      %parallel_loop3A_214 = arith.index_cast %parallel_loop3A_209 : i32 to index
      %parallel_loop3A_215 = tpu.vector_load %arg5[%parallel_loop3A_212, %parallel_loop3A_213, %parallel_loop3A_214] {strides = array<i32>} : memref<4x16x128xi32, #tpu.memory_space<vmem>>, vector<16xi32>,
      tpu.vector_store %arg5[%parallel_loop3A_212, %parallel_loop3A_213, %parallel_loop3A_214], %broadcast_in_dim3A_3 {strides = array<i32>} : memref<4x16x128xi32, #tpu.memory_space<vmem>>, vector<16xi32>,
    } {sc.loop_unroll_factor = 4 : i64, sc.parallel_access}
    %parallel_loop3A_150 = arith.constant 0 : i32
    %parallel_loop3A_151 = arith.constant 8 : i32
    %parallel_loop3A_152 = arith.constant 1 : i32
    scf.for %parallel_loop3A_207 = %parallel_loop3A_150 to %parallel_loop3A_151 step %parallel_loop3A_152  : i32 {
      %parallel_loop3A_208 = arith.constant 16 : i32
      %parallel_loop3A_209 = arith.muli %parallel_loop3A_207, %parallel_loop3A_208 : i32
      %parallel_loop3A_210 = arith.constant 3 : i32
      %parallel_loop3A_211 = arith.constant 1 : i32
      %parallel_loop3A_212 = arith.index_cast %parallel_loop3A_210 : i32 to index
      %parallel_loop3A_213 = arith.index_cast %parallel_loop3A_211 : i32 to index
      %parallel_loop3A_214 = arith.index_cast %parallel_loop3A_209 : i32 to index
      %parallel_loop3A_215 = tpu.vector_load %arg5[%parallel_loop3A_212, %parallel_loop3A_213, %parallel_loop3A_214] {strides = array<i32>} : memref<4x16x128xi32, #tpu.memory_space<vmem>>, vector<16xi32>,
      tpu.vector_store %arg5[%parallel_loop3A_212, %parallel_loop3A_213, %parallel_loop3A_214], %broadcast_in_dim3A_3 {strides = array<i32>} : memref<4x16x128xi32, #tpu.memory_space<vmem>>, vector<16xi32>,
    } {sc.loop_unroll_factor = 4 : i64, sc.parallel_access}
    %parallel_loop3A_153 = arith.constant 0 : i32
    %parallel_loop3A_154 = arith.constant 8 : i32
    %parallel_loop3A_155 = arith.constant 1 : i32
    scf.for %parallel_loop3A_207 = %parallel_loop3A_153 to %parallel_loop3A_154 step %parallel_loop3A_155  : i32 {
      %parallel_loop3A_208 = arith.constant 16 : i32
      %parallel_loop3A_209 = arith.muli %parallel_loop3A_207, %parallel_loop3A_208 : i32
      %parallel_loop3A_210 = arith.constant 3 : i32
      %parallel_loop3A_211 = arith.constant 2 : i32
      %parallel_loop3A_212 = arith.index_cast %parallel_loop3A_210 : i32 to index
      %parallel_loop3A_213 = arith.index_cast %parallel_loop3A_211 : i32 to index
      %parallel_loop3A_214 = arith.index_cast %parallel_loop3A_209 : i32 to index
      %parallel_loop3A_215 = tpu.vector_load %arg5[%parallel_loop3A_212, %parallel_loop3A_213, %parallel_loop3A_214] {strides = array<i32>} : memref<4x16x128xi32, #tpu.memory_space<vmem>>, vector<16xi32>,
      tpu.vector_store %arg5[%parallel_loop3A_212, %parallel_loop3A_213, %parallel_loop3A_214], %broadcast_in_dim3A_3 {strides = array<i32>} : memref<4x16x128xi32, #tpu.memory_space<vmem>>, vector<16xi32>,
    } {sc.loop_unroll_factor = 4 : i64, sc.parallel_access}
    %parallel_loop3A_156 = arith.constant 0 : i32
    %parallel_loop3A_157 = arith.constant 8 : i32
    %parallel_loop3A_158 = arith.constant 1 : i32
    scf.for %parallel_loop3A_207 = %parallel_loop3A_156 to %parallel_loop3A_157 step %parallel_loop3A_158  : i32 {
      %parallel_loop3A_208 = arith.constant 16 : i32
      %parallel_loop3A_209 = arith.muli %parallel_loop3A_207, %parallel_loop3A_208 : i32
      %parallel_loop3A_210 = arith.constant 3 : i32
      %parallel_loop3A_211 = arith.constant 3 : i32
      %parallel_loop3A_212 = arith.index_cast %parallel_loop3A_210 : i32 to index
      %parallel_loop3A_213 = arith.index_cast %parallel_loop3A_211 : i32 to index
      %parallel_loop3A_214 = arith.index_cast %parallel_loop3A_209 : i32 to index
      %parallel_loop3A_215 = tpu.vector_load %arg5[%parallel_loop3A_212, %parallel_loop3A_213, %parallel_loop3A_214] {strides = array<i32>} : memref<4x16x128xi32, #tpu.memory_space<vmem>>, vector<16xi32>,
      tpu.vector_store %arg5[%parallel_loop3A_212, %parallel_loop3A_213, %parallel_loop3A_214], %broadcast_in_dim3A_3 {strides = array<i32>} : memref<4x16x128xi32, #tpu.memory_space<vmem>>, vector<16xi32>,
    } {sc.loop_unroll_factor = 4 : i64, sc.parallel_access}
    %parallel_loop3A_159 = arith.constant 0 : i32
    %parallel_loop3A_160 = arith.constant 8 : i32
    %parallel_loop3A_161 = arith.constant 1 : i32
    scf.for %parallel_loop3A_207 = %parallel_loop3A_159 to %parallel_loop3A_160 step %parallel_loop3A_161  : i32 {
      %parallel_loop3A_208 = arith.constant 16 : i32
      %parallel_loop3A_209 = arith.muli %parallel_loop3A_207, %parallel_loop3A_208 : i32
      %parallel_loop3A_210 = arith.constant 3 : i32
      %parallel_loop3A_211 = arith.constant 4 : i32
      %parallel_loop3A_212 = arith.index_cast %parallel_loop3A_210 : i32 to index
      %parallel_loop3A_213 = arith.index_cast %parallel_loop3A_211 : i32 to index
      %parallel_loop3A_214 = arith.index_cast %parallel_loop3A_209 : i32 to index
      %parallel_loop3A_215 = tpu.vector_load %arg5[%parallel_loop3A_212, %parallel_loop3A_213, %parallel_loop3A_214] {strides = array<i32>} : memref<4x16x128xi32, #tpu.memory_space<vmem>>, vector<16xi32>,
      tpu.vector_store %arg5[%parallel_loop3A_212, %parallel_loop3A_213, %parallel_loop3A_214], %broadcast_in_dim3A_3 {strides = array<i32>} : memref<4x16x128xi32, #tpu.memory_space<vmem>>, vector<16xi32>,
    } {sc.loop_unroll_factor = 4 : i64, sc.parallel_access}
    %parallel_loop3A_162 = arith.constant 0 : i32
    %parallel_loop3A_163 = arith.constant 8 : i32
    %parallel_loop3A_164 = arith.constant 1 : i32
    scf.for %parallel_loop3A_207 = %parallel_loop3A_162 to %parallel_loop3A_163 step %parallel_loop3A_164  : i32 {
      %parallel_loop3A_208 = arith.constant 16 : i32
      %parallel_loop3A_209 = arith.muli %parallel_loop3A_207, %parallel_loop3A_208 : i32
      %parallel_loop3A_210 = arith.constant 3 : i32
      %parallel_loop3A_211 = arith.constant 5 : i32
      %parallel_loop3A_212 = arith.index_cast %parallel_loop3A_210 : i32 to index
      %parallel_loop3A_213 = arith.index_cast %parallel_loop3A_211 : i32 to index
      %parallel_loop3A_214 = arith.index_cast %parallel_loop3A_209 : i32 to index
      %parallel_loop3A_215 = tpu.vector_load %arg5[%parallel_loop3A_212, %parallel_loop3A_213, %parallel_loop3A_214] {strides = array<i32>} : memref<4x16x128xi32, #tpu.memory_space<vmem>>, vector<16xi32>,
      tpu.vector_store %arg5[%parallel_loop3A_212, %parallel_loop3A_213, %parallel_loop3A_214], %broadcast_in_dim3A_3 {strides = array<i32>} : memref<4x16x128xi32, #tpu.memory_space<vmem>>, vector<16xi32>,
    } {sc.loop_unroll_factor = 4 : i64, sc.parallel_access}
    %parallel_loop3A_165 = arith.constant 0 : i32
    %parallel_loop3A_166 = arith.constant 8 : i32
    %parallel_loop3A_167 = arith.constant 1 : i32
    scf.for %parallel_loop3A_207 = %parallel_loop3A_165 to %parallel_loop3A_166 step %parallel_loop3A_167  : i32 {
      %parallel_loop3A_208 = arith.constant 16 : i32
      %parallel_loop3A_209 = arith.muli %parallel_loop3A_207, %parallel_loop3A_208 : i32
      %parallel_loop3A_210 = arith.constant 3 : i32
      %parallel_loop3A_211 = arith.constant 6 : i32
      %parallel_loop3A_212 = arith.index_cast %parallel_loop3A_210 : i32 to index
      %parallel_loop3A_213 = arith.index_cast %parallel_loop3A_211 : i32 to index
      %parallel_loop3A_214 = arith.index_cast %parallel_loop3A_209 : i32 to index
      %parallel_loop3A_215 = tpu.vector_load %arg5[%parallel_loop3A_212, %parallel_loop3A_213, %parallel_loop3A_214] {strides = array<i32>} : memref<4x16x128xi32, #tpu.memory_space<vmem>>, vector<16xi32>,
      tpu.vector_store %arg5[%parallel_loop3A_212, %parallel_loop3A_213, %parallel_loop3A_214], %broadcast_in_dim3A_3 {strides = array<i32>} : memref<4x16x128xi32, #tpu.memory_space<vmem>>, vector<16xi32>,
    } {sc.loop_unroll_factor = 4 : i64, sc.parallel_access}
    %parallel_loop3A_168 = arith.constant 0 : i32
    %parallel_loop3A_169 = arith.constant 8 : i32
    %parallel_loop3A_170 = arith.constant 1 : i32
    scf.for %parallel_loop3A_207 = %parallel_loop3A_168 to %parallel_loop3A_169 step %parallel_loop3A_170  : i32 {
      %parallel_loop3A_208 = arith.constant 16 : i32
      %parallel_loop3A_209 = arith.muli %parallel_loop3A_207, %parallel_loop3A_208 : i32
      %parallel_loop3A_210 = arith.constant 3 : i32
      %parallel_loop3A_211 = arith.constant 7 : i32
      %parallel_loop3A_212 = arith.index_cast %parallel_loop3A_210 : i32 to index
      %parallel_loop3A_213 = arith.index_cast %parallel_loop3A_211 : i32 to index
      %parallel_loop3A_214 = arith.index_cast %parallel_loop3A_209 : i32 to index
      %parallel_loop3A_215 = tpu.vector_load %arg5[%parallel_loop3A_212, %parallel_loop3A_213, %parallel_loop3A_214] {strides = array<i32>} : memref<4x16x128xi32, #tpu.memory_space<vmem>>, vector<16xi32>,
      tpu.vector_store %arg5[%parallel_loop3A_212, %parallel_loop3A_213, %parallel_loop3A_214], %broadcast_in_dim3A_3 {strides = array<i32>} : memref<4x16x128xi32, #tpu.memory_space<vmem>>, vector<16xi32>,
    } {sc.loop_unroll_factor = 4 : i64, sc.parallel_access}
    %parallel_loop3A_171 = arith.constant 0 : i32
    %parallel_loop3A_172 = arith.constant 8 : i32
    %parallel_loop3A_173 = arith.constant 1 : i32
    scf.for %parallel_loop3A_207 = %parallel_loop3A_171 to %parallel_loop3A_172 step %parallel_loop3A_173  : i32 {
      %parallel_loop3A_208 = arith.constant 16 : i32
      %parallel_loop3A_209 = arith.muli %parallel_loop3A_207, %parallel_loop3A_208 : i32
      %parallel_loop3A_210 = arith.constant 3 : i32
      %parallel_loop3A_211 = arith.constant 8 : i32
      %parallel_loop3A_212 = arith.index_cast %parallel_loop3A_210 : i32 to index
      %parallel_loop3A_213 = arith.index_cast %parallel_loop3A_211 : i32 to index
      %parallel_loop3A_214 = arith.index_cast %parallel_loop3A_209 : i32 to index
      %parallel_loop3A_215 = tpu.vector_load %arg5[%parallel_loop3A_212, %parallel_loop3A_213, %parallel_loop3A_214] {strides = array<i32>} : memref<4x16x128xi32, #tpu.memory_space<vmem>>, vector<16xi32>,
      tpu.vector_store %arg5[%parallel_loop3A_212, %parallel_loop3A_213, %parallel_loop3A_214], %broadcast_in_dim3A_3 {strides = array<i32>} : memref<4x16x128xi32, #tpu.memory_space<vmem>>, vector<16xi32>,
    } {sc.loop_unroll_factor = 4 : i64, sc.parallel_access}
    %parallel_loop3A_174 = arith.constant 0 : i32
    %parallel_loop3A_175 = arith.constant 8 : i32
    %parallel_loop3A_176 = arith.constant 1 : i32
    scf.for %parallel_loop3A_207 = %parallel_loop3A_174 to %parallel_loop3A_175 step %parallel_loop3A_176  : i32 {
      %parallel_loop3A_208 = arith.constant 16 : i32
      %parallel_loop3A_209 = arith.muli %parallel_loop3A_207, %parallel_loop3A_208 : i32
      %parallel_loop3A_210 = arith.constant 3 : i32
      %parallel_loop3A_211 = arith.constant 9 : i32
      %parallel_loop3A_212 = arith.index_cast %parallel_loop3A_210 : i32 to index
      %parallel_loop3A_213 = arith.index_cast %parallel_loop3A_211 : i32 to index
      %parallel_loop3A_214 = arith.index_cast %parallel_loop3A_209 : i32 to index
      %parallel_loop3A_215 = tpu.vector_load %arg5[%parallel_loop3A_212, %parallel_loop3A_213, %parallel_loop3A_214] {strides = array<i32>} : memref<4x16x128xi32, #tpu.memory_space<vmem>>, vector<16xi32>,
      tpu.vector_store %arg5[%parallel_loop3A_212, %parallel_loop3A_213, %parallel_loop3A_214], %broadcast_in_dim3A_3 {strides = array<i32>} : memref<4x16x128xi32, #tpu.memory_space<vmem>>, vector<16xi32>,
    } {sc.loop_unroll_factor = 4 : i64, sc.parallel_access}
    %parallel_loop3A_177 = arith.constant 0 : i32
    %parallel_loop3A_178 = arith.constant 8 : i32
    %parallel_loop3A_179 = arith.constant 1 : i32
    scf.for %parallel_loop3A_207 = %parallel_loop3A_177 to %parallel_loop3A_178 step %parallel_loop3A_179  : i32 {
      %parallel_loop3A_208 = arith.constant 16 : i32
      %parallel_loop3A_209 = arith.muli %parallel_loop3A_207, %parallel_loop3A_208 : i32
      %parallel_loop3A_210 = arith.constant 3 : i32
      %parallel_loop3A_211 = arith.constant 10 : i32
      %parallel_loop3A_212 = arith.index_cast %parallel_loop3A_210 : i32 to index
      %parallel_loop3A_213 = arith.index_cast %parallel_loop3A_211 : i32 to index
      %parallel_loop3A_214 = arith.index_cast %parallel_loop3A_209 : i32 to index
      %parallel_loop3A_215 = tpu.vector_load %arg5[%parallel_loop3A_212, %parallel_loop3A_213, %parallel_loop3A_214] {strides = array<i32>} : memref<4x16x128xi32, #tpu.memory_space<vmem>>, vector<16xi32>,
      tpu.vector_store %arg5[%parallel_loop3A_212, %parallel_loop3A_213, %parallel_loop3A_214], %broadcast_in_dim3A_3 {strides = array<i32>} : memref<4x16x128xi32, #tpu.memory_space<vmem>>, vector<16xi32>,
    } {sc.loop_unroll_factor = 4 : i64, sc.parallel_access}
    %parallel_loop3A_180 = arith.constant 0 : i32
    %parallel_loop3A_181 = arith.constant 8 : i32
    %parallel_loop3A_182 = arith.constant 1 : i32
    scf.for %parallel_loop3A_207 = %parallel_loop3A_180 to %parallel_loop3A_181 step %parallel_loop3A_182  : i32 {
      %parallel_loop3A_208 = arith.constant 16 : i32
      %parallel_loop3A_209 = arith.muli %parallel_loop3A_207, %parallel_loop3A_208 : i32
      %parallel_loop3A_210 = arith.constant 3 : i32
      %parallel_loop3A_211 = arith.constant 11 : i32
      %parallel_loop3A_212 = arith.index_cast %parallel_loop3A_210 : i32 to index
      %parallel_loop3A_213 = arith.index_cast %parallel_loop3A_211 : i32 to index
      %parallel_loop3A_214 = arith.index_cast %parallel_loop3A_209 : i32 to index
      %parallel_loop3A_215 = tpu.vector_load %arg5[%parallel_loop3A_212, %parallel_loop3A_213, %parallel_loop3A_214] {strides = array<i32>} : memref<4x16x128xi32, #tpu.memory_space<vmem>>, vector<16xi32>,
      tpu.vector_store %arg5[%parallel_loop3A_212, %parallel_loop3A_213, %parallel_loop3A_214], %broadcast_in_dim3A_3 {strides = array<i32>} : memref<4x16x128xi32, #tpu.memory_space<vmem>>, vector<16xi32>,
    } {sc.loop_unroll_factor = 4 : i64, sc.parallel_access}
    %parallel_loop3A_183 = arith.constant 0 : i32
    %parallel_loop3A_184 = arith.constant 8 : i32
    %parallel_loop3A_185 = arith.constant 1 : i32
    scf.for %parallel_loop3A_207 = %parallel_loop3A_183 to %parallel_loop3A_184 step %parallel_loop3A_185  : i32 {
      %parallel_loop3A_208 = arith.constant 16 : i32
      %parallel_loop3A_209 = arith.muli %parallel_loop3A_207, %parallel_loop3A_208 : i32
      %parallel_loop3A_210 = arith.constant 3 : i32
      %parallel_loop3A_211 = arith.constant 12 : i32
      %parallel_loop3A_212 = arith.index_cast %parallel_loop3A_210 : i32 to index
      %parallel_loop3A_213 = arith.index_cast %parallel_loop3A_211 : i32 to index
      %parallel_loop3A_214 = arith.index_cast %parallel_loop3A_209 : i32 to index
      %parallel_loop3A_215 = tpu.vector_load %arg5[%parallel_loop3A_212, %parallel_loop3A_213, %parallel_loop3A_214] {strides = array<i32>} : memref<4x16x128xi32, #tpu.memory_space<vmem>>, vector<16xi32>,
      tpu.vector_store %arg5[%parallel_loop3A_212, %parallel_loop3A_213, %parallel_loop3A_214], %broadcast_in_dim3A_3 {strides = array<i32>} : memref<4x16x128xi32, #tpu.memory_space<vmem>>, vector<16xi32>,
    } {sc.loop_unroll_factor = 4 : i64, sc.parallel_access}
    %parallel_loop3A_186 = arith.constant 0 : i32
    %parallel_loop3A_187 = arith.constant 8 : i32
    %parallel_loop3A_188 = arith.constant 1 : i32
    scf.for %parallel_loop3A_207 = %parallel_loop3A_186 to %parallel_loop3A_187 step %parallel_loop3A_188  : i32 {
      %parallel_loop3A_208 = arith.constant 16 : i32
      %parallel_loop3A_209 = arith.muli %parallel_loop3A_207, %parallel_loop3A_208 : i32
      %parallel_loop3A_210 = arith.constant 3 : i32
      %parallel_loop3A_211 = arith.constant 13 : i32
      %parallel_loop3A_212 = arith.index_cast %parallel_loop3A_210 : i32 to index
      %parallel_loop3A_213 = arith.index_cast %parallel_loop3A_211 : i32 to index
      %parallel_loop3A_214 = arith.index_cast %parallel_loop3A_209 : i32 to index
      %parallel_loop3A_215 = tpu.vector_load %arg5[%parallel_loop3A_212, %parallel_loop3A_213, %parallel_loop3A_214] {strides = array<i32>} : memref<4x16x128xi32, #tpu.memory_space<vmem>>, vector<16xi32>,
      tpu.vector_store %arg5[%parallel_loop3A_212, %parallel_loop3A_213, %parallel_loop3A_214], %broadcast_in_dim3A_3 {strides = array<i32>} : memref<4x16x128xi32, #tpu.memory_space<vmem>>, vector<16xi32>,
    } {sc.loop_unroll_factor = 4 : i64, sc.parallel_access}
    %parallel_loop3A_189 = arith.constant 0 : i32
    %parallel_loop3A_190 = arith.constant 8 : i32
    %parallel_loop3A_191 = arith.constant 1 : i32
    scf.for %parallel_loop3A_207 = %parallel_loop3A_189 to %parallel_loop3A_190 step %parallel_loop3A_191  : i32 {
      %parallel_loop3A_208 = arith.constant 16 : i32
      %parallel_loop3A_209 = arith.muli %parallel_loop3A_207, %parallel_loop3A_208 : i32
      %parallel_loop3A_210 = arith.constant 3 : i32
      %parallel_loop3A_211 = arith.constant 14 : i32
      %parallel_loop3A_212 = arith.index_cast %parallel_loop3A_210 : i32 to index
      %parallel_loop3A_213 = arith.index_cast %parallel_loop3A_211 : i32 to index
      %parallel_loop3A_214 = arith.index_cast %parallel_loop3A_209 : i32 to index
      %parallel_loop3A_215 = tpu.vector_load %arg5[%parallel_loop3A_212, %parallel_loop3A_213, %parallel_loop3A_214] {strides = array<i32>} : memref<4x16x128xi32, #tpu.memory_space<vmem>>, vector<16xi32>,
      tpu.vector_store %arg5[%parallel_loop3A_212, %parallel_loop3A_213, %parallel_loop3A_214], %broadcast_in_dim3A_3 {strides = array<i32>} : memref<4x16x128xi32, #tpu.memory_space<vmem>>, vector<16xi32>,
    } {sc.loop_unroll_factor = 4 : i64, sc.parallel_access}
    %parallel_loop3A_192 = arith.constant 0 : i32
    %parallel_loop3A_193 = arith.constant 8 : i32
    %parallel_loop3A_194 = arith.constant 1 : i32
    scf.for %parallel_loop3A_207 = %parallel_loop3A_192 to %parallel_loop3A_193 step %parallel_loop3A_194  : i32 {
      %parallel_loop3A_208 = arith.constant 16 : i32
      %parallel_loop3A_209 = arith.muli %parallel_loop3A_207, %parallel_loop3A_208 : i32
      %parallel_loop3A_210 = arith.constant 3 : i32
      %parallel_loop3A_211 = arith.constant 15 : i32
      %parallel_loop3A_212 = arith.index_cast %parallel_loop3A_210 : i32 to index
      %parallel_loop3A_213 = arith.index_cast %parallel_loop3A_211 : i32 to index
      %parallel_loop3A_214 = arith.index_cast %parallel_loop3A_209 : i32 to index
      %parallel_loop3A_215 = tpu.vector_load %arg5[%parallel_loop3A_212, %parallel_loop3A_213, %parallel_loop3A_214] {strides = array<i32>} : memref<4x16x128xi32, #tpu.memory_space<vmem>>, vector<16xi32>,
      tpu.vector_store %arg5[%parallel_loop3A_212, %parallel_loop3A_213, %parallel_loop3A_214], %broadcast_in_dim3A_3 {strides = array<i32>} : memref<4x16x128xi32, #tpu.memory_space<vmem>>, vector<16xi32>,
    } {sc.loop_unroll_factor = 4 : i64, sc.parallel_access}
    tpu.wait_dma2 semaphore(%arg6 : memref<!tpu.dma_semaphore, #tpu.memory_space<semaphore_mem>>) src(%arg2 : memref<2x8192xi32, #tpu.memory_space<hbm>>) dst(%arg4 : memref<2x8192xi32, #tpu.memory_space<vmem>>)
    %broadcast_in_dim3A_195 = arith.constant 1 : i32
    %broadcast_in_dim3A_196 = vector.broadcast %broadcast_in_dim3A_195 : i32 to vector<16xi32>
    %parallel_loop3A_197 = arith.constant 0 : i32
    %parallel_loop3A_198 = arith.constant 512 : i32
    %parallel_loop3A_199 = arith.constant 1 : i32
    scf.for %parallel_loop3A_207 = %parallel_loop3A_197 to %parallel_loop3A_198 step %parallel_loop3A_199  : i32 {
      %parallel_loop3A_208 = arith.constant 16 : i32
      %parallel_loop3A_209 = arith.muli %parallel_loop3A_207, %parallel_loop3A_208 : i32
      %parallel_loop3A_210 = arith.constant 0 : i32
      %parallel_loop3A_211 = arith.index_cast %parallel_loop3A_210 : i32 to index
      %parallel_loop3A_212 = arith.index_cast %parallel_loop3A_209 : i32 to index
      %parallel_loop3A_213 = tpu.vector_load %arg4[%parallel_loop3A_211, %parallel_loop3A_212] {strides = array<i32>} : memref<2x8192xi32, #tpu.memory_space<vmem>>, vector<16xi32>,
      %parallel_loop3A_214 = arith.constant 16 : i32
      %parallel_loop3A_215 = arith.muli %parallel_loop3A_207, %parallel_loop3A_214 : i32
      %parallel_loop3A_216 = arith.constant 1 : i32
      %parallel_loop3A_217 = arith.index_cast %parallel_loop3A_216 : i32 to index
      %parallel_loop3A_218 = arith.index_cast %parallel_loop3A_215 : i32 to index
      %parallel_loop3A_219 = tpu.vector_load %arg4[%parallel_loop3A_217, %parallel_loop3A_218] {strides = array<i32>} : memref<2x8192xi32, #tpu.memory_space<vmem>>, vector<16xi32>,
      %parallel_loop3A_220 = vector.broadcast %mul3A_2 : i32 to vector<16xi32>
      %parallel_loop3A_221 = arith.cmpi sge, %parallel_loop3A_213, %parallel_loop3A_220 : vector<16xi32>
      %parallel_loop3A_222 = arith.constant 16 : i32
      %parallel_loop3A_223 = arith.addi %mul3A_2, %parallel_loop3A_222 : i32
      %parallel_loop3A_224 = vector.broadcast %parallel_loop3A_223 : i32 to vector<16xi32>
      %parallel_loop3A_225 = arith.cmpi slt, %parallel_loop3A_213, %parallel_loop3A_224 : vector<16xi32>
      %parallel_loop3A_226 = arith.andi %parallel_loop3A_221, %parallel_loop3A_225 : vector<16xi1>
      %parallel_loop3A_227 = arith.constant 7 : i32
      %parallel_loop3A_228 = vector.broadcast %parallel_loop3A_227 : i32 to vector<16xi32>
      %parallel_loop3A_229 = arith.shrsi %parallel_loop3A_219, %parallel_loop3A_228 : vector<16xi32>
      %parallel_loop3A_230 = vector.broadcast %mul3A_2 : i32 to vector<16xi32>
      %parallel_loop3A_231 = arith.subi %parallel_loop3A_213, %parallel_loop3A_230 : vector<16xi32>
      %parallel_loop3A_232 = arith.constant 127 : i32
      %parallel_loop3A_233 = vector.broadcast %parallel_loop3A_232 : i32 to vector<16xi32>
      %parallel_loop3A_234 = arith.andi %parallel_loop3A_219, %parallel_loop3A_233 : vector<16xi32>
      tpu.vector_store_idx %arg5[%parallel_loop3A_229, %parallel_loop3A_231, %parallel_loop3A_234], %broadcast_in_dim3A_196 masked %parallel_loop3A_226 : memref<4x16x128xi32, #tpu.memory_space<vmem>>[vector<16xi32>, vector<16xi32>, vector<16xi32>], vector<16xi32>, vector<16xi1>
    } {sc.loop_unroll_factor = 4 : i64, sc.parallel_access}
    %run_scoped3A = arith.constant 0 : i32
    %run_scoped3A_200 = arith.constant 0 : i32
    "tpu.region"() ({
      %run_scoped3A_207 = tpu.sem_alloc : memref<!tpu.dma_semaphore, #tpu.memory_space<semaphore_mem>>
      %dma_start3A = arith.constant 0 : i32
      %dma_start3A_208 = arith.constant 0 : i32
      %dma_start3A_209 = tpu.memref_slice %arg5[%run_scoped3A, %dma_start3A, %dma_start3A_208] : memref<4x16x128xi32, #tpu.memory_space<vmem>> -> memref<1x16x128xi32, #tpu.memory_space<vmem>>
      %dma_start3A_210 = tpu.memref_squeeze %dma_start3A_209 : memref<1x16x128xi32, #tpu.memory_space<vmem>> -> memref<16x128xi32, #tpu.memory_space<vmem>>
      %dma_start3A_211 = arith.constant 0 : i32
      %dma_start3A_212 = tpu.memref_slice %arg3[%run_scoped3A_200, %mul3A_2, %dma_start3A_211] : memref<4x512x128xi32, #tpu.memory_space<hbm>> -> memref<1x16x128xi32, #tpu.memory_space<hbm>>
      %dma_start3A_213 = tpu.memref_squeeze %dma_start3A_212 : memref<1x16x128xi32, #tpu.memory_space<hbm>> -> memref<16x128xi32, #tpu.memory_space<hbm>>
      %dma_start3A_214 = arith.constant 0 : i32
      %dma_start3A_215 = tpu.memref_slice %arg3[%run_scoped3A_200, %mul3A_2, %dma_start3A_214] : memref<4x512x128xi32, #tpu.memory_space<hbm>> -> memref<1x16x128xi32, #tpu.memory_space<hbm>>
      %dma_start3A_216 = tpu.memref_squeeze %dma_start3A_215 : memref<1x16x128xi32, #tpu.memory_space<hbm>> -> memref<16x128xi32, #tpu.memory_space<hbm>>
      %dma_start3A_217 = arith.constant 0 : i32
      %dma_start3A_218 = arith.constant 0 : i32
      %dma_start3A_219 = tpu.memref_slice %arg5[%run_scoped3A, %dma_start3A_217, %dma_start3A_218] : memref<4x16x128xi32, #tpu.memory_space<vmem>> -> memref<1x16x128xi32, #tpu.memory_space<vmem>>
      %dma_start3A_220 = tpu.memref_squeeze %dma_start3A_219 : memref<1x16x128xi32, #tpu.memory_space<vmem>> -> memref<16x128xi32, #tpu.memory_space<vmem>>
      tpu.enqueue_dma source(%dma_start3A_220 : memref<16x128xi32, #tpu.memory_space<vmem>>) target(%dma_start3A_216 : memref<16x128xi32, #tpu.memory_space<hbm>>) target_semaphore(%run_scoped3A_207 : memref<!tpu.dma_semaphore, #tpu.memory_space<semaphore_mem>>)
      %dma_wait3A = arith.constant 0 : i32
      %dma_wait3A_221 = arith.constant 0 : i32
      %dma_wait3A_222 = tpu.memref_slice %arg5[%run_scoped3A, %dma_wait3A, %dma_wait3A_221] : memref<4x16x128xi32, #tpu.memory_space<vmem>> -> memref<1x16x128xi32, #tpu.memory_space<vmem>>
      %dma_wait3A_223 = tpu.memref_squeeze %dma_wait3A_222 : memref<1x16x128xi32, #tpu.memory_space<vmem>> -> memref<16x128xi32, #tpu.memory_space<vmem>>
      %dma_wait3A_224 = arith.constant 0 : i32
      %dma_wait3A_225 = tpu.memref_slice %arg3[%run_scoped3A_200, %mul3A_2, %dma_wait3A_224] : memref<4x512x128xi32, #tpu.memory_space<hbm>> -> memref<1x16x128xi32, #tpu.memory_space<hbm>>
      %dma_wait3A_226 = tpu.memref_squeeze %dma_wait3A_225 : memref<1x16x128xi32, #tpu.memory_space<hbm>> -> memref<16x128xi32, #tpu.memory_space<hbm>>
      %dma_wait3A_227 = arith.constant 0 : i32
      %dma_wait3A_228 = tpu.memref_slice %arg3[%run_scoped3A_200, %mul3A_2, %dma_wait3A_227] : memref<4x512x128xi32, #tpu.memory_space<hbm>> -> memref<1x16x128xi32, #tpu.memory_space<hbm>>
      %dma_wait3A_229 = tpu.memref_squeeze %dma_wait3A_228 : memref<1x16x128xi32, #tpu.memory_space<hbm>> -> memref<16x128xi32, #tpu.memory_space<hbm>>
      %dma_wait3A_230 = arith.constant 0 : i32
      %dma_wait3A_231 = arith.constant 0 : i32
      %dma_wait3A_232 = tpu.memref_slice %arg5[%run_scoped3A, %dma_wait3A_230, %dma_wait3A_231] : memref<4x16x128xi32, #tpu.memory_space<vmem>> -> memref<1x16x128xi32, #tpu.memory_space<vmem>>
      %dma_wait3A_233 = tpu.memref_squeeze %dma_wait3A_232 : memref<1x16x128xi32, #tpu.memory_space<vmem>> -> memref<16x128xi32, #tpu.memory_space<vmem>>
      tpu.wait_dma2 semaphore(%run_scoped3A_207 : memref<!tpu.dma_semaphore, #tpu.memory_space<semaphore_mem>>) src(%dma_wait3A_233 : memref<16x128xi32, #tpu.memory_space<vmem>>) dst(%dma_wait3A_229 : memref<16x128xi32, #tpu.memory_space<hbm>>)
      tpu.yield
    }) : () -> ()
    %run_scoped3A_201 = arith.constant 1 : i32
    %run_scoped3A_202 = arith.constant 1 : i32
    "tpu.region"() ({
      %run_scoped3A_207 = tpu.sem_alloc : memref<!tpu.dma_semaphore, #tpu.memory_space<semaphore_mem>>
      %dma_start3A = arith.constant 0 : i32
      %dma_start3A_208 = arith.constant 0 : i32
      %dma_start3A_209 = tpu.memref_slice %arg5[%run_scoped3A_201, %dma_start3A, %dma_start3A_208] : memref<4x16x128xi32, #tpu.memory_space<vmem>> -> memref<1x16x128xi32, #tpu.memory_space<vmem>>
      %dma_start3A_210 = tpu.memref_squeeze %dma_start3A_209 : memref<1x16x128xi32, #tpu.memory_space<vmem>> -> memref<16x128xi32, #tpu.memory_space<vmem>>
      %dma_start3A_211 = arith.constant 0 : i32
      %dma_start3A_212 = tpu.memref_slice %arg3[%run_scoped3A_202, %mul3A_2, %dma_start3A_211] : memref<4x512x128xi32, #tpu.memory_space<hbm>> -> memref<1x16x128xi32, #tpu.memory_space<hbm>>
      %dma_start3A_213 = tpu.memref_squeeze %dma_start3A_212 : memref<1x16x128xi32, #tpu.memory_space<hbm>> -> memref<16x128xi32, #tpu.memory_space<hbm>>
      %dma_start3A_214 = arith.constant 0 : i32
      %dma_start3A_215 = tpu.memref_slice %arg3[%run_scoped3A_202, %mul3A_2, %dma_start3A_214] : memref<4x512x128xi32, #tpu.memory_space<hbm>> -> memref<1x16x128xi32, #tpu.memory_space<hbm>>
      %dma_start3A_216 = tpu.memref_squeeze %dma_start3A_215 : memref<1x16x128xi32, #tpu.memory_space<hbm>> -> memref<16x128xi32, #tpu.memory_space<hbm>>
      %dma_start3A_217 = arith.constant 0 : i32
      %dma_start3A_218 = arith.constant 0 : i32
      %dma_start3A_219 = tpu.memref_slice %arg5[%run_scoped3A_201, %dma_start3A_217, %dma_start3A_218] : memref<4x16x128xi32, #tpu.memory_space<vmem>> -> memref<1x16x128xi32, #tpu.memory_space<vmem>>
      %dma_start3A_220 = tpu.memref_squeeze %dma_start3A_219 : memref<1x16x128xi32, #tpu.memory_space<vmem>> -> memref<16x128xi32, #tpu.memory_space<vmem>>
      tpu.enqueue_dma source(%dma_start3A_220 : memref<16x128xi32, #tpu.memory_space<vmem>>) target(%dma_start3A_216 : memref<16x128xi32, #tpu.memory_space<hbm>>) target_semaphore(%run_scoped3A_207 : memref<!tpu.dma_semaphore, #tpu.memory_space<semaphore_mem>>)
      %dma_wait3A = arith.constant 0 : i32
      %dma_wait3A_221 = arith.constant 0 : i32
      %dma_wait3A_222 = tpu.memref_slice %arg5[%run_scoped3A_201, %dma_wait3A, %dma_wait3A_221] : memref<4x16x128xi32, #tpu.memory_space<vmem>> -> memref<1x16x128xi32, #tpu.memory_space<vmem>>
      %dma_wait3A_223 = tpu.memref_squeeze %dma_wait3A_222 : memref<1x16x128xi32, #tpu.memory_space<vmem>> -> memref<16x128xi32, #tpu.memory_space<vmem>>
      %dma_wait3A_224 = arith.constant 0 : i32
      %dma_wait3A_225 = tpu.memref_slice %arg3[%run_scoped3A_202, %mul3A_2, %dma_wait3A_224] : memref<4x512x128xi32, #tpu.memory_space<hbm>> -> memref<1x16x128xi32, #tpu.memory_space<hbm>>
      %dma_wait3A_226 = tpu.memref_squeeze %dma_wait3A_225 : memref<1x16x128xi32, #tpu.memory_space<hbm>> -> memref<16x128xi32, #tpu.memory_space<hbm>>
      %dma_wait3A_227 = arith.constant 0 : i32
      %dma_wait3A_228 = tpu.memref_slice %arg3[%run_scoped3A_202, %mul3A_2, %dma_wait3A_227] : memref<4x512x128xi32, #tpu.memory_space<hbm>> -> memref<1x16x128xi32, #tpu.memory_space<hbm>>
      %dma_wait3A_229 = tpu.memref_squeeze %dma_wait3A_228 : memref<1x16x128xi32, #tpu.memory_space<hbm>> -> memref<16x128xi32, #tpu.memory_space<hbm>>
      %dma_wait3A_230 = arith.constant 0 : i32
      %dma_wait3A_231 = arith.constant 0 : i32
      %dma_wait3A_232 = tpu.memref_slice %arg5[%run_scoped3A_201, %dma_wait3A_230, %dma_wait3A_231] : memref<4x16x128xi32, #tpu.memory_space<vmem>> -> memref<1x16x128xi32, #tpu.memory_space<vmem>>
      %dma_wait3A_233 = tpu.memref_squeeze %dma_wait3A_232 : memref<1x16x128xi32, #tpu.memory_space<vmem>> -> memref<16x128xi32, #tpu.memory_space<vmem>>
      tpu.wait_dma2 semaphore(%run_scoped3A_207 : memref<!tpu.dma_semaphore, #tpu.memory_space<semaphore_mem>>) src(%dma_wait3A_233 : memref<16x128xi32, #tpu.memory_space<vmem>>) dst(%dma_wait3A_229 : memref<16x128xi32, #tpu.memory_space<hbm>>)
      tpu.yield
    }) : () -> ()
    %run_scoped3A_203 = arith.constant 2 : i32
    %run_scoped3A_204 = arith.constant 2 : i32
    "tpu.region"() ({
      %run_scoped3A_207 = tpu.sem_alloc : memref<!tpu.dma_semaphore, #tpu.memory_space<semaphore_mem>>
      %dma_start3A = arith.constant 0 : i32
      %dma_start3A_208 = arith.constant 0 : i32
      %dma_start3A_209 = tpu.memref_slice %arg5[%run_scoped3A_203, %dma_start3A, %dma_start3A_208] : memref<4x16x128xi32, #tpu.memory_space<vmem>> -> memref<1x16x128xi32, #tpu.memory_space<vmem>>
      %dma_start3A_210 = tpu.memref_squeeze %dma_start3A_209 : memref<1x16x128xi32, #tpu.memory_space<vmem>> -> memref<16x128xi32, #tpu.memory_space<vmem>>
      %dma_start3A_211 = arith.constant 0 : i32
      %dma_start3A_212 = tpu.memref_slice %arg3[%run_scoped3A_204, %mul3A_2, %dma_start3A_211] : memref<4x512x128xi32, #tpu.memory_space<hbm>> -> memref<1x16x128xi32, #tpu.memory_space<hbm>>
      %dma_start3A_213 = tpu.memref_squeeze %dma_start3A_212 : memref<1x16x128xi32, #tpu.memory_space<hbm>> -> memref<16x128xi32, #tpu.memory_space<hbm>>
      %dma_start3A_214 = arith.constant 0 : i32
      %dma_start3A_215 = tpu.memref_slice %arg3[%run_scoped3A_204, %mul3A_2, %dma_start3A_214] : memref<4x512x128xi32, #tpu.memory_space<hbm>> -> memref<1x16x128xi32, #tpu.memory_space<hbm>>
      %dma_start3A_216 = tpu.memref_squeeze %dma_start3A_215 : memref<1x16x128xi32, #tpu.memory_space<hbm>> -> memref<16x128xi32, #tpu.memory_space<hbm>>
      %dma_start3A_217 = arith.constant 0 : i32
      %dma_start3A_218 = arith.constant 0 : i32
      %dma_start3A_219 = tpu.memref_slice %arg5[%run_scoped3A_203, %dma_start3A_217, %dma_start3A_218] : memref<4x16x128xi32, #tpu.memory_space<vmem>> -> memref<1x16x128xi32, #tpu.memory_space<vmem>>
      %dma_start3A_220 = tpu.memref_squeeze %dma_start3A_219 : memref<1x16x128xi32, #tpu.memory_space<vmem>> -> memref<16x128xi32, #tpu.memory_space<vmem>>
      tpu.enqueue_dma source(%dma_start3A_220 : memref<16x128xi32, #tpu.memory_space<vmem>>) target(%dma_start3A_216 : memref<16x128xi32, #tpu.memory_space<hbm>>) target_semaphore(%run_scoped3A_207 : memref<!tpu.dma_semaphore, #tpu.memory_space<semaphore_mem>>)
      %dma_wait3A = arith.constant 0 : i32
      %dma_wait3A_221 = arith.constant 0 : i32
      %dma_wait3A_222 = tpu.memref_slice %arg5[%run_scoped3A_203, %dma_wait3A, %dma_wait3A_221] : memref<4x16x128xi32, #tpu.memory_space<vmem>> -> memref<1x16x128xi32, #tpu.memory_space<vmem>>
      %dma_wait3A_223 = tpu.memref_squeeze %dma_wait3A_222 : memref<1x16x128xi32, #tpu.memory_space<vmem>> -> memref<16x128xi32, #tpu.memory_space<vmem>>
      %dma_wait3A_224 = arith.constant 0 : i32
      %dma_wait3A_225 = tpu.memref_slice %arg3[%run_scoped3A_204, %mul3A_2, %dma_wait3A_224] : memref<4x512x128xi32, #tpu.memory_space<hbm>> -> memref<1x16x128xi32, #tpu.memory_space<hbm>>
      %dma_wait3A_226 = tpu.memref_squeeze %dma_wait3A_225 : memref<1x16x128xi32, #tpu.memory_space<hbm>> -> memref<16x128xi32, #tpu.memory_space<hbm>>
      %dma_wait3A_227 = arith.constant 0 : i32
      %dma_wait3A_228 = tpu.memref_slice %arg3[%run_scoped3A_204, %mul3A_2, %dma_wait3A_227] : memref<4x512x128xi32, #tpu.memory_space<hbm>> -> memref<1x16x128xi32, #tpu.memory_space<hbm>>
      %dma_wait3A_229 = tpu.memref_squeeze %dma_wait3A_228 : memref<1x16x128xi32, #tpu.memory_space<hbm>> -> memref<16x128xi32, #tpu.memory_space<hbm>>
      %dma_wait3A_230 = arith.constant 0 : i32
      %dma_wait3A_231 = arith.constant 0 : i32
      %dma_wait3A_232 = tpu.memref_slice %arg5[%run_scoped3A_203, %dma_wait3A_230, %dma_wait3A_231] : memref<4x16x128xi32, #tpu.memory_space<vmem>> -> memref<1x16x128xi32, #tpu.memory_space<vmem>>
      %dma_wait3A_233 = tpu.memref_squeeze %dma_wait3A_232 : memref<1x16x128xi32, #tpu.memory_space<vmem>> -> memref<16x128xi32, #tpu.memory_space<vmem>>
      tpu.wait_dma2 semaphore(%run_scoped3A_207 : memref<!tpu.dma_semaphore, #tpu.memory_space<semaphore_mem>>) src(%dma_wait3A_233 : memref<16x128xi32, #tpu.memory_space<vmem>>) dst(%dma_wait3A_229 : memref<16x128xi32, #tpu.memory_space<hbm>>)
      tpu.yield
    }) : () -> ()
    %run_scoped3A_205 = arith.constant 3 : i32
    %run_scoped3A_206 = arith.constant 3 : i32
    "tpu.region"() ({
      %run_scoped3A_207 = tpu.sem_alloc : memref<!tpu.dma_semaphore, #tpu.memory_space<semaphore_mem>>
      %dma_start3A = arith.constant 0 : i32
      %dma_start3A_208 = arith.constant 0 : i32
      %dma_start3A_209 = tpu.memref_slice %arg5[%run_scoped3A_205, %dma_start3A, %dma_start3A_208] : memref<4x16x128xi32, #tpu.memory_space<vmem>> -> memref<1x16x128xi32, #tpu.memory_space<vmem>>
      %dma_start3A_210 = tpu.memref_squeeze %dma_start3A_209 : memref<1x16x128xi32, #tpu.memory_space<vmem>> -> memref<16x128xi32, #tpu.memory_space<vmem>>
      %dma_start3A_211 = arith.constant 0 : i32
      %dma_start3A_212 = tpu.memref_slice %arg3[%run_scoped3A_206, %mul3A_2, %dma_start3A_211] : memref<4x512x128xi32, #tpu.memory_space<hbm>> -> memref<1x16x128xi32, #tpu.memory_space<hbm>>
      %dma_start3A_213 = tpu.memref_squeeze %dma_start3A_212 : memref<1x16x128xi32, #tpu.memory_space<hbm>> -> memref<16x128xi32, #tpu.memory_space<hbm>>
      %dma_start3A_214 = arith.constant 0 : i32
      %dma_start3A_215 = tpu.memref_slice %arg3[%run_scoped3A_206, %mul3A_2, %dma_start3A_214] : memref<4x512x128xi32, #tpu.memory_space<hbm>> -> memref<1x16x128xi32, #tpu.memory_space<hbm>>
      %dma_start3A_216 = tpu.memref_squeeze %dma_start3A_215 : memref<1x16x128xi32, #tpu.memory_space<hbm>> -> memref<16x128xi32, #tpu.memory_space<hbm>>
      %dma_start3A_217 = arith.constant 0 : i32
      %dma_start3A_218 = arith.constant 0 : i32
      %dma_start3A_219 = tpu.memref_slice %arg5[%run_scoped3A_205, %dma_start3A_217, %dma_start3A_218] : memref<4x16x128xi32, #tpu.memory_space<vmem>> -> memref<1x16x128xi32, #tpu.memory_space<vmem>>
      %dma_start3A_220 = tpu.memref_squeeze %dma_start3A_219 : memref<1x16x128xi32, #tpu.memory_space<vmem>> -> memref<16x128xi32, #tpu.memory_space<vmem>>
      tpu.enqueue_dma source(%dma_start3A_220 : memref<16x128xi32, #tpu.memory_space<vmem>>) target(%dma_start3A_216 : memref<16x128xi32, #tpu.memory_space<hbm>>) target_semaphore(%run_scoped3A_207 : memref<!tpu.dma_semaphore, #tpu.memory_space<semaphore_mem>>)
      %dma_wait3A = arith.constant 0 : i32
      %dma_wait3A_221 = arith.constant 0 : i32
      %dma_wait3A_222 = tpu.memref_slice %arg5[%run_scoped3A_205, %dma_wait3A, %dma_wait3A_221] : memref<4x16x128xi32, #tpu.memory_space<vmem>> -> memref<1x16x128xi32, #tpu.memory_space<vmem>>
      %dma_wait3A_223 = tpu.memref_squeeze %dma_wait3A_222 : memref<1x16x128xi32, #tpu.memory_space<vmem>> -> memref<16x128xi32, #tpu.memory_space<vmem>>
      %dma_wait3A_224 = arith.constant 0 : i32
      %dma_wait3A_225 = tpu.memref_slice %arg3[%run_scoped3A_206, %mul3A_2, %dma_wait3A_224] : memref<4x512x128xi32, #tpu.memory_space<hbm>> -> memref<1x16x128xi32, #tpu.memory_space<hbm>>
      %dma_wait3A_226 = tpu.memref_squeeze %dma_wait3A_225 : memref<1x16x128xi32, #tpu.memory_space<hbm>> -> memref<16x128xi32, #tpu.memory_space<hbm>>
      %dma_wait3A_227 = arith.constant 0 : i32
      %dma_wait3A_228 = tpu.memref_slice %arg3[%run_scoped3A_206, %mul3A_2, %dma_wait3A_227] : memref<4x512x128xi32, #tpu.memory_space<hbm>> -> memref<1x16x128xi32, #tpu.memory_space<hbm>>
      %dma_wait3A_229 = tpu.memref_squeeze %dma_wait3A_228 : memref<1x16x128xi32, #tpu.memory_space<hbm>> -> memref<16x128xi32, #tpu.memory_space<hbm>>
      %dma_wait3A_230 = arith.constant 0 : i32
      %dma_wait3A_231 = arith.constant 0 : i32
      %dma_wait3A_232 = tpu.memref_slice %arg5[%run_scoped3A_205, %dma_wait3A_230, %dma_wait3A_231] : memref<4x16x128xi32, #tpu.memory_space<vmem>> -> memref<1x16x128xi32, #tpu.memory_space<vmem>>
      %dma_wait3A_233 = tpu.memref_squeeze %dma_wait3A_232 : memref<1x16x128xi32, #tpu.memory_space<vmem>> -> memref<16x128xi32, #tpu.memory_space<vmem>>
      tpu.wait_dma2 semaphore(%run_scoped3A_207 : memref<!tpu.dma_semaphore, #tpu.memory_space<semaphore_mem>>) src(%dma_wait3A_233 : memref<16x128xi32, #tpu.memory_space<vmem>>) dst(%dma_wait3A_229 : memref<16x128xi32, #tpu.memory_space<hbm>>)
      tpu.yield
    }) : () -> ()
    return
  }
}

module attributes {stable_mosaic.version = 14 : i64} {
  func.func @_tc_body(%arg0: memref<4x512x128xi32, #tpu.memory_space<vmem>>, %arg1: memref<512x256xf32, #tpu.memory_space<vmem>>, %arg2: memref<512x256xf32, #tpu.memory_space<vmem>>, %arg3: memref<512x256xf32, #tpu.memory_space<vmem>>, %arg4: memref<512x16xf32, #tpu.memory_space<vmem>>, %arg5: memref<1x16xf32, #tpu.memory_space<vmem>>, %arg6: memref<640x512xi32, #tpu.memory_space<vmem>>, %arg7: memref<512x256xf32, #tpu.memory_space<vmem>>, %arg8: memref<32x24xbf16, #tpu.memory_space<vmem>>, %arg9: memref<512x512xf32, #tpu.memory_space<vmem>>, %arg10: memref<512x512xbf16, #tpu.memory_space<vmem>>, %arg11: memref<512x512xi32, #tpu.memory_space<vmem>>) attributes {dimension_semantics = [], scalar_prefetch = 0 : i64, scratch_operands = 3 : i64, tpu.core_type = #tpu.core_type<tc>} {
    %get3A = arith.constant 0 : index
    %get3A_0 = arith.constant 0 : index
    %get3A_1 = arith.constant 0 : index
    %get3A_2 = vector.load %arg0[%get3A, %get3A_0, %get3A_1] : memref<4x512x128xi32, #tpu.memory_space<vmem>>, vector<1x512x128xi32>
    %get3A_3 = vector.shape_cast %get3A_2 : vector<1x512x128xi32> to vector<512x128xi32>
    %get3A_4 = arith.constant 1 : index
    %get3A_5 = arith.constant 0 : index
    %get3A_6 = arith.constant 0 : index
    %get3A_7 = vector.load %arg0[%get3A_4, %get3A_5, %get3A_6] : memref<4x512x128xi32, #tpu.memory_space<vmem>>, vector<1x512x128xi32>
    %get3A_8 = vector.shape_cast %get3A_7 : vector<1x512x128xi32> to vector<512x128xi32>
    %get3A_9 = arith.constant 2 : index
    %get3A_10 = arith.constant 0 : index
    %get3A_11 = arith.constant 0 : index
    %get3A_12 = vector.load %arg0[%get3A_9, %get3A_10, %get3A_11] : memref<4x512x128xi32, #tpu.memory_space<vmem>>, vector<1x512x128xi32>
    %get3A_13 = vector.shape_cast %get3A_12 : vector<1x512x128xi32> to vector<512x128xi32>
    %get3A_14 = arith.constant 3 : index
    %get3A_15 = arith.constant 0 : index
    %get3A_16 = arith.constant 0 : index
    %get3A_17 = vector.load %arg0[%get3A_14, %get3A_15, %get3A_16] : memref<4x512x128xi32, #tpu.memory_space<vmem>>, vector<1x512x128xi32>
    %get3A_18 = vector.shape_cast %get3A_17 : vector<1x512x128xi32> to vector<512x128xi32>
    %concatenate3A = tpu.concatenate %get3A_3, %get3A_8, %get3A_13, %get3A_18 in 1 : vector<512x128xi32>, vector<512x128xi32>, vector<512x128xi32>, vector<512x128xi32> -> vector<512x512xi32>
    %convert_element_type3A = arith.sitofp %concatenate3A : vector<512x512xi32> to vector<512x512xbf16>
    %swap3A = arith.constant 0 : index
    %swap3A_19 = arith.constant 0 : index
    %swap3A_20 = vector.load %arg10[%swap3A, %swap3A_19] : memref<512x512xbf16, #tpu.memory_space<vmem>>, vector<512x512xbf16>
    tpu.vector_store %arg10[%swap3A, %swap3A_19], %convert_element_type3A {strides = array<i32>} : memref<512x512xbf16, #tpu.memory_space<vmem>>, vector<512x512xbf16>,
    %iota3A = tpu.iota {dimensions = array<i32: 0>} : vector<512x512xi32>
    %iota3A_21 = tpu.iota {dimensions = array<i32: 1>} : vector<512x512xi32>
    %eq3A = arith.cmpi eq, %iota3A, %iota3A_21 : vector<512x512xi32>
    %convert_element_type3A_22 = arith.extui %eq3A : vector<512x512xi1> to vector<512x512xi32>
    %convert_element_type3A_23 = arith.sitofp %convert_element_type3A_22 : vector<512x512xi32> to vector<512x512xf32>
    %swap3A_24 = arith.constant 0 : index
    %swap3A_25 = arith.constant 0 : index
    %swap3A_26 = vector.load %arg9[%swap3A_24, %swap3A_25] : memref<512x512xf32, #tpu.memory_space<vmem>>, vector<512x512xf32>
    tpu.vector_store %arg9[%swap3A_24, %swap3A_25], %convert_element_type3A_23 {strides = array<i32>} : memref<512x512xf32, #tpu.memory_space<vmem>>, vector<512x512xf32>,
    %broadcast_in_dim3A = arith.constant 0 : i32
    %broadcast_in_dim3A_27 = vector.broadcast %broadcast_in_dim3A : i32 to vector<512x512xi32>
    %swap3A_28 = arith.constant 0 : index
    %swap3A_29 = arith.constant 0 : index
    %swap3A_30 = vector.load %arg11[%swap3A_28, %swap3A_29] : memref<512x512xi32, #tpu.memory_space<vmem>>, vector<512x512xi32>
    tpu.vector_store %arg11[%swap3A_28, %swap3A_29], %broadcast_in_dim3A_27 {strides = array<i32>} : memref<512x512xi32, #tpu.memory_space<vmem>>, vector<512x512xi32>,
    %while3A = arith.constant 0 : i32
    %while3A_31 = arith.constant true
    %while3A_32:2 = scf.while (%while3A_136 = %while3A, %while3A_137 = %while3A_31) : (i32, i1) -> (i32, i1) {
      %lt3A = arith.constant 512 : i32
      %lt3A_138 = arith.cmpi slt, %while3A_136, %lt3A : i32
      %and3A = arith.andi %while3A_137, %lt3A_138 : i1
      scf.condition(%and3A) %while3A_136, %while3A_137 : i32, i1
    } do {
    ^bb0(%while3A_136: i32, %while3A_137: i1):
      %get3A_138 = arith.constant 0 : index
      %get3A_139 = arith.constant 0 : index
      %get3A_140 = vector.load %arg9[%get3A_138, %get3A_139] : memref<512x512xf32, #tpu.memory_space<vmem>>, vector<512x512xf32>
      %get3A_141 = arith.constant 0 : index
      %get3A_142 = arith.constant 0 : index
      %get3A_143 = vector.load %arg11[%get3A_141, %get3A_142] : memref<512x512xi32, #tpu.memory_space<vmem>>, vector<512x512xi32>
      %eq3A_144 = arith.constant 0.000000e+00 : f32
      %eq3A_145 = vector.broadcast %eq3A_144 : f32 to vector<512x512xf32>
      %eq3A_146 = arith.cmpf oeq, %get3A_140, %eq3A_145 : vector<512x512xf32>
      %convert_element_type3A_147 = arith.extui %eq3A_146 : vector<512x512xi1> to vector<512x512xi32>
      %add3A_148 = arith.addi %get3A_143, %convert_element_type3A_147 : vector<512x512xi32>
      %swap3A_149 = arith.constant 0 : index
      %swap3A_150 = arith.constant 0 : index
      %swap3A_151 = vector.load %arg11[%swap3A_149, %swap3A_150] : memref<512x512xi32, #tpu.memory_space<vmem>>, vector<512x512xi32>
      tpu.vector_store %arg11[%swap3A_149, %swap3A_150], %add3A_148 {strides = array<i32>} : memref<512x512xi32, #tpu.memory_space<vmem>>, vector<512x512xi32>,
      %convert_element_type3A_152 = arith.truncf %get3A_140 : vector<512x512xf32> to vector<512x512xbf16>
      %get3A_153 = arith.constant 0 : index
      %get3A_154 = arith.constant 0 : index
      %get3A_155 = vector.load %arg10[%get3A_153, %get3A_154] : memref<512x512xbf16, #tpu.memory_space<vmem>>, vector<512x512xbf16>
      %dot_general3A_156 = arith.constant dense<0.000000e+00> : vector<512x512xf32>
      %dot_general3A_157 = tpu.matmul %convert_element_type3A_152, %get3A_155, %dot_general3A_156 {dimension_numbers = #tpu.dot_dimension_numbers<[1], [0], [0], [1], [0, 0, 1, 1], [], []>, transpose_lhs_hint = false} : vector<512x512xbf16>, vector<512x512xbf16>, vector<512x512xf32> -> vector<512x512xf32>
      %add3A_158 = arith.addf %dot_general3A_157, %get3A_140 : vector<512x512xf32>
      %gt3A_159 = arith.constant 0.000000e+00 : f32
      %gt3A_160 = vector.broadcast %gt3A_159 : f32 to vector<512x512xf32>
      %gt3A_161 = arith.cmpf ogt, %add3A_158, %gt3A_160 : vector<512x512xf32>
      %jit3A_162 = arith.constant 1.000000e+00 : f32
      %jit3A_163 = arith.constant 0.000000e+00 : f32
      %broadcast_in_dim3A_164 = vector.broadcast %jit3A_162 : f32 to vector<512x512xf32>
      %broadcast_in_dim3A_165 = vector.broadcast %jit3A_163 : f32 to vector<512x512xf32>
      %select_n3A_166 = arith.select %gt3A_161, %broadcast_in_dim3A_164, %broadcast_in_dim3A_165 : vector<512x512xi1>, vector<512x512xf32>
      %swap3A_167 = arith.constant 0 : index
      %swap3A_168 = arith.constant 0 : index
      %swap3A_169 = vector.load %arg9[%swap3A_167, %swap3A_168] : memref<512x512xf32, #tpu.memory_space<vmem>>, vector<512x512xf32>
      tpu.vector_store %arg9[%swap3A_167, %swap3A_168], %select_n3A_166 {strides = array<i32>} : memref<512x512xf32, #tpu.memory_space<vmem>>, vector<512x512xf32>,
      %add3A_170 = arith.constant 1 : i32
      %add3A_171 = arith.addi %while3A_136, %add3A_170 : i32
      %ne3A = arith.cmpf one, %select_n3A_166, %get3A_140 : vector<512x512xf32>
      %reduce_or3A = arith.constant 1.000000e+00 : f32
      %reduce_or3A_172 = arith.constant 0.000000e+00 : f32
      %reduce_or3A_173 = vector.broadcast %reduce_or3A : f32 to vector<512x512xf32>
      %reduce_or3A_174 = vector.broadcast %reduce_or3A_172 : f32 to vector<512x512xf32>
      %reduce_or3A_175 = arith.select %ne3A, %reduce_or3A_173, %reduce_or3A_174 : vector<512x512xi1>, vector<512x512xf32>
      %reduce_or3A_176 = vector.shape_cast %reduce_or3A_175 : vector<512x512xf32> to vector<1x512x512xf32>
      %reduce_or3A_177 = arith.constant dense<0xFF800000> : vector<1xf32>
      %reduce_or3A_178 = vector.multi_reduction <maximumf>, %reduce_or3A_176, %reduce_or3A_177 [1, 2] : vector<1x512x512xf32> to vector<1xf32>
      %reduce_or3A_179 = vector.shape_cast %reduce_or3A_178 : vector<1xf32> to vector<1x1x1xf32>
      %reduce_or3A_180 = vector.extract %reduce_or3A_179[0, 0, 0] : f32 from vector<1x1x1xf32>
      %reduce_or3A_181 = arith.constant 0.000000e+00 : f32
      %reduce_or3A_182 = arith.cmpf ogt, %reduce_or3A_180, %reduce_or3A_181 : f32
      scf.yield %add3A_171, %reduce_or3A_182 : i32, i1
    }
    %get3A_33 = arith.constant 0 : index
    %get3A_34 = arith.constant 0 : index
    %get3A_35 = vector.load %arg9[%get3A_33, %get3A_34] : memref<512x512xf32, #tpu.memory_space<vmem>>, vector<512x512xf32>
    %gt3A = arith.constant 0.000000e+00 : f32
    %gt3A_36 = vector.broadcast %gt3A : f32 to vector<512x512xf32>
    %gt3A_37 = arith.cmpf ogt, %get3A_35, %gt3A_36 : vector<512x512xf32>
    %get3A_38 = arith.constant 0 : index
    %get3A_39 = arith.constant 0 : index
    %get3A_40 = vector.load %arg11[%get3A_38, %get3A_39] : memref<512x512xi32, #tpu.memory_space<vmem>>, vector<512x512xi32>
    %min3A = arith.constant 20 : i32
    %min3A_41 = vector.broadcast %min3A : i32 to vector<512x512xi32>
    %min3A_42 = arith.minsi %get3A_40, %min3A_41 : vector<512x512xi32>
    %jit3A = arith.constant 20 : i32
    %broadcast_in_dim3A_43 = vector.broadcast %jit3A : i32 to vector<512x512xi32>
    %select_n3A = arith.select %gt3A_37, %min3A_42, %broadcast_in_dim3A_43 : vector<512x512xi1>, vector<512x512xi32>
    %swap3A_44 = arith.constant 1 : index
    %swap3A_45 = arith.constant 0 : index
    %swap3A_46 = vector.load %arg6[%swap3A_44, %swap3A_45] : memref<640x512xi32, #tpu.memory_space<vmem>>, vector<512x512xi32>
    tpu.vector_store %arg6[%swap3A_44, %swap3A_45], %select_n3A {strides = array<i32>} : memref<640x512xi32, #tpu.memory_space<vmem>>, vector<512x512xi32>,
    %broadcast_in_dim3A_47 = arith.constant 21 : i32
    %broadcast_in_dim3A_48 = vector.broadcast %broadcast_in_dim3A_47 : i32 to vector<1x512xi32>
    %swap3A_49 = arith.constant 0 : index
    %swap3A_50 = arith.constant 0 : index
    %swap3A_51 = vector.load %arg6[%swap3A_49, %swap3A_50] : memref<640x512xi32, #tpu.memory_space<vmem>>, vector<1x512xi32>
    tpu.vector_store %arg6[%swap3A_49, %swap3A_50], %broadcast_in_dim3A_48 {strides = array<i32>} : memref<640x512xi32, #tpu.memory_space<vmem>>, vector<1x512xi32>,
    %broadcast_in_dim3A_52 = arith.constant 21 : i32
    %broadcast_in_dim3A_53 = vector.broadcast %broadcast_in_dim3A_52 : i32 to vector<127x512xi32>
    %swap3A_54 = arith.constant 513 : index
    %swap3A_55 = arith.constant 0 : index
    %swap3A_56 = vector.load %arg6[%swap3A_54, %swap3A_55] : memref<640x512xi32, #tpu.memory_space<vmem>>, vector<127x512xi32>
    tpu.vector_store %arg6[%swap3A_54, %swap3A_55], %broadcast_in_dim3A_53 {strides = array<i32>} : memref<640x512xi32, #tpu.memory_space<vmem>>, vector<127x512xi32>,
    %broadcast_in_dim3A_57 = arith.constant 1.000000e+00 : bf16
    %broadcast_in_dim3A_58 = vector.broadcast %broadcast_in_dim3A_57 : bf16 to vector<512x1xbf16>
    %get3A_59 = arith.constant 0 : index
    %get3A_60 = arith.constant 0 : index
    %get3A_61 = vector.load %arg10[%get3A_59, %get3A_60] : memref<512x512xbf16, #tpu.memory_space<vmem>>, vector<512x512xbf16>
    %dot_general3A = arith.constant dense<0.000000e+00> : vector<512x1xf32>
    %dot_general3A_62 = tpu.matmul %get3A_61, %broadcast_in_dim3A_58, %dot_general3A {dimension_numbers = #tpu.dot_dimension_numbers<[1], [0], [0], [1], [0, 0, 1, 1], [], []>, transpose_lhs_hint = false} : vector<512x512xbf16>, vector<512x1xbf16>, vector<512x1xf32> -> vector<512x1xf32>
    %dot_general3A_63 = arith.constant dense<0.000000e+00> : vector<512x1xf32>
    %dot_general3A_64 = tpu.matmul %get3A_61, %broadcast_in_dim3A_58, %dot_general3A_63 {dimension_numbers = #tpu.dot_dimension_numbers<[0], [0], [1], [1], [0, 1, 1, 1], [], []>, transpose_lhs_hint = false} : vector<512x512xbf16>, vector<512x1xbf16>, vector<512x1xf32> -> vector<512x1xf32>
    %min3A_65 = arith.constant 5.110000e+02 : f32
    %min3A_66 = vector.broadcast %min3A_65 : f32 to vector<512x1xf32>
    %min3A_67 = arith.minimumf %dot_general3A_62, %min3A_66 : vector<512x1xf32>
    %convert_element_type3A_68 = arith.fptosi %min3A_67 : vector<512x1xf32> to vector<512x1xi32>
    %min3A_69 = arith.constant 5.110000e+02 : f32
    %min3A_70 = vector.broadcast %min3A_69 : f32 to vector<512x1xf32>
    %min3A_71 = arith.minimumf %dot_general3A_64, %min3A_70 : vector<512x1xf32>
    %convert_element_type3A_72 = arith.fptosi %min3A_71 : vector<512x1xf32> to vector<512x1xi32>
    %eq3A_73 = vector.broadcast %convert_element_type3A_68 : vector<512x1xi32> to vector<512x512xi32>
    %eq3A_74 = arith.cmpi eq, %eq3A_73, %iota3A_21 : vector<512x512xi32>
    %convert_element_type3A_75 = arith.extui %eq3A_74 : vector<512x512xi1> to vector<512x512xi32>
    %convert_element_type3A_76 = arith.sitofp %convert_element_type3A_75 : vector<512x512xi32> to vector<512x512xf32>
    %convert_element_type3A_77 = arith.truncf %convert_element_type3A_76 : vector<512x512xf32> to vector<512x512xbf16>
    %eq3A_78 = vector.broadcast %convert_element_type3A_72 : vector<512x1xi32> to vector<512x512xi32>
    %eq3A_79 = arith.cmpi eq, %eq3A_78, %iota3A_21 : vector<512x512xi32>
    %convert_element_type3A_80 = arith.extui %eq3A_79 : vector<512x512xi1> to vector<512x512xi32>
    %convert_element_type3A_81 = arith.sitofp %convert_element_type3A_80 : vector<512x512xi32> to vector<512x512xf32>
    %convert_element_type3A_82 = arith.truncf %convert_element_type3A_81 : vector<512x512xf32> to vector<512x512xbf16>
    %get3A_83 = arith.constant 0 : index
    %get3A_84 = arith.constant 0 : index
    %get3A_85 = vector.load %arg2[%get3A_83, %get3A_84] : memref<512x256xf32, #tpu.memory_space<vmem>>, vector<512x256xf32>
    %get3A_86 = arith.constant 0 : index
    %get3A_87 = arith.constant 0 : index
    %get3A_88 = vector.load %arg3[%get3A_86, %get3A_87] : memref<512x256xf32, #tpu.memory_space<vmem>>, vector<512x256xf32>
    %convert_element_type3A_89 = arith.truncf %get3A_85 : vector<512x256xf32> to vector<512x256xbf16>
    %convert_element_type3A_90 = arith.truncf %get3A_88 : vector<512x256xf32> to vector<512x256xbf16>
    %convert_element_type3A_91 = arith.extf %convert_element_type3A_89 : vector<512x256xbf16> to vector<512x256xf32>
    %sub3A = arith.subf %get3A_85, %convert_element_type3A_91 : vector<512x256xf32>
    %convert_element_type3A_92 = arith.truncf %sub3A : vector<512x256xf32> to vector<512x256xbf16>
    %convert_element_type3A_93 = arith.extf %convert_element_type3A_90 : vector<512x256xbf16> to vector<512x256xf32>
    %sub3A_94 = arith.subf %get3A_88, %convert_element_type3A_93 : vector<512x256xf32>
    %convert_element_type3A_95 = arith.truncf %sub3A_94 : vector<512x256xf32> to vector<512x256xbf16>
    %get3A_96 = arith.constant 0 : index
    %get3A_97 = arith.constant 0 : index
    %get3A_98 = vector.load %arg1[%get3A_96, %get3A_97] : memref<512x256xf32, #tpu.memory_space<vmem>>, vector<512x256xf32>
    %dot_general3A_99 = arith.constant dense<0.000000e+00> : vector<512x256xf32>
    %dot_general3A_100 = tpu.matmul %convert_element_type3A_77, %convert_element_type3A_89, %dot_general3A_99 {dimension_numbers = #tpu.dot_dimension_numbers<[1], [0], [0], [1], [0, 0, 1, 1], [], []>, transpose_lhs_hint = false} : vector<512x512xbf16>, vector<512x256xbf16>, vector<512x256xf32> -> vector<512x256xf32>
    %add3A = arith.addf %get3A_98, %dot_general3A_100 : vector<512x256xf32>
    %dot_general3A_101 = arith.constant dense<0.000000e+00> : vector<512x256xf32>
    %dot_general3A_102 = tpu.matmul %convert_element_type3A_77, %convert_element_type3A_92, %dot_general3A_101 {dimension_numbers = #tpu.dot_dimension_numbers<[1], [0], [0], [1], [0, 0, 1, 1], [], []>, transpose_lhs_hint = false} : vector<512x512xbf16>, vector<512x256xbf16>, vector<512x256xf32> -> vector<512x256xf32>
    %add3A_103 = arith.addf %add3A, %dot_general3A_102 : vector<512x256xf32>
    %dot_general3A_104 = arith.constant dense<0.000000e+00> : vector<512x256xf32>
    %dot_general3A_105 = tpu.matmul %convert_element_type3A_82, %convert_element_type3A_90, %dot_general3A_104 {dimension_numbers = #tpu.dot_dimension_numbers<[1], [0], [0], [1], [0, 0, 1, 1], [], []>, transpose_lhs_hint = false} : vector<512x512xbf16>, vector<512x256xbf16>, vector<512x256xf32> -> vector<512x256xf32>
    %add3A_106 = arith.addf %add3A_103, %dot_general3A_105 : vector<512x256xf32>
    %dot_general3A_107 = arith.constant dense<0.000000e+00> : vector<512x256xf32>
    %dot_general3A_108 = tpu.matmul %convert_element_type3A_82, %convert_element_type3A_95, %dot_general3A_107 {dimension_numbers = #tpu.dot_dimension_numbers<[1], [0], [0], [1], [0, 0, 1, 1], [], []>, transpose_lhs_hint = false} : vector<512x512xbf16>, vector<512x256xbf16>, vector<512x256xf32> -> vector<512x256xf32>
    %add3A_109 = arith.addf %add3A_106, %dot_general3A_108 : vector<512x256xf32>
    %swap3A_110 = arith.constant 0 : index
    %swap3A_111 = arith.constant 0 : index
    %swap3A_112 = vector.load %arg7[%swap3A_110, %swap3A_111] : memref<512x256xf32, #tpu.memory_space<vmem>>, vector<512x256xf32>
    tpu.vector_store %arg7[%swap3A_110, %swap3A_111], %add3A_109 {strides = array<i32>} : memref<512x256xf32, #tpu.memory_space<vmem>>, vector<512x256xf32>,
    %get3A_113 = arith.constant 0 : index
    %get3A_114 = arith.constant 0 : index
    %get3A_115 = vector.load %arg4[%get3A_113, %get3A_114] : memref<512x16xf32, #tpu.memory_space<vmem>>, vector<24x16xf32>
    %transpose3A = tpu.transpose %get3A_115, [1, 0] : vector<24x16xf32> -> vector<16x24xf32>
    %get3A_116 = arith.constant 0 : index
    %get3A_117 = arith.constant 0 : index
    %get3A_118 = vector.load %arg5[%get3A_116, %get3A_117] : memref<1x16xf32, #tpu.memory_space<vmem>>, vector<1x16xf32>
    %transpose3A_119 = tpu.transpose %get3A_118, [1, 0] : vector<1x16xf32> -> vector<16x1xf32>
    %iota3A_120 = tpu.iota {dimensions = array<i32: 1>} : vector<16x24xi32>
    %ge3A = arith.constant 21 : i32
    %ge3A_121 = vector.broadcast %ge3A : i32 to vector<16x24xi32>
    %ge3A_122 = arith.cmpi sge, %iota3A_120, %ge3A_121 : vector<16x24xi32>
    %add3A_123 = vector.broadcast %transpose3A_119 : vector<16x1xf32> to vector<16x24xf32>
    %add3A_124 = arith.addf %transpose3A, %add3A_123 : vector<16x24xf32>
    %jit3A_125 = arith.constant 0.000000e+00 : f32
    %broadcast_in_dim3A_126 = vector.broadcast %jit3A_125 : f32 to vector<16x24xf32>
    %select_n3A_127 = arith.select %ge3A_122, %broadcast_in_dim3A_126, %add3A_124 : vector<16x24xi1>, vector<16x24xf32>
    %convert_element_type3A_128 = arith.truncf %select_n3A_127 : vector<16x24xf32> to vector<16x24xbf16>
    %convert_element_type3A_129 = arith.extf %convert_element_type3A_128 : vector<16x24xbf16> to vector<16x24xf32>
    %sub3A_130 = arith.subf %select_n3A_127, %convert_element_type3A_129 : vector<16x24xf32>
    %convert_element_type3A_131 = arith.truncf %sub3A_130 : vector<16x24xf32> to vector<16x24xbf16>
    %concatenate3A_132 = tpu.concatenate %convert_element_type3A_128, %convert_element_type3A_131 in 0 : vector<16x24xbf16>, vector<16x24xbf16> -> vector<32x24xbf16>
    %swap3A_133 = arith.constant 0 : index
    %swap3A_134 = arith.constant 0 : index
    %swap3A_135 = vector.load %arg8[%swap3A_133, %swap3A_134] : memref<32x24xbf16, #tpu.memory_space<vmem>>, vector<32x24xbf16>
    tpu.vector_store %arg8[%swap3A_133, %swap3A_134], %concatenate3A_132 {strides = array<i32>} : memref<32x24xbf16, #tpu.memory_space<vmem>>, vector<32x24xbf16>,
    return
  }
}

module attributes {stable_mosaic.version = 14 : i64} {
  func.func @_gab_tc_body(%arg0: i32, %arg1: memref<128x512xi32, #tpu.memory_space<vmem>>, %arg2: memref<32x24xbf16, #tpu.memory_space<vmem>>, %arg3: memref<2048x513xf32, #tpu.memory_space<vmem>>) attributes {dimension_semantics = [#tpu.dimension_semantics<arbitrary>], iteration_bounds = array<i64: 5>, scalar_prefetch = 0 : i64, scratch_operands = 0 : i64, tpu.core_type = #tpu.core_type<tc>, window_params = [{transform_indices = @transform_0, window_bounds = array<i64: 128, 512>}, {pipeline_mode = #tpu.pipeline_mode<synchronous>, transform_indices = @transform_1, window_bounds = array<i64: 32, 24>}, {transform_indices = @transform_2, window_bounds = array<i64: 2048, 513>}]} {
    %get3A = arith.constant 0 : index
    %get3A_0 = arith.constant 0 : index
    %get3A_1 = vector.load %arg1[%get3A, %get3A_0] : memref<128x512xi32, #tpu.memory_space<vmem>>, vector<128x512xi32>
    %iota3A = tpu.iota {dimensions = array<i32: 0>} : vector<24x512xi32>
    %slice3A = vector.extract_strided_slice %get3A_1 {offsets = [0, 0], sizes = [1, 512], strides = [1, 1]} : vector<128x512xi32> to vector<1x512xi32>
    %broadcast_in_dim3A = vector.shape_cast %slice3A : vector<1x512xi32> to vector<1x512xi32>
    %broadcast_in_dim3A_2 = vector.broadcast %broadcast_in_dim3A : vector<1x512xi32> to vector<24x512xi32>
    %eq3A = arith.cmpi eq, %broadcast_in_dim3A_2, %iota3A : vector<24x512xi32>
    %jit3A = arith.constant 1.000000e+00 : f32
    %jit3A_3 = arith.constant 0.000000e+00 : f32
    %broadcast_in_dim3A_4 = vector.broadcast %jit3A : f32 to vector<24x512xf32>
    %broadcast_in_dim3A_5 = vector.broadcast %jit3A_3 : f32 to vector<24x512xf32>
    %select_n3A = arith.select %eq3A, %broadcast_in_dim3A_4, %broadcast_in_dim3A_5 : vector<24x512xi1>, vector<24x512xf32>
    %convert_element_type3A = arith.truncf %select_n3A : vector<24x512xf32> to vector<24x512xbf16>
    %eq3A_6 = arith.constant 20 : i32
    %eq3A_7 = vector.broadcast %eq3A_6 : i32 to vector<1x512xi32>
    %eq3A_8 = arith.cmpi eq, %slice3A, %eq3A_7 : vector<1x512xi32>
    %broadcast_in_dim3A_9 = vector.shape_cast %eq3A_8 : vector<1x512xi1> to vector<1x512xi1>
    %broadcast_in_dim3A_10 = vector.broadcast %broadcast_in_dim3A_9 : vector<1x512xi1> to vector<16x512xi1>
    %jit3A_11 = arith.constant -2.000000e+08 : f32
    %jit3A_12 = arith.constant 0.000000e+00 : f32
    %broadcast_in_dim3A_13 = vector.broadcast %jit3A_11 : f32 to vector<16x512xf32>
    %broadcast_in_dim3A_14 = vector.broadcast %jit3A_12 : f32 to vector<16x512xf32>
    %select_n3A_15 = arith.select %broadcast_in_dim3A_10, %broadcast_in_dim3A_13, %broadcast_in_dim3A_14 : vector<16x512xi1>, vector<16x512xf32>
    %slice3A_16 = vector.extract_strided_slice %get3A_1 {offsets = [1, 0], sizes = [1, 512], strides = [1, 1]} : vector<128x512xi32> to vector<1x512xi32>
    %broadcast_in_dim3A_17 = vector.shape_cast %slice3A_16 : vector<1x512xi32> to vector<1x512xi32>
    %broadcast_in_dim3A_18 = vector.broadcast %broadcast_in_dim3A_17 : vector<1x512xi32> to vector<24x512xi32>
    %eq3A_19 = arith.cmpi eq, %broadcast_in_dim3A_18, %iota3A : vector<24x512xi32>
    %jit3A_20 = arith.constant 1.000000e+00 : f32
    %jit3A_21 = arith.constant 0.000000e+00 : f32
    %broadcast_in_dim3A_22 = vector.broadcast %jit3A_20 : f32 to vector<24x512xf32>
    %broadcast_in_dim3A_23 = vector.broadcast %jit3A_21 : f32 to vector<24x512xf32>
    %select_n3A_24 = arith.select %eq3A_19, %broadcast_in_dim3A_22, %broadcast_in_dim3A_23 : vector<24x512xi1>, vector<24x512xf32>
    %convert_element_type3A_25 = arith.truncf %select_n3A_24 : vector<24x512xf32> to vector<24x512xbf16>
    %eq3A_26 = arith.constant 20 : i32
    %eq3A_27 = vector.broadcast %eq3A_26 : i32 to vector<1x512xi32>
    %eq3A_28 = arith.cmpi eq, %slice3A_16, %eq3A_27 : vector<1x512xi32>
    %broadcast_in_dim3A_29 = vector.shape_cast %eq3A_28 : vector<1x512xi1> to vector<1x512xi1>
    %broadcast_in_dim3A_30 = vector.broadcast %broadcast_in_dim3A_29 : vector<1x512xi1> to vector<16x512xi1>
    %jit3A_31 = arith.constant -2.000000e+08 : f32
    %jit3A_32 = arith.constant 0.000000e+00 : f32
    %broadcast_in_dim3A_33 = vector.broadcast %jit3A_31 : f32 to vector<16x512xf32>
    %broadcast_in_dim3A_34 = vector.broadcast %jit3A_32 : f32 to vector<16x512xf32>
    %select_n3A_35 = arith.select %broadcast_in_dim3A_30, %broadcast_in_dim3A_33, %broadcast_in_dim3A_34 : vector<16x512xi1>, vector<16x512xf32>
    %slice3A_36 = vector.extract_strided_slice %get3A_1 {offsets = [2, 0], sizes = [1, 512], strides = [1, 1]} : vector<128x512xi32> to vector<1x512xi32>
    %broadcast_in_dim3A_37 = vector.shape_cast %slice3A_36 : vector<1x512xi32> to vector<1x512xi32>
    %broadcast_in_dim3A_38 = vector.broadcast %broadcast_in_dim3A_37 : vector<1x512xi32> to vector<24x512xi32>
    %eq3A_39 = arith.cmpi eq, %broadcast_in_dim3A_38, %iota3A : vector<24x512xi32>
    %jit3A_40 = arith.constant 1.000000e+00 : f32
    %jit3A_41 = arith.constant 0.000000e+00 : f32
    %broadcast_in_dim3A_42 = vector.broadcast %jit3A_40 : f32 to vector<24x512xf32>
    %broadcast_in_dim3A_43 = vector.broadcast %jit3A_41 : f32 to vector<24x512xf32>
    %select_n3A_44 = arith.select %eq3A_39, %broadcast_in_dim3A_42, %broadcast_in_dim3A_43 : vector<24x512xi1>, vector<24x512xf32>
    %convert_element_type3A_45 = arith.truncf %select_n3A_44 : vector<24x512xf32> to vector<24x512xbf16>
    %eq3A_46 = arith.constant 20 : i32
    %eq3A_47 = vector.broadcast %eq3A_46 : i32 to vector<1x512xi32>
    %eq3A_48 = arith.cmpi eq, %slice3A_36, %eq3A_47 : vector<1x512xi32>
    %broadcast_in_dim3A_49 = vector.shape_cast %eq3A_48 : vector<1x512xi1> to vector<1x512xi1>
    %broadcast_in_dim3A_50 = vector.broadcast %broadcast_in_dim3A_49 : vector<1x512xi1> to vector<16x512xi1>
    %jit3A_51 = arith.constant -2.000000e+08 : f32
    %jit3A_52 = arith.constant 0.000000e+00 : f32
    %broadcast_in_dim3A_53 = vector.broadcast %jit3A_51 : f32 to vector<16x512xf32>
    %broadcast_in_dim3A_54 = vector.broadcast %jit3A_52 : f32 to vector<16x512xf32>
    %select_n3A_55 = arith.select %broadcast_in_dim3A_50, %broadcast_in_dim3A_53, %broadcast_in_dim3A_54 : vector<16x512xi1>, vector<16x512xf32>
    %slice3A_56 = vector.extract_strided_slice %get3A_1 {offsets = [3, 0], sizes = [1, 512], strides = [1, 1]} : vector<128x512xi32> to vector<1x512xi32>
    %broadcast_in_dim3A_57 = vector.shape_cast %slice3A_56 : vector<1x512xi32> to vector<1x512xi32>
    %broadcast_in_dim3A_58 = vector.broadcast %broadcast_in_dim3A_57 : vector<1x512xi32> to vector<24x512xi32>
    %eq3A_59 = arith.cmpi eq, %broadcast_in_dim3A_58, %iota3A : vector<24x512xi32>
    %jit3A_60 = arith.constant 1.000000e+00 : f32
    %jit3A_61 = arith.constant 0.000000e+00 : f32
    %broadcast_in_dim3A_62 = vector.broadcast %jit3A_60 : f32 to vector<24x512xf32>
    %broadcast_in_dim3A_63 = vector.broadcast %jit3A_61 : f32 to vector<24x512xf32>
    %select_n3A_64 = arith.select %eq3A_59, %broadcast_in_dim3A_62, %broadcast_in_dim3A_63 : vector<24x512xi1>, vector<24x512xf32>
    %convert_element_type3A_65 = arith.truncf %select_n3A_64 : vector<24x512xf32> to vector<24x512xbf16>
    %eq3A_66 = arith.constant 20 : i32
    %eq3A_67 = vector.broadcast %eq3A_66 : i32 to vector<1x512xi32>
    %eq3A_68 = arith.cmpi eq, %slice3A_56, %eq3A_67 : vector<1x512xi32>
    %broadcast_in_dim3A_69 = vector.shape_cast %eq3A_68 : vector<1x512xi1> to vector<1x512xi1>
    %broadcast_in_dim3A_70 = vector.broadcast %broadcast_in_dim3A_69 : vector<1x512xi1> to vector<16x512xi1>
    %jit3A_71 = arith.constant -2.000000e+08 : f32
    %jit3A_72 = arith.constant 0.000000e+00 : f32
    %broadcast_in_dim3A_73 = vector.broadcast %jit3A_71 : f32 to vector<16x512xf32>
    %broadcast_in_dim3A_74 = vector.broadcast %jit3A_72 : f32 to vector<16x512xf32>
    %select_n3A_75 = arith.select %broadcast_in_dim3A_70, %broadcast_in_dim3A_73, %broadcast_in_dim3A_74 : vector<16x512xi1>, vector<16x512xf32>
    %slice3A_76 = vector.extract_strided_slice %get3A_1 {offsets = [4, 0], sizes = [1, 512], strides = [1, 1]} : vector<128x512xi32> to vector<1x512xi32>
    %broadcast_in_dim3A_77 = vector.shape_cast %slice3A_76 : vector<1x512xi32> to vector<1x512xi32>
    %broadcast_in_dim3A_78 = vector.broadcast %broadcast_in_dim3A_77 : vector<1x512xi32> to vector<24x512xi32>
    %eq3A_79 = arith.cmpi eq, %broadcast_in_dim3A_78, %iota3A : vector<24x512xi32>
    %jit3A_80 = arith.constant 1.000000e+00 : f32
    %jit3A_81 = arith.constant 0.000000e+00 : f32
    %broadcast_in_dim3A_82 = vector.broadcast %jit3A_80 : f32 to vector<24x512xf32>
    %broadcast_in_dim3A_83 = vector.broadcast %jit3A_81 : f32 to vector<24x512xf32>
    %select_n3A_84 = arith.select %eq3A_79, %broadcast_in_dim3A_82, %broadcast_in_dim3A_83 : vector<24x512xi1>, vector<24x512xf32>
    %convert_element_type3A_85 = arith.truncf %select_n3A_84 : vector<24x512xf32> to vector<24x512xbf16>
    %eq3A_86 = arith.constant 20 : i32
    %eq3A_87 = vector.broadcast %eq3A_86 : i32 to vector<1x512xi32>
    %eq3A_88 = arith.cmpi eq, %slice3A_76, %eq3A_87 : vector<1x512xi32>
    %broadcast_in_dim3A_89 = vector.shape_cast %eq3A_88 : vector<1x512xi1> to vector<1x512xi1>
    %broadcast_in_dim3A_90 = vector.broadcast %broadcast_in_dim3A_89 : vector<1x512xi1> to vector<16x512xi1>
    %jit3A_91 = arith.constant -2.000000e+08 : f32
    %jit3A_92 = arith.constant 0.000000e+00 : f32
    %broadcast_in_dim3A_93 = vector.broadcast %jit3A_91 : f32 to vector<16x512xf32>
    %broadcast_in_dim3A_94 = vector.broadcast %jit3A_92 : f32 to vector<16x512xf32>
    %select_n3A_95 = arith.select %broadcast_in_dim3A_90, %broadcast_in_dim3A_93, %broadcast_in_dim3A_94 : vector<16x512xi1>, vector<16x512xf32>
    %slice3A_96 = vector.extract_strided_slice %get3A_1 {offsets = [5, 0], sizes = [1, 512], strides = [1, 1]} : vector<128x512xi32> to vector<1x512xi32>
    %broadcast_in_dim3A_97 = vector.shape_cast %slice3A_96 : vector<1x512xi32> to vector<1x512xi32>
    %broadcast_in_dim3A_98 = vector.broadcast %broadcast_in_dim3A_97 : vector<1x512xi32> to vector<24x512xi32>
    %eq3A_99 = arith.cmpi eq, %broadcast_in_dim3A_98, %iota3A : vector<24x512xi32>
    %jit3A_100 = arith.constant 1.000000e+00 : f32
    %jit3A_101 = arith.constant 0.000000e+00 : f32
    %broadcast_in_dim3A_102 = vector.broadcast %jit3A_100 : f32 to vector<24x512xf32>
    %broadcast_in_dim3A_103 = vector.broadcast %jit3A_101 : f32 to vector<24x512xf32>
    %select_n3A_104 = arith.select %eq3A_99, %broadcast_in_dim3A_102, %broadcast_in_dim3A_103 : vector<24x512xi1>, vector<24x512xf32>
    %convert_element_type3A_105 = arith.truncf %select_n3A_104 : vector<24x512xf32> to vector<24x512xbf16>
    %eq3A_106 = arith.constant 20 : i32
    %eq3A_107 = vector.broadcast %eq3A_106 : i32 to vector<1x512xi32>
    %eq3A_108 = arith.cmpi eq, %slice3A_96, %eq3A_107 : vector<1x512xi32>
    %broadcast_in_dim3A_109 = vector.shape_cast %eq3A_108 : vector<1x512xi1> to vector<1x512xi1>
    %broadcast_in_dim3A_110 = vector.broadcast %broadcast_in_dim3A_109 : vector<1x512xi1> to vector<16x512xi1>
    %jit3A_111 = arith.constant -2.000000e+08 : f32
    %jit3A_112 = arith.constant 0.000000e+00 : f32
    %broadcast_in_dim3A_113 = vector.broadcast %jit3A_111 : f32 to vector<16x512xf32>
    %broadcast_in_dim3A_114 = vector.broadcast %jit3A_112 : f32 to vector<16x512xf32>
    %select_n3A_115 = arith.select %broadcast_in_dim3A_110, %broadcast_in_dim3A_113, %broadcast_in_dim3A_114 : vector<16x512xi1>, vector<16x512xf32>
    %slice3A_116 = vector.extract_strided_slice %get3A_1 {offsets = [6, 0], sizes = [1, 512], strides = [1, 1]} : vector<128x512xi32> to vector<1x512xi32>
    %broadcast_in_dim3A_117 = vector.shape_cast %slice3A_116 : vector<1x512xi32> to vector<1x512xi32>
    %broadcast_in_dim3A_118 = vector.broadcast %broadcast_in_dim3A_117 : vector<1x512xi32> to vector<24x512xi32>
    %eq3A_119 = arith.cmpi eq, %broadcast_in_dim3A_118, %iota3A : vector<24x512xi32>
    %jit3A_120 = arith.constant 1.000000e+00 : f32
    %jit3A_121 = arith.constant 0.000000e+00 : f32
    %broadcast_in_dim3A_122 = vector.broadcast %jit3A_120 : f32 to vector<24x512xf32>
    %broadcast_in_dim3A_123 = vector.broadcast %jit3A_121 : f32 to vector<24x512xf32>
    %select_n3A_124 = arith.select %eq3A_119, %broadcast_in_dim3A_122, %broadcast_in_dim3A_123 : vector<24x512xi1>, vector<24x512xf32>
    %convert_element_type3A_125 = arith.truncf %select_n3A_124 : vector<24x512xf32> to vector<24x512xbf16>
    %eq3A_126 = arith.constant 20 : i32
    %eq3A_127 = vector.broadcast %eq3A_126 : i32 to vector<1x512xi32>
    %eq3A_128 = arith.cmpi eq, %slice3A_116, %eq3A_127 : vector<1x512xi32>
    %broadcast_in_dim3A_129 = vector.shape_cast %eq3A_128 : vector<1x512xi1> to vector<1x512xi1>
    %broadcast_in_dim3A_130 = vector.broadcast %broadcast_in_dim3A_129 : vector<1x512xi1> to vector<16x512xi1>
    %jit3A_131 = arith.constant -2.000000e+08 : f32
    %jit3A_132 = arith.constant 0.000000e+00 : f32
    %broadcast_in_dim3A_133 = vector.broadcast %jit3A_131 : f32 to vector<16x512xf32>
    %broadcast_in_dim3A_134 = vector.broadcast %jit3A_132 : f32 to vector<16x512xf32>
    %select_n3A_135 = arith.select %broadcast_in_dim3A_130, %broadcast_in_dim3A_133, %broadcast_in_dim3A_134 : vector<16x512xi1>, vector<16x512xf32>
    %slice3A_136 = vector.extract_strided_slice %get3A_1 {offsets = [7, 0], sizes = [1, 512], strides = [1, 1]} : vector<128x512xi32> to vector<1x512xi32>
    %broadcast_in_dim3A_137 = vector.shape_cast %slice3A_136 : vector<1x512xi32> to vector<1x512xi32>
    %broadcast_in_dim3A_138 = vector.broadcast %broadcast_in_dim3A_137 : vector<1x512xi32> to vector<24x512xi32>
    %eq3A_139 = arith.cmpi eq, %broadcast_in_dim3A_138, %iota3A : vector<24x512xi32>
    %jit3A_140 = arith.constant 1.000000e+00 : f32
    %jit3A_141 = arith.constant 0.000000e+00 : f32
    %broadcast_in_dim3A_142 = vector.broadcast %jit3A_140 : f32 to vector<24x512xf32>
    %broadcast_in_dim3A_143 = vector.broadcast %jit3A_141 : f32 to vector<24x512xf32>
    %select_n3A_144 = arith.select %eq3A_139, %broadcast_in_dim3A_142, %broadcast_in_dim3A_143 : vector<24x512xi1>, vector<24x512xf32>
    %convert_element_type3A_145 = arith.truncf %select_n3A_144 : vector<24x512xf32> to vector<24x512xbf16>
    %eq3A_146 = arith.constant 20 : i32
    %eq3A_147 = vector.broadcast %eq3A_146 : i32 to vector<1x512xi32>
    %eq3A_148 = arith.cmpi eq, %slice3A_136, %eq3A_147 : vector<1x512xi32>
    %broadcast_in_dim3A_149 = vector.shape_cast %eq3A_148 : vector<1x512xi1> to vector<1x512xi1>
    %broadcast_in_dim3A_150 = vector.broadcast %broadcast_in_dim3A_149 : vector<1x512xi1> to vector<16x512xi1>
    %jit3A_151 = arith.constant -2.000000e+08 : f32
    %jit3A_152 = arith.constant 0.000000e+00 : f32
    %broadcast_in_dim3A_153 = vector.broadcast %jit3A_151 : f32 to vector<16x512xf32>
    %broadcast_in_dim3A_154 = vector.broadcast %jit3A_152 : f32 to vector<16x512xf32>
    %select_n3A_155 = arith.select %broadcast_in_dim3A_150, %broadcast_in_dim3A_153, %broadcast_in_dim3A_154 : vector<16x512xi1>, vector<16x512xf32>
    %slice3A_156 = vector.extract_strided_slice %get3A_1 {offsets = [8, 0], sizes = [1, 512], strides = [1, 1]} : vector<128x512xi32> to vector<1x512xi32>
    %broadcast_in_dim3A_157 = vector.shape_cast %slice3A_156 : vector<1x512xi32> to vector<1x512xi32>
    %broadcast_in_dim3A_158 = vector.broadcast %broadcast_in_dim3A_157 : vector<1x512xi32> to vector<24x512xi32>
    %eq3A_159 = arith.cmpi eq, %broadcast_in_dim3A_158, %iota3A : vector<24x512xi32>
    %jit3A_160 = arith.constant 1.000000e+00 : f32
    %jit3A_161 = arith.constant 0.000000e+00 : f32
    %broadcast_in_dim3A_162 = vector.broadcast %jit3A_160 : f32 to vector<24x512xf32>
    %broadcast_in_dim3A_163 = vector.broadcast %jit3A_161 : f32 to vector<24x512xf32>
    %select_n3A_164 = arith.select %eq3A_159, %broadcast_in_dim3A_162, %broadcast_in_dim3A_163 : vector<24x512xi1>, vector<24x512xf32>
    %convert_element_type3A_165 = arith.truncf %select_n3A_164 : vector<24x512xf32> to vector<24x512xbf16>
    %eq3A_166 = arith.constant 20 : i32
    %eq3A_167 = vector.broadcast %eq3A_166 : i32 to vector<1x512xi32>
    %eq3A_168 = arith.cmpi eq, %slice3A_156, %eq3A_167 : vector<1x512xi32>
    %broadcast_in_dim3A_169 = vector.shape_cast %eq3A_168 : vector<1x512xi1> to vector<1x512xi1>
    %broadcast_in_dim3A_170 = vector.broadcast %broadcast_in_dim3A_169 : vector<1x512xi1> to vector<16x512xi1>
    %jit3A_171 = arith.constant -2.000000e+08 : f32
    %jit3A_172 = arith.constant 0.000000e+00 : f32
    %broadcast_in_dim3A_173 = vector.broadcast %jit3A_171 : f32 to vector<16x512xf32>
    %broadcast_in_dim3A_174 = vector.broadcast %jit3A_172 : f32 to vector<16x512xf32>
    %select_n3A_175 = arith.select %broadcast_in_dim3A_170, %broadcast_in_dim3A_173, %broadcast_in_dim3A_174 : vector<16x512xi1>, vector<16x512xf32>
    %slice3A_176 = vector.extract_strided_slice %get3A_1 {offsets = [9, 0], sizes = [1, 512], strides = [1, 1]} : vector<128x512xi32> to vector<1x512xi32>
    %broadcast_in_dim3A_177 = vector.shape_cast %slice3A_176 : vector<1x512xi32> to vector<1x512xi32>
    %broadcast_in_dim3A_178 = vector.broadcast %broadcast_in_dim3A_177 : vector<1x512xi32> to vector<24x512xi32>
    %eq3A_179 = arith.cmpi eq, %broadcast_in_dim3A_178, %iota3A : vector<24x512xi32>
    %jit3A_180 = arith.constant 1.000000e+00 : f32
    %jit3A_181 = arith.constant 0.000000e+00 : f32
    %broadcast_in_dim3A_182 = vector.broadcast %jit3A_180 : f32 to vector<24x512xf32>
    %broadcast_in_dim3A_183 = vector.broadcast %jit3A_181 : f32 to vector<24x512xf32>
    %select_n3A_184 = arith.select %eq3A_179, %broadcast_in_dim3A_182, %broadcast_in_dim3A_183 : vector<24x512xi1>, vector<24x512xf32>
    %convert_element_type3A_185 = arith.truncf %select_n3A_184 : vector<24x512xf32> to vector<24x512xbf16>
    %eq3A_186 = arith.constant 20 : i32
    %eq3A_187 = vector.broadcast %eq3A_186 : i32 to vector<1x512xi32>
    %eq3A_188 = arith.cmpi eq, %slice3A_176, %eq3A_187 : vector<1x512xi32>
    %broadcast_in_dim3A_189 = vector.shape_cast %eq3A_188 : vector<1x512xi1> to vector<1x512xi1>
    %broadcast_in_dim3A_190 = vector.broadcast %broadcast_in_dim3A_189 : vector<1x512xi1> to vector<16x512xi1>
    %jit3A_191 = arith.constant -2.000000e+08 : f32
    %jit3A_192 = arith.constant 0.000000e+00 : f32
    %broadcast_in_dim3A_193 = vector.broadcast %jit3A_191 : f32 to vector<16x512xf32>
    %broadcast_in_dim3A_194 = vector.broadcast %jit3A_192 : f32 to vector<16x512xf32>
    %select_n3A_195 = arith.select %broadcast_in_dim3A_190, %broadcast_in_dim3A_193, %broadcast_in_dim3A_194 : vector<16x512xi1>, vector<16x512xf32>
    %slice3A_196 = vector.extract_strided_slice %get3A_1 {offsets = [10, 0], sizes = [1, 512], strides = [1, 1]} : vector<128x512xi32> to vector<1x512xi32>
    %broadcast_in_dim3A_197 = vector.shape_cast %slice3A_196 : vector<1x512xi32> to vector<1x512xi32>
    %broadcast_in_dim3A_198 = vector.broadcast %broadcast_in_dim3A_197 : vector<1x512xi32> to vector<24x512xi32>
    %eq3A_199 = arith.cmpi eq, %broadcast_in_dim3A_198, %iota3A : vector<24x512xi32>
    %jit3A_200 = arith.constant 1.000000e+00 : f32
    %jit3A_201 = arith.constant 0.000000e+00 : f32
    %broadcast_in_dim3A_202 = vector.broadcast %jit3A_200 : f32 to vector<24x512xf32>
    %broadcast_in_dim3A_203 = vector.broadcast %jit3A_201 : f32 to vector<24x512xf32>
    %select_n3A_204 = arith.select %eq3A_199, %broadcast_in_dim3A_202, %broadcast_in_dim3A_203 : vector<24x512xi1>, vector<24x512xf32>
    %convert_element_type3A_205 = arith.truncf %select_n3A_204 : vector<24x512xf32> to vector<24x512xbf16>
    %eq3A_206 = arith.constant 20 : i32
    %eq3A_207 = vector.broadcast %eq3A_206 : i32 to vector<1x512xi32>
    %eq3A_208 = arith.cmpi eq, %slice3A_196, %eq3A_207 : vector<1x512xi32>
    %broadcast_in_dim3A_209 = vector.shape_cast %eq3A_208 : vector<1x512xi1> to vector<1x512xi1>
    %broadcast_in_dim3A_210 = vector.broadcast %broadcast_in_dim3A_209 : vector<1x512xi1> to vector<16x512xi1>
    %jit3A_211 = arith.constant -2.000000e+08 : f32
    %jit3A_212 = arith.constant 0.000000e+00 : f32
    %broadcast_in_dim3A_213 = vector.broadcast %jit3A_211 : f32 to vector<16x512xf32>
    %broadcast_in_dim3A_214 = vector.broadcast %jit3A_212 : f32 to vector<16x512xf32>
    %select_n3A_215 = arith.select %broadcast_in_dim3A_210, %broadcast_in_dim3A_213, %broadcast_in_dim3A_214 : vector<16x512xi1>, vector<16x512xf32>
    %slice3A_216 = vector.extract_strided_slice %get3A_1 {offsets = [11, 0], sizes = [1, 512], strides = [1, 1]} : vector<128x512xi32> to vector<1x512xi32>
    %broadcast_in_dim3A_217 = vector.shape_cast %slice3A_216 : vector<1x512xi32> to vector<1x512xi32>
    %broadcast_in_dim3A_218 = vector.broadcast %broadcast_in_dim3A_217 : vector<1x512xi32> to vector<24x512xi32>
    %eq3A_219 = arith.cmpi eq, %broadcast_in_dim3A_218, %iota3A : vector<24x512xi32>
    %jit3A_220 = arith.constant 1.000000e+00 : f32
    %jit3A_221 = arith.constant 0.000000e+00 : f32
    %broadcast_in_dim3A_222 = vector.broadcast %jit3A_220 : f32 to vector<24x512xf32>
    %broadcast_in_dim3A_223 = vector.broadcast %jit3A_221 : f32 to vector<24x512xf32>
    %select_n3A_224 = arith.select %eq3A_219, %broadcast_in_dim3A_222, %broadcast_in_dim3A_223 : vector<24x512xi1>, vector<24x512xf32>
    %convert_element_type3A_225 = arith.truncf %select_n3A_224 : vector<24x512xf32> to vector<24x512xbf16>
    %eq3A_226 = arith.constant 20 : i32
    %eq3A_227 = vector.broadcast %eq3A_226 : i32 to vector<1x512xi32>
    %eq3A_228 = arith.cmpi eq, %slice3A_216, %eq3A_227 : vector<1x512xi32>
    %broadcast_in_dim3A_229 = vector.shape_cast %eq3A_228 : vector<1x512xi1> to vector<1x512xi1>
    %broadcast_in_dim3A_230 = vector.broadcast %broadcast_in_dim3A_229 : vector<1x512xi1> to vector<16x512xi1>
    %jit3A_231 = arith.constant -2.000000e+08 : f32
    %jit3A_232 = arith.constant 0.000000e+00 : f32
    %broadcast_in_dim3A_233 = vector.broadcast %jit3A_231 : f32 to vector<16x512xf32>
    %broadcast_in_dim3A_234 = vector.broadcast %jit3A_232 : f32 to vector<16x512xf32>
    %select_n3A_235 = arith.select %broadcast_in_dim3A_230, %broadcast_in_dim3A_233, %broadcast_in_dim3A_234 : vector<16x512xi1>, vector<16x512xf32>
    %slice3A_236 = vector.extract_strided_slice %get3A_1 {offsets = [12, 0], sizes = [1, 512], strides = [1, 1]} : vector<128x512xi32> to vector<1x512xi32>
    %broadcast_in_dim3A_237 = vector.shape_cast %slice3A_236 : vector<1x512xi32> to vector<1x512xi32>
    %broadcast_in_dim3A_238 = vector.broadcast %broadcast_in_dim3A_237 : vector<1x512xi32> to vector<24x512xi32>
    %eq3A_239 = arith.cmpi eq, %broadcast_in_dim3A_238, %iota3A : vector<24x512xi32>
    %jit3A_240 = arith.constant 1.000000e+00 : f32
    %jit3A_241 = arith.constant 0.000000e+00 : f32
    %broadcast_in_dim3A_242 = vector.broadcast %jit3A_240 : f32 to vector<24x512xf32>
    %broadcast_in_dim3A_243 = vector.broadcast %jit3A_241 : f32 to vector<24x512xf32>
    %select_n3A_244 = arith.select %eq3A_239, %broadcast_in_dim3A_242, %broadcast_in_dim3A_243 : vector<24x512xi1>, vector<24x512xf32>
    %convert_element_type3A_245 = arith.truncf %select_n3A_244 : vector<24x512xf32> to vector<24x512xbf16>
    %eq3A_246 = arith.constant 20 : i32
    %eq3A_247 = vector.broadcast %eq3A_246 : i32 to vector<1x512xi32>
    %eq3A_248 = arith.cmpi eq, %slice3A_236, %eq3A_247 : vector<1x512xi32>
    %broadcast_in_dim3A_249 = vector.shape_cast %eq3A_248 : vector<1x512xi1> to vector<1x512xi1>
    %broadcast_in_dim3A_250 = vector.broadcast %broadcast_in_dim3A_249 : vector<1x512xi1> to vector<16x512xi1>
    %jit3A_251 = arith.constant -2.000000e+08 : f32
    %jit3A_252 = arith.constant 0.000000e+00 : f32
    %broadcast_in_dim3A_253 = vector.broadcast %jit3A_251 : f32 to vector<16x512xf32>
    %broadcast_in_dim3A_254 = vector.broadcast %jit3A_252 : f32 to vector<16x512xf32>
    %select_n3A_255 = arith.select %broadcast_in_dim3A_250, %broadcast_in_dim3A_253, %broadcast_in_dim3A_254 : vector<16x512xi1>, vector<16x512xf32>
    %slice3A_256 = vector.extract_strided_slice %get3A_1 {offsets = [13, 0], sizes = [1, 512], strides = [1, 1]} : vector<128x512xi32> to vector<1x512xi32>
    %broadcast_in_dim3A_257 = vector.shape_cast %slice3A_256 : vector<1x512xi32> to vector<1x512xi32>
    %broadcast_in_dim3A_258 = vector.broadcast %broadcast_in_dim3A_257 : vector<1x512xi32> to vector<24x512xi32>
    %eq3A_259 = arith.cmpi eq, %broadcast_in_dim3A_258, %iota3A : vector<24x512xi32>
    %jit3A_260 = arith.constant 1.000000e+00 : f32
    %jit3A_261 = arith.constant 0.000000e+00 : f32
    %broadcast_in_dim3A_262 = vector.broadcast %jit3A_260 : f32 to vector<24x512xf32>
    %broadcast_in_dim3A_263 = vector.broadcast %jit3A_261 : f32 to vector<24x512xf32>
    %select_n3A_264 = arith.select %eq3A_259, %broadcast_in_dim3A_262, %broadcast_in_dim3A_263 : vector<24x512xi1>, vector<24x512xf32>
    %convert_element_type3A_265 = arith.truncf %select_n3A_264 : vector<24x512xf32> to vector<24x512xbf16>
    %eq3A_266 = arith.constant 20 : i32
    %eq3A_267 = vector.broadcast %eq3A_266 : i32 to vector<1x512xi32>
    %eq3A_268 = arith.cmpi eq, %slice3A_256, %eq3A_267 : vector<1x512xi32>
    %broadcast_in_dim3A_269 = vector.shape_cast %eq3A_268 : vector<1x512xi1> to vector<1x512xi1>
    %broadcast_in_dim3A_270 = vector.broadcast %broadcast_in_dim3A_269 : vector<1x512xi1> to vector<16x512xi1>
    %jit3A_271 = arith.constant -2.000000e+08 : f32
    %jit3A_272 = arith.constant 0.000000e+00 : f32
    %broadcast_in_dim3A_273 = vector.broadcast %jit3A_271 : f32 to vector<16x512xf32>
    %broadcast_in_dim3A_274 = vector.broadcast %jit3A_272 : f32 to vector<16x512xf32>
    %select_n3A_275 = arith.select %broadcast_in_dim3A_270, %broadcast_in_dim3A_273, %broadcast_in_dim3A_274 : vector<16x512xi1>, vector<16x512xf32>
    %slice3A_276 = vector.extract_strided_slice %get3A_1 {offsets = [14, 0], sizes = [1, 512], strides = [1, 1]} : vector<128x512xi32> to vector<1x512xi32>
    %broadcast_in_dim3A_277 = vector.shape_cast %slice3A_276 : vector<1x512xi32> to vector<1x512xi32>
    %broadcast_in_dim3A_278 = vector.broadcast %broadcast_in_dim3A_277 : vector<1x512xi32> to vector<24x512xi32>
    %eq3A_279 = arith.cmpi eq, %broadcast_in_dim3A_278, %iota3A : vector<24x512xi32>
    %jit3A_280 = arith.constant 1.000000e+00 : f32
    %jit3A_281 = arith.constant 0.000000e+00 : f32
    %broadcast_in_dim3A_282 = vector.broadcast %jit3A_280 : f32 to vector<24x512xf32>
    %broadcast_in_dim3A_283 = vector.broadcast %jit3A_281 : f32 to vector<24x512xf32>
    %select_n3A_284 = arith.select %eq3A_279, %broadcast_in_dim3A_282, %broadcast_in_dim3A_283 : vector<24x512xi1>, vector<24x512xf32>
    %convert_element_type3A_285 = arith.truncf %select_n3A_284 : vector<24x512xf32> to vector<24x512xbf16>
    %eq3A_286 = arith.constant 20 : i32
    %eq3A_287 = vector.broadcast %eq3A_286 : i32 to vector<1x512xi32>
    %eq3A_288 = arith.cmpi eq, %slice3A_276, %eq3A_287 : vector<1x512xi32>
    %broadcast_in_dim3A_289 = vector.shape_cast %eq3A_288 : vector<1x512xi1> to vector<1x512xi1>
    %broadcast_in_dim3A_290 = vector.broadcast %broadcast_in_dim3A_289 : vector<1x512xi1> to vector<16x512xi1>
    %jit3A_291 = arith.constant -2.000000e+08 : f32
    %jit3A_292 = arith.constant 0.000000e+00 : f32
    %broadcast_in_dim3A_293 = vector.broadcast %jit3A_291 : f32 to vector<16x512xf32>
    %broadcast_in_dim3A_294 = vector.broadcast %jit3A_292 : f32 to vector<16x512xf32>
    %select_n3A_295 = arith.select %broadcast_in_dim3A_290, %broadcast_in_dim3A_293, %broadcast_in_dim3A_294 : vector<16x512xi1>, vector<16x512xf32>
    %slice3A_296 = vector.extract_strided_slice %get3A_1 {offsets = [15, 0], sizes = [1, 512], strides = [1, 1]} : vector<128x512xi32> to vector<1x512xi32>
    %broadcast_in_dim3A_297 = vector.shape_cast %slice3A_296 : vector<1x512xi32> to vector<1x512xi32>
    %broadcast_in_dim3A_298 = vector.broadcast %broadcast_in_dim3A_297 : vector<1x512xi32> to vector<24x512xi32>
    %eq3A_299 = arith.cmpi eq, %broadcast_in_dim3A_298, %iota3A : vector<24x512xi32>
    %jit3A_300 = arith.constant 1.000000e+00 : f32
    %jit3A_301 = arith.constant 0.000000e+00 : f32
    %broadcast_in_dim3A_302 = vector.broadcast %jit3A_300 : f32 to vector<24x512xf32>
    %broadcast_in_dim3A_303 = vector.broadcast %jit3A_301 : f32 to vector<24x512xf32>
    %select_n3A_304 = arith.select %eq3A_299, %broadcast_in_dim3A_302, %broadcast_in_dim3A_303 : vector<24x512xi1>, vector<24x512xf32>
    %convert_element_type3A_305 = arith.truncf %select_n3A_304 : vector<24x512xf32> to vector<24x512xbf16>
    %eq3A_306 = arith.constant 20 : i32
    %eq3A_307 = vector.broadcast %eq3A_306 : i32 to vector<1x512xi32>
    %eq3A_308 = arith.cmpi eq, %slice3A_296, %eq3A_307 : vector<1x512xi32>
    %broadcast_in_dim3A_309 = vector.shape_cast %eq3A_308 : vector<1x512xi1> to vector<1x512xi1>
    %broadcast_in_dim3A_310 = vector.broadcast %broadcast_in_dim3A_309 : vector<1x512xi1> to vector<16x512xi1>
    %jit3A_311 = arith.constant -2.000000e+08 : f32
    %jit3A_312 = arith.constant 0.000000e+00 : f32
    %broadcast_in_dim3A_313 = vector.broadcast %jit3A_311 : f32 to vector<16x512xf32>
    %broadcast_in_dim3A_314 = vector.broadcast %jit3A_312 : f32 to vector<16x512xf32>
    %select_n3A_315 = arith.select %broadcast_in_dim3A_310, %broadcast_in_dim3A_313, %broadcast_in_dim3A_314 : vector<16x512xi1>, vector<16x512xf32>
    %slice3A_316 = vector.extract_strided_slice %get3A_1 {offsets = [16, 0], sizes = [1, 512], strides = [1, 1]} : vector<128x512xi32> to vector<1x512xi32>
    %broadcast_in_dim3A_317 = vector.shape_cast %slice3A_316 : vector<1x512xi32> to vector<1x512xi32>
    %broadcast_in_dim3A_318 = vector.broadcast %broadcast_in_dim3A_317 : vector<1x512xi32> to vector<24x512xi32>
    %eq3A_319 = arith.cmpi eq, %broadcast_in_dim3A_318, %iota3A : vector<24x512xi32>
    %jit3A_320 = arith.constant 1.000000e+00 : f32
    %jit3A_321 = arith.constant 0.000000e+00 : f32
    %broadcast_in_dim3A_322 = vector.broadcast %jit3A_320 : f32 to vector<24x512xf32>
    %broadcast_in_dim3A_323 = vector.broadcast %jit3A_321 : f32 to vector<24x512xf32>
    %select_n3A_324 = arith.select %eq3A_319, %broadcast_in_dim3A_322, %broadcast_in_dim3A_323 : vector<24x512xi1>, vector<24x512xf32>
    %convert_element_type3A_325 = arith.truncf %select_n3A_324 : vector<24x512xf32> to vector<24x512xbf16>
    %eq3A_326 = arith.constant 20 : i32
    %eq3A_327 = vector.broadcast %eq3A_326 : i32 to vector<1x512xi32>
    %eq3A_328 = arith.cmpi eq, %slice3A_316, %eq3A_327 : vector<1x512xi32>
    %broadcast_in_dim3A_329 = vector.shape_cast %eq3A_328 : vector<1x512xi1> to vector<1x512xi1>
    %broadcast_in_dim3A_330 = vector.broadcast %broadcast_in_dim3A_329 : vector<1x512xi1> to vector<16x512xi1>
    %jit3A_331 = arith.constant -2.000000e+08 : f32
    %jit3A_332 = arith.constant 0.000000e+00 : f32
    %broadcast_in_dim3A_333 = vector.broadcast %jit3A_331 : f32 to vector<16x512xf32>
    %broadcast_in_dim3A_334 = vector.broadcast %jit3A_332 : f32 to vector<16x512xf32>
    %select_n3A_335 = arith.select %broadcast_in_dim3A_330, %broadcast_in_dim3A_333, %broadcast_in_dim3A_334 : vector<16x512xi1>, vector<16x512xf32>
    %slice3A_336 = vector.extract_strided_slice %get3A_1 {offsets = [17, 0], sizes = [1, 512], strides = [1, 1]} : vector<128x512xi32> to vector<1x512xi32>
    %broadcast_in_dim3A_337 = vector.shape_cast %slice3A_336 : vector<1x512xi32> to vector<1x512xi32>
    %broadcast_in_dim3A_338 = vector.broadcast %broadcast_in_dim3A_337 : vector<1x512xi32> to vector<24x512xi32>
    %eq3A_339 = arith.cmpi eq, %broadcast_in_dim3A_338, %iota3A : vector<24x512xi32>
    %jit3A_340 = arith.constant 1.000000e+00 : f32
    %jit3A_341 = arith.constant 0.000000e+00 : f32
    %broadcast_in_dim3A_342 = vector.broadcast %jit3A_340 : f32 to vector<24x512xf32>
    %broadcast_in_dim3A_343 = vector.broadcast %jit3A_341 : f32 to vector<24x512xf32>
    %select_n3A_344 = arith.select %eq3A_339, %broadcast_in_dim3A_342, %broadcast_in_dim3A_343 : vector<24x512xi1>, vector<24x512xf32>
    %convert_element_type3A_345 = arith.truncf %select_n3A_344 : vector<24x512xf32> to vector<24x512xbf16>
    %eq3A_346 = arith.constant 20 : i32
    %eq3A_347 = vector.broadcast %eq3A_346 : i32 to vector<1x512xi32>
    %eq3A_348 = arith.cmpi eq, %slice3A_336, %eq3A_347 : vector<1x512xi32>
    %broadcast_in_dim3A_349 = vector.shape_cast %eq3A_348 : vector<1x512xi1> to vector<1x512xi1>
    %broadcast_in_dim3A_350 = vector.broadcast %broadcast_in_dim3A_349 : vector<1x512xi1> to vector<16x512xi1>
    %jit3A_351 = arith.constant -2.000000e+08 : f32
    %jit3A_352 = arith.constant 0.000000e+00 : f32
    %broadcast_in_dim3A_353 = vector.broadcast %jit3A_351 : f32 to vector<16x512xf32>
    %broadcast_in_dim3A_354 = vector.broadcast %jit3A_352 : f32 to vector<16x512xf32>
    %select_n3A_355 = arith.select %broadcast_in_dim3A_350, %broadcast_in_dim3A_353, %broadcast_in_dim3A_354 : vector<16x512xi1>, vector<16x512xf32>
    %slice3A_356 = vector.extract_strided_slice %get3A_1 {offsets = [18, 0], sizes = [1, 512], strides = [1, 1]} : vector<128x512xi32> to vector<1x512xi32>
    %broadcast_in_dim3A_357 = vector.shape_cast %slice3A_356 : vector<1x512xi32> to vector<1x512xi32>
    %broadcast_in_dim3A_358 = vector.broadcast %broadcast_in_dim3A_357 : vector<1x512xi32> to vector<24x512xi32>
    %eq3A_359 = arith.cmpi eq, %broadcast_in_dim3A_358, %iota3A : vector<24x512xi32>
    %jit3A_360 = arith.constant 1.000000e+00 : f32
    %jit3A_361 = arith.constant 0.000000e+00 : f32
    %broadcast_in_dim3A_362 = vector.broadcast %jit3A_360 : f32 to vector<24x512xf32>
    %broadcast_in_dim3A_363 = vector.broadcast %jit3A_361 : f32 to vector<24x512xf32>
    %select_n3A_364 = arith.select %eq3A_359, %broadcast_in_dim3A_362, %broadcast_in_dim3A_363 : vector<24x512xi1>, vector<24x512xf32>
    %convert_element_type3A_365 = arith.truncf %select_n3A_364 : vector<24x512xf32> to vector<24x512xbf16>
    %eq3A_366 = arith.constant 20 : i32
    %eq3A_367 = vector.broadcast %eq3A_366 : i32 to vector<1x512xi32>
    %eq3A_368 = arith.cmpi eq, %slice3A_356, %eq3A_367 : vector<1x512xi32>
    %broadcast_in_dim3A_369 = vector.shape_cast %eq3A_368 : vector<1x512xi1> to vector<1x512xi1>
    %broadcast_in_dim3A_370 = vector.broadcast %broadcast_in_dim3A_369 : vector<1x512xi1> to vector<16x512xi1>
    %jit3A_371 = arith.constant -2.000000e+08 : f32
    %jit3A_372 = arith.constant 0.000000e+00 : f32
    %broadcast_in_dim3A_373 = vector.broadcast %jit3A_371 : f32 to vector<16x512xf32>
    %broadcast_in_dim3A_374 = vector.broadcast %jit3A_372 : f32 to vector<16x512xf32>
    %select_n3A_375 = arith.select %broadcast_in_dim3A_370, %broadcast_in_dim3A_373, %broadcast_in_dim3A_374 : vector<16x512xi1>, vector<16x512xf32>
    %slice3A_376 = vector.extract_strided_slice %get3A_1 {offsets = [19, 0], sizes = [1, 512], strides = [1, 1]} : vector<128x512xi32> to vector<1x512xi32>
    %broadcast_in_dim3A_377 = vector.shape_cast %slice3A_376 : vector<1x512xi32> to vector<1x512xi32>
    %broadcast_in_dim3A_378 = vector.broadcast %broadcast_in_dim3A_377 : vector<1x512xi32> to vector<24x512xi32>
    %eq3A_379 = arith.cmpi eq, %broadcast_in_dim3A_378, %iota3A : vector<24x512xi32>
    %jit3A_380 = arith.constant 1.000000e+00 : f32
    %jit3A_381 = arith.constant 0.000000e+00 : f32
    %broadcast_in_dim3A_382 = vector.broadcast %jit3A_380 : f32 to vector<24x512xf32>
    %broadcast_in_dim3A_383 = vector.broadcast %jit3A_381 : f32 to vector<24x512xf32>
    %select_n3A_384 = arith.select %eq3A_379, %broadcast_in_dim3A_382, %broadcast_in_dim3A_383 : vector<24x512xi1>, vector<24x512xf32>
    %convert_element_type3A_385 = arith.truncf %select_n3A_384 : vector<24x512xf32> to vector<24x512xbf16>
    %eq3A_386 = arith.constant 20 : i32
    %eq3A_387 = vector.broadcast %eq3A_386 : i32 to vector<1x512xi32>
    %eq3A_388 = arith.cmpi eq, %slice3A_376, %eq3A_387 : vector<1x512xi32>
    %broadcast_in_dim3A_389 = vector.shape_cast %eq3A_388 : vector<1x512xi1> to vector<1x512xi1>
    %broadcast_in_dim3A_390 = vector.broadcast %broadcast_in_dim3A_389 : vector<1x512xi1> to vector<16x512xi1>
    %jit3A_391 = arith.constant -2.000000e+08 : f32
    %jit3A_392 = arith.constant 0.000000e+00 : f32
    %broadcast_in_dim3A_393 = vector.broadcast %jit3A_391 : f32 to vector<16x512xf32>
    %broadcast_in_dim3A_394 = vector.broadcast %jit3A_392 : f32 to vector<16x512xf32>
    %select_n3A_395 = arith.select %broadcast_in_dim3A_390, %broadcast_in_dim3A_393, %broadcast_in_dim3A_394 : vector<16x512xi1>, vector<16x512xf32>
    %slice3A_396 = vector.extract_strided_slice %get3A_1 {offsets = [20, 0], sizes = [1, 512], strides = [1, 1]} : vector<128x512xi32> to vector<1x512xi32>
    %broadcast_in_dim3A_397 = vector.shape_cast %slice3A_396 : vector<1x512xi32> to vector<1x512xi32>
    %broadcast_in_dim3A_398 = vector.broadcast %broadcast_in_dim3A_397 : vector<1x512xi32> to vector<24x512xi32>
    %eq3A_399 = arith.cmpi eq, %broadcast_in_dim3A_398, %iota3A : vector<24x512xi32>
    %jit3A_400 = arith.constant 1.000000e+00 : f32
    %jit3A_401 = arith.constant 0.000000e+00 : f32
    %broadcast_in_dim3A_402 = vector.broadcast %jit3A_400 : f32 to vector<24x512xf32>
    %broadcast_in_dim3A_403 = vector.broadcast %jit3A_401 : f32 to vector<24x512xf32>
    %select_n3A_404 = arith.select %eq3A_399, %broadcast_in_dim3A_402, %broadcast_in_dim3A_403 : vector<24x512xi1>, vector<24x512xf32>
    %convert_element_type3A_405 = arith.truncf %select_n3A_404 : vector<24x512xf32> to vector<24x512xbf16>
    %eq3A_406 = arith.constant 20 : i32
    %eq3A_407 = vector.broadcast %eq3A_406 : i32 to vector<1x512xi32>
    %eq3A_408 = arith.cmpi eq, %slice3A_396, %eq3A_407 : vector<1x512xi32>
    %broadcast_in_dim3A_409 = vector.shape_cast %eq3A_408 : vector<1x512xi1> to vector<1x512xi1>
    %broadcast_in_dim3A_410 = vector.broadcast %broadcast_in_dim3A_409 : vector<1x512xi1> to vector<16x512xi1>
    %jit3A_411 = arith.constant -2.000000e+08 : f32
    %jit3A_412 = arith.constant 0.000000e+00 : f32
    %broadcast_in_dim3A_413 = vector.broadcast %jit3A_411 : f32 to vector<16x512xf32>
    %broadcast_in_dim3A_414 = vector.broadcast %jit3A_412 : f32 to vector<16x512xf32>
    %select_n3A_415 = arith.select %broadcast_in_dim3A_410, %broadcast_in_dim3A_413, %broadcast_in_dim3A_414 : vector<16x512xi1>, vector<16x512xf32>
    %slice3A_416 = vector.extract_strided_slice %get3A_1 {offsets = [21, 0], sizes = [1, 512], strides = [1, 1]} : vector<128x512xi32> to vector<1x512xi32>
    %broadcast_in_dim3A_417 = vector.shape_cast %slice3A_416 : vector<1x512xi32> to vector<1x512xi32>
    %broadcast_in_dim3A_418 = vector.broadcast %broadcast_in_dim3A_417 : vector<1x512xi32> to vector<24x512xi32>
    %eq3A_419 = arith.cmpi eq, %broadcast_in_dim3A_418, %iota3A : vector<24x512xi32>
    %jit3A_420 = arith.constant 1.000000e+00 : f32
    %jit3A_421 = arith.constant 0.000000e+00 : f32
    %broadcast_in_dim3A_422 = vector.broadcast %jit3A_420 : f32 to vector<24x512xf32>
    %broadcast_in_dim3A_423 = vector.broadcast %jit3A_421 : f32 to vector<24x512xf32>
    %select_n3A_424 = arith.select %eq3A_419, %broadcast_in_dim3A_422, %broadcast_in_dim3A_423 : vector<24x512xi1>, vector<24x512xf32>
    %convert_element_type3A_425 = arith.truncf %select_n3A_424 : vector<24x512xf32> to vector<24x512xbf16>
    %eq3A_426 = arith.constant 20 : i32
    %eq3A_427 = vector.broadcast %eq3A_426 : i32 to vector<1x512xi32>
    %eq3A_428 = arith.cmpi eq, %slice3A_416, %eq3A_427 : vector<1x512xi32>
    %broadcast_in_dim3A_429 = vector.shape_cast %eq3A_428 : vector<1x512xi1> to vector<1x512xi1>
    %broadcast_in_dim3A_430 = vector.broadcast %broadcast_in_dim3A_429 : vector<1x512xi1> to vector<16x512xi1>
    %jit3A_431 = arith.constant -2.000000e+08 : f32
    %jit3A_432 = arith.constant 0.000000e+00 : f32
    %broadcast_in_dim3A_433 = vector.broadcast %jit3A_431 : f32 to vector<16x512xf32>
    %broadcast_in_dim3A_434 = vector.broadcast %jit3A_432 : f32 to vector<16x512xf32>
    %select_n3A_435 = arith.select %broadcast_in_dim3A_430, %broadcast_in_dim3A_433, %broadcast_in_dim3A_434 : vector<16x512xi1>, vector<16x512xf32>
    %slice3A_436 = vector.extract_strided_slice %get3A_1 {offsets = [22, 0], sizes = [1, 512], strides = [1, 1]} : vector<128x512xi32> to vector<1x512xi32>
    %broadcast_in_dim3A_437 = vector.shape_cast %slice3A_436 : vector<1x512xi32> to vector<1x512xi32>
    %broadcast_in_dim3A_438 = vector.broadcast %broadcast_in_dim3A_437 : vector<1x512xi32> to vector<24x512xi32>
    %eq3A_439 = arith.cmpi eq, %broadcast_in_dim3A_438, %iota3A : vector<24x512xi32>
    %jit3A_440 = arith.constant 1.000000e+00 : f32
    %jit3A_441 = arith.constant 0.000000e+00 : f32
    %broadcast_in_dim3A_442 = vector.broadcast %jit3A_440 : f32 to vector<24x512xf32>
    %broadcast_in_dim3A_443 = vector.broadcast %jit3A_441 : f32 to vector<24x512xf32>
    %select_n3A_444 = arith.select %eq3A_439, %broadcast_in_dim3A_442, %broadcast_in_dim3A_443 : vector<24x512xi1>, vector<24x512xf32>
    %convert_element_type3A_445 = arith.truncf %select_n3A_444 : vector<24x512xf32> to vector<24x512xbf16>
    %eq3A_446 = arith.constant 20 : i32
    %eq3A_447 = vector.broadcast %eq3A_446 : i32 to vector<1x512xi32>
    %eq3A_448 = arith.cmpi eq, %slice3A_436, %eq3A_447 : vector<1x512xi32>
    %broadcast_in_dim3A_449 = vector.shape_cast %eq3A_448 : vector<1x512xi1> to vector<1x512xi1>
    %broadcast_in_dim3A_450 = vector.broadcast %broadcast_in_dim3A_449 : vector<1x512xi1> to vector<16x512xi1>
    %jit3A_451 = arith.constant -2.000000e+08 : f32
    %jit3A_452 = arith.constant 0.000000e+00 : f32
    %broadcast_in_dim3A_453 = vector.broadcast %jit3A_451 : f32 to vector<16x512xf32>
    %broadcast_in_dim3A_454 = vector.broadcast %jit3A_452 : f32 to vector<16x512xf32>
    %select_n3A_455 = arith.select %broadcast_in_dim3A_450, %broadcast_in_dim3A_453, %broadcast_in_dim3A_454 : vector<16x512xi1>, vector<16x512xf32>
    %slice3A_456 = vector.extract_strided_slice %get3A_1 {offsets = [23, 0], sizes = [1, 512], strides = [1, 1]} : vector<128x512xi32> to vector<1x512xi32>
    %broadcast_in_dim3A_457 = vector.shape_cast %slice3A_456 : vector<1x512xi32> to vector<1x512xi32>
    %broadcast_in_dim3A_458 = vector.broadcast %broadcast_in_dim3A_457 : vector<1x512xi32> to vector<24x512xi32>
    %eq3A_459 = arith.cmpi eq, %broadcast_in_dim3A_458, %iota3A : vector<24x512xi32>
    %jit3A_460 = arith.constant 1.000000e+00 : f32
    %jit3A_461 = arith.constant 0.000000e+00 : f32
    %broadcast_in_dim3A_462 = vector.broadcast %jit3A_460 : f32 to vector<24x512xf32>
    %broadcast_in_dim3A_463 = vector.broadcast %jit3A_461 : f32 to vector<24x512xf32>
    %select_n3A_464 = arith.select %eq3A_459, %broadcast_in_dim3A_462, %broadcast_in_dim3A_463 : vector<24x512xi1>, vector<24x512xf32>
    %convert_element_type3A_465 = arith.truncf %select_n3A_464 : vector<24x512xf32> to vector<24x512xbf16>
    %eq3A_466 = arith.constant 20 : i32
    %eq3A_467 = vector.broadcast %eq3A_466 : i32 to vector<1x512xi32>
    %eq3A_468 = arith.cmpi eq, %slice3A_456, %eq3A_467 : vector<1x512xi32>
    %broadcast_in_dim3A_469 = vector.shape_cast %eq3A_468 : vector<1x512xi1> to vector<1x512xi1>
    %broadcast_in_dim3A_470 = vector.broadcast %broadcast_in_dim3A_469 : vector<1x512xi1> to vector<16x512xi1>
    %jit3A_471 = arith.constant -2.000000e+08 : f32
    %jit3A_472 = arith.constant 0.000000e+00 : f32
    %broadcast_in_dim3A_473 = vector.broadcast %jit3A_471 : f32 to vector<16x512xf32>
    %broadcast_in_dim3A_474 = vector.broadcast %jit3A_472 : f32 to vector<16x512xf32>
    %select_n3A_475 = arith.select %broadcast_in_dim3A_470, %broadcast_in_dim3A_473, %broadcast_in_dim3A_474 : vector<16x512xi1>, vector<16x512xf32>
    %slice3A_476 = vector.extract_strided_slice %get3A_1 {offsets = [24, 0], sizes = [1, 512], strides = [1, 1]} : vector<128x512xi32> to vector<1x512xi32>
    %broadcast_in_dim3A_477 = vector.shape_cast %slice3A_476 : vector<1x512xi32> to vector<1x512xi32>
    %broadcast_in_dim3A_478 = vector.broadcast %broadcast_in_dim3A_477 : vector<1x512xi32> to vector<24x512xi32>
    %eq3A_479 = arith.cmpi eq, %broadcast_in_dim3A_478, %iota3A : vector<24x512xi32>
    %jit3A_480 = arith.constant 1.000000e+00 : f32
    %jit3A_481 = arith.constant 0.000000e+00 : f32
    %broadcast_in_dim3A_482 = vector.broadcast %jit3A_480 : f32 to vector<24x512xf32>
    %broadcast_in_dim3A_483 = vector.broadcast %jit3A_481 : f32 to vector<24x512xf32>
    %select_n3A_484 = arith.select %eq3A_479, %broadcast_in_dim3A_482, %broadcast_in_dim3A_483 : vector<24x512xi1>, vector<24x512xf32>
    %convert_element_type3A_485 = arith.truncf %select_n3A_484 : vector<24x512xf32> to vector<24x512xbf16>
    %eq3A_486 = arith.constant 20 : i32
    %eq3A_487 = vector.broadcast %eq3A_486 : i32 to vector<1x512xi32>
    %eq3A_488 = arith.cmpi eq, %slice3A_476, %eq3A_487 : vector<1x512xi32>
    %broadcast_in_dim3A_489 = vector.shape_cast %eq3A_488 : vector<1x512xi1> to vector<1x512xi1>
    %broadcast_in_dim3A_490 = vector.broadcast %broadcast_in_dim3A_489 : vector<1x512xi1> to vector<16x512xi1>
    %jit3A_491 = arith.constant -2.000000e+08 : f32
    %jit3A_492 = arith.constant 0.000000e+00 : f32
    %broadcast_in_dim3A_493 = vector.broadcast %jit3A_491 : f32 to vector<16x512xf32>
    %broadcast_in_dim3A_494 = vector.broadcast %jit3A_492 : f32 to vector<16x512xf32>
    %select_n3A_495 = arith.select %broadcast_in_dim3A_490, %broadcast_in_dim3A_493, %broadcast_in_dim3A_494 : vector<16x512xi1>, vector<16x512xf32>
    %slice3A_496 = vector.extract_strided_slice %get3A_1 {offsets = [25, 0], sizes = [1, 512], strides = [1, 1]} : vector<128x512xi32> to vector<1x512xi32>
    %broadcast_in_dim3A_497 = vector.shape_cast %slice3A_496 : vector<1x512xi32> to vector<1x512xi32>
    %broadcast_in_dim3A_498 = vector.broadcast %broadcast_in_dim3A_497 : vector<1x512xi32> to vector<24x512xi32>
    %eq3A_499 = arith.cmpi eq, %broadcast_in_dim3A_498, %iota3A : vector<24x512xi32>
    %jit3A_500 = arith.constant 1.000000e+00 : f32
    %jit3A_501 = arith.constant 0.000000e+00 : f32
    %broadcast_in_dim3A_502 = vector.broadcast %jit3A_500 : f32 to vector<24x512xf32>
    %broadcast_in_dim3A_503 = vector.broadcast %jit3A_501 : f32 to vector<24x512xf32>
    %select_n3A_504 = arith.select %eq3A_499, %broadcast_in_dim3A_502, %broadcast_in_dim3A_503 : vector<24x512xi1>, vector<24x512xf32>
    %convert_element_type3A_505 = arith.truncf %select_n3A_504 : vector<24x512xf32> to vector<24x512xbf16>
    %eq3A_506 = arith.constant 20 : i32
    %eq3A_507 = vector.broadcast %eq3A_506 : i32 to vector<1x512xi32>
    %eq3A_508 = arith.cmpi eq, %slice3A_496, %eq3A_507 : vector<1x512xi32>
    %broadcast_in_dim3A_509 = vector.shape_cast %eq3A_508 : vector<1x512xi1> to vector<1x512xi1>
    %broadcast_in_dim3A_510 = vector.broadcast %broadcast_in_dim3A_509 : vector<1x512xi1> to vector<16x512xi1>
    %jit3A_511 = arith.constant -2.000000e+08 : f32
    %jit3A_512 = arith.constant 0.000000e+00 : f32
    %broadcast_in_dim3A_513 = vector.broadcast %jit3A_511 : f32 to vector<16x512xf32>
    %broadcast_in_dim3A_514 = vector.broadcast %jit3A_512 : f32 to vector<16x512xf32>
    %select_n3A_515 = arith.select %broadcast_in_dim3A_510, %broadcast_in_dim3A_513, %broadcast_in_dim3A_514 : vector<16x512xi1>, vector<16x512xf32>
    %slice3A_516 = vector.extract_strided_slice %get3A_1 {offsets = [26, 0], sizes = [1, 512], strides = [1, 1]} : vector<128x512xi32> to vector<1x512xi32>
    %broadcast_in_dim3A_517 = vector.shape_cast %slice3A_516 : vector<1x512xi32> to vector<1x512xi32>
    %broadcast_in_dim3A_518 = vector.broadcast %broadcast_in_dim3A_517 : vector<1x512xi32> to vector<24x512xi32>
    %eq3A_519 = arith.cmpi eq, %broadcast_in_dim3A_518, %iota3A : vector<24x512xi32>
    %jit3A_520 = arith.constant 1.000000e+00 : f32
    %jit3A_521 = arith.constant 0.000000e+00 : f32
    %broadcast_in_dim3A_522 = vector.broadcast %jit3A_520 : f32 to vector<24x512xf32>
    %broadcast_in_dim3A_523 = vector.broadcast %jit3A_521 : f32 to vector<24x512xf32>
    %select_n3A_524 = arith.select %eq3A_519, %broadcast_in_dim3A_522, %broadcast_in_dim3A_523 : vector<24x512xi1>, vector<24x512xf32>
    %convert_element_type3A_525 = arith.truncf %select_n3A_524 : vector<24x512xf32> to vector<24x512xbf16>
    %eq3A_526 = arith.constant 20 : i32
    %eq3A_527 = vector.broadcast %eq3A_526 : i32 to vector<1x512xi32>
    %eq3A_528 = arith.cmpi eq, %slice3A_516, %eq3A_527 : vector<1x512xi32>
    %broadcast_in_dim3A_529 = vector.shape_cast %eq3A_528 : vector<1x512xi1> to vector<1x512xi1>
    %broadcast_in_dim3A_530 = vector.broadcast %broadcast_in_dim3A_529 : vector<1x512xi1> to vector<16x512xi1>
    %jit3A_531 = arith.constant -2.000000e+08 : f32
    %jit3A_532 = arith.constant 0.000000e+00 : f32
    %broadcast_in_dim3A_533 = vector.broadcast %jit3A_531 : f32 to vector<16x512xf32>
    %broadcast_in_dim3A_534 = vector.broadcast %jit3A_532 : f32 to vector<16x512xf32>
    %select_n3A_535 = arith.select %broadcast_in_dim3A_530, %broadcast_in_dim3A_533, %broadcast_in_dim3A_534 : vector<16x512xi1>, vector<16x512xf32>
    %slice3A_536 = vector.extract_strided_slice %get3A_1 {offsets = [27, 0], sizes = [1, 512], strides = [1, 1]} : vector<128x512xi32> to vector<1x512xi32>
    %broadcast_in_dim3A_537 = vector.shape_cast %slice3A_536 : vector<1x512xi32> to vector<1x512xi32>
    %broadcast_in_dim3A_538 = vector.broadcast %broadcast_in_dim3A_537 : vector<1x512xi32> to vector<24x512xi32>
    %eq3A_539 = arith.cmpi eq, %broadcast_in_dim3A_538, %iota3A : vector<24x512xi32>
    %jit3A_540 = arith.constant 1.000000e+00 : f32
    %jit3A_541 = arith.constant 0.000000e+00 : f32
    %broadcast_in_dim3A_542 = vector.broadcast %jit3A_540 : f32 to vector<24x512xf32>
    %broadcast_in_dim3A_543 = vector.broadcast %jit3A_541 : f32 to vector<24x512xf32>
    %select_n3A_544 = arith.select %eq3A_539, %broadcast_in_dim3A_542, %broadcast_in_dim3A_543 : vector<24x512xi1>, vector<24x512xf32>
    %convert_element_type3A_545 = arith.truncf %select_n3A_544 : vector<24x512xf32> to vector<24x512xbf16>
    %eq3A_546 = arith.constant 20 : i32
    %eq3A_547 = vector.broadcast %eq3A_546 : i32 to vector<1x512xi32>
    %eq3A_548 = arith.cmpi eq, %slice3A_536, %eq3A_547 : vector<1x512xi32>
    %broadcast_in_dim3A_549 = vector.shape_cast %eq3A_548 : vector<1x512xi1> to vector<1x512xi1>
    %broadcast_in_dim3A_550 = vector.broadcast %broadcast_in_dim3A_549 : vector<1x512xi1> to vector<16x512xi1>
    %jit3A_551 = arith.constant -2.000000e+08 : f32
    %jit3A_552 = arith.constant 0.000000e+00 : f32
    %broadcast_in_dim3A_553 = vector.broadcast %jit3A_551 : f32 to vector<16x512xf32>
    %broadcast_in_dim3A_554 = vector.broadcast %jit3A_552 : f32 to vector<16x512xf32>
    %select_n3A_555 = arith.select %broadcast_in_dim3A_550, %broadcast_in_dim3A_553, %broadcast_in_dim3A_554 : vector<16x512xi1>, vector<16x512xf32>
    %slice3A_556 = vector.extract_strided_slice %get3A_1 {offsets = [28, 0], sizes = [1, 512], strides = [1, 1]} : vector<128x512xi32> to vector<1x512xi32>
    %broadcast_in_dim3A_557 = vector.shape_cast %slice3A_556 : vector<1x512xi32> to vector<1x512xi32>
    %broadcast_in_dim3A_558 = vector.broadcast %broadcast_in_dim3A_557 : vector<1x512xi32> to vector<24x512xi32>
    %eq3A_559 = arith.cmpi eq, %broadcast_in_dim3A_558, %iota3A : vector<24x512xi32>
    %jit3A_560 = arith.constant 1.000000e+00 : f32
    %jit3A_561 = arith.constant 0.000000e+00 : f32
    %broadcast_in_dim3A_562 = vector.broadcast %jit3A_560 : f32 to vector<24x512xf32>
    %broadcast_in_dim3A_563 = vector.broadcast %jit3A_561 : f32 to vector<24x512xf32>
    %select_n3A_564 = arith.select %eq3A_559, %broadcast_in_dim3A_562, %broadcast_in_dim3A_563 : vector<24x512xi1>, vector<24x512xf32>
    %convert_element_type3A_565 = arith.truncf %select_n3A_564 : vector<24x512xf32> to vector<24x512xbf16>
    %eq3A_566 = arith.constant 20 : i32
    %eq3A_567 = vector.broadcast %eq3A_566 : i32 to vector<1x512xi32>
    %eq3A_568 = arith.cmpi eq, %slice3A_556, %eq3A_567 : vector<1x512xi32>
    %broadcast_in_dim3A_569 = vector.shape_cast %eq3A_568 : vector<1x512xi1> to vector<1x512xi1>
    %broadcast_in_dim3A_570 = vector.broadcast %broadcast_in_dim3A_569 : vector<1x512xi1> to vector<16x512xi1>
    %jit3A_571 = arith.constant -2.000000e+08 : f32
    %jit3A_572 = arith.constant 0.000000e+00 : f32
    %broadcast_in_dim3A_573 = vector.broadcast %jit3A_571 : f32 to vector<16x512xf32>
    %broadcast_in_dim3A_574 = vector.broadcast %jit3A_572 : f32 to vector<16x512xf32>
    %select_n3A_575 = arith.select %broadcast_in_dim3A_570, %broadcast_in_dim3A_573, %broadcast_in_dim3A_574 : vector<16x512xi1>, vector<16x512xf32>
    %slice3A_576 = vector.extract_strided_slice %get3A_1 {offsets = [29, 0], sizes = [1, 512], strides = [1, 1]} : vector<128x512xi32> to vector<1x512xi32>
    %broadcast_in_dim3A_577 = vector.shape_cast %slice3A_576 : vector<1x512xi32> to vector<1x512xi32>
    %broadcast_in_dim3A_578 = vector.broadcast %broadcast_in_dim3A_577 : vector<1x512xi32> to vector<24x512xi32>
    %eq3A_579 = arith.cmpi eq, %broadcast_in_dim3A_578, %iota3A : vector<24x512xi32>
    %jit3A_580 = arith.constant 1.000000e+00 : f32
    %jit3A_581 = arith.constant 0.000000e+00 : f32
    %broadcast_in_dim3A_582 = vector.broadcast %jit3A_580 : f32 to vector<24x512xf32>
    %broadcast_in_dim3A_583 = vector.broadcast %jit3A_581 : f32 to vector<24x512xf32>
    %select_n3A_584 = arith.select %eq3A_579, %broadcast_in_dim3A_582, %broadcast_in_dim3A_583 : vector<24x512xi1>, vector<24x512xf32>
    %convert_element_type3A_585 = arith.truncf %select_n3A_584 : vector<24x512xf32> to vector<24x512xbf16>
    %eq3A_586 = arith.constant 20 : i32
    %eq3A_587 = vector.broadcast %eq3A_586 : i32 to vector<1x512xi32>
    %eq3A_588 = arith.cmpi eq, %slice3A_576, %eq3A_587 : vector<1x512xi32>
    %broadcast_in_dim3A_589 = vector.shape_cast %eq3A_588 : vector<1x512xi1> to vector<1x512xi1>
    %broadcast_in_dim3A_590 = vector.broadcast %broadcast_in_dim3A_589 : vector<1x512xi1> to vector<16x512xi1>
    %jit3A_591 = arith.constant -2.000000e+08 : f32
    %jit3A_592 = arith.constant 0.000000e+00 : f32
    %broadcast_in_dim3A_593 = vector.broadcast %jit3A_591 : f32 to vector<16x512xf32>
    %broadcast_in_dim3A_594 = vector.broadcast %jit3A_592 : f32 to vector<16x512xf32>
    %select_n3A_595 = arith.select %broadcast_in_dim3A_590, %broadcast_in_dim3A_593, %broadcast_in_dim3A_594 : vector<16x512xi1>, vector<16x512xf32>
    %slice3A_596 = vector.extract_strided_slice %get3A_1 {offsets = [30, 0], sizes = [1, 512], strides = [1, 1]} : vector<128x512xi32> to vector<1x512xi32>
    %broadcast_in_dim3A_597 = vector.shape_cast %slice3A_596 : vector<1x512xi32> to vector<1x512xi32>
    %broadcast_in_dim3A_598 = vector.broadcast %broadcast_in_dim3A_597 : vector<1x512xi32> to vector<24x512xi32>
    %eq3A_599 = arith.cmpi eq, %broadcast_in_dim3A_598, %iota3A : vector<24x512xi32>
    %jit3A_600 = arith.constant 1.000000e+00 : f32
    %jit3A_601 = arith.constant 0.000000e+00 : f32
    %broadcast_in_dim3A_602 = vector.broadcast %jit3A_600 : f32 to vector<24x512xf32>
    %broadcast_in_dim3A_603 = vector.broadcast %jit3A_601 : f32 to vector<24x512xf32>
    %select_n3A_604 = arith.select %eq3A_599, %broadcast_in_dim3A_602, %broadcast_in_dim3A_603 : vector<24x512xi1>, vector<24x512xf32>
    %convert_element_type3A_605 = arith.truncf %select_n3A_604 : vector<24x512xf32> to vector<24x512xbf16>
    %eq3A_606 = arith.constant 20 : i32
    %eq3A_607 = vector.broadcast %eq3A_606 : i32 to vector<1x512xi32>
    %eq3A_608 = arith.cmpi eq, %slice3A_596, %eq3A_607 : vector<1x512xi32>
    %broadcast_in_dim3A_609 = vector.shape_cast %eq3A_608 : vector<1x512xi1> to vector<1x512xi1>
    %broadcast_in_dim3A_610 = vector.broadcast %broadcast_in_dim3A_609 : vector<1x512xi1> to vector<16x512xi1>
    %jit3A_611 = arith.constant -2.000000e+08 : f32
    %jit3A_612 = arith.constant 0.000000e+00 : f32
    %broadcast_in_dim3A_613 = vector.broadcast %jit3A_611 : f32 to vector<16x512xf32>
    %broadcast_in_dim3A_614 = vector.broadcast %jit3A_612 : f32 to vector<16x512xf32>
    %select_n3A_615 = arith.select %broadcast_in_dim3A_610, %broadcast_in_dim3A_613, %broadcast_in_dim3A_614 : vector<16x512xi1>, vector<16x512xf32>
    %slice3A_616 = vector.extract_strided_slice %get3A_1 {offsets = [31, 0], sizes = [1, 512], strides = [1, 1]} : vector<128x512xi32> to vector<1x512xi32>
    %broadcast_in_dim3A_617 = vector.shape_cast %slice3A_616 : vector<1x512xi32> to vector<1x512xi32>
    %broadcast_in_dim3A_618 = vector.broadcast %broadcast_in_dim3A_617 : vector<1x512xi32> to vector<24x512xi32>
    %eq3A_619 = arith.cmpi eq, %broadcast_in_dim3A_618, %iota3A : vector<24x512xi32>
    %jit3A_620 = arith.constant 1.000000e+00 : f32
    %jit3A_621 = arith.constant 0.000000e+00 : f32
    %broadcast_in_dim3A_622 = vector.broadcast %jit3A_620 : f32 to vector<24x512xf32>
    %broadcast_in_dim3A_623 = vector.broadcast %jit3A_621 : f32 to vector<24x512xf32>
    %select_n3A_624 = arith.select %eq3A_619, %broadcast_in_dim3A_622, %broadcast_in_dim3A_623 : vector<24x512xi1>, vector<24x512xf32>
    %convert_element_type3A_625 = arith.truncf %select_n3A_624 : vector<24x512xf32> to vector<24x512xbf16>
    %eq3A_626 = arith.constant 20 : i32
    %eq3A_627 = vector.broadcast %eq3A_626 : i32 to vector<1x512xi32>
    %eq3A_628 = arith.cmpi eq, %slice3A_616, %eq3A_627 : vector<1x512xi32>
    %broadcast_in_dim3A_629 = vector.shape_cast %eq3A_628 : vector<1x512xi1> to vector<1x512xi1>
    %broadcast_in_dim3A_630 = vector.broadcast %broadcast_in_dim3A_629 : vector<1x512xi1> to vector<16x512xi1>
    %jit3A_631 = arith.constant -2.000000e+08 : f32
    %jit3A_632 = arith.constant 0.000000e+00 : f32
    %broadcast_in_dim3A_633 = vector.broadcast %jit3A_631 : f32 to vector<16x512xf32>
    %broadcast_in_dim3A_634 = vector.broadcast %jit3A_632 : f32 to vector<16x512xf32>
    %select_n3A_635 = arith.select %broadcast_in_dim3A_630, %broadcast_in_dim3A_633, %broadcast_in_dim3A_634 : vector<16x512xi1>, vector<16x512xf32>
    %slice3A_636 = vector.extract_strided_slice %get3A_1 {offsets = [32, 0], sizes = [1, 512], strides = [1, 1]} : vector<128x512xi32> to vector<1x512xi32>
    %broadcast_in_dim3A_637 = vector.shape_cast %slice3A_636 : vector<1x512xi32> to vector<1x512xi32>
    %broadcast_in_dim3A_638 = vector.broadcast %broadcast_in_dim3A_637 : vector<1x512xi32> to vector<24x512xi32>
    %eq3A_639 = arith.cmpi eq, %broadcast_in_dim3A_638, %iota3A : vector<24x512xi32>
    %jit3A_640 = arith.constant 1.000000e+00 : f32
    %jit3A_641 = arith.constant 0.000000e+00 : f32
    %broadcast_in_dim3A_642 = vector.broadcast %jit3A_640 : f32 to vector<24x512xf32>
    %broadcast_in_dim3A_643 = vector.broadcast %jit3A_641 : f32 to vector<24x512xf32>
    %select_n3A_644 = arith.select %eq3A_639, %broadcast_in_dim3A_642, %broadcast_in_dim3A_643 : vector<24x512xi1>, vector<24x512xf32>
    %convert_element_type3A_645 = arith.truncf %select_n3A_644 : vector<24x512xf32> to vector<24x512xbf16>
    %eq3A_646 = arith.constant 20 : i32
    %eq3A_647 = vector.broadcast %eq3A_646 : i32 to vector<1x512xi32>
    %eq3A_648 = arith.cmpi eq, %slice3A_636, %eq3A_647 : vector<1x512xi32>
    %broadcast_in_dim3A_649 = vector.shape_cast %eq3A_648 : vector<1x512xi1> to vector<1x512xi1>
    %broadcast_in_dim3A_650 = vector.broadcast %broadcast_in_dim3A_649 : vector<1x512xi1> to vector<16x512xi1>
    %jit3A_651 = arith.constant -2.000000e+08 : f32
    %jit3A_652 = arith.constant 0.000000e+00 : f32
    %broadcast_in_dim3A_653 = vector.broadcast %jit3A_651 : f32 to vector<16x512xf32>
    %broadcast_in_dim3A_654 = vector.broadcast %jit3A_652 : f32 to vector<16x512xf32>
    %select_n3A_655 = arith.select %broadcast_in_dim3A_650, %broadcast_in_dim3A_653, %broadcast_in_dim3A_654 : vector<16x512xi1>, vector<16x512xf32>
    %slice3A_656 = vector.extract_strided_slice %get3A_1 {offsets = [33, 0], sizes = [1, 512], strides = [1, 1]} : vector<128x512xi32> to vector<1x512xi32>
    %broadcast_in_dim3A_657 = vector.shape_cast %slice3A_656 : vector<1x512xi32> to vector<1x512xi32>
    %broadcast_in_dim3A_658 = vector.broadcast %broadcast_in_dim3A_657 : vector<1x512xi32> to vector<24x512xi32>
    %eq3A_659 = arith.cmpi eq, %broadcast_in_dim3A_658, %iota3A : vector<24x512xi32>
    %jit3A_660 = arith.constant 1.000000e+00 : f32
    %jit3A_661 = arith.constant 0.000000e+00 : f32
    %broadcast_in_dim3A_662 = vector.broadcast %jit3A_660 : f32 to vector<24x512xf32>
    %broadcast_in_dim3A_663 = vector.broadcast %jit3A_661 : f32 to vector<24x512xf32>
    %select_n3A_664 = arith.select %eq3A_659, %broadcast_in_dim3A_662, %broadcast_in_dim3A_663 : vector<24x512xi1>, vector<24x512xf32>
    %convert_element_type3A_665 = arith.truncf %select_n3A_664 : vector<24x512xf32> to vector<24x512xbf16>
    %eq3A_666 = arith.constant 20 : i32
    %eq3A_667 = vector.broadcast %eq3A_666 : i32 to vector<1x512xi32>
    %eq3A_668 = arith.cmpi eq, %slice3A_656, %eq3A_667 : vector<1x512xi32>
    %broadcast_in_dim3A_669 = vector.shape_cast %eq3A_668 : vector<1x512xi1> to vector<1x512xi1>
    %broadcast_in_dim3A_670 = vector.broadcast %broadcast_in_dim3A_669 : vector<1x512xi1> to vector<16x512xi1>
    %jit3A_671 = arith.constant -2.000000e+08 : f32
    %jit3A_672 = arith.constant 0.000000e+00 : f32
    %broadcast_in_dim3A_673 = vector.broadcast %jit3A_671 : f32 to vector<16x512xf32>
    %broadcast_in_dim3A_674 = vector.broadcast %jit3A_672 : f32 to vector<16x512xf32>
    %select_n3A_675 = arith.select %broadcast_in_dim3A_670, %broadcast_in_dim3A_673, %broadcast_in_dim3A_674 : vector<16x512xi1>, vector<16x512xf32>
    %slice3A_676 = vector.extract_strided_slice %get3A_1 {offsets = [34, 0], sizes = [1, 512], strides = [1, 1]} : vector<128x512xi32> to vector<1x512xi32>
    %broadcast_in_dim3A_677 = vector.shape_cast %slice3A_676 : vector<1x512xi32> to vector<1x512xi32>
    %broadcast_in_dim3A_678 = vector.broadcast %broadcast_in_dim3A_677 : vector<1x512xi32> to vector<24x512xi32>
    %eq3A_679 = arith.cmpi eq, %broadcast_in_dim3A_678, %iota3A : vector<24x512xi32>
    %jit3A_680 = arith.constant 1.000000e+00 : f32
    %jit3A_681 = arith.constant 0.000000e+00 : f32
    %broadcast_in_dim3A_682 = vector.broadcast %jit3A_680 : f32 to vector<24x512xf32>
    %broadcast_in_dim3A_683 = vector.broadcast %jit3A_681 : f32 to vector<24x512xf32>
    %select_n3A_684 = arith.select %eq3A_679, %broadcast_in_dim3A_682, %broadcast_in_dim3A_683 : vector<24x512xi1>, vector<24x512xf32>
    %convert_element_type3A_685 = arith.truncf %select_n3A_684 : vector<24x512xf32> to vector<24x512xbf16>
    %eq3A_686 = arith.constant 20 : i32
    %eq3A_687 = vector.broadcast %eq3A_686 : i32 to vector<1x512xi32>
    %eq3A_688 = arith.cmpi eq, %slice3A_676, %eq3A_687 : vector<1x512xi32>
    %broadcast_in_dim3A_689 = vector.shape_cast %eq3A_688 : vector<1x512xi1> to vector<1x512xi1>
    %broadcast_in_dim3A_690 = vector.broadcast %broadcast_in_dim3A_689 : vector<1x512xi1> to vector<16x512xi1>
    %jit3A_691 = arith.constant -2.000000e+08 : f32
    %jit3A_692 = arith.constant 0.000000e+00 : f32
    %broadcast_in_dim3A_693 = vector.broadcast %jit3A_691 : f32 to vector<16x512xf32>
    %broadcast_in_dim3A_694 = vector.broadcast %jit3A_692 : f32 to vector<16x512xf32>
    %select_n3A_695 = arith.select %broadcast_in_dim3A_690, %broadcast_in_dim3A_693, %broadcast_in_dim3A_694 : vector<16x512xi1>, vector<16x512xf32>
    %slice3A_696 = vector.extract_strided_slice %get3A_1 {offsets = [35, 0], sizes = [1, 512], strides = [1, 1]} : vector<128x512xi32> to vector<1x512xi32>
    %broadcast_in_dim3A_697 = vector.shape_cast %slice3A_696 : vector<1x512xi32> to vector<1x512xi32>
    %broadcast_in_dim3A_698 = vector.broadcast %broadcast_in_dim3A_697 : vector<1x512xi32> to vector<24x512xi32>
    %eq3A_699 = arith.cmpi eq, %broadcast_in_dim3A_698, %iota3A : vector<24x512xi32>
    %jit3A_700 = arith.constant 1.000000e+00 : f32
    %jit3A_701 = arith.constant 0.000000e+00 : f32
    %broadcast_in_dim3A_702 = vector.broadcast %jit3A_700 : f32 to vector<24x512xf32>
    %broadcast_in_dim3A_703 = vector.broadcast %jit3A_701 : f32 to vector<24x512xf32>
    %select_n3A_704 = arith.select %eq3A_699, %broadcast_in_dim3A_702, %broadcast_in_dim3A_703 : vector<24x512xi1>, vector<24x512xf32>
    %convert_element_type3A_705 = arith.truncf %select_n3A_704 : vector<24x512xf32> to vector<24x512xbf16>
    %eq3A_706 = arith.constant 20 : i32
    %eq3A_707 = vector.broadcast %eq3A_706 : i32 to vector<1x512xi32>
    %eq3A_708 = arith.cmpi eq, %slice3A_696, %eq3A_707 : vector<1x512xi32>
    %broadcast_in_dim3A_709 = vector.shape_cast %eq3A_708 : vector<1x512xi1> to vector<1x512xi1>
    %broadcast_in_dim3A_710 = vector.broadcast %broadcast_in_dim3A_709 : vector<1x512xi1> to vector<16x512xi1>
    %jit3A_711 = arith.constant -2.000000e+08 : f32
    %jit3A_712 = arith.constant 0.000000e+00 : f32
    %broadcast_in_dim3A_713 = vector.broadcast %jit3A_711 : f32 to vector<16x512xf32>
    %broadcast_in_dim3A_714 = vector.broadcast %jit3A_712 : f32 to vector<16x512xf32>
    %select_n3A_715 = arith.select %broadcast_in_dim3A_710, %broadcast_in_dim3A_713, %broadcast_in_dim3A_714 : vector<16x512xi1>, vector<16x512xf32>
    %slice3A_716 = vector.extract_strided_slice %get3A_1 {offsets = [36, 0], sizes = [1, 512], strides = [1, 1]} : vector<128x512xi32> to vector<1x512xi32>
    %broadcast_in_dim3A_717 = vector.shape_cast %slice3A_716 : vector<1x512xi32> to vector<1x512xi32>
    %broadcast_in_dim3A_718 = vector.broadcast %broadcast_in_dim3A_717 : vector<1x512xi32> to vector<24x512xi32>
    %eq3A_719 = arith.cmpi eq, %broadcast_in_dim3A_718, %iota3A : vector<24x512xi32>
    %jit3A_720 = arith.constant 1.000000e+00 : f32
    %jit3A_721 = arith.constant 0.000000e+00 : f32
    %broadcast_in_dim3A_722 = vector.broadcast %jit3A_720 : f32 to vector<24x512xf32>
    %broadcast_in_dim3A_723 = vector.broadcast %jit3A_721 : f32 to vector<24x512xf32>
    %select_n3A_724 = arith.select %eq3A_719, %broadcast_in_dim3A_722, %broadcast_in_dim3A_723 : vector<24x512xi1>, vector<24x512xf32>
    %convert_element_type3A_725 = arith.truncf %select_n3A_724 : vector<24x512xf32> to vector<24x512xbf16>
    %eq3A_726 = arith.constant 20 : i32
    %eq3A_727 = vector.broadcast %eq3A_726 : i32 to vector<1x512xi32>
    %eq3A_728 = arith.cmpi eq, %slice3A_716, %eq3A_727 : vector<1x512xi32>
    %broadcast_in_dim3A_729 = vector.shape_cast %eq3A_728 : vector<1x512xi1> to vector<1x512xi1>
    %broadcast_in_dim3A_730 = vector.broadcast %broadcast_in_dim3A_729 : vector<1x512xi1> to vector<16x512xi1>
    %jit3A_731 = arith.constant -2.000000e+08 : f32
    %jit3A_732 = arith.constant 0.000000e+00 : f32
    %broadcast_in_dim3A_733 = vector.broadcast %jit3A_731 : f32 to vector<16x512xf32>
    %broadcast_in_dim3A_734 = vector.broadcast %jit3A_732 : f32 to vector<16x512xf32>
    %select_n3A_735 = arith.select %broadcast_in_dim3A_730, %broadcast_in_dim3A_733, %broadcast_in_dim3A_734 : vector<16x512xi1>, vector<16x512xf32>
    %slice3A_736 = vector.extract_strided_slice %get3A_1 {offsets = [37, 0], sizes = [1, 512], strides = [1, 1]} : vector<128x512xi32> to vector<1x512xi32>
    %broadcast_in_dim3A_737 = vector.shape_cast %slice3A_736 : vector<1x512xi32> to vector<1x512xi32>
    %broadcast_in_dim3A_738 = vector.broadcast %broadcast_in_dim3A_737 : vector<1x512xi32> to vector<24x512xi32>
    %eq3A_739 = arith.cmpi eq, %broadcast_in_dim3A_738, %iota3A : vector<24x512xi32>
    %jit3A_740 = arith.constant 1.000000e+00 : f32
    %jit3A_741 = arith.constant 0.000000e+00 : f32
    %broadcast_in_dim3A_742 = vector.broadcast %jit3A_740 : f32 to vector<24x512xf32>
    %broadcast_in_dim3A_743 = vector.broadcast %jit3A_741 : f32 to vector<24x512xf32>
    %select_n3A_744 = arith.select %eq3A_739, %broadcast_in_dim3A_742, %broadcast_in_dim3A_743 : vector<24x512xi1>, vector<24x512xf32>
    %convert_element_type3A_745 = arith.truncf %select_n3A_744 : vector<24x512xf32> to vector<24x512xbf16>
    %eq3A_746 = arith.constant 20 : i32
    %eq3A_747 = vector.broadcast %eq3A_746 : i32 to vector<1x512xi32>
    %eq3A_748 = arith.cmpi eq, %slice3A_736, %eq3A_747 : vector<1x512xi32>
    %broadcast_in_dim3A_749 = vector.shape_cast %eq3A_748 : vector<1x512xi1> to vector<1x512xi1>
    %broadcast_in_dim3A_750 = vector.broadcast %broadcast_in_dim3A_749 : vector<1x512xi1> to vector<16x512xi1>
    %jit3A_751 = arith.constant -2.000000e+08 : f32
    %jit3A_752 = arith.constant 0.000000e+00 : f32
    %broadcast_in_dim3A_753 = vector.broadcast %jit3A_751 : f32 to vector<16x512xf32>
    %broadcast_in_dim3A_754 = vector.broadcast %jit3A_752 : f32 to vector<16x512xf32>
    %select_n3A_755 = arith.select %broadcast_in_dim3A_750, %broadcast_in_dim3A_753, %broadcast_in_dim3A_754 : vector<16x512xi1>, vector<16x512xf32>
    %slice3A_756 = vector.extract_strided_slice %get3A_1 {offsets = [38, 0], sizes = [1, 512], strides = [1, 1]} : vector<128x512xi32> to vector<1x512xi32>
    %broadcast_in_dim3A_757 = vector.shape_cast %slice3A_756 : vector<1x512xi32> to vector<1x512xi32>
    %broadcast_in_dim3A_758 = vector.broadcast %broadcast_in_dim3A_757 : vector<1x512xi32> to vector<24x512xi32>
    %eq3A_759 = arith.cmpi eq, %broadcast_in_dim3A_758, %iota3A : vector<24x512xi32>
    %jit3A_760 = arith.constant 1.000000e+00 : f32
    %jit3A_761 = arith.constant 0.000000e+00 : f32
    %broadcast_in_dim3A_762 = vector.broadcast %jit3A_760 : f32 to vector<24x512xf32>
    %broadcast_in_dim3A_763 = vector.broadcast %jit3A_761 : f32 to vector<24x512xf32>
    %select_n3A_764 = arith.select %eq3A_759, %broadcast_in_dim3A_762, %broadcast_in_dim3A_763 : vector<24x512xi1>, vector<24x512xf32>
    %convert_element_type3A_765 = arith.truncf %select_n3A_764 : vector<24x512xf32> to vector<24x512xbf16>
    %eq3A_766 = arith.constant 20 : i32
    %eq3A_767 = vector.broadcast %eq3A_766 : i32 to vector<1x512xi32>
    %eq3A_768 = arith.cmpi eq, %slice3A_756, %eq3A_767 : vector<1x512xi32>
    %broadcast_in_dim3A_769 = vector.shape_cast %eq3A_768 : vector<1x512xi1> to vector<1x512xi1>
    %broadcast_in_dim3A_770 = vector.broadcast %broadcast_in_dim3A_769 : vector<1x512xi1> to vector<16x512xi1>
    %jit3A_771 = arith.constant -2.000000e+08 : f32
    %jit3A_772 = arith.constant 0.000000e+00 : f32
    %broadcast_in_dim3A_773 = vector.broadcast %jit3A_771 : f32 to vector<16x512xf32>
    %broadcast_in_dim3A_774 = vector.broadcast %jit3A_772 : f32 to vector<16x512xf32>
    %select_n3A_775 = arith.select %broadcast_in_dim3A_770, %broadcast_in_dim3A_773, %broadcast_in_dim3A_774 : vector<16x512xi1>, vector<16x512xf32>
    %slice3A_776 = vector.extract_strided_slice %get3A_1 {offsets = [39, 0], sizes = [1, 512], strides = [1, 1]} : vector<128x512xi32> to vector<1x512xi32>
    %broadcast_in_dim3A_777 = vector.shape_cast %slice3A_776 : vector<1x512xi32> to vector<1x512xi32>
    %broadcast_in_dim3A_778 = vector.broadcast %broadcast_in_dim3A_777 : vector<1x512xi32> to vector<24x512xi32>
    %eq3A_779 = arith.cmpi eq, %broadcast_in_dim3A_778, %iota3A : vector<24x512xi32>
    %jit3A_780 = arith.constant 1.000000e+00 : f32
    %jit3A_781 = arith.constant 0.000000e+00 : f32
    %broadcast_in_dim3A_782 = vector.broadcast %jit3A_780 : f32 to vector<24x512xf32>
    %broadcast_in_dim3A_783 = vector.broadcast %jit3A_781 : f32 to vector<24x512xf32>
    %select_n3A_784 = arith.select %eq3A_779, %broadcast_in_dim3A_782, %broadcast_in_dim3A_783 : vector<24x512xi1>, vector<24x512xf32>
    %convert_element_type3A_785 = arith.truncf %select_n3A_784 : vector<24x512xf32> to vector<24x512xbf16>
    %eq3A_786 = arith.constant 20 : i32
    %eq3A_787 = vector.broadcast %eq3A_786 : i32 to vector<1x512xi32>
    %eq3A_788 = arith.cmpi eq, %slice3A_776, %eq3A_787 : vector<1x512xi32>
    %broadcast_in_dim3A_789 = vector.shape_cast %eq3A_788 : vector<1x512xi1> to vector<1x512xi1>
    %broadcast_in_dim3A_790 = vector.broadcast %broadcast_in_dim3A_789 : vector<1x512xi1> to vector<16x512xi1>
    %jit3A_791 = arith.constant -2.000000e+08 : f32
    %jit3A_792 = arith.constant 0.000000e+00 : f32
    %broadcast_in_dim3A_793 = vector.broadcast %jit3A_791 : f32 to vector<16x512xf32>
    %broadcast_in_dim3A_794 = vector.broadcast %jit3A_792 : f32 to vector<16x512xf32>
    %select_n3A_795 = arith.select %broadcast_in_dim3A_790, %broadcast_in_dim3A_793, %broadcast_in_dim3A_794 : vector<16x512xi1>, vector<16x512xf32>
    %slice3A_796 = vector.extract_strided_slice %get3A_1 {offsets = [40, 0], sizes = [1, 512], strides = [1, 1]} : vector<128x512xi32> to vector<1x512xi32>
    %broadcast_in_dim3A_797 = vector.shape_cast %slice3A_796 : vector<1x512xi32> to vector<1x512xi32>
    %broadcast_in_dim3A_798 = vector.broadcast %broadcast_in_dim3A_797 : vector<1x512xi32> to vector<24x512xi32>
    %eq3A_799 = arith.cmpi eq, %broadcast_in_dim3A_798, %iota3A : vector<24x512xi32>
    %jit3A_800 = arith.constant 1.000000e+00 : f32
    %jit3A_801 = arith.constant 0.000000e+00 : f32
    %broadcast_in_dim3A_802 = vector.broadcast %jit3A_800 : f32 to vector<24x512xf32>
    %broadcast_in_dim3A_803 = vector.broadcast %jit3A_801 : f32 to vector<24x512xf32>
    %select_n3A_804 = arith.select %eq3A_799, %broadcast_in_dim3A_802, %broadcast_in_dim3A_803 : vector<24x512xi1>, vector<24x512xf32>
    %convert_element_type3A_805 = arith.truncf %select_n3A_804 : vector<24x512xf32> to vector<24x512xbf16>
    %eq3A_806 = arith.constant 20 : i32
    %eq3A_807 = vector.broadcast %eq3A_806 : i32 to vector<1x512xi32>
    %eq3A_808 = arith.cmpi eq, %slice3A_796, %eq3A_807 : vector<1x512xi32>
    %broadcast_in_dim3A_809 = vector.shape_cast %eq3A_808 : vector<1x512xi1> to vector<1x512xi1>
    %broadcast_in_dim3A_810 = vector.broadcast %broadcast_in_dim3A_809 : vector<1x512xi1> to vector<16x512xi1>
    %jit3A_811 = arith.constant -2.000000e+08 : f32
    %jit3A_812 = arith.constant 0.000000e+00 : f32
    %broadcast_in_dim3A_813 = vector.broadcast %jit3A_811 : f32 to vector<16x512xf32>
    %broadcast_in_dim3A_814 = vector.broadcast %jit3A_812 : f32 to vector<16x512xf32>
    %select_n3A_815 = arith.select %broadcast_in_dim3A_810, %broadcast_in_dim3A_813, %broadcast_in_dim3A_814 : vector<16x512xi1>, vector<16x512xf32>
    %slice3A_816 = vector.extract_strided_slice %get3A_1 {offsets = [41, 0], sizes = [1, 512], strides = [1, 1]} : vector<128x512xi32> to vector<1x512xi32>
    %broadcast_in_dim3A_817 = vector.shape_cast %slice3A_816 : vector<1x512xi32> to vector<1x512xi32>
    %broadcast_in_dim3A_818 = vector.broadcast %broadcast_in_dim3A_817 : vector<1x512xi32> to vector<24x512xi32>
    %eq3A_819 = arith.cmpi eq, %broadcast_in_dim3A_818, %iota3A : vector<24x512xi32>
    %jit3A_820 = arith.constant 1.000000e+00 : f32
    %jit3A_821 = arith.constant 0.000000e+00 : f32
    %broadcast_in_dim3A_822 = vector.broadcast %jit3A_820 : f32 to vector<24x512xf32>
    %broadcast_in_dim3A_823 = vector.broadcast %jit3A_821 : f32 to vector<24x512xf32>
    %select_n3A_824 = arith.select %eq3A_819, %broadcast_in_dim3A_822, %broadcast_in_dim3A_823 : vector<24x512xi1>, vector<24x512xf32>
    %convert_element_type3A_825 = arith.truncf %select_n3A_824 : vector<24x512xf32> to vector<24x512xbf16>
    %eq3A_826 = arith.constant 20 : i32
    %eq3A_827 = vector.broadcast %eq3A_826 : i32 to vector<1x512xi32>
    %eq3A_828 = arith.cmpi eq, %slice3A_816, %eq3A_827 : vector<1x512xi32>
    %broadcast_in_dim3A_829 = vector.shape_cast %eq3A_828 : vector<1x512xi1> to vector<1x512xi1>
    %broadcast_in_dim3A_830 = vector.broadcast %broadcast_in_dim3A_829 : vector<1x512xi1> to vector<16x512xi1>
    %jit3A_831 = arith.constant -2.000000e+08 : f32
    %jit3A_832 = arith.constant 0.000000e+00 : f32
    %broadcast_in_dim3A_833 = vector.broadcast %jit3A_831 : f32 to vector<16x512xf32>
    %broadcast_in_dim3A_834 = vector.broadcast %jit3A_832 : f32 to vector<16x512xf32>
    %select_n3A_835 = arith.select %broadcast_in_dim3A_830, %broadcast_in_dim3A_833, %broadcast_in_dim3A_834 : vector<16x512xi1>, vector<16x512xf32>
    %slice3A_836 = vector.extract_strided_slice %get3A_1 {offsets = [42, 0], sizes = [1, 512], strides = [1, 1]} : vector<128x512xi32> to vector<1x512xi32>
    %broadcast_in_dim3A_837 = vector.shape_cast %slice3A_836 : vector<1x512xi32> to vector<1x512xi32>
    %broadcast_in_dim3A_838 = vector.broadcast %broadcast_in_dim3A_837 : vector<1x512xi32> to vector<24x512xi32>
    %eq3A_839 = arith.cmpi eq, %broadcast_in_dim3A_838, %iota3A : vector<24x512xi32>
    %jit3A_840 = arith.constant 1.000000e+00 : f32
    %jit3A_841 = arith.constant 0.000000e+00 : f32
    %broadcast_in_dim3A_842 = vector.broadcast %jit3A_840 : f32 to vector<24x512xf32>
    %broadcast_in_dim3A_843 = vector.broadcast %jit3A_841 : f32 to vector<24x512xf32>
    %select_n3A_844 = arith.select %eq3A_839, %broadcast_in_dim3A_842, %broadcast_in_dim3A_843 : vector<24x512xi1>, vector<24x512xf32>
    %convert_element_type3A_845 = arith.truncf %select_n3A_844 : vector<24x512xf32> to vector<24x512xbf16>
    %eq3A_846 = arith.constant 20 : i32
    %eq3A_847 = vector.broadcast %eq3A_846 : i32 to vector<1x512xi32>
    %eq3A_848 = arith.cmpi eq, %slice3A_836, %eq3A_847 : vector<1x512xi32>
    %broadcast_in_dim3A_849 = vector.shape_cast %eq3A_848 : vector<1x512xi1> to vector<1x512xi1>
    %broadcast_in_dim3A_850 = vector.broadcast %broadcast_in_dim3A_849 : vector<1x512xi1> to vector<16x512xi1>
    %jit3A_851 = arith.constant -2.000000e+08 : f32
    %jit3A_852 = arith.constant 0.000000e+00 : f32
    %broadcast_in_dim3A_853 = vector.broadcast %jit3A_851 : f32 to vector<16x512xf32>
    %broadcast_in_dim3A_854 = vector.broadcast %jit3A_852 : f32 to vector<16x512xf32>
    %select_n3A_855 = arith.select %broadcast_in_dim3A_850, %broadcast_in_dim3A_853, %broadcast_in_dim3A_854 : vector<16x512xi1>, vector<16x512xf32>
    %slice3A_856 = vector.extract_strided_slice %get3A_1 {offsets = [43, 0], sizes = [1, 512], strides = [1, 1]} : vector<128x512xi32> to vector<1x512xi32>
    %broadcast_in_dim3A_857 = vector.shape_cast %slice3A_856 : vector<1x512xi32> to vector<1x512xi32>
    %broadcast_in_dim3A_858 = vector.broadcast %broadcast_in_dim3A_857 : vector<1x512xi32> to vector<24x512xi32>
    %eq3A_859 = arith.cmpi eq, %broadcast_in_dim3A_858, %iota3A : vector<24x512xi32>
    %jit3A_860 = arith.constant 1.000000e+00 : f32
    %jit3A_861 = arith.constant 0.000000e+00 : f32
    %broadcast_in_dim3A_862 = vector.broadcast %jit3A_860 : f32 to vector<24x512xf32>
    %broadcast_in_dim3A_863 = vector.broadcast %jit3A_861 : f32 to vector<24x512xf32>
    %select_n3A_864 = arith.select %eq3A_859, %broadcast_in_dim3A_862, %broadcast_in_dim3A_863 : vector<24x512xi1>, vector<24x512xf32>
    %convert_element_type3A_865 = arith.truncf %select_n3A_864 : vector<24x512xf32> to vector<24x512xbf16>
    %eq3A_866 = arith.constant 20 : i32
    %eq3A_867 = vector.broadcast %eq3A_866 : i32 to vector<1x512xi32>
    %eq3A_868 = arith.cmpi eq, %slice3A_856, %eq3A_867 : vector<1x512xi32>
    %broadcast_in_dim3A_869 = vector.shape_cast %eq3A_868 : vector<1x512xi1> to vector<1x512xi1>
    %broadcast_in_dim3A_870 = vector.broadcast %broadcast_in_dim3A_869 : vector<1x512xi1> to vector<16x512xi1>
    %jit3A_871 = arith.constant -2.000000e+08 : f32
    %jit3A_872 = arith.constant 0.000000e+00 : f32
    %broadcast_in_dim3A_873 = vector.broadcast %jit3A_871 : f32 to vector<16x512xf32>
    %broadcast_in_dim3A_874 = vector.broadcast %jit3A_872 : f32 to vector<16x512xf32>
    %select_n3A_875 = arith.select %broadcast_in_dim3A_870, %broadcast_in_dim3A_873, %broadcast_in_dim3A_874 : vector<16x512xi1>, vector<16x512xf32>
    %slice3A_876 = vector.extract_strided_slice %get3A_1 {offsets = [44, 0], sizes = [1, 512], strides = [1, 1]} : vector<128x512xi32> to vector<1x512xi32>
    %broadcast_in_dim3A_877 = vector.shape_cast %slice3A_876 : vector<1x512xi32> to vector<1x512xi32>
    %broadcast_in_dim3A_878 = vector.broadcast %broadcast_in_dim3A_877 : vector<1x512xi32> to vector<24x512xi32>
    %eq3A_879 = arith.cmpi eq, %broadcast_in_dim3A_878, %iota3A : vector<24x512xi32>
    %jit3A_880 = arith.constant 1.000000e+00 : f32
    %jit3A_881 = arith.constant 0.000000e+00 : f32
    %broadcast_in_dim3A_882 = vector.broadcast %jit3A_880 : f32 to vector<24x512xf32>
    %broadcast_in_dim3A_883 = vector.broadcast %jit3A_881 : f32 to vector<24x512xf32>
    %select_n3A_884 = arith.select %eq3A_879, %broadcast_in_dim3A_882, %broadcast_in_dim3A_883 : vector<24x512xi1>, vector<24x512xf32>
    %convert_element_type3A_885 = arith.truncf %select_n3A_884 : vector<24x512xf32> to vector<24x512xbf16>
    %eq3A_886 = arith.constant 20 : i32
    %eq3A_887 = vector.broadcast %eq3A_886 : i32 to vector<1x512xi32>
    %eq3A_888 = arith.cmpi eq, %slice3A_876, %eq3A_887 : vector<1x512xi32>
    %broadcast_in_dim3A_889 = vector.shape_cast %eq3A_888 : vector<1x512xi1> to vector<1x512xi1>
    %broadcast_in_dim3A_890 = vector.broadcast %broadcast_in_dim3A_889 : vector<1x512xi1> to vector<16x512xi1>
    %jit3A_891 = arith.constant -2.000000e+08 : f32
    %jit3A_892 = arith.constant 0.000000e+00 : f32
    %broadcast_in_dim3A_893 = vector.broadcast %jit3A_891 : f32 to vector<16x512xf32>
    %broadcast_in_dim3A_894 = vector.broadcast %jit3A_892 : f32 to vector<16x512xf32>
    %select_n3A_895 = arith.select %broadcast_in_dim3A_890, %broadcast_in_dim3A_893, %broadcast_in_dim3A_894 : vector<16x512xi1>, vector<16x512xf32>
    %slice3A_896 = vector.extract_strided_slice %get3A_1 {offsets = [45, 0], sizes = [1, 512], strides = [1, 1]} : vector<128x512xi32> to vector<1x512xi32>
    %broadcast_in_dim3A_897 = vector.shape_cast %slice3A_896 : vector<1x512xi32> to vector<1x512xi32>
    %broadcast_in_dim3A_898 = vector.broadcast %broadcast_in_dim3A_897 : vector<1x512xi32> to vector<24x512xi32>
    %eq3A_899 = arith.cmpi eq, %broadcast_in_dim3A_898, %iota3A : vector<24x512xi32>
    %jit3A_900 = arith.constant 1.000000e+00 : f32
    %jit3A_901 = arith.constant 0.000000e+00 : f32
    %broadcast_in_dim3A_902 = vector.broadcast %jit3A_900 : f32 to vector<24x512xf32>
    %broadcast_in_dim3A_903 = vector.broadcast %jit3A_901 : f32 to vector<24x512xf32>
    %select_n3A_904 = arith.select %eq3A_899, %broadcast_in_dim3A_902, %broadcast_in_dim3A_903 : vector<24x512xi1>, vector<24x512xf32>
    %convert_element_type3A_905 = arith.truncf %select_n3A_904 : vector<24x512xf32> to vector<24x512xbf16>
    %eq3A_906 = arith.constant 20 : i32
    %eq3A_907 = vector.broadcast %eq3A_906 : i32 to vector<1x512xi32>
    %eq3A_908 = arith.cmpi eq, %slice3A_896, %eq3A_907 : vector<1x512xi32>
    %broadcast_in_dim3A_909 = vector.shape_cast %eq3A_908 : vector<1x512xi1> to vector<1x512xi1>
    %broadcast_in_dim3A_910 = vector.broadcast %broadcast_in_dim3A_909 : vector<1x512xi1> to vector<16x512xi1>
    %jit3A_911 = arith.constant -2.000000e+08 : f32
    %jit3A_912 = arith.constant 0.000000e+00 : f32
    %broadcast_in_dim3A_913 = vector.broadcast %jit3A_911 : f32 to vector<16x512xf32>
    %broadcast_in_dim3A_914 = vector.broadcast %jit3A_912 : f32 to vector<16x512xf32>
    %select_n3A_915 = arith.select %broadcast_in_dim3A_910, %broadcast_in_dim3A_913, %broadcast_in_dim3A_914 : vector<16x512xi1>, vector<16x512xf32>
    %slice3A_916 = vector.extract_strided_slice %get3A_1 {offsets = [46, 0], sizes = [1, 512], strides = [1, 1]} : vector<128x512xi32> to vector<1x512xi32>
    %broadcast_in_dim3A_917 = vector.shape_cast %slice3A_916 : vector<1x512xi32> to vector<1x512xi32>
    %broadcast_in_dim3A_918 = vector.broadcast %broadcast_in_dim3A_917 : vector<1x512xi32> to vector<24x512xi32>
    %eq3A_919 = arith.cmpi eq, %broadcast_in_dim3A_918, %iota3A : vector<24x512xi32>
    %jit3A_920 = arith.constant 1.000000e+00 : f32
    %jit3A_921 = arith.constant 0.000000e+00 : f32
    %broadcast_in_dim3A_922 = vector.broadcast %jit3A_920 : f32 to vector<24x512xf32>
    %broadcast_in_dim3A_923 = vector.broadcast %jit3A_921 : f32 to vector<24x512xf32>
    %select_n3A_924 = arith.select %eq3A_919, %broadcast_in_dim3A_922, %broadcast_in_dim3A_923 : vector<24x512xi1>, vector<24x512xf32>
    %convert_element_type3A_925 = arith.truncf %select_n3A_924 : vector<24x512xf32> to vector<24x512xbf16>
    %eq3A_926 = arith.constant 20 : i32
    %eq3A_927 = vector.broadcast %eq3A_926 : i32 to vector<1x512xi32>
    %eq3A_928 = arith.cmpi eq, %slice3A_916, %eq3A_927 : vector<1x512xi32>
    %broadcast_in_dim3A_929 = vector.shape_cast %eq3A_928 : vector<1x512xi1> to vector<1x512xi1>
    %broadcast_in_dim3A_930 = vector.broadcast %broadcast_in_dim3A_929 : vector<1x512xi1> to vector<16x512xi1>
    %jit3A_931 = arith.constant -2.000000e+08 : f32
    %jit3A_932 = arith.constant 0.000000e+00 : f32
    %broadcast_in_dim3A_933 = vector.broadcast %jit3A_931 : f32 to vector<16x512xf32>
    %broadcast_in_dim3A_934 = vector.broadcast %jit3A_932 : f32 to vector<16x512xf32>
    %select_n3A_935 = arith.select %broadcast_in_dim3A_930, %broadcast_in_dim3A_933, %broadcast_in_dim3A_934 : vector<16x512xi1>, vector<16x512xf32>
    %slice3A_936 = vector.extract_strided_slice %get3A_1 {offsets = [47, 0], sizes = [1, 512], strides = [1, 1]} : vector<128x512xi32> to vector<1x512xi32>
    %broadcast_in_dim3A_937 = vector.shape_cast %slice3A_936 : vector<1x512xi32> to vector<1x512xi32>
    %broadcast_in_dim3A_938 = vector.broadcast %broadcast_in_dim3A_937 : vector<1x512xi32> to vector<24x512xi32>
    %eq3A_939 = arith.cmpi eq, %broadcast_in_dim3A_938, %iota3A : vector<24x512xi32>
    %jit3A_940 = arith.constant 1.000000e+00 : f32
    %jit3A_941 = arith.constant 0.000000e+00 : f32
    %broadcast_in_dim3A_942 = vector.broadcast %jit3A_940 : f32 to vector<24x512xf32>
    %broadcast_in_dim3A_943 = vector.broadcast %jit3A_941 : f32 to vector<24x512xf32>
    %select_n3A_944 = arith.select %eq3A_939, %broadcast_in_dim3A_942, %broadcast_in_dim3A_943 : vector<24x512xi1>, vector<24x512xf32>
    %convert_element_type3A_945 = arith.truncf %select_n3A_944 : vector<24x512xf32> to vector<24x512xbf16>
    %eq3A_946 = arith.constant 20 : i32
    %eq3A_947 = vector.broadcast %eq3A_946 : i32 to vector<1x512xi32>
    %eq3A_948 = arith.cmpi eq, %slice3A_936, %eq3A_947 : vector<1x512xi32>
    %broadcast_in_dim3A_949 = vector.shape_cast %eq3A_948 : vector<1x512xi1> to vector<1x512xi1>
    %broadcast_in_dim3A_950 = vector.broadcast %broadcast_in_dim3A_949 : vector<1x512xi1> to vector<16x512xi1>
    %jit3A_951 = arith.constant -2.000000e+08 : f32
    %jit3A_952 = arith.constant 0.000000e+00 : f32
    %broadcast_in_dim3A_953 = vector.broadcast %jit3A_951 : f32 to vector<16x512xf32>
    %broadcast_in_dim3A_954 = vector.broadcast %jit3A_952 : f32 to vector<16x512xf32>
    %select_n3A_955 = arith.select %broadcast_in_dim3A_950, %broadcast_in_dim3A_953, %broadcast_in_dim3A_954 : vector<16x512xi1>, vector<16x512xf32>
    %slice3A_956 = vector.extract_strided_slice %get3A_1 {offsets = [48, 0], sizes = [1, 512], strides = [1, 1]} : vector<128x512xi32> to vector<1x512xi32>
    %broadcast_in_dim3A_957 = vector.shape_cast %slice3A_956 : vector<1x512xi32> to vector<1x512xi32>
    %broadcast_in_dim3A_958 = vector.broadcast %broadcast_in_dim3A_957 : vector<1x512xi32> to vector<24x512xi32>
    %eq3A_959 = arith.cmpi eq, %broadcast_in_dim3A_958, %iota3A : vector<24x512xi32>
    %jit3A_960 = arith.constant 1.000000e+00 : f32
    %jit3A_961 = arith.constant 0.000000e+00 : f32
    %broadcast_in_dim3A_962 = vector.broadcast %jit3A_960 : f32 to vector<24x512xf32>
    %broadcast_in_dim3A_963 = vector.broadcast %jit3A_961 : f32 to vector<24x512xf32>
    %select_n3A_964 = arith.select %eq3A_959, %broadcast_in_dim3A_962, %broadcast_in_dim3A_963 : vector<24x512xi1>, vector<24x512xf32>
    %convert_element_type3A_965 = arith.truncf %select_n3A_964 : vector<24x512xf32> to vector<24x512xbf16>
    %eq3A_966 = arith.constant 20 : i32
    %eq3A_967 = vector.broadcast %eq3A_966 : i32 to vector<1x512xi32>
    %eq3A_968 = arith.cmpi eq, %slice3A_956, %eq3A_967 : vector<1x512xi32>
    %broadcast_in_dim3A_969 = vector.shape_cast %eq3A_968 : vector<1x512xi1> to vector<1x512xi1>
    %broadcast_in_dim3A_970 = vector.broadcast %broadcast_in_dim3A_969 : vector<1x512xi1> to vector<16x512xi1>
    %jit3A_971 = arith.constant -2.000000e+08 : f32
    %jit3A_972 = arith.constant 0.000000e+00 : f32
    %broadcast_in_dim3A_973 = vector.broadcast %jit3A_971 : f32 to vector<16x512xf32>
    %broadcast_in_dim3A_974 = vector.broadcast %jit3A_972 : f32 to vector<16x512xf32>
    %select_n3A_975 = arith.select %broadcast_in_dim3A_970, %broadcast_in_dim3A_973, %broadcast_in_dim3A_974 : vector<16x512xi1>, vector<16x512xf32>
    %slice3A_976 = vector.extract_strided_slice %get3A_1 {offsets = [49, 0], sizes = [1, 512], strides = [1, 1]} : vector<128x512xi32> to vector<1x512xi32>
    %broadcast_in_dim3A_977 = vector.shape_cast %slice3A_976 : vector<1x512xi32> to vector<1x512xi32>
    %broadcast_in_dim3A_978 = vector.broadcast %broadcast_in_dim3A_977 : vector<1x512xi32> to vector<24x512xi32>
    %eq3A_979 = arith.cmpi eq, %broadcast_in_dim3A_978, %iota3A : vector<24x512xi32>
    %jit3A_980 = arith.constant 1.000000e+00 : f32
    %jit3A_981 = arith.constant 0.000000e+00 : f32
    %broadcast_in_dim3A_982 = vector.broadcast %jit3A_980 : f32 to vector<24x512xf32>
    %broadcast_in_dim3A_983 = vector.broadcast %jit3A_981 : f32 to vector<24x512xf32>
    %select_n3A_984 = arith.select %eq3A_979, %broadcast_in_dim3A_982, %broadcast_in_dim3A_983 : vector<24x512xi1>, vector<24x512xf32>
    %convert_element_type3A_985 = arith.truncf %select_n3A_984 : vector<24x512xf32> to vector<24x512xbf16>
    %eq3A_986 = arith.constant 20 : i32
    %eq3A_987 = vector.broadcast %eq3A_986 : i32 to vector<1x512xi32>
    %eq3A_988 = arith.cmpi eq, %slice3A_976, %eq3A_987 : vector<1x512xi32>
    %broadcast_in_dim3A_989 = vector.shape_cast %eq3A_988 : vector<1x512xi1> to vector<1x512xi1>
    %broadcast_in_dim3A_990 = vector.broadcast %broadcast_in_dim3A_989 : vector<1x512xi1> to vector<16x512xi1>
    %jit3A_991 = arith.constant -2.000000e+08 : f32
    %jit3A_992 = arith.constant 0.000000e+00 : f32
    %broadcast_in_dim3A_993 = vector.broadcast %jit3A_991 : f32 to vector<16x512xf32>
    %broadcast_in_dim3A_994 = vector.broadcast %jit3A_992 : f32 to vector<16x512xf32>
    %select_n3A_995 = arith.select %broadcast_in_dim3A_990, %broadcast_in_dim3A_993, %broadcast_in_dim3A_994 : vector<16x512xi1>, vector<16x512xf32>
    %slice3A_996 = vector.extract_strided_slice %get3A_1 {offsets = [50, 0], sizes = [1, 512], strides = [1, 1]} : vector<128x512xi32> to vector<1x512xi32>
    %broadcast_in_dim3A_997 = vector.shape_cast %slice3A_996 : vector<1x512xi32> to vector<1x512xi32>
    %broadcast_in_dim3A_998 = vector.broadcast %broadcast_in_dim3A_997 : vector<1x512xi32> to vector<24x512xi32>
    %eq3A_999 = arith.cmpi eq, %broadcast_in_dim3A_998, %iota3A : vector<24x512xi32>
    %jit3A_1000 = arith.constant 1.000000e+00 : f32
    %jit3A_1001 = arith.constant 0.000000e+00 : f32
    %broadcast_in_dim3A_1002 = vector.broadcast %jit3A_1000 : f32 to vector<24x512xf32>
    %broadcast_in_dim3A_1003 = vector.broadcast %jit3A_1001 : f32 to vector<24x512xf32>
    %select_n3A_1004 = arith.select %eq3A_999, %broadcast_in_dim3A_1002, %broadcast_in_dim3A_1003 : vector<24x512xi1>, vector<24x512xf32>
    %convert_element_type3A_1005 = arith.truncf %select_n3A_1004 : vector<24x512xf32> to vector<24x512xbf16>
    %eq3A_1006 = arith.constant 20 : i32
    %eq3A_1007 = vector.broadcast %eq3A_1006 : i32 to vector<1x512xi32>
    %eq3A_1008 = arith.cmpi eq, %slice3A_996, %eq3A_1007 : vector<1x512xi32>
    %broadcast_in_dim3A_1009 = vector.shape_cast %eq3A_1008 : vector<1x512xi1> to vector<1x512xi1>
    %broadcast_in_dim3A_1010 = vector.broadcast %broadcast_in_dim3A_1009 : vector<1x512xi1> to vector<16x512xi1>
    %jit3A_1011 = arith.constant -2.000000e+08 : f32
    %jit3A_1012 = arith.constant 0.000000e+00 : f32
    %broadcast_in_dim3A_1013 = vector.broadcast %jit3A_1011 : f32 to vector<16x512xf32>
    %broadcast_in_dim3A_1014 = vector.broadcast %jit3A_1012 : f32 to vector<16x512xf32>
    %select_n3A_1015 = arith.select %broadcast_in_dim3A_1010, %broadcast_in_dim3A_1013, %broadcast_in_dim3A_1014 : vector<16x512xi1>, vector<16x512xf32>
    %slice3A_1016 = vector.extract_strided_slice %get3A_1 {offsets = [51, 0], sizes = [1, 512], strides = [1, 1]} : vector<128x512xi32> to vector<1x512xi32>
    %broadcast_in_dim3A_1017 = vector.shape_cast %slice3A_1016 : vector<1x512xi32> to vector<1x512xi32>
    %broadcast_in_dim3A_1018 = vector.broadcast %broadcast_in_dim3A_1017 : vector<1x512xi32> to vector<24x512xi32>
    %eq3A_1019 = arith.cmpi eq, %broadcast_in_dim3A_1018, %iota3A : vector<24x512xi32>
    %jit3A_1020 = arith.constant 1.000000e+00 : f32
    %jit3A_1021 = arith.constant 0.000000e+00 : f32
    %broadcast_in_dim3A_1022 = vector.broadcast %jit3A_1020 : f32 to vector<24x512xf32>
    %broadcast_in_dim3A_1023 = vector.broadcast %jit3A_1021 : f32 to vector<24x512xf32>
    %select_n3A_1024 = arith.select %eq3A_1019, %broadcast_in_dim3A_1022, %broadcast_in_dim3A_1023 : vector<24x512xi1>, vector<24x512xf32>
    %convert_element_type3A_1025 = arith.truncf %select_n3A_1024 : vector<24x512xf32> to vector<24x512xbf16>
    %eq3A_1026 = arith.constant 20 : i32
    %eq3A_1027 = vector.broadcast %eq3A_1026 : i32 to vector<1x512xi32>
    %eq3A_1028 = arith.cmpi eq, %slice3A_1016, %eq3A_1027 : vector<1x512xi32>
    %broadcast_in_dim3A_1029 = vector.shape_cast %eq3A_1028 : vector<1x512xi1> to vector<1x512xi1>
    %broadcast_in_dim3A_1030 = vector.broadcast %broadcast_in_dim3A_1029 : vector<1x512xi1> to vector<16x512xi1>
    %jit3A_1031 = arith.constant -2.000000e+08 : f32
    %jit3A_1032 = arith.constant 0.000000e+00 : f32
    %broadcast_in_dim3A_1033 = vector.broadcast %jit3A_1031 : f32 to vector<16x512xf32>
    %broadcast_in_dim3A_1034 = vector.broadcast %jit3A_1032 : f32 to vector<16x512xf32>
    %select_n3A_1035 = arith.select %broadcast_in_dim3A_1030, %broadcast_in_dim3A_1033, %broadcast_in_dim3A_1034 : vector<16x512xi1>, vector<16x512xf32>
    %slice3A_1036 = vector.extract_strided_slice %get3A_1 {offsets = [52, 0], sizes = [1, 512], strides = [1, 1]} : vector<128x512xi32> to vector<1x512xi32>
    %broadcast_in_dim3A_1037 = vector.shape_cast %slice3A_1036 : vector<1x512xi32> to vector<1x512xi32>
    %broadcast_in_dim3A_1038 = vector.broadcast %broadcast_in_dim3A_1037 : vector<1x512xi32> to vector<24x512xi32>
    %eq3A_1039 = arith.cmpi eq, %broadcast_in_dim3A_1038, %iota3A : vector<24x512xi32>
    %jit3A_1040 = arith.constant 1.000000e+00 : f32
    %jit3A_1041 = arith.constant 0.000000e+00 : f32
    %broadcast_in_dim3A_1042 = vector.broadcast %jit3A_1040 : f32 to vector<24x512xf32>
    %broadcast_in_dim3A_1043 = vector.broadcast %jit3A_1041 : f32 to vector<24x512xf32>
    %select_n3A_1044 = arith.select %eq3A_1039, %broadcast_in_dim3A_1042, %broadcast_in_dim3A_1043 : vector<24x512xi1>, vector<24x512xf32>
    %convert_element_type3A_1045 = arith.truncf %select_n3A_1044 : vector<24x512xf32> to vector<24x512xbf16>
    %eq3A_1046 = arith.constant 20 : i32
    %eq3A_1047 = vector.broadcast %eq3A_1046 : i32 to vector<1x512xi32>
    %eq3A_1048 = arith.cmpi eq, %slice3A_1036, %eq3A_1047 : vector<1x512xi32>
    %broadcast_in_dim3A_1049 = vector.shape_cast %eq3A_1048 : vector<1x512xi1> to vector<1x512xi1>
    %broadcast_in_dim3A_1050 = vector.broadcast %broadcast_in_dim3A_1049 : vector<1x512xi1> to vector<16x512xi1>
    %jit3A_1051 = arith.constant -2.000000e+08 : f32
    %jit3A_1052 = arith.constant 0.000000e+00 : f32
    %broadcast_in_dim3A_1053 = vector.broadcast %jit3A_1051 : f32 to vector<16x512xf32>
    %broadcast_in_dim3A_1054 = vector.broadcast %jit3A_1052 : f32 to vector<16x512xf32>
    %select_n3A_1055 = arith.select %broadcast_in_dim3A_1050, %broadcast_in_dim3A_1053, %broadcast_in_dim3A_1054 : vector<16x512xi1>, vector<16x512xf32>
    %slice3A_1056 = vector.extract_strided_slice %get3A_1 {offsets = [53, 0], sizes = [1, 512], strides = [1, 1]} : vector<128x512xi32> to vector<1x512xi32>
    %broadcast_in_dim3A_1057 = vector.shape_cast %slice3A_1056 : vector<1x512xi32> to vector<1x512xi32>
    %broadcast_in_dim3A_1058 = vector.broadcast %broadcast_in_dim3A_1057 : vector<1x512xi32> to vector<24x512xi32>
    %eq3A_1059 = arith.cmpi eq, %broadcast_in_dim3A_1058, %iota3A : vector<24x512xi32>
    %jit3A_1060 = arith.constant 1.000000e+00 : f32
    %jit3A_1061 = arith.constant 0.000000e+00 : f32
    %broadcast_in_dim3A_1062 = vector.broadcast %jit3A_1060 : f32 to vector<24x512xf32>
    %broadcast_in_dim3A_1063 = vector.broadcast %jit3A_1061 : f32 to vector<24x512xf32>
    %select_n3A_1064 = arith.select %eq3A_1059, %broadcast_in_dim3A_1062, %broadcast_in_dim3A_1063 : vector<24x512xi1>, vector<24x512xf32>
    %convert_element_type3A_1065 = arith.truncf %select_n3A_1064 : vector<24x512xf32> to vector<24x512xbf16>
    %eq3A_1066 = arith.constant 20 : i32
    %eq3A_1067 = vector.broadcast %eq3A_1066 : i32 to vector<1x512xi32>
    %eq3A_1068 = arith.cmpi eq, %slice3A_1056, %eq3A_1067 : vector<1x512xi32>
    %broadcast_in_dim3A_1069 = vector.shape_cast %eq3A_1068 : vector<1x512xi1> to vector<1x512xi1>
    %broadcast_in_dim3A_1070 = vector.broadcast %broadcast_in_dim3A_1069 : vector<1x512xi1> to vector<16x512xi1>
    %jit3A_1071 = arith.constant -2.000000e+08 : f32
    %jit3A_1072 = arith.constant 0.000000e+00 : f32
    %broadcast_in_dim3A_1073 = vector.broadcast %jit3A_1071 : f32 to vector<16x512xf32>
    %broadcast_in_dim3A_1074 = vector.broadcast %jit3A_1072 : f32 to vector<16x512xf32>
    %select_n3A_1075 = arith.select %broadcast_in_dim3A_1070, %broadcast_in_dim3A_1073, %broadcast_in_dim3A_1074 : vector<16x512xi1>, vector<16x512xf32>
    %slice3A_1076 = vector.extract_strided_slice %get3A_1 {offsets = [54, 0], sizes = [1, 512], strides = [1, 1]} : vector<128x512xi32> to vector<1x512xi32>
    %broadcast_in_dim3A_1077 = vector.shape_cast %slice3A_1076 : vector<1x512xi32> to vector<1x512xi32>
    %broadcast_in_dim3A_1078 = vector.broadcast %broadcast_in_dim3A_1077 : vector<1x512xi32> to vector<24x512xi32>
    %eq3A_1079 = arith.cmpi eq, %broadcast_in_dim3A_1078, %iota3A : vector<24x512xi32>
    %jit3A_1080 = arith.constant 1.000000e+00 : f32
    %jit3A_1081 = arith.constant 0.000000e+00 : f32
    %broadcast_in_dim3A_1082 = vector.broadcast %jit3A_1080 : f32 to vector<24x512xf32>
    %broadcast_in_dim3A_1083 = vector.broadcast %jit3A_1081 : f32 to vector<24x512xf32>
    %select_n3A_1084 = arith.select %eq3A_1079, %broadcast_in_dim3A_1082, %broadcast_in_dim3A_1083 : vector<24x512xi1>, vector<24x512xf32>
    %convert_element_type3A_1085 = arith.truncf %select_n3A_1084 : vector<24x512xf32> to vector<24x512xbf16>
    %eq3A_1086 = arith.constant 20 : i32
    %eq3A_1087 = vector.broadcast %eq3A_1086 : i32 to vector<1x512xi32>
    %eq3A_1088 = arith.cmpi eq, %slice3A_1076, %eq3A_1087 : vector<1x512xi32>
    %broadcast_in_dim3A_1089 = vector.shape_cast %eq3A_1088 : vector<1x512xi1> to vector<1x512xi1>
    %broadcast_in_dim3A_1090 = vector.broadcast %broadcast_in_dim3A_1089 : vector<1x512xi1> to vector<16x512xi1>
    %jit3A_1091 = arith.constant -2.000000e+08 : f32
    %jit3A_1092 = arith.constant 0.000000e+00 : f32
    %broadcast_in_dim3A_1093 = vector.broadcast %jit3A_1091 : f32 to vector<16x512xf32>
    %broadcast_in_dim3A_1094 = vector.broadcast %jit3A_1092 : f32 to vector<16x512xf32>
    %select_n3A_1095 = arith.select %broadcast_in_dim3A_1090, %broadcast_in_dim3A_1093, %broadcast_in_dim3A_1094 : vector<16x512xi1>, vector<16x512xf32>
    %slice3A_1096 = vector.extract_strided_slice %get3A_1 {offsets = [55, 0], sizes = [1, 512], strides = [1, 1]} : vector<128x512xi32> to vector<1x512xi32>
    %broadcast_in_dim3A_1097 = vector.shape_cast %slice3A_1096 : vector<1x512xi32> to vector<1x512xi32>
    %broadcast_in_dim3A_1098 = vector.broadcast %broadcast_in_dim3A_1097 : vector<1x512xi32> to vector<24x512xi32>
    %eq3A_1099 = arith.cmpi eq, %broadcast_in_dim3A_1098, %iota3A : vector<24x512xi32>
    %jit3A_1100 = arith.constant 1.000000e+00 : f32
    %jit3A_1101 = arith.constant 0.000000e+00 : f32
    %broadcast_in_dim3A_1102 = vector.broadcast %jit3A_1100 : f32 to vector<24x512xf32>
    %broadcast_in_dim3A_1103 = vector.broadcast %jit3A_1101 : f32 to vector<24x512xf32>
    %select_n3A_1104 = arith.select %eq3A_1099, %broadcast_in_dim3A_1102, %broadcast_in_dim3A_1103 : vector<24x512xi1>, vector<24x512xf32>
    %convert_element_type3A_1105 = arith.truncf %select_n3A_1104 : vector<24x512xf32> to vector<24x512xbf16>
    %eq3A_1106 = arith.constant 20 : i32
    %eq3A_1107 = vector.broadcast %eq3A_1106 : i32 to vector<1x512xi32>
    %eq3A_1108 = arith.cmpi eq, %slice3A_1096, %eq3A_1107 : vector<1x512xi32>
    %broadcast_in_dim3A_1109 = vector.shape_cast %eq3A_1108 : vector<1x512xi1> to vector<1x512xi1>
    %broadcast_in_dim3A_1110 = vector.broadcast %broadcast_in_dim3A_1109 : vector<1x512xi1> to vector<16x512xi1>
    %jit3A_1111 = arith.constant -2.000000e+08 : f32
    %jit3A_1112 = arith.constant 0.000000e+00 : f32
    %broadcast_in_dim3A_1113 = vector.broadcast %jit3A_1111 : f32 to vector<16x512xf32>
    %broadcast_in_dim3A_1114 = vector.broadcast %jit3A_1112 : f32 to vector<16x512xf32>
    %select_n3A_1115 = arith.select %broadcast_in_dim3A_1110, %broadcast_in_dim3A_1113, %broadcast_in_dim3A_1114 : vector<16x512xi1>, vector<16x512xf32>
    %slice3A_1116 = vector.extract_strided_slice %get3A_1 {offsets = [56, 0], sizes = [1, 512], strides = [1, 1]} : vector<128x512xi32> to vector<1x512xi32>
    %broadcast_in_dim3A_1117 = vector.shape_cast %slice3A_1116 : vector<1x512xi32> to vector<1x512xi32>
    %broadcast_in_dim3A_1118 = vector.broadcast %broadcast_in_dim3A_1117 : vector<1x512xi32> to vector<24x512xi32>
    %eq3A_1119 = arith.cmpi eq, %broadcast_in_dim3A_1118, %iota3A : vector<24x512xi32>
    %jit3A_1120 = arith.constant 1.000000e+00 : f32
    %jit3A_1121 = arith.constant 0.000000e+00 : f32
    %broadcast_in_dim3A_1122 = vector.broadcast %jit3A_1120 : f32 to vector<24x512xf32>
    %broadcast_in_dim3A_1123 = vector.broadcast %jit3A_1121 : f32 to vector<24x512xf32>
    %select_n3A_1124 = arith.select %eq3A_1119, %broadcast_in_dim3A_1122, %broadcast_in_dim3A_1123 : vector<24x512xi1>, vector<24x512xf32>
    %convert_element_type3A_1125 = arith.truncf %select_n3A_1124 : vector<24x512xf32> to vector<24x512xbf16>
    %eq3A_1126 = arith.constant 20 : i32
    %eq3A_1127 = vector.broadcast %eq3A_1126 : i32 to vector<1x512xi32>
    %eq3A_1128 = arith.cmpi eq, %slice3A_1116, %eq3A_1127 : vector<1x512xi32>
    %broadcast_in_dim3A_1129 = vector.shape_cast %eq3A_1128 : vector<1x512xi1> to vector<1x512xi1>
    %broadcast_in_dim3A_1130 = vector.broadcast %broadcast_in_dim3A_1129 : vector<1x512xi1> to vector<16x512xi1>
    %jit3A_1131 = arith.constant -2.000000e+08 : f32
    %jit3A_1132 = arith.constant 0.000000e+00 : f32
    %broadcast_in_dim3A_1133 = vector.broadcast %jit3A_1131 : f32 to vector<16x512xf32>
    %broadcast_in_dim3A_1134 = vector.broadcast %jit3A_1132 : f32 to vector<16x512xf32>
    %select_n3A_1135 = arith.select %broadcast_in_dim3A_1130, %broadcast_in_dim3A_1133, %broadcast_in_dim3A_1134 : vector<16x512xi1>, vector<16x512xf32>
    %slice3A_1136 = vector.extract_strided_slice %get3A_1 {offsets = [57, 0], sizes = [1, 512], strides = [1, 1]} : vector<128x512xi32> to vector<1x512xi32>
    %broadcast_in_dim3A_1137 = vector.shape_cast %slice3A_1136 : vector<1x512xi32> to vector<1x512xi32>
    %broadcast_in_dim3A_1138 = vector.broadcast %broadcast_in_dim3A_1137 : vector<1x512xi32> to vector<24x512xi32>
    %eq3A_1139 = arith.cmpi eq, %broadcast_in_dim3A_1138, %iota3A : vector<24x512xi32>
    %jit3A_1140 = arith.constant 1.000000e+00 : f32
    %jit3A_1141 = arith.constant 0.000000e+00 : f32
    %broadcast_in_dim3A_1142 = vector.broadcast %jit3A_1140 : f32 to vector<24x512xf32>
    %broadcast_in_dim3A_1143 = vector.broadcast %jit3A_1141 : f32 to vector<24x512xf32>
    %select_n3A_1144 = arith.select %eq3A_1139, %broadcast_in_dim3A_1142, %broadcast_in_dim3A_1143 : vector<24x512xi1>, vector<24x512xf32>
    %convert_element_type3A_1145 = arith.truncf %select_n3A_1144 : vector<24x512xf32> to vector<24x512xbf16>
    %eq3A_1146 = arith.constant 20 : i32
    %eq3A_1147 = vector.broadcast %eq3A_1146 : i32 to vector<1x512xi32>
    %eq3A_1148 = arith.cmpi eq, %slice3A_1136, %eq3A_1147 : vector<1x512xi32>
    %broadcast_in_dim3A_1149 = vector.shape_cast %eq3A_1148 : vector<1x512xi1> to vector<1x512xi1>
    %broadcast_in_dim3A_1150 = vector.broadcast %broadcast_in_dim3A_1149 : vector<1x512xi1> to vector<16x512xi1>
    %jit3A_1151 = arith.constant -2.000000e+08 : f32
    %jit3A_1152 = arith.constant 0.000000e+00 : f32
    %broadcast_in_dim3A_1153 = vector.broadcast %jit3A_1151 : f32 to vector<16x512xf32>
    %broadcast_in_dim3A_1154 = vector.broadcast %jit3A_1152 : f32 to vector<16x512xf32>
    %select_n3A_1155 = arith.select %broadcast_in_dim3A_1150, %broadcast_in_dim3A_1153, %broadcast_in_dim3A_1154 : vector<16x512xi1>, vector<16x512xf32>
    %slice3A_1156 = vector.extract_strided_slice %get3A_1 {offsets = [58, 0], sizes = [1, 512], strides = [1, 1]} : vector<128x512xi32> to vector<1x512xi32>
    %broadcast_in_dim3A_1157 = vector.shape_cast %slice3A_1156 : vector<1x512xi32> to vector<1x512xi32>
    %broadcast_in_dim3A_1158 = vector.broadcast %broadcast_in_dim3A_1157 : vector<1x512xi32> to vector<24x512xi32>
    %eq3A_1159 = arith.cmpi eq, %broadcast_in_dim3A_1158, %iota3A : vector<24x512xi32>
    %jit3A_1160 = arith.constant 1.000000e+00 : f32
    %jit3A_1161 = arith.constant 0.000000e+00 : f32
    %broadcast_in_dim3A_1162 = vector.broadcast %jit3A_1160 : f32 to vector<24x512xf32>
    %broadcast_in_dim3A_1163 = vector.broadcast %jit3A_1161 : f32 to vector<24x512xf32>
    %select_n3A_1164 = arith.select %eq3A_1159, %broadcast_in_dim3A_1162, %broadcast_in_dim3A_1163 : vector<24x512xi1>, vector<24x512xf32>
    %convert_element_type3A_1165 = arith.truncf %select_n3A_1164 : vector<24x512xf32> to vector<24x512xbf16>
    %eq3A_1166 = arith.constant 20 : i32
    %eq3A_1167 = vector.broadcast %eq3A_1166 : i32 to vector<1x512xi32>
    %eq3A_1168 = arith.cmpi eq, %slice3A_1156, %eq3A_1167 : vector<1x512xi32>
    %broadcast_in_dim3A_1169 = vector.shape_cast %eq3A_1168 : vector<1x512xi1> to vector<1x512xi1>
    %broadcast_in_dim3A_1170 = vector.broadcast %broadcast_in_dim3A_1169 : vector<1x512xi1> to vector<16x512xi1>
    %jit3A_1171 = arith.constant -2.000000e+08 : f32
    %jit3A_1172 = arith.constant 0.000000e+00 : f32
    %broadcast_in_dim3A_1173 = vector.broadcast %jit3A_1171 : f32 to vector<16x512xf32>
    %broadcast_in_dim3A_1174 = vector.broadcast %jit3A_1172 : f32 to vector<16x512xf32>
    %select_n3A_1175 = arith.select %broadcast_in_dim3A_1170, %broadcast_in_dim3A_1173, %broadcast_in_dim3A_1174 : vector<16x512xi1>, vector<16x512xf32>
    %slice3A_1176 = vector.extract_strided_slice %get3A_1 {offsets = [59, 0], sizes = [1, 512], strides = [1, 1]} : vector<128x512xi32> to vector<1x512xi32>
    %broadcast_in_dim3A_1177 = vector.shape_cast %slice3A_1176 : vector<1x512xi32> to vector<1x512xi32>
    %broadcast_in_dim3A_1178 = vector.broadcast %broadcast_in_dim3A_1177 : vector<1x512xi32> to vector<24x512xi32>
    %eq3A_1179 = arith.cmpi eq, %broadcast_in_dim3A_1178, %iota3A : vector<24x512xi32>
    %jit3A_1180 = arith.constant 1.000000e+00 : f32
    %jit3A_1181 = arith.constant 0.000000e+00 : f32
    %broadcast_in_dim3A_1182 = vector.broadcast %jit3A_1180 : f32 to vector<24x512xf32>
    %broadcast_in_dim3A_1183 = vector.broadcast %jit3A_1181 : f32 to vector<24x512xf32>
    %select_n3A_1184 = arith.select %eq3A_1179, %broadcast_in_dim3A_1182, %broadcast_in_dim3A_1183 : vector<24x512xi1>, vector<24x512xf32>
    %convert_element_type3A_1185 = arith.truncf %select_n3A_1184 : vector<24x512xf32> to vector<24x512xbf16>
    %eq3A_1186 = arith.constant 20 : i32
    %eq3A_1187 = vector.broadcast %eq3A_1186 : i32 to vector<1x512xi32>
    %eq3A_1188 = arith.cmpi eq, %slice3A_1176, %eq3A_1187 : vector<1x512xi32>
    %broadcast_in_dim3A_1189 = vector.shape_cast %eq3A_1188 : vector<1x512xi1> to vector<1x512xi1>
    %broadcast_in_dim3A_1190 = vector.broadcast %broadcast_in_dim3A_1189 : vector<1x512xi1> to vector<16x512xi1>
    %jit3A_1191 = arith.constant -2.000000e+08 : f32
    %jit3A_1192 = arith.constant 0.000000e+00 : f32
    %broadcast_in_dim3A_1193 = vector.broadcast %jit3A_1191 : f32 to vector<16x512xf32>
    %broadcast_in_dim3A_1194 = vector.broadcast %jit3A_1192 : f32 to vector<16x512xf32>
    %select_n3A_1195 = arith.select %broadcast_in_dim3A_1190, %broadcast_in_dim3A_1193, %broadcast_in_dim3A_1194 : vector<16x512xi1>, vector<16x512xf32>
    %slice3A_1196 = vector.extract_strided_slice %get3A_1 {offsets = [60, 0], sizes = [1, 512], strides = [1, 1]} : vector<128x512xi32> to vector<1x512xi32>
    %broadcast_in_dim3A_1197 = vector.shape_cast %slice3A_1196 : vector<1x512xi32> to vector<1x512xi32>
    %broadcast_in_dim3A_1198 = vector.broadcast %broadcast_in_dim3A_1197 : vector<1x512xi32> to vector<24x512xi32>
    %eq3A_1199 = arith.cmpi eq, %broadcast_in_dim3A_1198, %iota3A : vector<24x512xi32>
    %jit3A_1200 = arith.constant 1.000000e+00 : f32
    %jit3A_1201 = arith.constant 0.000000e+00 : f32
    %broadcast_in_dim3A_1202 = vector.broadcast %jit3A_1200 : f32 to vector<24x512xf32>
    %broadcast_in_dim3A_1203 = vector.broadcast %jit3A_1201 : f32 to vector<24x512xf32>
    %select_n3A_1204 = arith.select %eq3A_1199, %broadcast_in_dim3A_1202, %broadcast_in_dim3A_1203 : vector<24x512xi1>, vector<24x512xf32>
    %convert_element_type3A_1205 = arith.truncf %select_n3A_1204 : vector<24x512xf32> to vector<24x512xbf16>
    %eq3A_1206 = arith.constant 20 : i32
    %eq3A_1207 = vector.broadcast %eq3A_1206 : i32 to vector<1x512xi32>
    %eq3A_1208 = arith.cmpi eq, %slice3A_1196, %eq3A_1207 : vector<1x512xi32>
    %broadcast_in_dim3A_1209 = vector.shape_cast %eq3A_1208 : vector<1x512xi1> to vector<1x512xi1>
    %broadcast_in_dim3A_1210 = vector.broadcast %broadcast_in_dim3A_1209 : vector<1x512xi1> to vector<16x512xi1>
    %jit3A_1211 = arith.constant -2.000000e+08 : f32
    %jit3A_1212 = arith.constant 0.000000e+00 : f32
    %broadcast_in_dim3A_1213 = vector.broadcast %jit3A_1211 : f32 to vector<16x512xf32>
    %broadcast_in_dim3A_1214 = vector.broadcast %jit3A_1212 : f32 to vector<16x512xf32>
    %select_n3A_1215 = arith.select %broadcast_in_dim3A_1210, %broadcast_in_dim3A_1213, %broadcast_in_dim3A_1214 : vector<16x512xi1>, vector<16x512xf32>
    %slice3A_1216 = vector.extract_strided_slice %get3A_1 {offsets = [61, 0], sizes = [1, 512], strides = [1, 1]} : vector<128x512xi32> to vector<1x512xi32>
    %broadcast_in_dim3A_1217 = vector.shape_cast %slice3A_1216 : vector<1x512xi32> to vector<1x512xi32>
    %broadcast_in_dim3A_1218 = vector.broadcast %broadcast_in_dim3A_1217 : vector<1x512xi32> to vector<24x512xi32>
    %eq3A_1219 = arith.cmpi eq, %broadcast_in_dim3A_1218, %iota3A : vector<24x512xi32>
    %jit3A_1220 = arith.constant 1.000000e+00 : f32
    %jit3A_1221 = arith.constant 0.000000e+00 : f32
    %broadcast_in_dim3A_1222 = vector.broadcast %jit3A_1220 : f32 to vector<24x512xf32>
    %broadcast_in_dim3A_1223 = vector.broadcast %jit3A_1221 : f32 to vector<24x512xf32>
    %select_n3A_1224 = arith.select %eq3A_1219, %broadcast_in_dim3A_1222, %broadcast_in_dim3A_1223 : vector<24x512xi1>, vector<24x512xf32>
    %convert_element_type3A_1225 = arith.truncf %select_n3A_1224 : vector<24x512xf32> to vector<24x512xbf16>
    %eq3A_1226 = arith.constant 20 : i32
    %eq3A_1227 = vector.broadcast %eq3A_1226 : i32 to vector<1x512xi32>
    %eq3A_1228 = arith.cmpi eq, %slice3A_1216, %eq3A_1227 : vector<1x512xi32>
    %broadcast_in_dim3A_1229 = vector.shape_cast %eq3A_1228 : vector<1x512xi1> to vector<1x512xi1>
    %broadcast_in_dim3A_1230 = vector.broadcast %broadcast_in_dim3A_1229 : vector<1x512xi1> to vector<16x512xi1>
    %jit3A_1231 = arith.constant -2.000000e+08 : f32
    %jit3A_1232 = arith.constant 0.000000e+00 : f32
    %broadcast_in_dim3A_1233 = vector.broadcast %jit3A_1231 : f32 to vector<16x512xf32>
    %broadcast_in_dim3A_1234 = vector.broadcast %jit3A_1232 : f32 to vector<16x512xf32>
    %select_n3A_1235 = arith.select %broadcast_in_dim3A_1230, %broadcast_in_dim3A_1233, %broadcast_in_dim3A_1234 : vector<16x512xi1>, vector<16x512xf32>
    %slice3A_1236 = vector.extract_strided_slice %get3A_1 {offsets = [62, 0], sizes = [1, 512], strides = [1, 1]} : vector<128x512xi32> to vector<1x512xi32>
    %broadcast_in_dim3A_1237 = vector.shape_cast %slice3A_1236 : vector<1x512xi32> to vector<1x512xi32>
    %broadcast_in_dim3A_1238 = vector.broadcast %broadcast_in_dim3A_1237 : vector<1x512xi32> to vector<24x512xi32>
    %eq3A_1239 = arith.cmpi eq, %broadcast_in_dim3A_1238, %iota3A : vector<24x512xi32>
    %jit3A_1240 = arith.constant 1.000000e+00 : f32
    %jit3A_1241 = arith.constant 0.000000e+00 : f32
    %broadcast_in_dim3A_1242 = vector.broadcast %jit3A_1240 : f32 to vector<24x512xf32>
    %broadcast_in_dim3A_1243 = vector.broadcast %jit3A_1241 : f32 to vector<24x512xf32>
    %select_n3A_1244 = arith.select %eq3A_1239, %broadcast_in_dim3A_1242, %broadcast_in_dim3A_1243 : vector<24x512xi1>, vector<24x512xf32>
    %convert_element_type3A_1245 = arith.truncf %select_n3A_1244 : vector<24x512xf32> to vector<24x512xbf16>
    %eq3A_1246 = arith.constant 20 : i32
    %eq3A_1247 = vector.broadcast %eq3A_1246 : i32 to vector<1x512xi32>
    %eq3A_1248 = arith.cmpi eq, %slice3A_1236, %eq3A_1247 : vector<1x512xi32>
    %broadcast_in_dim3A_1249 = vector.shape_cast %eq3A_1248 : vector<1x512xi1> to vector<1x512xi1>
    %broadcast_in_dim3A_1250 = vector.broadcast %broadcast_in_dim3A_1249 : vector<1x512xi1> to vector<16x512xi1>
    %jit3A_1251 = arith.constant -2.000000e+08 : f32
    %jit3A_1252 = arith.constant 0.000000e+00 : f32
    %broadcast_in_dim3A_1253 = vector.broadcast %jit3A_1251 : f32 to vector<16x512xf32>
    %broadcast_in_dim3A_1254 = vector.broadcast %jit3A_1252 : f32 to vector<16x512xf32>
    %select_n3A_1255 = arith.select %broadcast_in_dim3A_1250, %broadcast_in_dim3A_1253, %broadcast_in_dim3A_1254 : vector<16x512xi1>, vector<16x512xf32>
    %slice3A_1256 = vector.extract_strided_slice %get3A_1 {offsets = [63, 0], sizes = [1, 512], strides = [1, 1]} : vector<128x512xi32> to vector<1x512xi32>
    %broadcast_in_dim3A_1257 = vector.shape_cast %slice3A_1256 : vector<1x512xi32> to vector<1x512xi32>
    %broadcast_in_dim3A_1258 = vector.broadcast %broadcast_in_dim3A_1257 : vector<1x512xi32> to vector<24x512xi32>
    %eq3A_1259 = arith.cmpi eq, %broadcast_in_dim3A_1258, %iota3A : vector<24x512xi32>
    %jit3A_1260 = arith.constant 1.000000e+00 : f32
    %jit3A_1261 = arith.constant 0.000000e+00 : f32
    %broadcast_in_dim3A_1262 = vector.broadcast %jit3A_1260 : f32 to vector<24x512xf32>
    %broadcast_in_dim3A_1263 = vector.broadcast %jit3A_1261 : f32 to vector<24x512xf32>
    %select_n3A_1264 = arith.select %eq3A_1259, %broadcast_in_dim3A_1262, %broadcast_in_dim3A_1263 : vector<24x512xi1>, vector<24x512xf32>
    %convert_element_type3A_1265 = arith.truncf %select_n3A_1264 : vector<24x512xf32> to vector<24x512xbf16>
    %eq3A_1266 = arith.constant 20 : i32
    %eq3A_1267 = vector.broadcast %eq3A_1266 : i32 to vector<1x512xi32>
    %eq3A_1268 = arith.cmpi eq, %slice3A_1256, %eq3A_1267 : vector<1x512xi32>
    %broadcast_in_dim3A_1269 = vector.shape_cast %eq3A_1268 : vector<1x512xi1> to vector<1x512xi1>
    %broadcast_in_dim3A_1270 = vector.broadcast %broadcast_in_dim3A_1269 : vector<1x512xi1> to vector<16x512xi1>
    %jit3A_1271 = arith.constant -2.000000e+08 : f32
    %jit3A_1272 = arith.constant 0.000000e+00 : f32
    %broadcast_in_dim3A_1273 = vector.broadcast %jit3A_1271 : f32 to vector<16x512xf32>
    %broadcast_in_dim3A_1274 = vector.broadcast %jit3A_1272 : f32 to vector<16x512xf32>
    %select_n3A_1275 = arith.select %broadcast_in_dim3A_1270, %broadcast_in_dim3A_1273, %broadcast_in_dim3A_1274 : vector<16x512xi1>, vector<16x512xf32>
    %slice3A_1276 = vector.extract_strided_slice %get3A_1 {offsets = [64, 0], sizes = [1, 512], strides = [1, 1]} : vector<128x512xi32> to vector<1x512xi32>
    %broadcast_in_dim3A_1277 = vector.shape_cast %slice3A_1276 : vector<1x512xi32> to vector<1x512xi32>
    %broadcast_in_dim3A_1278 = vector.broadcast %broadcast_in_dim3A_1277 : vector<1x512xi32> to vector<24x512xi32>
    %eq3A_1279 = arith.cmpi eq, %broadcast_in_dim3A_1278, %iota3A : vector<24x512xi32>
    %jit3A_1280 = arith.constant 1.000000e+00 : f32
    %jit3A_1281 = arith.constant 0.000000e+00 : f32
    %broadcast_in_dim3A_1282 = vector.broadcast %jit3A_1280 : f32 to vector<24x512xf32>
    %broadcast_in_dim3A_1283 = vector.broadcast %jit3A_1281 : f32 to vector<24x512xf32>
    %select_n3A_1284 = arith.select %eq3A_1279, %broadcast_in_dim3A_1282, %broadcast_in_dim3A_1283 : vector<24x512xi1>, vector<24x512xf32>
    %convert_element_type3A_1285 = arith.truncf %select_n3A_1284 : vector<24x512xf32> to vector<24x512xbf16>
    %eq3A_1286 = arith.constant 20 : i32
    %eq3A_1287 = vector.broadcast %eq3A_1286 : i32 to vector<1x512xi32>
    %eq3A_1288 = arith.cmpi eq, %slice3A_1276, %eq3A_1287 : vector<1x512xi32>
    %broadcast_in_dim3A_1289 = vector.shape_cast %eq3A_1288 : vector<1x512xi1> to vector<1x512xi1>
    %broadcast_in_dim3A_1290 = vector.broadcast %broadcast_in_dim3A_1289 : vector<1x512xi1> to vector<16x512xi1>
    %jit3A_1291 = arith.constant -2.000000e+08 : f32
    %jit3A_1292 = arith.constant 0.000000e+00 : f32
    %broadcast_in_dim3A_1293 = vector.broadcast %jit3A_1291 : f32 to vector<16x512xf32>
    %broadcast_in_dim3A_1294 = vector.broadcast %jit3A_1292 : f32 to vector<16x512xf32>
    %select_n3A_1295 = arith.select %broadcast_in_dim3A_1290, %broadcast_in_dim3A_1293, %broadcast_in_dim3A_1294 : vector<16x512xi1>, vector<16x512xf32>
    %slice3A_1296 = vector.extract_strided_slice %get3A_1 {offsets = [65, 0], sizes = [1, 512], strides = [1, 1]} : vector<128x512xi32> to vector<1x512xi32>
    %broadcast_in_dim3A_1297 = vector.shape_cast %slice3A_1296 : vector<1x512xi32> to vector<1x512xi32>
    %broadcast_in_dim3A_1298 = vector.broadcast %broadcast_in_dim3A_1297 : vector<1x512xi32> to vector<24x512xi32>
    %eq3A_1299 = arith.cmpi eq, %broadcast_in_dim3A_1298, %iota3A : vector<24x512xi32>
    %jit3A_1300 = arith.constant 1.000000e+00 : f32
    %jit3A_1301 = arith.constant 0.000000e+00 : f32
    %broadcast_in_dim3A_1302 = vector.broadcast %jit3A_1300 : f32 to vector<24x512xf32>
    %broadcast_in_dim3A_1303 = vector.broadcast %jit3A_1301 : f32 to vector<24x512xf32>
    %select_n3A_1304 = arith.select %eq3A_1299, %broadcast_in_dim3A_1302, %broadcast_in_dim3A_1303 : vector<24x512xi1>, vector<24x512xf32>
    %convert_element_type3A_1305 = arith.truncf %select_n3A_1304 : vector<24x512xf32> to vector<24x512xbf16>
    %eq3A_1306 = arith.constant 20 : i32
    %eq3A_1307 = vector.broadcast %eq3A_1306 : i32 to vector<1x512xi32>
    %eq3A_1308 = arith.cmpi eq, %slice3A_1296, %eq3A_1307 : vector<1x512xi32>
    %broadcast_in_dim3A_1309 = vector.shape_cast %eq3A_1308 : vector<1x512xi1> to vector<1x512xi1>
    %broadcast_in_dim3A_1310 = vector.broadcast %broadcast_in_dim3A_1309 : vector<1x512xi1> to vector<16x512xi1>
    %jit3A_1311 = arith.constant -2.000000e+08 : f32
    %jit3A_1312 = arith.constant 0.000000e+00 : f32
    %broadcast_in_dim3A_1313 = vector.broadcast %jit3A_1311 : f32 to vector<16x512xf32>
    %broadcast_in_dim3A_1314 = vector.broadcast %jit3A_1312 : f32 to vector<16x512xf32>
    %select_n3A_1315 = arith.select %broadcast_in_dim3A_1310, %broadcast_in_dim3A_1313, %broadcast_in_dim3A_1314 : vector<16x512xi1>, vector<16x512xf32>
    %slice3A_1316 = vector.extract_strided_slice %get3A_1 {offsets = [66, 0], sizes = [1, 512], strides = [1, 1]} : vector<128x512xi32> to vector<1x512xi32>
    %broadcast_in_dim3A_1317 = vector.shape_cast %slice3A_1316 : vector<1x512xi32> to vector<1x512xi32>
    %broadcast_in_dim3A_1318 = vector.broadcast %broadcast_in_dim3A_1317 : vector<1x512xi32> to vector<24x512xi32>
    %eq3A_1319 = arith.cmpi eq, %broadcast_in_dim3A_1318, %iota3A : vector<24x512xi32>
    %jit3A_1320 = arith.constant 1.000000e+00 : f32
    %jit3A_1321 = arith.constant 0.000000e+00 : f32
    %broadcast_in_dim3A_1322 = vector.broadcast %jit3A_1320 : f32 to vector<24x512xf32>
    %broadcast_in_dim3A_1323 = vector.broadcast %jit3A_1321 : f32 to vector<24x512xf32>
    %select_n3A_1324 = arith.select %eq3A_1319, %broadcast_in_dim3A_1322, %broadcast_in_dim3A_1323 : vector<24x512xi1>, vector<24x512xf32>
    %convert_element_type3A_1325 = arith.truncf %select_n3A_1324 : vector<24x512xf32> to vector<24x512xbf16>
    %eq3A_1326 = arith.constant 20 : i32
    %eq3A_1327 = vector.broadcast %eq3A_1326 : i32 to vector<1x512xi32>
    %eq3A_1328 = arith.cmpi eq, %slice3A_1316, %eq3A_1327 : vector<1x512xi32>
    %broadcast_in_dim3A_1329 = vector.shape_cast %eq3A_1328 : vector<1x512xi1> to vector<1x512xi1>
    %broadcast_in_dim3A_1330 = vector.broadcast %broadcast_in_dim3A_1329 : vector<1x512xi1> to vector<16x512xi1>
    %jit3A_1331 = arith.constant -2.000000e+08 : f32
    %jit3A_1332 = arith.constant 0.000000e+00 : f32
    %broadcast_in_dim3A_1333 = vector.broadcast %jit3A_1331 : f32 to vector<16x512xf32>
    %broadcast_in_dim3A_1334 = vector.broadcast %jit3A_1332 : f32 to vector<16x512xf32>
    %select_n3A_1335 = arith.select %broadcast_in_dim3A_1330, %broadcast_in_dim3A_1333, %broadcast_in_dim3A_1334 : vector<16x512xi1>, vector<16x512xf32>
    %slice3A_1336 = vector.extract_strided_slice %get3A_1 {offsets = [67, 0], sizes = [1, 512], strides = [1, 1]} : vector<128x512xi32> to vector<1x512xi32>
    %broadcast_in_dim3A_1337 = vector.shape_cast %slice3A_1336 : vector<1x512xi32> to vector<1x512xi32>
    %broadcast_in_dim3A_1338 = vector.broadcast %broadcast_in_dim3A_1337 : vector<1x512xi32> to vector<24x512xi32>
    %eq3A_1339 = arith.cmpi eq, %broadcast_in_dim3A_1338, %iota3A : vector<24x512xi32>
    %jit3A_1340 = arith.constant 1.000000e+00 : f32
    %jit3A_1341 = arith.constant 0.000000e+00 : f32
    %broadcast_in_dim3A_1342 = vector.broadcast %jit3A_1340 : f32 to vector<24x512xf32>
    %broadcast_in_dim3A_1343 = vector.broadcast %jit3A_1341 : f32 to vector<24x512xf32>
    %select_n3A_1344 = arith.select %eq3A_1339, %broadcast_in_dim3A_1342, %broadcast_in_dim3A_1343 : vector<24x512xi1>, vector<24x512xf32>
    %convert_element_type3A_1345 = arith.truncf %select_n3A_1344 : vector<24x512xf32> to vector<24x512xbf16>
    %eq3A_1346 = arith.constant 20 : i32
    %eq3A_1347 = vector.broadcast %eq3A_1346 : i32 to vector<1x512xi32>
    %eq3A_1348 = arith.cmpi eq, %slice3A_1336, %eq3A_1347 : vector<1x512xi32>
    %broadcast_in_dim3A_1349 = vector.shape_cast %eq3A_1348 : vector<1x512xi1> to vector<1x512xi1>
    %broadcast_in_dim3A_1350 = vector.broadcast %broadcast_in_dim3A_1349 : vector<1x512xi1> to vector<16x512xi1>
    %jit3A_1351 = arith.constant -2.000000e+08 : f32
    %jit3A_1352 = arith.constant 0.000000e+00 : f32
    %broadcast_in_dim3A_1353 = vector.broadcast %jit3A_1351 : f32 to vector<16x512xf32>
    %broadcast_in_dim3A_1354 = vector.broadcast %jit3A_1352 : f32 to vector<16x512xf32>
    %select_n3A_1355 = arith.select %broadcast_in_dim3A_1350, %broadcast_in_dim3A_1353, %broadcast_in_dim3A_1354 : vector<16x512xi1>, vector<16x512xf32>
    %slice3A_1356 = vector.extract_strided_slice %get3A_1 {offsets = [68, 0], sizes = [1, 512], strides = [1, 1]} : vector<128x512xi32> to vector<1x512xi32>
    %broadcast_in_dim3A_1357 = vector.shape_cast %slice3A_1356 : vector<1x512xi32> to vector<1x512xi32>
    %broadcast_in_dim3A_1358 = vector.broadcast %broadcast_in_dim3A_1357 : vector<1x512xi32> to vector<24x512xi32>
    %eq3A_1359 = arith.cmpi eq, %broadcast_in_dim3A_1358, %iota3A : vector<24x512xi32>
    %jit3A_1360 = arith.constant 1.000000e+00 : f32
    %jit3A_1361 = arith.constant 0.000000e+00 : f32
    %broadcast_in_dim3A_1362 = vector.broadcast %jit3A_1360 : f32 to vector<24x512xf32>
    %broadcast_in_dim3A_1363 = vector.broadcast %jit3A_1361 : f32 to vector<24x512xf32>
    %select_n3A_1364 = arith.select %eq3A_1359, %broadcast_in_dim3A_1362, %broadcast_in_dim3A_1363 : vector<24x512xi1>, vector<24x512xf32>
    %convert_element_type3A_1365 = arith.truncf %select_n3A_1364 : vector<24x512xf32> to vector<24x512xbf16>
    %eq3A_1366 = arith.constant 20 : i32
    %eq3A_1367 = vector.broadcast %eq3A_1366 : i32 to vector<1x512xi32>
    %eq3A_1368 = arith.cmpi eq, %slice3A_1356, %eq3A_1367 : vector<1x512xi32>
    %broadcast_in_dim3A_1369 = vector.shape_cast %eq3A_1368 : vector<1x512xi1> to vector<1x512xi1>
    %broadcast_in_dim3A_1370 = vector.broadcast %broadcast_in_dim3A_1369 : vector<1x512xi1> to vector<16x512xi1>
    %jit3A_1371 = arith.constant -2.000000e+08 : f32
    %jit3A_1372 = arith.constant 0.000000e+00 : f32
    %broadcast_in_dim3A_1373 = vector.broadcast %jit3A_1371 : f32 to vector<16x512xf32>
    %broadcast_in_dim3A_1374 = vector.broadcast %jit3A_1372 : f32 to vector<16x512xf32>
    %select_n3A_1375 = arith.select %broadcast_in_dim3A_1370, %broadcast_in_dim3A_1373, %broadcast_in_dim3A_1374 : vector<16x512xi1>, vector<16x512xf32>
    %slice3A_1376 = vector.extract_strided_slice %get3A_1 {offsets = [69, 0], sizes = [1, 512], strides = [1, 1]} : vector<128x512xi32> to vector<1x512xi32>
    %broadcast_in_dim3A_1377 = vector.shape_cast %slice3A_1376 : vector<1x512xi32> to vector<1x512xi32>
    %broadcast_in_dim3A_1378 = vector.broadcast %broadcast_in_dim3A_1377 : vector<1x512xi32> to vector<24x512xi32>
    %eq3A_1379 = arith.cmpi eq, %broadcast_in_dim3A_1378, %iota3A : vector<24x512xi32>
    %jit3A_1380 = arith.constant 1.000000e+00 : f32
    %jit3A_1381 = arith.constant 0.000000e+00 : f32
    %broadcast_in_dim3A_1382 = vector.broadcast %jit3A_1380 : f32 to vector<24x512xf32>
    %broadcast_in_dim3A_1383 = vector.broadcast %jit3A_1381 : f32 to vector<24x512xf32>
    %select_n3A_1384 = arith.select %eq3A_1379, %broadcast_in_dim3A_1382, %broadcast_in_dim3A_1383 : vector<24x512xi1>, vector<24x512xf32>
    %convert_element_type3A_1385 = arith.truncf %select_n3A_1384 : vector<24x512xf32> to vector<24x512xbf16>
    %eq3A_1386 = arith.constant 20 : i32
    %eq3A_1387 = vector.broadcast %eq3A_1386 : i32 to vector<1x512xi32>
    %eq3A_1388 = arith.cmpi eq, %slice3A_1376, %eq3A_1387 : vector<1x512xi32>
    %broadcast_in_dim3A_1389 = vector.shape_cast %eq3A_1388 : vector<1x512xi1> to vector<1x512xi1>
    %broadcast_in_dim3A_1390 = vector.broadcast %broadcast_in_dim3A_1389 : vector<1x512xi1> to vector<16x512xi1>
    %jit3A_1391 = arith.constant -2.000000e+08 : f32
    %jit3A_1392 = arith.constant 0.000000e+00 : f32
    %broadcast_in_dim3A_1393 = vector.broadcast %jit3A_1391 : f32 to vector<16x512xf32>
    %broadcast_in_dim3A_1394 = vector.broadcast %jit3A_1392 : f32 to vector<16x512xf32>
    %select_n3A_1395 = arith.select %broadcast_in_dim3A_1390, %broadcast_in_dim3A_1393, %broadcast_in_dim3A_1394 : vector<16x512xi1>, vector<16x512xf32>
    %slice3A_1396 = vector.extract_strided_slice %get3A_1 {offsets = [70, 0], sizes = [1, 512], strides = [1, 1]} : vector<128x512xi32> to vector<1x512xi32>
    %broadcast_in_dim3A_1397 = vector.shape_cast %slice3A_1396 : vector<1x512xi32> to vector<1x512xi32>
    %broadcast_in_dim3A_1398 = vector.broadcast %broadcast_in_dim3A_1397 : vector<1x512xi32> to vector<24x512xi32>
    %eq3A_1399 = arith.cmpi eq, %broadcast_in_dim3A_1398, %iota3A : vector<24x512xi32>
    %jit3A_1400 = arith.constant 1.000000e+00 : f32
    %jit3A_1401 = arith.constant 0.000000e+00 : f32
    %broadcast_in_dim3A_1402 = vector.broadcast %jit3A_1400 : f32 to vector<24x512xf32>
    %broadcast_in_dim3A_1403 = vector.broadcast %jit3A_1401 : f32 to vector<24x512xf32>
    %select_n3A_1404 = arith.select %eq3A_1399, %broadcast_in_dim3A_1402, %broadcast_in_dim3A_1403 : vector<24x512xi1>, vector<24x512xf32>
    %convert_element_type3A_1405 = arith.truncf %select_n3A_1404 : vector<24x512xf32> to vector<24x512xbf16>
    %eq3A_1406 = arith.constant 20 : i32
    %eq3A_1407 = vector.broadcast %eq3A_1406 : i32 to vector<1x512xi32>
    %eq3A_1408 = arith.cmpi eq, %slice3A_1396, %eq3A_1407 : vector<1x512xi32>
    %broadcast_in_dim3A_1409 = vector.shape_cast %eq3A_1408 : vector<1x512xi1> to vector<1x512xi1>
    %broadcast_in_dim3A_1410 = vector.broadcast %broadcast_in_dim3A_1409 : vector<1x512xi1> to vector<16x512xi1>
    %jit3A_1411 = arith.constant -2.000000e+08 : f32
    %jit3A_1412 = arith.constant 0.000000e+00 : f32
    %broadcast_in_dim3A_1413 = vector.broadcast %jit3A_1411 : f32 to vector<16x512xf32>
    %broadcast_in_dim3A_1414 = vector.broadcast %jit3A_1412 : f32 to vector<16x512xf32>
    %select_n3A_1415 = arith.select %broadcast_in_dim3A_1410, %broadcast_in_dim3A_1413, %broadcast_in_dim3A_1414 : vector<16x512xi1>, vector<16x512xf32>
    %slice3A_1416 = vector.extract_strided_slice %get3A_1 {offsets = [71, 0], sizes = [1, 512], strides = [1, 1]} : vector<128x512xi32> to vector<1x512xi32>
    %broadcast_in_dim3A_1417 = vector.shape_cast %slice3A_1416 : vector<1x512xi32> to vector<1x512xi32>
    %broadcast_in_dim3A_1418 = vector.broadcast %broadcast_in_dim3A_1417 : vector<1x512xi32> to vector<24x512xi32>
    %eq3A_1419 = arith.cmpi eq, %broadcast_in_dim3A_1418, %iota3A : vector<24x512xi32>
    %jit3A_1420 = arith.constant 1.000000e+00 : f32
    %jit3A_1421 = arith.constant 0.000000e+00 : f32
    %broadcast_in_dim3A_1422 = vector.broadcast %jit3A_1420 : f32 to vector<24x512xf32>
    %broadcast_in_dim3A_1423 = vector.broadcast %jit3A_1421 : f32 to vector<24x512xf32>
    %select_n3A_1424 = arith.select %eq3A_1419, %broadcast_in_dim3A_1422, %broadcast_in_dim3A_1423 : vector<24x512xi1>, vector<24x512xf32>
    %convert_element_type3A_1425 = arith.truncf %select_n3A_1424 : vector<24x512xf32> to vector<24x512xbf16>
    %eq3A_1426 = arith.constant 20 : i32
    %eq3A_1427 = vector.broadcast %eq3A_1426 : i32 to vector<1x512xi32>
    %eq3A_1428 = arith.cmpi eq, %slice3A_1416, %eq3A_1427 : vector<1x512xi32>
    %broadcast_in_dim3A_1429 = vector.shape_cast %eq3A_1428 : vector<1x512xi1> to vector<1x512xi1>
    %broadcast_in_dim3A_1430 = vector.broadcast %broadcast_in_dim3A_1429 : vector<1x512xi1> to vector<16x512xi1>
    %jit3A_1431 = arith.constant -2.000000e+08 : f32
    %jit3A_1432 = arith.constant 0.000000e+00 : f32
    %broadcast_in_dim3A_1433 = vector.broadcast %jit3A_1431 : f32 to vector<16x512xf32>
    %broadcast_in_dim3A_1434 = vector.broadcast %jit3A_1432 : f32 to vector<16x512xf32>
    %select_n3A_1435 = arith.select %broadcast_in_dim3A_1430, %broadcast_in_dim3A_1433, %broadcast_in_dim3A_1434 : vector<16x512xi1>, vector<16x512xf32>
    %slice3A_1436 = vector.extract_strided_slice %get3A_1 {offsets = [72, 0], sizes = [1, 512], strides = [1, 1]} : vector<128x512xi32> to vector<1x512xi32>
    %broadcast_in_dim3A_1437 = vector.shape_cast %slice3A_1436 : vector<1x512xi32> to vector<1x512xi32>
    %broadcast_in_dim3A_1438 = vector.broadcast %broadcast_in_dim3A_1437 : vector<1x512xi32> to vector<24x512xi32>
    %eq3A_1439 = arith.cmpi eq, %broadcast_in_dim3A_1438, %iota3A : vector<24x512xi32>
    %jit3A_1440 = arith.constant 1.000000e+00 : f32
    %jit3A_1441 = arith.constant 0.000000e+00 : f32
    %broadcast_in_dim3A_1442 = vector.broadcast %jit3A_1440 : f32 to vector<24x512xf32>
    %broadcast_in_dim3A_1443 = vector.broadcast %jit3A_1441 : f32 to vector<24x512xf32>
    %select_n3A_1444 = arith.select %eq3A_1439, %broadcast_in_dim3A_1442, %broadcast_in_dim3A_1443 : vector<24x512xi1>, vector<24x512xf32>
    %convert_element_type3A_1445 = arith.truncf %select_n3A_1444 : vector<24x512xf32> to vector<24x512xbf16>
    %eq3A_1446 = arith.constant 20 : i32
    %eq3A_1447 = vector.broadcast %eq3A_1446 : i32 to vector<1x512xi32>
    %eq3A_1448 = arith.cmpi eq, %slice3A_1436, %eq3A_1447 : vector<1x512xi32>
    %broadcast_in_dim3A_1449 = vector.shape_cast %eq3A_1448 : vector<1x512xi1> to vector<1x512xi1>
    %broadcast_in_dim3A_1450 = vector.broadcast %broadcast_in_dim3A_1449 : vector<1x512xi1> to vector<16x512xi1>
    %jit3A_1451 = arith.constant -2.000000e+08 : f32
    %jit3A_1452 = arith.constant 0.000000e+00 : f32
    %broadcast_in_dim3A_1453 = vector.broadcast %jit3A_1451 : f32 to vector<16x512xf32>
    %broadcast_in_dim3A_1454 = vector.broadcast %jit3A_1452 : f32 to vector<16x512xf32>
    %select_n3A_1455 = arith.select %broadcast_in_dim3A_1450, %broadcast_in_dim3A_1453, %broadcast_in_dim3A_1454 : vector<16x512xi1>, vector<16x512xf32>
    %slice3A_1456 = vector.extract_strided_slice %get3A_1 {offsets = [73, 0], sizes = [1, 512], strides = [1, 1]} : vector<128x512xi32> to vector<1x512xi32>
    %broadcast_in_dim3A_1457 = vector.shape_cast %slice3A_1456 : vector<1x512xi32> to vector<1x512xi32>
    %broadcast_in_dim3A_1458 = vector.broadcast %broadcast_in_dim3A_1457 : vector<1x512xi32> to vector<24x512xi32>
    %eq3A_1459 = arith.cmpi eq, %broadcast_in_dim3A_1458, %iota3A : vector<24x512xi32>
    %jit3A_1460 = arith.constant 1.000000e+00 : f32
    %jit3A_1461 = arith.constant 0.000000e+00 : f32
    %broadcast_in_dim3A_1462 = vector.broadcast %jit3A_1460 : f32 to vector<24x512xf32>
    %broadcast_in_dim3A_1463 = vector.broadcast %jit3A_1461 : f32 to vector<24x512xf32>
    %select_n3A_1464 = arith.select %eq3A_1459, %broadcast_in_dim3A_1462, %broadcast_in_dim3A_1463 : vector<24x512xi1>, vector<24x512xf32>
    %convert_element_type3A_1465 = arith.truncf %select_n3A_1464 : vector<24x512xf32> to vector<24x512xbf16>
    %eq3A_1466 = arith.constant 20 : i32
    %eq3A_1467 = vector.broadcast %eq3A_1466 : i32 to vector<1x512xi32>
    %eq3A_1468 = arith.cmpi eq, %slice3A_1456, %eq3A_1467 : vector<1x512xi32>
    %broadcast_in_dim3A_1469 = vector.shape_cast %eq3A_1468 : vector<1x512xi1> to vector<1x512xi1>
    %broadcast_in_dim3A_1470 = vector.broadcast %broadcast_in_dim3A_1469 : vector<1x512xi1> to vector<16x512xi1>
    %jit3A_1471 = arith.constant -2.000000e+08 : f32
    %jit3A_1472 = arith.constant 0.000000e+00 : f32
    %broadcast_in_dim3A_1473 = vector.broadcast %jit3A_1471 : f32 to vector<16x512xf32>
    %broadcast_in_dim3A_1474 = vector.broadcast %jit3A_1472 : f32 to vector<16x512xf32>
    %select_n3A_1475 = arith.select %broadcast_in_dim3A_1470, %broadcast_in_dim3A_1473, %broadcast_in_dim3A_1474 : vector<16x512xi1>, vector<16x512xf32>
    %slice3A_1476 = vector.extract_strided_slice %get3A_1 {offsets = [74, 0], sizes = [1, 512], strides = [1, 1]} : vector<128x512xi32> to vector<1x512xi32>
    %broadcast_in_dim3A_1477 = vector.shape_cast %slice3A_1476 : vector<1x512xi32> to vector<1x512xi32>
    %broadcast_in_dim3A_1478 = vector.broadcast %broadcast_in_dim3A_1477 : vector<1x512xi32> to vector<24x512xi32>
    %eq3A_1479 = arith.cmpi eq, %broadcast_in_dim3A_1478, %iota3A : vector<24x512xi32>
    %jit3A_1480 = arith.constant 1.000000e+00 : f32
    %jit3A_1481 = arith.constant 0.000000e+00 : f32
    %broadcast_in_dim3A_1482 = vector.broadcast %jit3A_1480 : f32 to vector<24x512xf32>
    %broadcast_in_dim3A_1483 = vector.broadcast %jit3A_1481 : f32 to vector<24x512xf32>
    %select_n3A_1484 = arith.select %eq3A_1479, %broadcast_in_dim3A_1482, %broadcast_in_dim3A_1483 : vector<24x512xi1>, vector<24x512xf32>
    %convert_element_type3A_1485 = arith.truncf %select_n3A_1484 : vector<24x512xf32> to vector<24x512xbf16>
    %eq3A_1486 = arith.constant 20 : i32
    %eq3A_1487 = vector.broadcast %eq3A_1486 : i32 to vector<1x512xi32>
    %eq3A_1488 = arith.cmpi eq, %slice3A_1476, %eq3A_1487 : vector<1x512xi32>
    %broadcast_in_dim3A_1489 = vector.shape_cast %eq3A_1488 : vector<1x512xi1> to vector<1x512xi1>
    %broadcast_in_dim3A_1490 = vector.broadcast %broadcast_in_dim3A_1489 : vector<1x512xi1> to vector<16x512xi1>
    %jit3A_1491 = arith.constant -2.000000e+08 : f32
    %jit3A_1492 = arith.constant 0.000000e+00 : f32
    %broadcast_in_dim3A_1493 = vector.broadcast %jit3A_1491 : f32 to vector<16x512xf32>
    %broadcast_in_dim3A_1494 = vector.broadcast %jit3A_1492 : f32 to vector<16x512xf32>
    %select_n3A_1495 = arith.select %broadcast_in_dim3A_1490, %broadcast_in_dim3A_1493, %broadcast_in_dim3A_1494 : vector<16x512xi1>, vector<16x512xf32>
    %slice3A_1496 = vector.extract_strided_slice %get3A_1 {offsets = [75, 0], sizes = [1, 512], strides = [1, 1]} : vector<128x512xi32> to vector<1x512xi32>
    %broadcast_in_dim3A_1497 = vector.shape_cast %slice3A_1496 : vector<1x512xi32> to vector<1x512xi32>
    %broadcast_in_dim3A_1498 = vector.broadcast %broadcast_in_dim3A_1497 : vector<1x512xi32> to vector<24x512xi32>
    %eq3A_1499 = arith.cmpi eq, %broadcast_in_dim3A_1498, %iota3A : vector<24x512xi32>
    %jit3A_1500 = arith.constant 1.000000e+00 : f32
    %jit3A_1501 = arith.constant 0.000000e+00 : f32
    %broadcast_in_dim3A_1502 = vector.broadcast %jit3A_1500 : f32 to vector<24x512xf32>
    %broadcast_in_dim3A_1503 = vector.broadcast %jit3A_1501 : f32 to vector<24x512xf32>
    %select_n3A_1504 = arith.select %eq3A_1499, %broadcast_in_dim3A_1502, %broadcast_in_dim3A_1503 : vector<24x512xi1>, vector<24x512xf32>
    %convert_element_type3A_1505 = arith.truncf %select_n3A_1504 : vector<24x512xf32> to vector<24x512xbf16>
    %eq3A_1506 = arith.constant 20 : i32
    %eq3A_1507 = vector.broadcast %eq3A_1506 : i32 to vector<1x512xi32>
    %eq3A_1508 = arith.cmpi eq, %slice3A_1496, %eq3A_1507 : vector<1x512xi32>
    %broadcast_in_dim3A_1509 = vector.shape_cast %eq3A_1508 : vector<1x512xi1> to vector<1x512xi1>
    %broadcast_in_dim3A_1510 = vector.broadcast %broadcast_in_dim3A_1509 : vector<1x512xi1> to vector<16x512xi1>
    %jit3A_1511 = arith.constant -2.000000e+08 : f32
    %jit3A_1512 = arith.constant 0.000000e+00 : f32
    %broadcast_in_dim3A_1513 = vector.broadcast %jit3A_1511 : f32 to vector<16x512xf32>
    %broadcast_in_dim3A_1514 = vector.broadcast %jit3A_1512 : f32 to vector<16x512xf32>
    %select_n3A_1515 = arith.select %broadcast_in_dim3A_1510, %broadcast_in_dim3A_1513, %broadcast_in_dim3A_1514 : vector<16x512xi1>, vector<16x512xf32>
    %slice3A_1516 = vector.extract_strided_slice %get3A_1 {offsets = [76, 0], sizes = [1, 512], strides = [1, 1]} : vector<128x512xi32> to vector<1x512xi32>
    %broadcast_in_dim3A_1517 = vector.shape_cast %slice3A_1516 : vector<1x512xi32> to vector<1x512xi32>
    %broadcast_in_dim3A_1518 = vector.broadcast %broadcast_in_dim3A_1517 : vector<1x512xi32> to vector<24x512xi32>
    %eq3A_1519 = arith.cmpi eq, %broadcast_in_dim3A_1518, %iota3A : vector<24x512xi32>
    %jit3A_1520 = arith.constant 1.000000e+00 : f32
    %jit3A_1521 = arith.constant 0.000000e+00 : f32
    %broadcast_in_dim3A_1522 = vector.broadcast %jit3A_1520 : f32 to vector<24x512xf32>
    %broadcast_in_dim3A_1523 = vector.broadcast %jit3A_1521 : f32 to vector<24x512xf32>
    %select_n3A_1524 = arith.select %eq3A_1519, %broadcast_in_dim3A_1522, %broadcast_in_dim3A_1523 : vector<24x512xi1>, vector<24x512xf32>
    %convert_element_type3A_1525 = arith.truncf %select_n3A_1524 : vector<24x512xf32> to vector<24x512xbf16>
    %eq3A_1526 = arith.constant 20 : i32
    %eq3A_1527 = vector.broadcast %eq3A_1526 : i32 to vector<1x512xi32>
    %eq3A_1528 = arith.cmpi eq, %slice3A_1516, %eq3A_1527 : vector<1x512xi32>
    %broadcast_in_dim3A_1529 = vector.shape_cast %eq3A_1528 : vector<1x512xi1> to vector<1x512xi1>
    %broadcast_in_dim3A_1530 = vector.broadcast %broadcast_in_dim3A_1529 : vector<1x512xi1> to vector<16x512xi1>
    %jit3A_1531 = arith.constant -2.000000e+08 : f32
    %jit3A_1532 = arith.constant 0.000000e+00 : f32
    %broadcast_in_dim3A_1533 = vector.broadcast %jit3A_1531 : f32 to vector<16x512xf32>
    %broadcast_in_dim3A_1534 = vector.broadcast %jit3A_1532 : f32 to vector<16x512xf32>
    %select_n3A_1535 = arith.select %broadcast_in_dim3A_1530, %broadcast_in_dim3A_1533, %broadcast_in_dim3A_1534 : vector<16x512xi1>, vector<16x512xf32>
    %slice3A_1536 = vector.extract_strided_slice %get3A_1 {offsets = [77, 0], sizes = [1, 512], strides = [1, 1]} : vector<128x512xi32> to vector<1x512xi32>
    %broadcast_in_dim3A_1537 = vector.shape_cast %slice3A_1536 : vector<1x512xi32> to vector<1x512xi32>
    %broadcast_in_dim3A_1538 = vector.broadcast %broadcast_in_dim3A_1537 : vector<1x512xi32> to vector<24x512xi32>
    %eq3A_1539 = arith.cmpi eq, %broadcast_in_dim3A_1538, %iota3A : vector<24x512xi32>
    %jit3A_1540 = arith.constant 1.000000e+00 : f32
    %jit3A_1541 = arith.constant 0.000000e+00 : f32
    %broadcast_in_dim3A_1542 = vector.broadcast %jit3A_1540 : f32 to vector<24x512xf32>
    %broadcast_in_dim3A_1543 = vector.broadcast %jit3A_1541 : f32 to vector<24x512xf32>
    %select_n3A_1544 = arith.select %eq3A_1539, %broadcast_in_dim3A_1542, %broadcast_in_dim3A_1543 : vector<24x512xi1>, vector<24x512xf32>
    %convert_element_type3A_1545 = arith.truncf %select_n3A_1544 : vector<24x512xf32> to vector<24x512xbf16>
    %eq3A_1546 = arith.constant 20 : i32
    %eq3A_1547 = vector.broadcast %eq3A_1546 : i32 to vector<1x512xi32>
    %eq3A_1548 = arith.cmpi eq, %slice3A_1536, %eq3A_1547 : vector<1x512xi32>
    %broadcast_in_dim3A_1549 = vector.shape_cast %eq3A_1548 : vector<1x512xi1> to vector<1x512xi1>
    %broadcast_in_dim3A_1550 = vector.broadcast %broadcast_in_dim3A_1549 : vector<1x512xi1> to vector<16x512xi1>
    %jit3A_1551 = arith.constant -2.000000e+08 : f32
    %jit3A_1552 = arith.constant 0.000000e+00 : f32
    %broadcast_in_dim3A_1553 = vector.broadcast %jit3A_1551 : f32 to vector<16x512xf32>
    %broadcast_in_dim3A_1554 = vector.broadcast %jit3A_1552 : f32 to vector<16x512xf32>
    %select_n3A_1555 = arith.select %broadcast_in_dim3A_1550, %broadcast_in_dim3A_1553, %broadcast_in_dim3A_1554 : vector<16x512xi1>, vector<16x512xf32>
    %slice3A_1556 = vector.extract_strided_slice %get3A_1 {offsets = [78, 0], sizes = [1, 512], strides = [1, 1]} : vector<128x512xi32> to vector<1x512xi32>
    %broadcast_in_dim3A_1557 = vector.shape_cast %slice3A_1556 : vector<1x512xi32> to vector<1x512xi32>
    %broadcast_in_dim3A_1558 = vector.broadcast %broadcast_in_dim3A_1557 : vector<1x512xi32> to vector<24x512xi32>
    %eq3A_1559 = arith.cmpi eq, %broadcast_in_dim3A_1558, %iota3A : vector<24x512xi32>
    %jit3A_1560 = arith.constant 1.000000e+00 : f32
    %jit3A_1561 = arith.constant 0.000000e+00 : f32
    %broadcast_in_dim3A_1562 = vector.broadcast %jit3A_1560 : f32 to vector<24x512xf32>
    %broadcast_in_dim3A_1563 = vector.broadcast %jit3A_1561 : f32 to vector<24x512xf32>
    %select_n3A_1564 = arith.select %eq3A_1559, %broadcast_in_dim3A_1562, %broadcast_in_dim3A_1563 : vector<24x512xi1>, vector<24x512xf32>
    %convert_element_type3A_1565 = arith.truncf %select_n3A_1564 : vector<24x512xf32> to vector<24x512xbf16>
    %eq3A_1566 = arith.constant 20 : i32
    %eq3A_1567 = vector.broadcast %eq3A_1566 : i32 to vector<1x512xi32>
    %eq3A_1568 = arith.cmpi eq, %slice3A_1556, %eq3A_1567 : vector<1x512xi32>
    %broadcast_in_dim3A_1569 = vector.shape_cast %eq3A_1568 : vector<1x512xi1> to vector<1x512xi1>
    %broadcast_in_dim3A_1570 = vector.broadcast %broadcast_in_dim3A_1569 : vector<1x512xi1> to vector<16x512xi1>
    %jit3A_1571 = arith.constant -2.000000e+08 : f32
    %jit3A_1572 = arith.constant 0.000000e+00 : f32
    %broadcast_in_dim3A_1573 = vector.broadcast %jit3A_1571 : f32 to vector<16x512xf32>
    %broadcast_in_dim3A_1574 = vector.broadcast %jit3A_1572 : f32 to vector<16x512xf32>
    %select_n3A_1575 = arith.select %broadcast_in_dim3A_1570, %broadcast_in_dim3A_1573, %broadcast_in_dim3A_1574 : vector<16x512xi1>, vector<16x512xf32>
    %slice3A_1576 = vector.extract_strided_slice %get3A_1 {offsets = [79, 0], sizes = [1, 512], strides = [1, 1]} : vector<128x512xi32> to vector<1x512xi32>
    %broadcast_in_dim3A_1577 = vector.shape_cast %slice3A_1576 : vector<1x512xi32> to vector<1x512xi32>
    %broadcast_in_dim3A_1578 = vector.broadcast %broadcast_in_dim3A_1577 : vector<1x512xi32> to vector<24x512xi32>
    %eq3A_1579 = arith.cmpi eq, %broadcast_in_dim3A_1578, %iota3A : vector<24x512xi32>
    %jit3A_1580 = arith.constant 1.000000e+00 : f32
    %jit3A_1581 = arith.constant 0.000000e+00 : f32
    %broadcast_in_dim3A_1582 = vector.broadcast %jit3A_1580 : f32 to vector<24x512xf32>
    %broadcast_in_dim3A_1583 = vector.broadcast %jit3A_1581 : f32 to vector<24x512xf32>
    %select_n3A_1584 = arith.select %eq3A_1579, %broadcast_in_dim3A_1582, %broadcast_in_dim3A_1583 : vector<24x512xi1>, vector<24x512xf32>
    %convert_element_type3A_1585 = arith.truncf %select_n3A_1584 : vector<24x512xf32> to vector<24x512xbf16>
    %eq3A_1586 = arith.constant 20 : i32
    %eq3A_1587 = vector.broadcast %eq3A_1586 : i32 to vector<1x512xi32>
    %eq3A_1588 = arith.cmpi eq, %slice3A_1576, %eq3A_1587 : vector<1x512xi32>
    %broadcast_in_dim3A_1589 = vector.shape_cast %eq3A_1588 : vector<1x512xi1> to vector<1x512xi1>
    %broadcast_in_dim3A_1590 = vector.broadcast %broadcast_in_dim3A_1589 : vector<1x512xi1> to vector<16x512xi1>
    %jit3A_1591 = arith.constant -2.000000e+08 : f32
    %jit3A_1592 = arith.constant 0.000000e+00 : f32
    %broadcast_in_dim3A_1593 = vector.broadcast %jit3A_1591 : f32 to vector<16x512xf32>
    %broadcast_in_dim3A_1594 = vector.broadcast %jit3A_1592 : f32 to vector<16x512xf32>
    %select_n3A_1595 = arith.select %broadcast_in_dim3A_1590, %broadcast_in_dim3A_1593, %broadcast_in_dim3A_1594 : vector<16x512xi1>, vector<16x512xf32>
    %slice3A_1596 = vector.extract_strided_slice %get3A_1 {offsets = [80, 0], sizes = [1, 512], strides = [1, 1]} : vector<128x512xi32> to vector<1x512xi32>
    %broadcast_in_dim3A_1597 = vector.shape_cast %slice3A_1596 : vector<1x512xi32> to vector<1x512xi32>
    %broadcast_in_dim3A_1598 = vector.broadcast %broadcast_in_dim3A_1597 : vector<1x512xi32> to vector<24x512xi32>
    %eq3A_1599 = arith.cmpi eq, %broadcast_in_dim3A_1598, %iota3A : vector<24x512xi32>
    %jit3A_1600 = arith.constant 1.000000e+00 : f32
    %jit3A_1601 = arith.constant 0.000000e+00 : f32
    %broadcast_in_dim3A_1602 = vector.broadcast %jit3A_1600 : f32 to vector<24x512xf32>
    %broadcast_in_dim3A_1603 = vector.broadcast %jit3A_1601 : f32 to vector<24x512xf32>
    %select_n3A_1604 = arith.select %eq3A_1599, %broadcast_in_dim3A_1602, %broadcast_in_dim3A_1603 : vector<24x512xi1>, vector<24x512xf32>
    %convert_element_type3A_1605 = arith.truncf %select_n3A_1604 : vector<24x512xf32> to vector<24x512xbf16>
    %eq3A_1606 = arith.constant 20 : i32
    %eq3A_1607 = vector.broadcast %eq3A_1606 : i32 to vector<1x512xi32>
    %eq3A_1608 = arith.cmpi eq, %slice3A_1596, %eq3A_1607 : vector<1x512xi32>
    %broadcast_in_dim3A_1609 = vector.shape_cast %eq3A_1608 : vector<1x512xi1> to vector<1x512xi1>
    %broadcast_in_dim3A_1610 = vector.broadcast %broadcast_in_dim3A_1609 : vector<1x512xi1> to vector<16x512xi1>
    %jit3A_1611 = arith.constant -2.000000e+08 : f32
    %jit3A_1612 = arith.constant 0.000000e+00 : f32
    %broadcast_in_dim3A_1613 = vector.broadcast %jit3A_1611 : f32 to vector<16x512xf32>
    %broadcast_in_dim3A_1614 = vector.broadcast %jit3A_1612 : f32 to vector<16x512xf32>
    %select_n3A_1615 = arith.select %broadcast_in_dim3A_1610, %broadcast_in_dim3A_1613, %broadcast_in_dim3A_1614 : vector<16x512xi1>, vector<16x512xf32>
    %slice3A_1616 = vector.extract_strided_slice %get3A_1 {offsets = [81, 0], sizes = [1, 512], strides = [1, 1]} : vector<128x512xi32> to vector<1x512xi32>
    %broadcast_in_dim3A_1617 = vector.shape_cast %slice3A_1616 : vector<1x512xi32> to vector<1x512xi32>
    %broadcast_in_dim3A_1618 = vector.broadcast %broadcast_in_dim3A_1617 : vector<1x512xi32> to vector<24x512xi32>
    %eq3A_1619 = arith.cmpi eq, %broadcast_in_dim3A_1618, %iota3A : vector<24x512xi32>
    %jit3A_1620 = arith.constant 1.000000e+00 : f32
    %jit3A_1621 = arith.constant 0.000000e+00 : f32
    %broadcast_in_dim3A_1622 = vector.broadcast %jit3A_1620 : f32 to vector<24x512xf32>
    %broadcast_in_dim3A_1623 = vector.broadcast %jit3A_1621 : f32 to vector<24x512xf32>
    %select_n3A_1624 = arith.select %eq3A_1619, %broadcast_in_dim3A_1622, %broadcast_in_dim3A_1623 : vector<24x512xi1>, vector<24x512xf32>
    %convert_element_type3A_1625 = arith.truncf %select_n3A_1624 : vector<24x512xf32> to vector<24x512xbf16>
    %eq3A_1626 = arith.constant 20 : i32
    %eq3A_1627 = vector.broadcast %eq3A_1626 : i32 to vector<1x512xi32>
    %eq3A_1628 = arith.cmpi eq, %slice3A_1616, %eq3A_1627 : vector<1x512xi32>
    %broadcast_in_dim3A_1629 = vector.shape_cast %eq3A_1628 : vector<1x512xi1> to vector<1x512xi1>
    %broadcast_in_dim3A_1630 = vector.broadcast %broadcast_in_dim3A_1629 : vector<1x512xi1> to vector<16x512xi1>
    %jit3A_1631 = arith.constant -2.000000e+08 : f32
    %jit3A_1632 = arith.constant 0.000000e+00 : f32
    %broadcast_in_dim3A_1633 = vector.broadcast %jit3A_1631 : f32 to vector<16x512xf32>
    %broadcast_in_dim3A_1634 = vector.broadcast %jit3A_1632 : f32 to vector<16x512xf32>
    %select_n3A_1635 = arith.select %broadcast_in_dim3A_1630, %broadcast_in_dim3A_1633, %broadcast_in_dim3A_1634 : vector<16x512xi1>, vector<16x512xf32>
    %slice3A_1636 = vector.extract_strided_slice %get3A_1 {offsets = [82, 0], sizes = [1, 512], strides = [1, 1]} : vector<128x512xi32> to vector<1x512xi32>
    %broadcast_in_dim3A_1637 = vector.shape_cast %slice3A_1636 : vector<1x512xi32> to vector<1x512xi32>
    %broadcast_in_dim3A_1638 = vector.broadcast %broadcast_in_dim3A_1637 : vector<1x512xi32> to vector<24x512xi32>
    %eq3A_1639 = arith.cmpi eq, %broadcast_in_dim3A_1638, %iota3A : vector<24x512xi32>
    %jit3A_1640 = arith.constant 1.000000e+00 : f32
    %jit3A_1641 = arith.constant 0.000000e+00 : f32
    %broadcast_in_dim3A_1642 = vector.broadcast %jit3A_1640 : f32 to vector<24x512xf32>
    %broadcast_in_dim3A_1643 = vector.broadcast %jit3A_1641 : f32 to vector<24x512xf32>
    %select_n3A_1644 = arith.select %eq3A_1639, %broadcast_in_dim3A_1642, %broadcast_in_dim3A_1643 : vector<24x512xi1>, vector<24x512xf32>
    %convert_element_type3A_1645 = arith.truncf %select_n3A_1644 : vector<24x512xf32> to vector<24x512xbf16>
    %eq3A_1646 = arith.constant 20 : i32
    %eq3A_1647 = vector.broadcast %eq3A_1646 : i32 to vector<1x512xi32>
    %eq3A_1648 = arith.cmpi eq, %slice3A_1636, %eq3A_1647 : vector<1x512xi32>
    %broadcast_in_dim3A_1649 = vector.shape_cast %eq3A_1648 : vector<1x512xi1> to vector<1x512xi1>
    %broadcast_in_dim3A_1650 = vector.broadcast %broadcast_in_dim3A_1649 : vector<1x512xi1> to vector<16x512xi1>
    %jit3A_1651 = arith.constant -2.000000e+08 : f32
    %jit3A_1652 = arith.constant 0.000000e+00 : f32
    %broadcast_in_dim3A_1653 = vector.broadcast %jit3A_1651 : f32 to vector<16x512xf32>
    %broadcast_in_dim3A_1654 = vector.broadcast %jit3A_1652 : f32 to vector<16x512xf32>
    %select_n3A_1655 = arith.select %broadcast_in_dim3A_1650, %broadcast_in_dim3A_1653, %broadcast_in_dim3A_1654 : vector<16x512xi1>, vector<16x512xf32>
    %slice3A_1656 = vector.extract_strided_slice %get3A_1 {offsets = [83, 0], sizes = [1, 512], strides = [1, 1]} : vector<128x512xi32> to vector<1x512xi32>
    %broadcast_in_dim3A_1657 = vector.shape_cast %slice3A_1656 : vector<1x512xi32> to vector<1x512xi32>
    %broadcast_in_dim3A_1658 = vector.broadcast %broadcast_in_dim3A_1657 : vector<1x512xi32> to vector<24x512xi32>
    %eq3A_1659 = arith.cmpi eq, %broadcast_in_dim3A_1658, %iota3A : vector<24x512xi32>
    %jit3A_1660 = arith.constant 1.000000e+00 : f32
    %jit3A_1661 = arith.constant 0.000000e+00 : f32
    %broadcast_in_dim3A_1662 = vector.broadcast %jit3A_1660 : f32 to vector<24x512xf32>
    %broadcast_in_dim3A_1663 = vector.broadcast %jit3A_1661 : f32 to vector<24x512xf32>
    %select_n3A_1664 = arith.select %eq3A_1659, %broadcast_in_dim3A_1662, %broadcast_in_dim3A_1663 : vector<24x512xi1>, vector<24x512xf32>
    %convert_element_type3A_1665 = arith.truncf %select_n3A_1664 : vector<24x512xf32> to vector<24x512xbf16>
    %eq3A_1666 = arith.constant 20 : i32
    %eq3A_1667 = vector.broadcast %eq3A_1666 : i32 to vector<1x512xi32>
    %eq3A_1668 = arith.cmpi eq, %slice3A_1656, %eq3A_1667 : vector<1x512xi32>
    %broadcast_in_dim3A_1669 = vector.shape_cast %eq3A_1668 : vector<1x512xi1> to vector<1x512xi1>
    %broadcast_in_dim3A_1670 = vector.broadcast %broadcast_in_dim3A_1669 : vector<1x512xi1> to vector<16x512xi1>
    %jit3A_1671 = arith.constant -2.000000e+08 : f32
    %jit3A_1672 = arith.constant 0.000000e+00 : f32
    %broadcast_in_dim3A_1673 = vector.broadcast %jit3A_1671 : f32 to vector<16x512xf32>
    %broadcast_in_dim3A_1674 = vector.broadcast %jit3A_1672 : f32 to vector<16x512xf32>
    %select_n3A_1675 = arith.select %broadcast_in_dim3A_1670, %broadcast_in_dim3A_1673, %broadcast_in_dim3A_1674 : vector<16x512xi1>, vector<16x512xf32>
    %slice3A_1676 = vector.extract_strided_slice %get3A_1 {offsets = [84, 0], sizes = [1, 512], strides = [1, 1]} : vector<128x512xi32> to vector<1x512xi32>
    %broadcast_in_dim3A_1677 = vector.shape_cast %slice3A_1676 : vector<1x512xi32> to vector<1x512xi32>
    %broadcast_in_dim3A_1678 = vector.broadcast %broadcast_in_dim3A_1677 : vector<1x512xi32> to vector<24x512xi32>
    %eq3A_1679 = arith.cmpi eq, %broadcast_in_dim3A_1678, %iota3A : vector<24x512xi32>
    %jit3A_1680 = arith.constant 1.000000e+00 : f32
    %jit3A_1681 = arith.constant 0.000000e+00 : f32
    %broadcast_in_dim3A_1682 = vector.broadcast %jit3A_1680 : f32 to vector<24x512xf32>
    %broadcast_in_dim3A_1683 = vector.broadcast %jit3A_1681 : f32 to vector<24x512xf32>
    %select_n3A_1684 = arith.select %eq3A_1679, %broadcast_in_dim3A_1682, %broadcast_in_dim3A_1683 : vector<24x512xi1>, vector<24x512xf32>
    %convert_element_type3A_1685 = arith.truncf %select_n3A_1684 : vector<24x512xf32> to vector<24x512xbf16>
    %eq3A_1686 = arith.constant 20 : i32
    %eq3A_1687 = vector.broadcast %eq3A_1686 : i32 to vector<1x512xi32>
    %eq3A_1688 = arith.cmpi eq, %slice3A_1676, %eq3A_1687 : vector<1x512xi32>
    %broadcast_in_dim3A_1689 = vector.shape_cast %eq3A_1688 : vector<1x512xi1> to vector<1x512xi1>
    %broadcast_in_dim3A_1690 = vector.broadcast %broadcast_in_dim3A_1689 : vector<1x512xi1> to vector<16x512xi1>
    %jit3A_1691 = arith.constant -2.000000e+08 : f32
    %jit3A_1692 = arith.constant 0.000000e+00 : f32
    %broadcast_in_dim3A_1693 = vector.broadcast %jit3A_1691 : f32 to vector<16x512xf32>
    %broadcast_in_dim3A_1694 = vector.broadcast %jit3A_1692 : f32 to vector<16x512xf32>
    %select_n3A_1695 = arith.select %broadcast_in_dim3A_1690, %broadcast_in_dim3A_1693, %broadcast_in_dim3A_1694 : vector<16x512xi1>, vector<16x512xf32>
    %slice3A_1696 = vector.extract_strided_slice %get3A_1 {offsets = [85, 0], sizes = [1, 512], strides = [1, 1]} : vector<128x512xi32> to vector<1x512xi32>
    %broadcast_in_dim3A_1697 = vector.shape_cast %slice3A_1696 : vector<1x512xi32> to vector<1x512xi32>
    %broadcast_in_dim3A_1698 = vector.broadcast %broadcast_in_dim3A_1697 : vector<1x512xi32> to vector<24x512xi32>
    %eq3A_1699 = arith.cmpi eq, %broadcast_in_dim3A_1698, %iota3A : vector<24x512xi32>
    %jit3A_1700 = arith.constant 1.000000e+00 : f32
    %jit3A_1701 = arith.constant 0.000000e+00 : f32
    %broadcast_in_dim3A_1702 = vector.broadcast %jit3A_1700 : f32 to vector<24x512xf32>
    %broadcast_in_dim3A_1703 = vector.broadcast %jit3A_1701 : f32 to vector<24x512xf32>
    %select_n3A_1704 = arith.select %eq3A_1699, %broadcast_in_dim3A_1702, %broadcast_in_dim3A_1703 : vector<24x512xi1>, vector<24x512xf32>
    %convert_element_type3A_1705 = arith.truncf %select_n3A_1704 : vector<24x512xf32> to vector<24x512xbf16>
    %eq3A_1706 = arith.constant 20 : i32
    %eq3A_1707 = vector.broadcast %eq3A_1706 : i32 to vector<1x512xi32>
    %eq3A_1708 = arith.cmpi eq, %slice3A_1696, %eq3A_1707 : vector<1x512xi32>
    %broadcast_in_dim3A_1709 = vector.shape_cast %eq3A_1708 : vector<1x512xi1> to vector<1x512xi1>
    %broadcast_in_dim3A_1710 = vector.broadcast %broadcast_in_dim3A_1709 : vector<1x512xi1> to vector<16x512xi1>
    %jit3A_1711 = arith.constant -2.000000e+08 : f32
    %jit3A_1712 = arith.constant 0.000000e+00 : f32
    %broadcast_in_dim3A_1713 = vector.broadcast %jit3A_1711 : f32 to vector<16x512xf32>
    %broadcast_in_dim3A_1714 = vector.broadcast %jit3A_1712 : f32 to vector<16x512xf32>
    %select_n3A_1715 = arith.select %broadcast_in_dim3A_1710, %broadcast_in_dim3A_1713, %broadcast_in_dim3A_1714 : vector<16x512xi1>, vector<16x512xf32>
    %slice3A_1716 = vector.extract_strided_slice %get3A_1 {offsets = [86, 0], sizes = [1, 512], strides = [1, 1]} : vector<128x512xi32> to vector<1x512xi32>
    %broadcast_in_dim3A_1717 = vector.shape_cast %slice3A_1716 : vector<1x512xi32> to vector<1x512xi32>
    %broadcast_in_dim3A_1718 = vector.broadcast %broadcast_in_dim3A_1717 : vector<1x512xi32> to vector<24x512xi32>
    %eq3A_1719 = arith.cmpi eq, %broadcast_in_dim3A_1718, %iota3A : vector<24x512xi32>
    %jit3A_1720 = arith.constant 1.000000e+00 : f32
    %jit3A_1721 = arith.constant 0.000000e+00 : f32
    %broadcast_in_dim3A_1722 = vector.broadcast %jit3A_1720 : f32 to vector<24x512xf32>
    %broadcast_in_dim3A_1723 = vector.broadcast %jit3A_1721 : f32 to vector<24x512xf32>
    %select_n3A_1724 = arith.select %eq3A_1719, %broadcast_in_dim3A_1722, %broadcast_in_dim3A_1723 : vector<24x512xi1>, vector<24x512xf32>
    %convert_element_type3A_1725 = arith.truncf %select_n3A_1724 : vector<24x512xf32> to vector<24x512xbf16>
    %eq3A_1726 = arith.constant 20 : i32
    %eq3A_1727 = vector.broadcast %eq3A_1726 : i32 to vector<1x512xi32>
    %eq3A_1728 = arith.cmpi eq, %slice3A_1716, %eq3A_1727 : vector<1x512xi32>
    %broadcast_in_dim3A_1729 = vector.shape_cast %eq3A_1728 : vector<1x512xi1> to vector<1x512xi1>
    %broadcast_in_dim3A_1730 = vector.broadcast %broadcast_in_dim3A_1729 : vector<1x512xi1> to vector<16x512xi1>
    %jit3A_1731 = arith.constant -2.000000e+08 : f32
    %jit3A_1732 = arith.constant 0.000000e+00 : f32
    %broadcast_in_dim3A_1733 = vector.broadcast %jit3A_1731 : f32 to vector<16x512xf32>
    %broadcast_in_dim3A_1734 = vector.broadcast %jit3A_1732 : f32 to vector<16x512xf32>
    %select_n3A_1735 = arith.select %broadcast_in_dim3A_1730, %broadcast_in_dim3A_1733, %broadcast_in_dim3A_1734 : vector<16x512xi1>, vector<16x512xf32>
    %slice3A_1736 = vector.extract_strided_slice %get3A_1 {offsets = [87, 0], sizes = [1, 512], strides = [1, 1]} : vector<128x512xi32> to vector<1x512xi32>
    %broadcast_in_dim3A_1737 = vector.shape_cast %slice3A_1736 : vector<1x512xi32> to vector<1x512xi32>
    %broadcast_in_dim3A_1738 = vector.broadcast %broadcast_in_dim3A_1737 : vector<1x512xi32> to vector<24x512xi32>
    %eq3A_1739 = arith.cmpi eq, %broadcast_in_dim3A_1738, %iota3A : vector<24x512xi32>
    %jit3A_1740 = arith.constant 1.000000e+00 : f32
    %jit3A_1741 = arith.constant 0.000000e+00 : f32
    %broadcast_in_dim3A_1742 = vector.broadcast %jit3A_1740 : f32 to vector<24x512xf32>
    %broadcast_in_dim3A_1743 = vector.broadcast %jit3A_1741 : f32 to vector<24x512xf32>
    %select_n3A_1744 = arith.select %eq3A_1739, %broadcast_in_dim3A_1742, %broadcast_in_dim3A_1743 : vector<24x512xi1>, vector<24x512xf32>
    %convert_element_type3A_1745 = arith.truncf %select_n3A_1744 : vector<24x512xf32> to vector<24x512xbf16>
    %eq3A_1746 = arith.constant 20 : i32
    %eq3A_1747 = vector.broadcast %eq3A_1746 : i32 to vector<1x512xi32>
    %eq3A_1748 = arith.cmpi eq, %slice3A_1736, %eq3A_1747 : vector<1x512xi32>
    %broadcast_in_dim3A_1749 = vector.shape_cast %eq3A_1748 : vector<1x512xi1> to vector<1x512xi1>
    %broadcast_in_dim3A_1750 = vector.broadcast %broadcast_in_dim3A_1749 : vector<1x512xi1> to vector<16x512xi1>
    %jit3A_1751 = arith.constant -2.000000e+08 : f32
    %jit3A_1752 = arith.constant 0.000000e+00 : f32
    %broadcast_in_dim3A_1753 = vector.broadcast %jit3A_1751 : f32 to vector<16x512xf32>
    %broadcast_in_dim3A_1754 = vector.broadcast %jit3A_1752 : f32 to vector<16x512xf32>
    %select_n3A_1755 = arith.select %broadcast_in_dim3A_1750, %broadcast_in_dim3A_1753, %broadcast_in_dim3A_1754 : vector<16x512xi1>, vector<16x512xf32>
    %slice3A_1756 = vector.extract_strided_slice %get3A_1 {offsets = [88, 0], sizes = [1, 512], strides = [1, 1]} : vector<128x512xi32> to vector<1x512xi32>
    %broadcast_in_dim3A_1757 = vector.shape_cast %slice3A_1756 : vector<1x512xi32> to vector<1x512xi32>
    %broadcast_in_dim3A_1758 = vector.broadcast %broadcast_in_dim3A_1757 : vector<1x512xi32> to vector<24x512xi32>
    %eq3A_1759 = arith.cmpi eq, %broadcast_in_dim3A_1758, %iota3A : vector<24x512xi32>
    %jit3A_1760 = arith.constant 1.000000e+00 : f32
    %jit3A_1761 = arith.constant 0.000000e+00 : f32
    %broadcast_in_dim3A_1762 = vector.broadcast %jit3A_1760 : f32 to vector<24x512xf32>
    %broadcast_in_dim3A_1763 = vector.broadcast %jit3A_1761 : f32 to vector<24x512xf32>
    %select_n3A_1764 = arith.select %eq3A_1759, %broadcast_in_dim3A_1762, %broadcast_in_dim3A_1763 : vector<24x512xi1>, vector<24x512xf32>
    %convert_element_type3A_1765 = arith.truncf %select_n3A_1764 : vector<24x512xf32> to vector<24x512xbf16>
    %eq3A_1766 = arith.constant 20 : i32
    %eq3A_1767 = vector.broadcast %eq3A_1766 : i32 to vector<1x512xi32>
    %eq3A_1768 = arith.cmpi eq, %slice3A_1756, %eq3A_1767 : vector<1x512xi32>
    %broadcast_in_dim3A_1769 = vector.shape_cast %eq3A_1768 : vector<1x512xi1> to vector<1x512xi1>
    %broadcast_in_dim3A_1770 = vector.broadcast %broadcast_in_dim3A_1769 : vector<1x512xi1> to vector<16x512xi1>
    %jit3A_1771 = arith.constant -2.000000e+08 : f32
    %jit3A_1772 = arith.constant 0.000000e+00 : f32
    %broadcast_in_dim3A_1773 = vector.broadcast %jit3A_1771 : f32 to vector<16x512xf32>
    %broadcast_in_dim3A_1774 = vector.broadcast %jit3A_1772 : f32 to vector<16x512xf32>
    %select_n3A_1775 = arith.select %broadcast_in_dim3A_1770, %broadcast_in_dim3A_1773, %broadcast_in_dim3A_1774 : vector<16x512xi1>, vector<16x512xf32>
    %slice3A_1776 = vector.extract_strided_slice %get3A_1 {offsets = [89, 0], sizes = [1, 512], strides = [1, 1]} : vector<128x512xi32> to vector<1x512xi32>
    %broadcast_in_dim3A_1777 = vector.shape_cast %slice3A_1776 : vector<1x512xi32> to vector<1x512xi32>
    %broadcast_in_dim3A_1778 = vector.broadcast %broadcast_in_dim3A_1777 : vector<1x512xi32> to vector<24x512xi32>
    %eq3A_1779 = arith.cmpi eq, %broadcast_in_dim3A_1778, %iota3A : vector<24x512xi32>
    %jit3A_1780 = arith.constant 1.000000e+00 : f32
    %jit3A_1781 = arith.constant 0.000000e+00 : f32
    %broadcast_in_dim3A_1782 = vector.broadcast %jit3A_1780 : f32 to vector<24x512xf32>
    %broadcast_in_dim3A_1783 = vector.broadcast %jit3A_1781 : f32 to vector<24x512xf32>
    %select_n3A_1784 = arith.select %eq3A_1779, %broadcast_in_dim3A_1782, %broadcast_in_dim3A_1783 : vector<24x512xi1>, vector<24x512xf32>
    %convert_element_type3A_1785 = arith.truncf %select_n3A_1784 : vector<24x512xf32> to vector<24x512xbf16>
    %eq3A_1786 = arith.constant 20 : i32
    %eq3A_1787 = vector.broadcast %eq3A_1786 : i32 to vector<1x512xi32>
    %eq3A_1788 = arith.cmpi eq, %slice3A_1776, %eq3A_1787 : vector<1x512xi32>
    %broadcast_in_dim3A_1789 = vector.shape_cast %eq3A_1788 : vector<1x512xi1> to vector<1x512xi1>
    %broadcast_in_dim3A_1790 = vector.broadcast %broadcast_in_dim3A_1789 : vector<1x512xi1> to vector<16x512xi1>
    %jit3A_1791 = arith.constant -2.000000e+08 : f32
    %jit3A_1792 = arith.constant 0.000000e+00 : f32
    %broadcast_in_dim3A_1793 = vector.broadcast %jit3A_1791 : f32 to vector<16x512xf32>
    %broadcast_in_dim3A_1794 = vector.broadcast %jit3A_1792 : f32 to vector<16x512xf32>
    %select_n3A_1795 = arith.select %broadcast_in_dim3A_1790, %broadcast_in_dim3A_1793, %broadcast_in_dim3A_1794 : vector<16x512xi1>, vector<16x512xf32>
    %slice3A_1796 = vector.extract_strided_slice %get3A_1 {offsets = [90, 0], sizes = [1, 512], strides = [1, 1]} : vector<128x512xi32> to vector<1x512xi32>
    %broadcast_in_dim3A_1797 = vector.shape_cast %slice3A_1796 : vector<1x512xi32> to vector<1x512xi32>
    %broadcast_in_dim3A_1798 = vector.broadcast %broadcast_in_dim3A_1797 : vector<1x512xi32> to vector<24x512xi32>
    %eq3A_1799 = arith.cmpi eq, %broadcast_in_dim3A_1798, %iota3A : vector<24x512xi32>
    %jit3A_1800 = arith.constant 1.000000e+00 : f32
    %jit3A_1801 = arith.constant 0.000000e+00 : f32
    %broadcast_in_dim3A_1802 = vector.broadcast %jit3A_1800 : f32 to vector<24x512xf32>
    %broadcast_in_dim3A_1803 = vector.broadcast %jit3A_1801 : f32 to vector<24x512xf32>
    %select_n3A_1804 = arith.select %eq3A_1799, %broadcast_in_dim3A_1802, %broadcast_in_dim3A_1803 : vector<24x512xi1>, vector<24x512xf32>
    %convert_element_type3A_1805 = arith.truncf %select_n3A_1804 : vector<24x512xf32> to vector<24x512xbf16>
    %eq3A_1806 = arith.constant 20 : i32
    %eq3A_1807 = vector.broadcast %eq3A_1806 : i32 to vector<1x512xi32>
    %eq3A_1808 = arith.cmpi eq, %slice3A_1796, %eq3A_1807 : vector<1x512xi32>
    %broadcast_in_dim3A_1809 = vector.shape_cast %eq3A_1808 : vector<1x512xi1> to vector<1x512xi1>
    %broadcast_in_dim3A_1810 = vector.broadcast %broadcast_in_dim3A_1809 : vector<1x512xi1> to vector<16x512xi1>
    %jit3A_1811 = arith.constant -2.000000e+08 : f32
    %jit3A_1812 = arith.constant 0.000000e+00 : f32
    %broadcast_in_dim3A_1813 = vector.broadcast %jit3A_1811 : f32 to vector<16x512xf32>
    %broadcast_in_dim3A_1814 = vector.broadcast %jit3A_1812 : f32 to vector<16x512xf32>
    %select_n3A_1815 = arith.select %broadcast_in_dim3A_1810, %broadcast_in_dim3A_1813, %broadcast_in_dim3A_1814 : vector<16x512xi1>, vector<16x512xf32>
    %slice3A_1816 = vector.extract_strided_slice %get3A_1 {offsets = [91, 0], sizes = [1, 512], strides = [1, 1]} : vector<128x512xi32> to vector<1x512xi32>
    %broadcast_in_dim3A_1817 = vector.shape_cast %slice3A_1816 : vector<1x512xi32> to vector<1x512xi32>
    %broadcast_in_dim3A_1818 = vector.broadcast %broadcast_in_dim3A_1817 : vector<1x512xi32> to vector<24x512xi32>
    %eq3A_1819 = arith.cmpi eq, %broadcast_in_dim3A_1818, %iota3A : vector<24x512xi32>
    %jit3A_1820 = arith.constant 1.000000e+00 : f32
    %jit3A_1821 = arith.constant 0.000000e+00 : f32
    %broadcast_in_dim3A_1822 = vector.broadcast %jit3A_1820 : f32 to vector<24x512xf32>
    %broadcast_in_dim3A_1823 = vector.broadcast %jit3A_1821 : f32 to vector<24x512xf32>
    %select_n3A_1824 = arith.select %eq3A_1819, %broadcast_in_dim3A_1822, %broadcast_in_dim3A_1823 : vector<24x512xi1>, vector<24x512xf32>
    %convert_element_type3A_1825 = arith.truncf %select_n3A_1824 : vector<24x512xf32> to vector<24x512xbf16>
    %eq3A_1826 = arith.constant 20 : i32
    %eq3A_1827 = vector.broadcast %eq3A_1826 : i32 to vector<1x512xi32>
    %eq3A_1828 = arith.cmpi eq, %slice3A_1816, %eq3A_1827 : vector<1x512xi32>
    %broadcast_in_dim3A_1829 = vector.shape_cast %eq3A_1828 : vector<1x512xi1> to vector<1x512xi1>
    %broadcast_in_dim3A_1830 = vector.broadcast %broadcast_in_dim3A_1829 : vector<1x512xi1> to vector<16x512xi1>
    %jit3A_1831 = arith.constant -2.000000e+08 : f32
    %jit3A_1832 = arith.constant 0.000000e+00 : f32
    %broadcast_in_dim3A_1833 = vector.broadcast %jit3A_1831 : f32 to vector<16x512xf32>
    %broadcast_in_dim3A_1834 = vector.broadcast %jit3A_1832 : f32 to vector<16x512xf32>
    %select_n3A_1835 = arith.select %broadcast_in_dim3A_1830, %broadcast_in_dim3A_1833, %broadcast_in_dim3A_1834 : vector<16x512xi1>, vector<16x512xf32>
    %slice3A_1836 = vector.extract_strided_slice %get3A_1 {offsets = [92, 0], sizes = [1, 512], strides = [1, 1]} : vector<128x512xi32> to vector<1x512xi32>
    %broadcast_in_dim3A_1837 = vector.shape_cast %slice3A_1836 : vector<1x512xi32> to vector<1x512xi32>
    %broadcast_in_dim3A_1838 = vector.broadcast %broadcast_in_dim3A_1837 : vector<1x512xi32> to vector<24x512xi32>
    %eq3A_1839 = arith.cmpi eq, %broadcast_in_dim3A_1838, %iota3A : vector<24x512xi32>
    %jit3A_1840 = arith.constant 1.000000e+00 : f32
    %jit3A_1841 = arith.constant 0.000000e+00 : f32
    %broadcast_in_dim3A_1842 = vector.broadcast %jit3A_1840 : f32 to vector<24x512xf32>
    %broadcast_in_dim3A_1843 = vector.broadcast %jit3A_1841 : f32 to vector<24x512xf32>
    %select_n3A_1844 = arith.select %eq3A_1839, %broadcast_in_dim3A_1842, %broadcast_in_dim3A_1843 : vector<24x512xi1>, vector<24x512xf32>
    %convert_element_type3A_1845 = arith.truncf %select_n3A_1844 : vector<24x512xf32> to vector<24x512xbf16>
    %eq3A_1846 = arith.constant 20 : i32
    %eq3A_1847 = vector.broadcast %eq3A_1846 : i32 to vector<1x512xi32>
    %eq3A_1848 = arith.cmpi eq, %slice3A_1836, %eq3A_1847 : vector<1x512xi32>
    %broadcast_in_dim3A_1849 = vector.shape_cast %eq3A_1848 : vector<1x512xi1> to vector<1x512xi1>
    %broadcast_in_dim3A_1850 = vector.broadcast %broadcast_in_dim3A_1849 : vector<1x512xi1> to vector<16x512xi1>
    %jit3A_1851 = arith.constant -2.000000e+08 : f32
    %jit3A_1852 = arith.constant 0.000000e+00 : f32
    %broadcast_in_dim3A_1853 = vector.broadcast %jit3A_1851 : f32 to vector<16x512xf32>
    %broadcast_in_dim3A_1854 = vector.broadcast %jit3A_1852 : f32 to vector<16x512xf32>
    %select_n3A_1855 = arith.select %broadcast_in_dim3A_1850, %broadcast_in_dim3A_1853, %broadcast_in_dim3A_1854 : vector<16x512xi1>, vector<16x512xf32>
    %slice3A_1856 = vector.extract_strided_slice %get3A_1 {offsets = [93, 0], sizes = [1, 512], strides = [1, 1]} : vector<128x512xi32> to vector<1x512xi32>
    %broadcast_in_dim3A_1857 = vector.shape_cast %slice3A_1856 : vector<1x512xi32> to vector<1x512xi32>
    %broadcast_in_dim3A_1858 = vector.broadcast %broadcast_in_dim3A_1857 : vector<1x512xi32> to vector<24x512xi32>
    %eq3A_1859 = arith.cmpi eq, %broadcast_in_dim3A_1858, %iota3A : vector<24x512xi32>
    %jit3A_1860 = arith.constant 1.000000e+00 : f32
    %jit3A_1861 = arith.constant 0.000000e+00 : f32
    %broadcast_in_dim3A_1862 = vector.broadcast %jit3A_1860 : f32 to vector<24x512xf32>
    %broadcast_in_dim3A_1863 = vector.broadcast %jit3A_1861 : f32 to vector<24x512xf32>
    %select_n3A_1864 = arith.select %eq3A_1859, %broadcast_in_dim3A_1862, %broadcast_in_dim3A_1863 : vector<24x512xi1>, vector<24x512xf32>
    %convert_element_type3A_1865 = arith.truncf %select_n3A_1864 : vector<24x512xf32> to vector<24x512xbf16>
    %eq3A_1866 = arith.constant 20 : i32
    %eq3A_1867 = vector.broadcast %eq3A_1866 : i32 to vector<1x512xi32>
    %eq3A_1868 = arith.cmpi eq, %slice3A_1856, %eq3A_1867 : vector<1x512xi32>
    %broadcast_in_dim3A_1869 = vector.shape_cast %eq3A_1868 : vector<1x512xi1> to vector<1x512xi1>
    %broadcast_in_dim3A_1870 = vector.broadcast %broadcast_in_dim3A_1869 : vector<1x512xi1> to vector<16x512xi1>
    %jit3A_1871 = arith.constant -2.000000e+08 : f32
    %jit3A_1872 = arith.constant 0.000000e+00 : f32
    %broadcast_in_dim3A_1873 = vector.broadcast %jit3A_1871 : f32 to vector<16x512xf32>
    %broadcast_in_dim3A_1874 = vector.broadcast %jit3A_1872 : f32 to vector<16x512xf32>
    %select_n3A_1875 = arith.select %broadcast_in_dim3A_1870, %broadcast_in_dim3A_1873, %broadcast_in_dim3A_1874 : vector<16x512xi1>, vector<16x512xf32>
    %slice3A_1876 = vector.extract_strided_slice %get3A_1 {offsets = [94, 0], sizes = [1, 512], strides = [1, 1]} : vector<128x512xi32> to vector<1x512xi32>
    %broadcast_in_dim3A_1877 = vector.shape_cast %slice3A_1876 : vector<1x512xi32> to vector<1x512xi32>
    %broadcast_in_dim3A_1878 = vector.broadcast %broadcast_in_dim3A_1877 : vector<1x512xi32> to vector<24x512xi32>
    %eq3A_1879 = arith.cmpi eq, %broadcast_in_dim3A_1878, %iota3A : vector<24x512xi32>
    %jit3A_1880 = arith.constant 1.000000e+00 : f32
    %jit3A_1881 = arith.constant 0.000000e+00 : f32
    %broadcast_in_dim3A_1882 = vector.broadcast %jit3A_1880 : f32 to vector<24x512xf32>
    %broadcast_in_dim3A_1883 = vector.broadcast %jit3A_1881 : f32 to vector<24x512xf32>
    %select_n3A_1884 = arith.select %eq3A_1879, %broadcast_in_dim3A_1882, %broadcast_in_dim3A_1883 : vector<24x512xi1>, vector<24x512xf32>
    %convert_element_type3A_1885 = arith.truncf %select_n3A_1884 : vector<24x512xf32> to vector<24x512xbf16>
    %eq3A_1886 = arith.constant 20 : i32
    %eq3A_1887 = vector.broadcast %eq3A_1886 : i32 to vector<1x512xi32>
    %eq3A_1888 = arith.cmpi eq, %slice3A_1876, %eq3A_1887 : vector<1x512xi32>
    %broadcast_in_dim3A_1889 = vector.shape_cast %eq3A_1888 : vector<1x512xi1> to vector<1x512xi1>
    %broadcast_in_dim3A_1890 = vector.broadcast %broadcast_in_dim3A_1889 : vector<1x512xi1> to vector<16x512xi1>
    %jit3A_1891 = arith.constant -2.000000e+08 : f32
    %jit3A_1892 = arith.constant 0.000000e+00 : f32
    %broadcast_in_dim3A_1893 = vector.broadcast %jit3A_1891 : f32 to vector<16x512xf32>
    %broadcast_in_dim3A_1894 = vector.broadcast %jit3A_1892 : f32 to vector<16x512xf32>
    %select_n3A_1895 = arith.select %broadcast_in_dim3A_1890, %broadcast_in_dim3A_1893, %broadcast_in_dim3A_1894 : vector<16x512xi1>, vector<16x512xf32>
    %slice3A_1896 = vector.extract_strided_slice %get3A_1 {offsets = [95, 0], sizes = [1, 512], strides = [1, 1]} : vector<128x512xi32> to vector<1x512xi32>
    %broadcast_in_dim3A_1897 = vector.shape_cast %slice3A_1896 : vector<1x512xi32> to vector<1x512xi32>
    %broadcast_in_dim3A_1898 = vector.broadcast %broadcast_in_dim3A_1897 : vector<1x512xi32> to vector<24x512xi32>
    %eq3A_1899 = arith.cmpi eq, %broadcast_in_dim3A_1898, %iota3A : vector<24x512xi32>
    %jit3A_1900 = arith.constant 1.000000e+00 : f32
    %jit3A_1901 = arith.constant 0.000000e+00 : f32
    %broadcast_in_dim3A_1902 = vector.broadcast %jit3A_1900 : f32 to vector<24x512xf32>
    %broadcast_in_dim3A_1903 = vector.broadcast %jit3A_1901 : f32 to vector<24x512xf32>
    %select_n3A_1904 = arith.select %eq3A_1899, %broadcast_in_dim3A_1902, %broadcast_in_dim3A_1903 : vector<24x512xi1>, vector<24x512xf32>
    %convert_element_type3A_1905 = arith.truncf %select_n3A_1904 : vector<24x512xf32> to vector<24x512xbf16>
    %eq3A_1906 = arith.constant 20 : i32
    %eq3A_1907 = vector.broadcast %eq3A_1906 : i32 to vector<1x512xi32>
    %eq3A_1908 = arith.cmpi eq, %slice3A_1896, %eq3A_1907 : vector<1x512xi32>
    %broadcast_in_dim3A_1909 = vector.shape_cast %eq3A_1908 : vector<1x512xi1> to vector<1x512xi1>
    %broadcast_in_dim3A_1910 = vector.broadcast %broadcast_in_dim3A_1909 : vector<1x512xi1> to vector<16x512xi1>
    %jit3A_1911 = arith.constant -2.000000e+08 : f32
    %jit3A_1912 = arith.constant 0.000000e+00 : f32
    %broadcast_in_dim3A_1913 = vector.broadcast %jit3A_1911 : f32 to vector<16x512xf32>
    %broadcast_in_dim3A_1914 = vector.broadcast %jit3A_1912 : f32 to vector<16x512xf32>
    %select_n3A_1915 = arith.select %broadcast_in_dim3A_1910, %broadcast_in_dim3A_1913, %broadcast_in_dim3A_1914 : vector<16x512xi1>, vector<16x512xf32>
    %slice3A_1916 = vector.extract_strided_slice %get3A_1 {offsets = [96, 0], sizes = [1, 512], strides = [1, 1]} : vector<128x512xi32> to vector<1x512xi32>
    %broadcast_in_dim3A_1917 = vector.shape_cast %slice3A_1916 : vector<1x512xi32> to vector<1x512xi32>
    %broadcast_in_dim3A_1918 = vector.broadcast %broadcast_in_dim3A_1917 : vector<1x512xi32> to vector<24x512xi32>
    %eq3A_1919 = arith.cmpi eq, %broadcast_in_dim3A_1918, %iota3A : vector<24x512xi32>
    %jit3A_1920 = arith.constant 1.000000e+00 : f32
    %jit3A_1921 = arith.constant 0.000000e+00 : f32
    %broadcast_in_dim3A_1922 = vector.broadcast %jit3A_1920 : f32 to vector<24x512xf32>
    %broadcast_in_dim3A_1923 = vector.broadcast %jit3A_1921 : f32 to vector<24x512xf32>
    %select_n3A_1924 = arith.select %eq3A_1919, %broadcast_in_dim3A_1922, %broadcast_in_dim3A_1923 : vector<24x512xi1>, vector<24x512xf32>
    %convert_element_type3A_1925 = arith.truncf %select_n3A_1924 : vector<24x512xf32> to vector<24x512xbf16>
    %eq3A_1926 = arith.constant 20 : i32
    %eq3A_1927 = vector.broadcast %eq3A_1926 : i32 to vector<1x512xi32>
    %eq3A_1928 = arith.cmpi eq, %slice3A_1916, %eq3A_1927 : vector<1x512xi32>
    %broadcast_in_dim3A_1929 = vector.shape_cast %eq3A_1928 : vector<1x512xi1> to vector<1x512xi1>
    %broadcast_in_dim3A_1930 = vector.broadcast %broadcast_in_dim3A_1929 : vector<1x512xi1> to vector<16x512xi1>
    %jit3A_1931 = arith.constant -2.000000e+08 : f32
    %jit3A_1932 = arith.constant 0.000000e+00 : f32
    %broadcast_in_dim3A_1933 = vector.broadcast %jit3A_1931 : f32 to vector<16x512xf32>
    %broadcast_in_dim3A_1934 = vector.broadcast %jit3A_1932 : f32 to vector<16x512xf32>
    %select_n3A_1935 = arith.select %broadcast_in_dim3A_1930, %broadcast_in_dim3A_1933, %broadcast_in_dim3A_1934 : vector<16x512xi1>, vector<16x512xf32>
    %slice3A_1936 = vector.extract_strided_slice %get3A_1 {offsets = [97, 0], sizes = [1, 512], strides = [1, 1]} : vector<128x512xi32> to vector<1x512xi32>
    %broadcast_in_dim3A_1937 = vector.shape_cast %slice3A_1936 : vector<1x512xi32> to vector<1x512xi32>
    %broadcast_in_dim3A_1938 = vector.broadcast %broadcast_in_dim3A_1937 : vector<1x512xi32> to vector<24x512xi32>
    %eq3A_1939 = arith.cmpi eq, %broadcast_in_dim3A_1938, %iota3A : vector<24x512xi32>
    %jit3A_1940 = arith.constant 1.000000e+00 : f32
    %jit3A_1941 = arith.constant 0.000000e+00 : f32
    %broadcast_in_dim3A_1942 = vector.broadcast %jit3A_1940 : f32 to vector<24x512xf32>
    %broadcast_in_dim3A_1943 = vector.broadcast %jit3A_1941 : f32 to vector<24x512xf32>
    %select_n3A_1944 = arith.select %eq3A_1939, %broadcast_in_dim3A_1942, %broadcast_in_dim3A_1943 : vector<24x512xi1>, vector<24x512xf32>
    %convert_element_type3A_1945 = arith.truncf %select_n3A_1944 : vector<24x512xf32> to vector<24x512xbf16>
    %eq3A_1946 = arith.constant 20 : i32
    %eq3A_1947 = vector.broadcast %eq3A_1946 : i32 to vector<1x512xi32>
    %eq3A_1948 = arith.cmpi eq, %slice3A_1936, %eq3A_1947 : vector<1x512xi32>
    %broadcast_in_dim3A_1949 = vector.shape_cast %eq3A_1948 : vector<1x512xi1> to vector<1x512xi1>
    %broadcast_in_dim3A_1950 = vector.broadcast %broadcast_in_dim3A_1949 : vector<1x512xi1> to vector<16x512xi1>
    %jit3A_1951 = arith.constant -2.000000e+08 : f32
    %jit3A_1952 = arith.constant 0.000000e+00 : f32
    %broadcast_in_dim3A_1953 = vector.broadcast %jit3A_1951 : f32 to vector<16x512xf32>
    %broadcast_in_dim3A_1954 = vector.broadcast %jit3A_1952 : f32 to vector<16x512xf32>
    %select_n3A_1955 = arith.select %broadcast_in_dim3A_1950, %broadcast_in_dim3A_1953, %broadcast_in_dim3A_1954 : vector<16x512xi1>, vector<16x512xf32>
    %slice3A_1956 = vector.extract_strided_slice %get3A_1 {offsets = [98, 0], sizes = [1, 512], strides = [1, 1]} : vector<128x512xi32> to vector<1x512xi32>
    %broadcast_in_dim3A_1957 = vector.shape_cast %slice3A_1956 : vector<1x512xi32> to vector<1x512xi32>
    %broadcast_in_dim3A_1958 = vector.broadcast %broadcast_in_dim3A_1957 : vector<1x512xi32> to vector<24x512xi32>
    %eq3A_1959 = arith.cmpi eq, %broadcast_in_dim3A_1958, %iota3A : vector<24x512xi32>
    %jit3A_1960 = arith.constant 1.000000e+00 : f32
    %jit3A_1961 = arith.constant 0.000000e+00 : f32
    %broadcast_in_dim3A_1962 = vector.broadcast %jit3A_1960 : f32 to vector<24x512xf32>
    %broadcast_in_dim3A_1963 = vector.broadcast %jit3A_1961 : f32 to vector<24x512xf32>
    %select_n3A_1964 = arith.select %eq3A_1959, %broadcast_in_dim3A_1962, %broadcast_in_dim3A_1963 : vector<24x512xi1>, vector<24x512xf32>
    %convert_element_type3A_1965 = arith.truncf %select_n3A_1964 : vector<24x512xf32> to vector<24x512xbf16>
    %eq3A_1966 = arith.constant 20 : i32
    %eq3A_1967 = vector.broadcast %eq3A_1966 : i32 to vector<1x512xi32>
    %eq3A_1968 = arith.cmpi eq, %slice3A_1956, %eq3A_1967 : vector<1x512xi32>
    %broadcast_in_dim3A_1969 = vector.shape_cast %eq3A_1968 : vector<1x512xi1> to vector<1x512xi1>
    %broadcast_in_dim3A_1970 = vector.broadcast %broadcast_in_dim3A_1969 : vector<1x512xi1> to vector<16x512xi1>
    %jit3A_1971 = arith.constant -2.000000e+08 : f32
    %jit3A_1972 = arith.constant 0.000000e+00 : f32
    %broadcast_in_dim3A_1973 = vector.broadcast %jit3A_1971 : f32 to vector<16x512xf32>
    %broadcast_in_dim3A_1974 = vector.broadcast %jit3A_1972 : f32 to vector<16x512xf32>
    %select_n3A_1975 = arith.select %broadcast_in_dim3A_1970, %broadcast_in_dim3A_1973, %broadcast_in_dim3A_1974 : vector<16x512xi1>, vector<16x512xf32>
    %slice3A_1976 = vector.extract_strided_slice %get3A_1 {offsets = [99, 0], sizes = [1, 512], strides = [1, 1]} : vector<128x512xi32> to vector<1x512xi32>
    %broadcast_in_dim3A_1977 = vector.shape_cast %slice3A_1976 : vector<1x512xi32> to vector<1x512xi32>
    %broadcast_in_dim3A_1978 = vector.broadcast %broadcast_in_dim3A_1977 : vector<1x512xi32> to vector<24x512xi32>
    %eq3A_1979 = arith.cmpi eq, %broadcast_in_dim3A_1978, %iota3A : vector<24x512xi32>
    %jit3A_1980 = arith.constant 1.000000e+00 : f32
    %jit3A_1981 = arith.constant 0.000000e+00 : f32
    %broadcast_in_dim3A_1982 = vector.broadcast %jit3A_1980 : f32 to vector<24x512xf32>
    %broadcast_in_dim3A_1983 = vector.broadcast %jit3A_1981 : f32 to vector<24x512xf32>
    %select_n3A_1984 = arith.select %eq3A_1979, %broadcast_in_dim3A_1982, %broadcast_in_dim3A_1983 : vector<24x512xi1>, vector<24x512xf32>
    %convert_element_type3A_1985 = arith.truncf %select_n3A_1984 : vector<24x512xf32> to vector<24x512xbf16>
    %eq3A_1986 = arith.constant 20 : i32
    %eq3A_1987 = vector.broadcast %eq3A_1986 : i32 to vector<1x512xi32>
    %eq3A_1988 = arith.cmpi eq, %slice3A_1976, %eq3A_1987 : vector<1x512xi32>
    %broadcast_in_dim3A_1989 = vector.shape_cast %eq3A_1988 : vector<1x512xi1> to vector<1x512xi1>
    %broadcast_in_dim3A_1990 = vector.broadcast %broadcast_in_dim3A_1989 : vector<1x512xi1> to vector<16x512xi1>
    %jit3A_1991 = arith.constant -2.000000e+08 : f32
    %jit3A_1992 = arith.constant 0.000000e+00 : f32
    %broadcast_in_dim3A_1993 = vector.broadcast %jit3A_1991 : f32 to vector<16x512xf32>
    %broadcast_in_dim3A_1994 = vector.broadcast %jit3A_1992 : f32 to vector<16x512xf32>
    %select_n3A_1995 = arith.select %broadcast_in_dim3A_1990, %broadcast_in_dim3A_1993, %broadcast_in_dim3A_1994 : vector<16x512xi1>, vector<16x512xf32>
    %slice3A_1996 = vector.extract_strided_slice %get3A_1 {offsets = [100, 0], sizes = [1, 512], strides = [1, 1]} : vector<128x512xi32> to vector<1x512xi32>
    %broadcast_in_dim3A_1997 = vector.shape_cast %slice3A_1996 : vector<1x512xi32> to vector<1x512xi32>
    %broadcast_in_dim3A_1998 = vector.broadcast %broadcast_in_dim3A_1997 : vector<1x512xi32> to vector<24x512xi32>
    %eq3A_1999 = arith.cmpi eq, %broadcast_in_dim3A_1998, %iota3A : vector<24x512xi32>
    %jit3A_2000 = arith.constant 1.000000e+00 : f32
    %jit3A_2001 = arith.constant 0.000000e+00 : f32
    %broadcast_in_dim3A_2002 = vector.broadcast %jit3A_2000 : f32 to vector<24x512xf32>
    %broadcast_in_dim3A_2003 = vector.broadcast %jit3A_2001 : f32 to vector<24x512xf32>
    %select_n3A_2004 = arith.select %eq3A_1999, %broadcast_in_dim3A_2002, %broadcast_in_dim3A_2003 : vector<24x512xi1>, vector<24x512xf32>
    %convert_element_type3A_2005 = arith.truncf %select_n3A_2004 : vector<24x512xf32> to vector<24x512xbf16>
    %eq3A_2006 = arith.constant 20 : i32
    %eq3A_2007 = vector.broadcast %eq3A_2006 : i32 to vector<1x512xi32>
    %eq3A_2008 = arith.cmpi eq, %slice3A_1996, %eq3A_2007 : vector<1x512xi32>
    %broadcast_in_dim3A_2009 = vector.shape_cast %eq3A_2008 : vector<1x512xi1> to vector<1x512xi1>
    %broadcast_in_dim3A_2010 = vector.broadcast %broadcast_in_dim3A_2009 : vector<1x512xi1> to vector<16x512xi1>
    %jit3A_2011 = arith.constant -2.000000e+08 : f32
    %jit3A_2012 = arith.constant 0.000000e+00 : f32
    %broadcast_in_dim3A_2013 = vector.broadcast %jit3A_2011 : f32 to vector<16x512xf32>
    %broadcast_in_dim3A_2014 = vector.broadcast %jit3A_2012 : f32 to vector<16x512xf32>
    %select_n3A_2015 = arith.select %broadcast_in_dim3A_2010, %broadcast_in_dim3A_2013, %broadcast_in_dim3A_2014 : vector<16x512xi1>, vector<16x512xf32>
    %slice3A_2016 = vector.extract_strided_slice %get3A_1 {offsets = [101, 0], sizes = [1, 512], strides = [1, 1]} : vector<128x512xi32> to vector<1x512xi32>
    %broadcast_in_dim3A_2017 = vector.shape_cast %slice3A_2016 : vector<1x512xi32> to vector<1x512xi32>
    %broadcast_in_dim3A_2018 = vector.broadcast %broadcast_in_dim3A_2017 : vector<1x512xi32> to vector<24x512xi32>
    %eq3A_2019 = arith.cmpi eq, %broadcast_in_dim3A_2018, %iota3A : vector<24x512xi32>
    %jit3A_2020 = arith.constant 1.000000e+00 : f32
    %jit3A_2021 = arith.constant 0.000000e+00 : f32
    %broadcast_in_dim3A_2022 = vector.broadcast %jit3A_2020 : f32 to vector<24x512xf32>
    %broadcast_in_dim3A_2023 = vector.broadcast %jit3A_2021 : f32 to vector<24x512xf32>
    %select_n3A_2024 = arith.select %eq3A_2019, %broadcast_in_dim3A_2022, %broadcast_in_dim3A_2023 : vector<24x512xi1>, vector<24x512xf32>
    %convert_element_type3A_2025 = arith.truncf %select_n3A_2024 : vector<24x512xf32> to vector<24x512xbf16>
    %eq3A_2026 = arith.constant 20 : i32
    %eq3A_2027 = vector.broadcast %eq3A_2026 : i32 to vector<1x512xi32>
    %eq3A_2028 = arith.cmpi eq, %slice3A_2016, %eq3A_2027 : vector<1x512xi32>
    %broadcast_in_dim3A_2029 = vector.shape_cast %eq3A_2028 : vector<1x512xi1> to vector<1x512xi1>
    %broadcast_in_dim3A_2030 = vector.broadcast %broadcast_in_dim3A_2029 : vector<1x512xi1> to vector<16x512xi1>
    %jit3A_2031 = arith.constant -2.000000e+08 : f32
    %jit3A_2032 = arith.constant 0.000000e+00 : f32
    %broadcast_in_dim3A_2033 = vector.broadcast %jit3A_2031 : f32 to vector<16x512xf32>
    %broadcast_in_dim3A_2034 = vector.broadcast %jit3A_2032 : f32 to vector<16x512xf32>
    %select_n3A_2035 = arith.select %broadcast_in_dim3A_2030, %broadcast_in_dim3A_2033, %broadcast_in_dim3A_2034 : vector<16x512xi1>, vector<16x512xf32>
    %slice3A_2036 = vector.extract_strided_slice %get3A_1 {offsets = [102, 0], sizes = [1, 512], strides = [1, 1]} : vector<128x512xi32> to vector<1x512xi32>
    %broadcast_in_dim3A_2037 = vector.shape_cast %slice3A_2036 : vector<1x512xi32> to vector<1x512xi32>
    %broadcast_in_dim3A_2038 = vector.broadcast %broadcast_in_dim3A_2037 : vector<1x512xi32> to vector<24x512xi32>
    %eq3A_2039 = arith.cmpi eq, %broadcast_in_dim3A_2038, %iota3A : vector<24x512xi32>
    %jit3A_2040 = arith.constant 1.000000e+00 : f32
    %jit3A_2041 = arith.constant 0.000000e+00 : f32
    %broadcast_in_dim3A_2042 = vector.broadcast %jit3A_2040 : f32 to vector<24x512xf32>
    %broadcast_in_dim3A_2043 = vector.broadcast %jit3A_2041 : f32 to vector<24x512xf32>
    %select_n3A_2044 = arith.select %eq3A_2039, %broadcast_in_dim3A_2042, %broadcast_in_dim3A_2043 : vector<24x512xi1>, vector<24x512xf32>
    %convert_element_type3A_2045 = arith.truncf %select_n3A_2044 : vector<24x512xf32> to vector<24x512xbf16>
    %eq3A_2046 = arith.constant 20 : i32
    %eq3A_2047 = vector.broadcast %eq3A_2046 : i32 to vector<1x512xi32>
    %eq3A_2048 = arith.cmpi eq, %slice3A_2036, %eq3A_2047 : vector<1x512xi32>
    %broadcast_in_dim3A_2049 = vector.shape_cast %eq3A_2048 : vector<1x512xi1> to vector<1x512xi1>
    %broadcast_in_dim3A_2050 = vector.broadcast %broadcast_in_dim3A_2049 : vector<1x512xi1> to vector<16x512xi1>
    %jit3A_2051 = arith.constant -2.000000e+08 : f32
    %jit3A_2052 = arith.constant 0.000000e+00 : f32
    %broadcast_in_dim3A_2053 = vector.broadcast %jit3A_2051 : f32 to vector<16x512xf32>
    %broadcast_in_dim3A_2054 = vector.broadcast %jit3A_2052 : f32 to vector<16x512xf32>
    %select_n3A_2055 = arith.select %broadcast_in_dim3A_2050, %broadcast_in_dim3A_2053, %broadcast_in_dim3A_2054 : vector<16x512xi1>, vector<16x512xf32>
    %slice3A_2056 = vector.extract_strided_slice %get3A_1 {offsets = [103, 0], sizes = [1, 512], strides = [1, 1]} : vector<128x512xi32> to vector<1x512xi32>
    %broadcast_in_dim3A_2057 = vector.shape_cast %slice3A_2056 : vector<1x512xi32> to vector<1x512xi32>
    %broadcast_in_dim3A_2058 = vector.broadcast %broadcast_in_dim3A_2057 : vector<1x512xi32> to vector<24x512xi32>
    %eq3A_2059 = arith.cmpi eq, %broadcast_in_dim3A_2058, %iota3A : vector<24x512xi32>
    %jit3A_2060 = arith.constant 1.000000e+00 : f32
    %jit3A_2061 = arith.constant 0.000000e+00 : f32
    %broadcast_in_dim3A_2062 = vector.broadcast %jit3A_2060 : f32 to vector<24x512xf32>
    %broadcast_in_dim3A_2063 = vector.broadcast %jit3A_2061 : f32 to vector<24x512xf32>
    %select_n3A_2064 = arith.select %eq3A_2059, %broadcast_in_dim3A_2062, %broadcast_in_dim3A_2063 : vector<24x512xi1>, vector<24x512xf32>
    %convert_element_type3A_2065 = arith.truncf %select_n3A_2064 : vector<24x512xf32> to vector<24x512xbf16>
    %eq3A_2066 = arith.constant 20 : i32
    %eq3A_2067 = vector.broadcast %eq3A_2066 : i32 to vector<1x512xi32>
    %eq3A_2068 = arith.cmpi eq, %slice3A_2056, %eq3A_2067 : vector<1x512xi32>
    %broadcast_in_dim3A_2069 = vector.shape_cast %eq3A_2068 : vector<1x512xi1> to vector<1x512xi1>
    %broadcast_in_dim3A_2070 = vector.broadcast %broadcast_in_dim3A_2069 : vector<1x512xi1> to vector<16x512xi1>
    %jit3A_2071 = arith.constant -2.000000e+08 : f32
    %jit3A_2072 = arith.constant 0.000000e+00 : f32
    %broadcast_in_dim3A_2073 = vector.broadcast %jit3A_2071 : f32 to vector<16x512xf32>
    %broadcast_in_dim3A_2074 = vector.broadcast %jit3A_2072 : f32 to vector<16x512xf32>
    %select_n3A_2075 = arith.select %broadcast_in_dim3A_2070, %broadcast_in_dim3A_2073, %broadcast_in_dim3A_2074 : vector<16x512xi1>, vector<16x512xf32>
    %slice3A_2076 = vector.extract_strided_slice %get3A_1 {offsets = [104, 0], sizes = [1, 512], strides = [1, 1]} : vector<128x512xi32> to vector<1x512xi32>
    %broadcast_in_dim3A_2077 = vector.shape_cast %slice3A_2076 : vector<1x512xi32> to vector<1x512xi32>
    %broadcast_in_dim3A_2078 = vector.broadcast %broadcast_in_dim3A_2077 : vector<1x512xi32> to vector<24x512xi32>
    %eq3A_2079 = arith.cmpi eq, %broadcast_in_dim3A_2078, %iota3A : vector<24x512xi32>
    %jit3A_2080 = arith.constant 1.000000e+00 : f32
    %jit3A_2081 = arith.constant 0.000000e+00 : f32
    %broadcast_in_dim3A_2082 = vector.broadcast %jit3A_2080 : f32 to vector<24x512xf32>
    %broadcast_in_dim3A_2083 = vector.broadcast %jit3A_2081 : f32 to vector<24x512xf32>
    %select_n3A_2084 = arith.select %eq3A_2079, %broadcast_in_dim3A_2082, %broadcast_in_dim3A_2083 : vector<24x512xi1>, vector<24x512xf32>
    %convert_element_type3A_2085 = arith.truncf %select_n3A_2084 : vector<24x512xf32> to vector<24x512xbf16>
    %eq3A_2086 = arith.constant 20 : i32
    %eq3A_2087 = vector.broadcast %eq3A_2086 : i32 to vector<1x512xi32>
    %eq3A_2088 = arith.cmpi eq, %slice3A_2076, %eq3A_2087 : vector<1x512xi32>
    %broadcast_in_dim3A_2089 = vector.shape_cast %eq3A_2088 : vector<1x512xi1> to vector<1x512xi1>
    %broadcast_in_dim3A_2090 = vector.broadcast %broadcast_in_dim3A_2089 : vector<1x512xi1> to vector<16x512xi1>
    %jit3A_2091 = arith.constant -2.000000e+08 : f32
    %jit3A_2092 = arith.constant 0.000000e+00 : f32
    %broadcast_in_dim3A_2093 = vector.broadcast %jit3A_2091 : f32 to vector<16x512xf32>
    %broadcast_in_dim3A_2094 = vector.broadcast %jit3A_2092 : f32 to vector<16x512xf32>
    %select_n3A_2095 = arith.select %broadcast_in_dim3A_2090, %broadcast_in_dim3A_2093, %broadcast_in_dim3A_2094 : vector<16x512xi1>, vector<16x512xf32>
    %slice3A_2096 = vector.extract_strided_slice %get3A_1 {offsets = [105, 0], sizes = [1, 512], strides = [1, 1]} : vector<128x512xi32> to vector<1x512xi32>
    %broadcast_in_dim3A_2097 = vector.shape_cast %slice3A_2096 : vector<1x512xi32> to vector<1x512xi32>
    %broadcast_in_dim3A_2098 = vector.broadcast %broadcast_in_dim3A_2097 : vector<1x512xi32> to vector<24x512xi32>
    %eq3A_2099 = arith.cmpi eq, %broadcast_in_dim3A_2098, %iota3A : vector<24x512xi32>
    %jit3A_2100 = arith.constant 1.000000e+00 : f32
    %jit3A_2101 = arith.constant 0.000000e+00 : f32
    %broadcast_in_dim3A_2102 = vector.broadcast %jit3A_2100 : f32 to vector<24x512xf32>
    %broadcast_in_dim3A_2103 = vector.broadcast %jit3A_2101 : f32 to vector<24x512xf32>
    %select_n3A_2104 = arith.select %eq3A_2099, %broadcast_in_dim3A_2102, %broadcast_in_dim3A_2103 : vector<24x512xi1>, vector<24x512xf32>
    %convert_element_type3A_2105 = arith.truncf %select_n3A_2104 : vector<24x512xf32> to vector<24x512xbf16>
    %eq3A_2106 = arith.constant 20 : i32
    %eq3A_2107 = vector.broadcast %eq3A_2106 : i32 to vector<1x512xi32>
    %eq3A_2108 = arith.cmpi eq, %slice3A_2096, %eq3A_2107 : vector<1x512xi32>
    %broadcast_in_dim3A_2109 = vector.shape_cast %eq3A_2108 : vector<1x512xi1> to vector<1x512xi1>
    %broadcast_in_dim3A_2110 = vector.broadcast %broadcast_in_dim3A_2109 : vector<1x512xi1> to vector<16x512xi1>
    %jit3A_2111 = arith.constant -2.000000e+08 : f32
    %jit3A_2112 = arith.constant 0.000000e+00 : f32
    %broadcast_in_dim3A_2113 = vector.broadcast %jit3A_2111 : f32 to vector<16x512xf32>
    %broadcast_in_dim3A_2114 = vector.broadcast %jit3A_2112 : f32 to vector<16x512xf32>
    %select_n3A_2115 = arith.select %broadcast_in_dim3A_2110, %broadcast_in_dim3A_2113, %broadcast_in_dim3A_2114 : vector<16x512xi1>, vector<16x512xf32>
    %slice3A_2116 = vector.extract_strided_slice %get3A_1 {offsets = [106, 0], sizes = [1, 512], strides = [1, 1]} : vector<128x512xi32> to vector<1x512xi32>
    %broadcast_in_dim3A_2117 = vector.shape_cast %slice3A_2116 : vector<1x512xi32> to vector<1x512xi32>
    %broadcast_in_dim3A_2118 = vector.broadcast %broadcast_in_dim3A_2117 : vector<1x512xi32> to vector<24x512xi32>
    %eq3A_2119 = arith.cmpi eq, %broadcast_in_dim3A_2118, %iota3A : vector<24x512xi32>
    %jit3A_2120 = arith.constant 1.000000e+00 : f32
    %jit3A_2121 = arith.constant 0.000000e+00 : f32
    %broadcast_in_dim3A_2122 = vector.broadcast %jit3A_2120 : f32 to vector<24x512xf32>
    %broadcast_in_dim3A_2123 = vector.broadcast %jit3A_2121 : f32 to vector<24x512xf32>
    %select_n3A_2124 = arith.select %eq3A_2119, %broadcast_in_dim3A_2122, %broadcast_in_dim3A_2123 : vector<24x512xi1>, vector<24x512xf32>
    %convert_element_type3A_2125 = arith.truncf %select_n3A_2124 : vector<24x512xf32> to vector<24x512xbf16>
    %eq3A_2126 = arith.constant 20 : i32
    %eq3A_2127 = vector.broadcast %eq3A_2126 : i32 to vector<1x512xi32>
    %eq3A_2128 = arith.cmpi eq, %slice3A_2116, %eq3A_2127 : vector<1x512xi32>
    %broadcast_in_dim3A_2129 = vector.shape_cast %eq3A_2128 : vector<1x512xi1> to vector<1x512xi1>
    %broadcast_in_dim3A_2130 = vector.broadcast %broadcast_in_dim3A_2129 : vector<1x512xi1> to vector<16x512xi1>
    %jit3A_2131 = arith.constant -2.000000e+08 : f32
    %jit3A_2132 = arith.constant 0.000000e+00 : f32
    %broadcast_in_dim3A_2133 = vector.broadcast %jit3A_2131 : f32 to vector<16x512xf32>
    %broadcast_in_dim3A_2134 = vector.broadcast %jit3A_2132 : f32 to vector<16x512xf32>
    %select_n3A_2135 = arith.select %broadcast_in_dim3A_2130, %broadcast_in_dim3A_2133, %broadcast_in_dim3A_2134 : vector<16x512xi1>, vector<16x512xf32>
    %slice3A_2136 = vector.extract_strided_slice %get3A_1 {offsets = [107, 0], sizes = [1, 512], strides = [1, 1]} : vector<128x512xi32> to vector<1x512xi32>
    %broadcast_in_dim3A_2137 = vector.shape_cast %slice3A_2136 : vector<1x512xi32> to vector<1x512xi32>
    %broadcast_in_dim3A_2138 = vector.broadcast %broadcast_in_dim3A_2137 : vector<1x512xi32> to vector<24x512xi32>
    %eq3A_2139 = arith.cmpi eq, %broadcast_in_dim3A_2138, %iota3A : vector<24x512xi32>
    %jit3A_2140 = arith.constant 1.000000e+00 : f32
    %jit3A_2141 = arith.constant 0.000000e+00 : f32
    %broadcast_in_dim3A_2142 = vector.broadcast %jit3A_2140 : f32 to vector<24x512xf32>
    %broadcast_in_dim3A_2143 = vector.broadcast %jit3A_2141 : f32 to vector<24x512xf32>
    %select_n3A_2144 = arith.select %eq3A_2139, %broadcast_in_dim3A_2142, %broadcast_in_dim3A_2143 : vector<24x512xi1>, vector<24x512xf32>
    %convert_element_type3A_2145 = arith.truncf %select_n3A_2144 : vector<24x512xf32> to vector<24x512xbf16>
    %eq3A_2146 = arith.constant 20 : i32
    %eq3A_2147 = vector.broadcast %eq3A_2146 : i32 to vector<1x512xi32>
    %eq3A_2148 = arith.cmpi eq, %slice3A_2136, %eq3A_2147 : vector<1x512xi32>
    %broadcast_in_dim3A_2149 = vector.shape_cast %eq3A_2148 : vector<1x512xi1> to vector<1x512xi1>
    %broadcast_in_dim3A_2150 = vector.broadcast %broadcast_in_dim3A_2149 : vector<1x512xi1> to vector<16x512xi1>
    %jit3A_2151 = arith.constant -2.000000e+08 : f32
    %jit3A_2152 = arith.constant 0.000000e+00 : f32
    %broadcast_in_dim3A_2153 = vector.broadcast %jit3A_2151 : f32 to vector<16x512xf32>
    %broadcast_in_dim3A_2154 = vector.broadcast %jit3A_2152 : f32 to vector<16x512xf32>
    %select_n3A_2155 = arith.select %broadcast_in_dim3A_2150, %broadcast_in_dim3A_2153, %broadcast_in_dim3A_2154 : vector<16x512xi1>, vector<16x512xf32>
    %slice3A_2156 = vector.extract_strided_slice %get3A_1 {offsets = [108, 0], sizes = [1, 512], strides = [1, 1]} : vector<128x512xi32> to vector<1x512xi32>
    %broadcast_in_dim3A_2157 = vector.shape_cast %slice3A_2156 : vector<1x512xi32> to vector<1x512xi32>
    %broadcast_in_dim3A_2158 = vector.broadcast %broadcast_in_dim3A_2157 : vector<1x512xi32> to vector<24x512xi32>
    %eq3A_2159 = arith.cmpi eq, %broadcast_in_dim3A_2158, %iota3A : vector<24x512xi32>
    %jit3A_2160 = arith.constant 1.000000e+00 : f32
    %jit3A_2161 = arith.constant 0.000000e+00 : f32
    %broadcast_in_dim3A_2162 = vector.broadcast %jit3A_2160 : f32 to vector<24x512xf32>
    %broadcast_in_dim3A_2163 = vector.broadcast %jit3A_2161 : f32 to vector<24x512xf32>
    %select_n3A_2164 = arith.select %eq3A_2159, %broadcast_in_dim3A_2162, %broadcast_in_dim3A_2163 : vector<24x512xi1>, vector<24x512xf32>
    %convert_element_type3A_2165 = arith.truncf %select_n3A_2164 : vector<24x512xf32> to vector<24x512xbf16>
    %eq3A_2166 = arith.constant 20 : i32
    %eq3A_2167 = vector.broadcast %eq3A_2166 : i32 to vector<1x512xi32>
    %eq3A_2168 = arith.cmpi eq, %slice3A_2156, %eq3A_2167 : vector<1x512xi32>
    %broadcast_in_dim3A_2169 = vector.shape_cast %eq3A_2168 : vector<1x512xi1> to vector<1x512xi1>
    %broadcast_in_dim3A_2170 = vector.broadcast %broadcast_in_dim3A_2169 : vector<1x512xi1> to vector<16x512xi1>
    %jit3A_2171 = arith.constant -2.000000e+08 : f32
    %jit3A_2172 = arith.constant 0.000000e+00 : f32
    %broadcast_in_dim3A_2173 = vector.broadcast %jit3A_2171 : f32 to vector<16x512xf32>
    %broadcast_in_dim3A_2174 = vector.broadcast %jit3A_2172 : f32 to vector<16x512xf32>
    %select_n3A_2175 = arith.select %broadcast_in_dim3A_2170, %broadcast_in_dim3A_2173, %broadcast_in_dim3A_2174 : vector<16x512xi1>, vector<16x512xf32>
    %slice3A_2176 = vector.extract_strided_slice %get3A_1 {offsets = [109, 0], sizes = [1, 512], strides = [1, 1]} : vector<128x512xi32> to vector<1x512xi32>
    %broadcast_in_dim3A_2177 = vector.shape_cast %slice3A_2176 : vector<1x512xi32> to vector<1x512xi32>
    %broadcast_in_dim3A_2178 = vector.broadcast %broadcast_in_dim3A_2177 : vector<1x512xi32> to vector<24x512xi32>
    %eq3A_2179 = arith.cmpi eq, %broadcast_in_dim3A_2178, %iota3A : vector<24x512xi32>
    %jit3A_2180 = arith.constant 1.000000e+00 : f32
    %jit3A_2181 = arith.constant 0.000000e+00 : f32
    %broadcast_in_dim3A_2182 = vector.broadcast %jit3A_2180 : f32 to vector<24x512xf32>
    %broadcast_in_dim3A_2183 = vector.broadcast %jit3A_2181 : f32 to vector<24x512xf32>
    %select_n3A_2184 = arith.select %eq3A_2179, %broadcast_in_dim3A_2182, %broadcast_in_dim3A_2183 : vector<24x512xi1>, vector<24x512xf32>
    %convert_element_type3A_2185 = arith.truncf %select_n3A_2184 : vector<24x512xf32> to vector<24x512xbf16>
    %eq3A_2186 = arith.constant 20 : i32
    %eq3A_2187 = vector.broadcast %eq3A_2186 : i32 to vector<1x512xi32>
    %eq3A_2188 = arith.cmpi eq, %slice3A_2176, %eq3A_2187 : vector<1x512xi32>
    %broadcast_in_dim3A_2189 = vector.shape_cast %eq3A_2188 : vector<1x512xi1> to vector<1x512xi1>
    %broadcast_in_dim3A_2190 = vector.broadcast %broadcast_in_dim3A_2189 : vector<1x512xi1> to vector<16x512xi1>
    %jit3A_2191 = arith.constant -2.000000e+08 : f32
    %jit3A_2192 = arith.constant 0.000000e+00 : f32
    %broadcast_in_dim3A_2193 = vector.broadcast %jit3A_2191 : f32 to vector<16x512xf32>
    %broadcast_in_dim3A_2194 = vector.broadcast %jit3A_2192 : f32 to vector<16x512xf32>
    %select_n3A_2195 = arith.select %broadcast_in_dim3A_2190, %broadcast_in_dim3A_2193, %broadcast_in_dim3A_2194 : vector<16x512xi1>, vector<16x512xf32>
    %slice3A_2196 = vector.extract_strided_slice %get3A_1 {offsets = [110, 0], sizes = [1, 512], strides = [1, 1]} : vector<128x512xi32> to vector<1x512xi32>
    %broadcast_in_dim3A_2197 = vector.shape_cast %slice3A_2196 : vector<1x512xi32> to vector<1x512xi32>
    %broadcast_in_dim3A_2198 = vector.broadcast %broadcast_in_dim3A_2197 : vector<1x512xi32> to vector<24x512xi32>
    %eq3A_2199 = arith.cmpi eq, %broadcast_in_dim3A_2198, %iota3A : vector<24x512xi32>
    %jit3A_2200 = arith.constant 1.000000e+00 : f32
    %jit3A_2201 = arith.constant 0.000000e+00 : f32
    %broadcast_in_dim3A_2202 = vector.broadcast %jit3A_2200 : f32 to vector<24x512xf32>
    %broadcast_in_dim3A_2203 = vector.broadcast %jit3A_2201 : f32 to vector<24x512xf32>
    %select_n3A_2204 = arith.select %eq3A_2199, %broadcast_in_dim3A_2202, %broadcast_in_dim3A_2203 : vector<24x512xi1>, vector<24x512xf32>
    %convert_element_type3A_2205 = arith.truncf %select_n3A_2204 : vector<24x512xf32> to vector<24x512xbf16>
    %eq3A_2206 = arith.constant 20 : i32
    %eq3A_2207 = vector.broadcast %eq3A_2206 : i32 to vector<1x512xi32>
    %eq3A_2208 = arith.cmpi eq, %slice3A_2196, %eq3A_2207 : vector<1x512xi32>
    %broadcast_in_dim3A_2209 = vector.shape_cast %eq3A_2208 : vector<1x512xi1> to vector<1x512xi1>
    %broadcast_in_dim3A_2210 = vector.broadcast %broadcast_in_dim3A_2209 : vector<1x512xi1> to vector<16x512xi1>
    %jit3A_2211 = arith.constant -2.000000e+08 : f32
    %jit3A_2212 = arith.constant 0.000000e+00 : f32
    %broadcast_in_dim3A_2213 = vector.broadcast %jit3A_2211 : f32 to vector<16x512xf32>
    %broadcast_in_dim3A_2214 = vector.broadcast %jit3A_2212 : f32 to vector<16x512xf32>
    %select_n3A_2215 = arith.select %broadcast_in_dim3A_2210, %broadcast_in_dim3A_2213, %broadcast_in_dim3A_2214 : vector<16x512xi1>, vector<16x512xf32>
    %slice3A_2216 = vector.extract_strided_slice %get3A_1 {offsets = [111, 0], sizes = [1, 512], strides = [1, 1]} : vector<128x512xi32> to vector<1x512xi32>
    %broadcast_in_dim3A_2217 = vector.shape_cast %slice3A_2216 : vector<1x512xi32> to vector<1x512xi32>
    %broadcast_in_dim3A_2218 = vector.broadcast %broadcast_in_dim3A_2217 : vector<1x512xi32> to vector<24x512xi32>
    %eq3A_2219 = arith.cmpi eq, %broadcast_in_dim3A_2218, %iota3A : vector<24x512xi32>
    %jit3A_2220 = arith.constant 1.000000e+00 : f32
    %jit3A_2221 = arith.constant 0.000000e+00 : f32
    %broadcast_in_dim3A_2222 = vector.broadcast %jit3A_2220 : f32 to vector<24x512xf32>
    %broadcast_in_dim3A_2223 = vector.broadcast %jit3A_2221 : f32 to vector<24x512xf32>
    %select_n3A_2224 = arith.select %eq3A_2219, %broadcast_in_dim3A_2222, %broadcast_in_dim3A_2223 : vector<24x512xi1>, vector<24x512xf32>
    %convert_element_type3A_2225 = arith.truncf %select_n3A_2224 : vector<24x512xf32> to vector<24x512xbf16>
    %eq3A_2226 = arith.constant 20 : i32
    %eq3A_2227 = vector.broadcast %eq3A_2226 : i32 to vector<1x512xi32>
    %eq3A_2228 = arith.cmpi eq, %slice3A_2216, %eq3A_2227 : vector<1x512xi32>
    %broadcast_in_dim3A_2229 = vector.shape_cast %eq3A_2228 : vector<1x512xi1> to vector<1x512xi1>
    %broadcast_in_dim3A_2230 = vector.broadcast %broadcast_in_dim3A_2229 : vector<1x512xi1> to vector<16x512xi1>
    %jit3A_2231 = arith.constant -2.000000e+08 : f32
    %jit3A_2232 = arith.constant 0.000000e+00 : f32
    %broadcast_in_dim3A_2233 = vector.broadcast %jit3A_2231 : f32 to vector<16x512xf32>
    %broadcast_in_dim3A_2234 = vector.broadcast %jit3A_2232 : f32 to vector<16x512xf32>
    %select_n3A_2235 = arith.select %broadcast_in_dim3A_2230, %broadcast_in_dim3A_2233, %broadcast_in_dim3A_2234 : vector<16x512xi1>, vector<16x512xf32>
    %slice3A_2236 = vector.extract_strided_slice %get3A_1 {offsets = [112, 0], sizes = [1, 512], strides = [1, 1]} : vector<128x512xi32> to vector<1x512xi32>
    %broadcast_in_dim3A_2237 = vector.shape_cast %slice3A_2236 : vector<1x512xi32> to vector<1x512xi32>
    %broadcast_in_dim3A_2238 = vector.broadcast %broadcast_in_dim3A_2237 : vector<1x512xi32> to vector<24x512xi32>
    %eq3A_2239 = arith.cmpi eq, %broadcast_in_dim3A_2238, %iota3A : vector<24x512xi32>
    %jit3A_2240 = arith.constant 1.000000e+00 : f32
    %jit3A_2241 = arith.constant 0.000000e+00 : f32
    %broadcast_in_dim3A_2242 = vector.broadcast %jit3A_2240 : f32 to vector<24x512xf32>
    %broadcast_in_dim3A_2243 = vector.broadcast %jit3A_2241 : f32 to vector<24x512xf32>
    %select_n3A_2244 = arith.select %eq3A_2239, %broadcast_in_dim3A_2242, %broadcast_in_dim3A_2243 : vector<24x512xi1>, vector<24x512xf32>
    %convert_element_type3A_2245 = arith.truncf %select_n3A_2244 : vector<24x512xf32> to vector<24x512xbf16>
    %eq3A_2246 = arith.constant 20 : i32
    %eq3A_2247 = vector.broadcast %eq3A_2246 : i32 to vector<1x512xi32>
    %eq3A_2248 = arith.cmpi eq, %slice3A_2236, %eq3A_2247 : vector<1x512xi32>
    %broadcast_in_dim3A_2249 = vector.shape_cast %eq3A_2248 : vector<1x512xi1> to vector<1x512xi1>
    %broadcast_in_dim3A_2250 = vector.broadcast %broadcast_in_dim3A_2249 : vector<1x512xi1> to vector<16x512xi1>
    %jit3A_2251 = arith.constant -2.000000e+08 : f32
    %jit3A_2252 = arith.constant 0.000000e+00 : f32
    %broadcast_in_dim3A_2253 = vector.broadcast %jit3A_2251 : f32 to vector<16x512xf32>
    %broadcast_in_dim3A_2254 = vector.broadcast %jit3A_2252 : f32 to vector<16x512xf32>
    %select_n3A_2255 = arith.select %broadcast_in_dim3A_2250, %broadcast_in_dim3A_2253, %broadcast_in_dim3A_2254 : vector<16x512xi1>, vector<16x512xf32>
    %slice3A_2256 = vector.extract_strided_slice %get3A_1 {offsets = [113, 0], sizes = [1, 512], strides = [1, 1]} : vector<128x512xi32> to vector<1x512xi32>
    %broadcast_in_dim3A_2257 = vector.shape_cast %slice3A_2256 : vector<1x512xi32> to vector<1x512xi32>
    %broadcast_in_dim3A_2258 = vector.broadcast %broadcast_in_dim3A_2257 : vector<1x512xi32> to vector<24x512xi32>
    %eq3A_2259 = arith.cmpi eq, %broadcast_in_dim3A_2258, %iota3A : vector<24x512xi32>
    %jit3A_2260 = arith.constant 1.000000e+00 : f32
    %jit3A_2261 = arith.constant 0.000000e+00 : f32
    %broadcast_in_dim3A_2262 = vector.broadcast %jit3A_2260 : f32 to vector<24x512xf32>
    %broadcast_in_dim3A_2263 = vector.broadcast %jit3A_2261 : f32 to vector<24x512xf32>
    %select_n3A_2264 = arith.select %eq3A_2259, %broadcast_in_dim3A_2262, %broadcast_in_dim3A_2263 : vector<24x512xi1>, vector<24x512xf32>
    %convert_element_type3A_2265 = arith.truncf %select_n3A_2264 : vector<24x512xf32> to vector<24x512xbf16>
    %eq3A_2266 = arith.constant 20 : i32
    %eq3A_2267 = vector.broadcast %eq3A_2266 : i32 to vector<1x512xi32>
    %eq3A_2268 = arith.cmpi eq, %slice3A_2256, %eq3A_2267 : vector<1x512xi32>
    %broadcast_in_dim3A_2269 = vector.shape_cast %eq3A_2268 : vector<1x512xi1> to vector<1x512xi1>
    %broadcast_in_dim3A_2270 = vector.broadcast %broadcast_in_dim3A_2269 : vector<1x512xi1> to vector<16x512xi1>
    %jit3A_2271 = arith.constant -2.000000e+08 : f32
    %jit3A_2272 = arith.constant 0.000000e+00 : f32
    %broadcast_in_dim3A_2273 = vector.broadcast %jit3A_2271 : f32 to vector<16x512xf32>
    %broadcast_in_dim3A_2274 = vector.broadcast %jit3A_2272 : f32 to vector<16x512xf32>
    %select_n3A_2275 = arith.select %broadcast_in_dim3A_2270, %broadcast_in_dim3A_2273, %broadcast_in_dim3A_2274 : vector<16x512xi1>, vector<16x512xf32>
    %slice3A_2276 = vector.extract_strided_slice %get3A_1 {offsets = [114, 0], sizes = [1, 512], strides = [1, 1]} : vector<128x512xi32> to vector<1x512xi32>
    %broadcast_in_dim3A_2277 = vector.shape_cast %slice3A_2276 : vector<1x512xi32> to vector<1x512xi32>
    %broadcast_in_dim3A_2278 = vector.broadcast %broadcast_in_dim3A_2277 : vector<1x512xi32> to vector<24x512xi32>
    %eq3A_2279 = arith.cmpi eq, %broadcast_in_dim3A_2278, %iota3A : vector<24x512xi32>
    %jit3A_2280 = arith.constant 1.000000e+00 : f32
    %jit3A_2281 = arith.constant 0.000000e+00 : f32
    %broadcast_in_dim3A_2282 = vector.broadcast %jit3A_2280 : f32 to vector<24x512xf32>
    %broadcast_in_dim3A_2283 = vector.broadcast %jit3A_2281 : f32 to vector<24x512xf32>
    %select_n3A_2284 = arith.select %eq3A_2279, %broadcast_in_dim3A_2282, %broadcast_in_dim3A_2283 : vector<24x512xi1>, vector<24x512xf32>
    %convert_element_type3A_2285 = arith.truncf %select_n3A_2284 : vector<24x512xf32> to vector<24x512xbf16>
    %eq3A_2286 = arith.constant 20 : i32
    %eq3A_2287 = vector.broadcast %eq3A_2286 : i32 to vector<1x512xi32>
    %eq3A_2288 = arith.cmpi eq, %slice3A_2276, %eq3A_2287 : vector<1x512xi32>
    %broadcast_in_dim3A_2289 = vector.shape_cast %eq3A_2288 : vector<1x512xi1> to vector<1x512xi1>
    %broadcast_in_dim3A_2290 = vector.broadcast %broadcast_in_dim3A_2289 : vector<1x512xi1> to vector<16x512xi1>
    %jit3A_2291 = arith.constant -2.000000e+08 : f32
    %jit3A_2292 = arith.constant 0.000000e+00 : f32
    %broadcast_in_dim3A_2293 = vector.broadcast %jit3A_2291 : f32 to vector<16x512xf32>
    %broadcast_in_dim3A_2294 = vector.broadcast %jit3A_2292 : f32 to vector<16x512xf32>
    %select_n3A_2295 = arith.select %broadcast_in_dim3A_2290, %broadcast_in_dim3A_2293, %broadcast_in_dim3A_2294 : vector<16x512xi1>, vector<16x512xf32>
    %slice3A_2296 = vector.extract_strided_slice %get3A_1 {offsets = [115, 0], sizes = [1, 512], strides = [1, 1]} : vector<128x512xi32> to vector<1x512xi32>
    %broadcast_in_dim3A_2297 = vector.shape_cast %slice3A_2296 : vector<1x512xi32> to vector<1x512xi32>
    %broadcast_in_dim3A_2298 = vector.broadcast %broadcast_in_dim3A_2297 : vector<1x512xi32> to vector<24x512xi32>
    %eq3A_2299 = arith.cmpi eq, %broadcast_in_dim3A_2298, %iota3A : vector<24x512xi32>
    %jit3A_2300 = arith.constant 1.000000e+00 : f32
    %jit3A_2301 = arith.constant 0.000000e+00 : f32
    %broadcast_in_dim3A_2302 = vector.broadcast %jit3A_2300 : f32 to vector<24x512xf32>
    %broadcast_in_dim3A_2303 = vector.broadcast %jit3A_2301 : f32 to vector<24x512xf32>
    %select_n3A_2304 = arith.select %eq3A_2299, %broadcast_in_dim3A_2302, %broadcast_in_dim3A_2303 : vector<24x512xi1>, vector<24x512xf32>
    %convert_element_type3A_2305 = arith.truncf %select_n3A_2304 : vector<24x512xf32> to vector<24x512xbf16>
    %eq3A_2306 = arith.constant 20 : i32
    %eq3A_2307 = vector.broadcast %eq3A_2306 : i32 to vector<1x512xi32>
    %eq3A_2308 = arith.cmpi eq, %slice3A_2296, %eq3A_2307 : vector<1x512xi32>
    %broadcast_in_dim3A_2309 = vector.shape_cast %eq3A_2308 : vector<1x512xi1> to vector<1x512xi1>
    %broadcast_in_dim3A_2310 = vector.broadcast %broadcast_in_dim3A_2309 : vector<1x512xi1> to vector<16x512xi1>
    %jit3A_2311 = arith.constant -2.000000e+08 : f32
    %jit3A_2312 = arith.constant 0.000000e+00 : f32
    %broadcast_in_dim3A_2313 = vector.broadcast %jit3A_2311 : f32 to vector<16x512xf32>
    %broadcast_in_dim3A_2314 = vector.broadcast %jit3A_2312 : f32 to vector<16x512xf32>
    %select_n3A_2315 = arith.select %broadcast_in_dim3A_2310, %broadcast_in_dim3A_2313, %broadcast_in_dim3A_2314 : vector<16x512xi1>, vector<16x512xf32>
    %slice3A_2316 = vector.extract_strided_slice %get3A_1 {offsets = [116, 0], sizes = [1, 512], strides = [1, 1]} : vector<128x512xi32> to vector<1x512xi32>
    %broadcast_in_dim3A_2317 = vector.shape_cast %slice3A_2316 : vector<1x512xi32> to vector<1x512xi32>
    %broadcast_in_dim3A_2318 = vector.broadcast %broadcast_in_dim3A_2317 : vector<1x512xi32> to vector<24x512xi32>
    %eq3A_2319 = arith.cmpi eq, %broadcast_in_dim3A_2318, %iota3A : vector<24x512xi32>
    %jit3A_2320 = arith.constant 1.000000e+00 : f32
    %jit3A_2321 = arith.constant 0.000000e+00 : f32
    %broadcast_in_dim3A_2322 = vector.broadcast %jit3A_2320 : f32 to vector<24x512xf32>
    %broadcast_in_dim3A_2323 = vector.broadcast %jit3A_2321 : f32 to vector<24x512xf32>
    %select_n3A_2324 = arith.select %eq3A_2319, %broadcast_in_dim3A_2322, %broadcast_in_dim3A_2323 : vector<24x512xi1>, vector<24x512xf32>
    %convert_element_type3A_2325 = arith.truncf %select_n3A_2324 : vector<24x512xf32> to vector<24x512xbf16>
    %eq3A_2326 = arith.constant 20 : i32
    %eq3A_2327 = vector.broadcast %eq3A_2326 : i32 to vector<1x512xi32>
    %eq3A_2328 = arith.cmpi eq, %slice3A_2316, %eq3A_2327 : vector<1x512xi32>
    %broadcast_in_dim3A_2329 = vector.shape_cast %eq3A_2328 : vector<1x512xi1> to vector<1x512xi1>
    %broadcast_in_dim3A_2330 = vector.broadcast %broadcast_in_dim3A_2329 : vector<1x512xi1> to vector<16x512xi1>
    %jit3A_2331 = arith.constant -2.000000e+08 : f32
    %jit3A_2332 = arith.constant 0.000000e+00 : f32
    %broadcast_in_dim3A_2333 = vector.broadcast %jit3A_2331 : f32 to vector<16x512xf32>
    %broadcast_in_dim3A_2334 = vector.broadcast %jit3A_2332 : f32 to vector<16x512xf32>
    %select_n3A_2335 = arith.select %broadcast_in_dim3A_2330, %broadcast_in_dim3A_2333, %broadcast_in_dim3A_2334 : vector<16x512xi1>, vector<16x512xf32>
    %slice3A_2336 = vector.extract_strided_slice %get3A_1 {offsets = [117, 0], sizes = [1, 512], strides = [1, 1]} : vector<128x512xi32> to vector<1x512xi32>
    %broadcast_in_dim3A_2337 = vector.shape_cast %slice3A_2336 : vector<1x512xi32> to vector<1x512xi32>
    %broadcast_in_dim3A_2338 = vector.broadcast %broadcast_in_dim3A_2337 : vector<1x512xi32> to vector<24x512xi32>
    %eq3A_2339 = arith.cmpi eq, %broadcast_in_dim3A_2338, %iota3A : vector<24x512xi32>
    %jit3A_2340 = arith.constant 1.000000e+00 : f32
    %jit3A_2341 = arith.constant 0.000000e+00 : f32
    %broadcast_in_dim3A_2342 = vector.broadcast %jit3A_2340 : f32 to vector<24x512xf32>
    %broadcast_in_dim3A_2343 = vector.broadcast %jit3A_2341 : f32 to vector<24x512xf32>
    %select_n3A_2344 = arith.select %eq3A_2339, %broadcast_in_dim3A_2342, %broadcast_in_dim3A_2343 : vector<24x512xi1>, vector<24x512xf32>
    %convert_element_type3A_2345 = arith.truncf %select_n3A_2344 : vector<24x512xf32> to vector<24x512xbf16>
    %eq3A_2346 = arith.constant 20 : i32
    %eq3A_2347 = vector.broadcast %eq3A_2346 : i32 to vector<1x512xi32>
    %eq3A_2348 = arith.cmpi eq, %slice3A_2336, %eq3A_2347 : vector<1x512xi32>
    %broadcast_in_dim3A_2349 = vector.shape_cast %eq3A_2348 : vector<1x512xi1> to vector<1x512xi1>
    %broadcast_in_dim3A_2350 = vector.broadcast %broadcast_in_dim3A_2349 : vector<1x512xi1> to vector<16x512xi1>
    %jit3A_2351 = arith.constant -2.000000e+08 : f32
    %jit3A_2352 = arith.constant 0.000000e+00 : f32
    %broadcast_in_dim3A_2353 = vector.broadcast %jit3A_2351 : f32 to vector<16x512xf32>
    %broadcast_in_dim3A_2354 = vector.broadcast %jit3A_2352 : f32 to vector<16x512xf32>
    %select_n3A_2355 = arith.select %broadcast_in_dim3A_2350, %broadcast_in_dim3A_2353, %broadcast_in_dim3A_2354 : vector<16x512xi1>, vector<16x512xf32>
    %slice3A_2356 = vector.extract_strided_slice %get3A_1 {offsets = [118, 0], sizes = [1, 512], strides = [1, 1]} : vector<128x512xi32> to vector<1x512xi32>
    %broadcast_in_dim3A_2357 = vector.shape_cast %slice3A_2356 : vector<1x512xi32> to vector<1x512xi32>
    %broadcast_in_dim3A_2358 = vector.broadcast %broadcast_in_dim3A_2357 : vector<1x512xi32> to vector<24x512xi32>
    %eq3A_2359 = arith.cmpi eq, %broadcast_in_dim3A_2358, %iota3A : vector<24x512xi32>
    %jit3A_2360 = arith.constant 1.000000e+00 : f32
    %jit3A_2361 = arith.constant 0.000000e+00 : f32
    %broadcast_in_dim3A_2362 = vector.broadcast %jit3A_2360 : f32 to vector<24x512xf32>
    %broadcast_in_dim3A_2363 = vector.broadcast %jit3A_2361 : f32 to vector<24x512xf32>
    %select_n3A_2364 = arith.select %eq3A_2359, %broadcast_in_dim3A_2362, %broadcast_in_dim3A_2363 : vector<24x512xi1>, vector<24x512xf32>
    %convert_element_type3A_2365 = arith.truncf %select_n3A_2364 : vector<24x512xf32> to vector<24x512xbf16>
    %eq3A_2366 = arith.constant 20 : i32
    %eq3A_2367 = vector.broadcast %eq3A_2366 : i32 to vector<1x512xi32>
    %eq3A_2368 = arith.cmpi eq, %slice3A_2356, %eq3A_2367 : vector<1x512xi32>
    %broadcast_in_dim3A_2369 = vector.shape_cast %eq3A_2368 : vector<1x512xi1> to vector<1x512xi1>
    %broadcast_in_dim3A_2370 = vector.broadcast %broadcast_in_dim3A_2369 : vector<1x512xi1> to vector<16x512xi1>
    %jit3A_2371 = arith.constant -2.000000e+08 : f32
    %jit3A_2372 = arith.constant 0.000000e+00 : f32
    %broadcast_in_dim3A_2373 = vector.broadcast %jit3A_2371 : f32 to vector<16x512xf32>
    %broadcast_in_dim3A_2374 = vector.broadcast %jit3A_2372 : f32 to vector<16x512xf32>
    %select_n3A_2375 = arith.select %broadcast_in_dim3A_2370, %broadcast_in_dim3A_2373, %broadcast_in_dim3A_2374 : vector<16x512xi1>, vector<16x512xf32>
    %slice3A_2376 = vector.extract_strided_slice %get3A_1 {offsets = [119, 0], sizes = [1, 512], strides = [1, 1]} : vector<128x512xi32> to vector<1x512xi32>
    %broadcast_in_dim3A_2377 = vector.shape_cast %slice3A_2376 : vector<1x512xi32> to vector<1x512xi32>
    %broadcast_in_dim3A_2378 = vector.broadcast %broadcast_in_dim3A_2377 : vector<1x512xi32> to vector<24x512xi32>
    %eq3A_2379 = arith.cmpi eq, %broadcast_in_dim3A_2378, %iota3A : vector<24x512xi32>
    %jit3A_2380 = arith.constant 1.000000e+00 : f32
    %jit3A_2381 = arith.constant 0.000000e+00 : f32
    %broadcast_in_dim3A_2382 = vector.broadcast %jit3A_2380 : f32 to vector<24x512xf32>
    %broadcast_in_dim3A_2383 = vector.broadcast %jit3A_2381 : f32 to vector<24x512xf32>
    %select_n3A_2384 = arith.select %eq3A_2379, %broadcast_in_dim3A_2382, %broadcast_in_dim3A_2383 : vector<24x512xi1>, vector<24x512xf32>
    %convert_element_type3A_2385 = arith.truncf %select_n3A_2384 : vector<24x512xf32> to vector<24x512xbf16>
    %eq3A_2386 = arith.constant 20 : i32
    %eq3A_2387 = vector.broadcast %eq3A_2386 : i32 to vector<1x512xi32>
    %eq3A_2388 = arith.cmpi eq, %slice3A_2376, %eq3A_2387 : vector<1x512xi32>
    %broadcast_in_dim3A_2389 = vector.shape_cast %eq3A_2388 : vector<1x512xi1> to vector<1x512xi1>
    %broadcast_in_dim3A_2390 = vector.broadcast %broadcast_in_dim3A_2389 : vector<1x512xi1> to vector<16x512xi1>
    %jit3A_2391 = arith.constant -2.000000e+08 : f32
    %jit3A_2392 = arith.constant 0.000000e+00 : f32
    %broadcast_in_dim3A_2393 = vector.broadcast %jit3A_2391 : f32 to vector<16x512xf32>
    %broadcast_in_dim3A_2394 = vector.broadcast %jit3A_2392 : f32 to vector<16x512xf32>
    %select_n3A_2395 = arith.select %broadcast_in_dim3A_2390, %broadcast_in_dim3A_2393, %broadcast_in_dim3A_2394 : vector<16x512xi1>, vector<16x512xf32>
    %slice3A_2396 = vector.extract_strided_slice %get3A_1 {offsets = [120, 0], sizes = [1, 512], strides = [1, 1]} : vector<128x512xi32> to vector<1x512xi32>
    %broadcast_in_dim3A_2397 = vector.shape_cast %slice3A_2396 : vector<1x512xi32> to vector<1x512xi32>
    %broadcast_in_dim3A_2398 = vector.broadcast %broadcast_in_dim3A_2397 : vector<1x512xi32> to vector<24x512xi32>
    %eq3A_2399 = arith.cmpi eq, %broadcast_in_dim3A_2398, %iota3A : vector<24x512xi32>
    %jit3A_2400 = arith.constant 1.000000e+00 : f32
    %jit3A_2401 = arith.constant 0.000000e+00 : f32
    %broadcast_in_dim3A_2402 = vector.broadcast %jit3A_2400 : f32 to vector<24x512xf32>
    %broadcast_in_dim3A_2403 = vector.broadcast %jit3A_2401 : f32 to vector<24x512xf32>
    %select_n3A_2404 = arith.select %eq3A_2399, %broadcast_in_dim3A_2402, %broadcast_in_dim3A_2403 : vector<24x512xi1>, vector<24x512xf32>
    %convert_element_type3A_2405 = arith.truncf %select_n3A_2404 : vector<24x512xf32> to vector<24x512xbf16>
    %eq3A_2406 = arith.constant 20 : i32
    %eq3A_2407 = vector.broadcast %eq3A_2406 : i32 to vector<1x512xi32>
    %eq3A_2408 = arith.cmpi eq, %slice3A_2396, %eq3A_2407 : vector<1x512xi32>
    %broadcast_in_dim3A_2409 = vector.shape_cast %eq3A_2408 : vector<1x512xi1> to vector<1x512xi1>
    %broadcast_in_dim3A_2410 = vector.broadcast %broadcast_in_dim3A_2409 : vector<1x512xi1> to vector<16x512xi1>
    %jit3A_2411 = arith.constant -2.000000e+08 : f32
    %jit3A_2412 = arith.constant 0.000000e+00 : f32
    %broadcast_in_dim3A_2413 = vector.broadcast %jit3A_2411 : f32 to vector<16x512xf32>
    %broadcast_in_dim3A_2414 = vector.broadcast %jit3A_2412 : f32 to vector<16x512xf32>
    %select_n3A_2415 = arith.select %broadcast_in_dim3A_2410, %broadcast_in_dim3A_2413, %broadcast_in_dim3A_2414 : vector<16x512xi1>, vector<16x512xf32>
    %slice3A_2416 = vector.extract_strided_slice %get3A_1 {offsets = [121, 0], sizes = [1, 512], strides = [1, 1]} : vector<128x512xi32> to vector<1x512xi32>
    %broadcast_in_dim3A_2417 = vector.shape_cast %slice3A_2416 : vector<1x512xi32> to vector<1x512xi32>
    %broadcast_in_dim3A_2418 = vector.broadcast %broadcast_in_dim3A_2417 : vector<1x512xi32> to vector<24x512xi32>
    %eq3A_2419 = arith.cmpi eq, %broadcast_in_dim3A_2418, %iota3A : vector<24x512xi32>
    %jit3A_2420 = arith.constant 1.000000e+00 : f32
    %jit3A_2421 = arith.constant 0.000000e+00 : f32
    %broadcast_in_dim3A_2422 = vector.broadcast %jit3A_2420 : f32 to vector<24x512xf32>
    %broadcast_in_dim3A_2423 = vector.broadcast %jit3A_2421 : f32 to vector<24x512xf32>
    %select_n3A_2424 = arith.select %eq3A_2419, %broadcast_in_dim3A_2422, %broadcast_in_dim3A_2423 : vector<24x512xi1>, vector<24x512xf32>
    %convert_element_type3A_2425 = arith.truncf %select_n3A_2424 : vector<24x512xf32> to vector<24x512xbf16>
    %eq3A_2426 = arith.constant 20 : i32
    %eq3A_2427 = vector.broadcast %eq3A_2426 : i32 to vector<1x512xi32>
    %eq3A_2428 = arith.cmpi eq, %slice3A_2416, %eq3A_2427 : vector<1x512xi32>
    %broadcast_in_dim3A_2429 = vector.shape_cast %eq3A_2428 : vector<1x512xi1> to vector<1x512xi1>
    %broadcast_in_dim3A_2430 = vector.broadcast %broadcast_in_dim3A_2429 : vector<1x512xi1> to vector<16x512xi1>
    %jit3A_2431 = arith.constant -2.000000e+08 : f32
    %jit3A_2432 = arith.constant 0.000000e+00 : f32
    %broadcast_in_dim3A_2433 = vector.broadcast %jit3A_2431 : f32 to vector<16x512xf32>
    %broadcast_in_dim3A_2434 = vector.broadcast %jit3A_2432 : f32 to vector<16x512xf32>
    %select_n3A_2435 = arith.select %broadcast_in_dim3A_2430, %broadcast_in_dim3A_2433, %broadcast_in_dim3A_2434 : vector<16x512xi1>, vector<16x512xf32>
    %slice3A_2436 = vector.extract_strided_slice %get3A_1 {offsets = [122, 0], sizes = [1, 512], strides = [1, 1]} : vector<128x512xi32> to vector<1x512xi32>
    %broadcast_in_dim3A_2437 = vector.shape_cast %slice3A_2436 : vector<1x512xi32> to vector<1x512xi32>
    %broadcast_in_dim3A_2438 = vector.broadcast %broadcast_in_dim3A_2437 : vector<1x512xi32> to vector<24x512xi32>
    %eq3A_2439 = arith.cmpi eq, %broadcast_in_dim3A_2438, %iota3A : vector<24x512xi32>
    %jit3A_2440 = arith.constant 1.000000e+00 : f32
    %jit3A_2441 = arith.constant 0.000000e+00 : f32
    %broadcast_in_dim3A_2442 = vector.broadcast %jit3A_2440 : f32 to vector<24x512xf32>
    %broadcast_in_dim3A_2443 = vector.broadcast %jit3A_2441 : f32 to vector<24x512xf32>
    %select_n3A_2444 = arith.select %eq3A_2439, %broadcast_in_dim3A_2442, %broadcast_in_dim3A_2443 : vector<24x512xi1>, vector<24x512xf32>
    %convert_element_type3A_2445 = arith.truncf %select_n3A_2444 : vector<24x512xf32> to vector<24x512xbf16>
    %eq3A_2446 = arith.constant 20 : i32
    %eq3A_2447 = vector.broadcast %eq3A_2446 : i32 to vector<1x512xi32>
    %eq3A_2448 = arith.cmpi eq, %slice3A_2436, %eq3A_2447 : vector<1x512xi32>
    %broadcast_in_dim3A_2449 = vector.shape_cast %eq3A_2448 : vector<1x512xi1> to vector<1x512xi1>
    %broadcast_in_dim3A_2450 = vector.broadcast %broadcast_in_dim3A_2449 : vector<1x512xi1> to vector<16x512xi1>
    %jit3A_2451 = arith.constant -2.000000e+08 : f32
    %jit3A_2452 = arith.constant 0.000000e+00 : f32
    %broadcast_in_dim3A_2453 = vector.broadcast %jit3A_2451 : f32 to vector<16x512xf32>
    %broadcast_in_dim3A_2454 = vector.broadcast %jit3A_2452 : f32 to vector<16x512xf32>
    %select_n3A_2455 = arith.select %broadcast_in_dim3A_2450, %broadcast_in_dim3A_2453, %broadcast_in_dim3A_2454 : vector<16x512xi1>, vector<16x512xf32>
    %slice3A_2456 = vector.extract_strided_slice %get3A_1 {offsets = [123, 0], sizes = [1, 512], strides = [1, 1]} : vector<128x512xi32> to vector<1x512xi32>
    %broadcast_in_dim3A_2457 = vector.shape_cast %slice3A_2456 : vector<1x512xi32> to vector<1x512xi32>
    %broadcast_in_dim3A_2458 = vector.broadcast %broadcast_in_dim3A_2457 : vector<1x512xi32> to vector<24x512xi32>
    %eq3A_2459 = arith.cmpi eq, %broadcast_in_dim3A_2458, %iota3A : vector<24x512xi32>
    %jit3A_2460 = arith.constant 1.000000e+00 : f32
    %jit3A_2461 = arith.constant 0.000000e+00 : f32
    %broadcast_in_dim3A_2462 = vector.broadcast %jit3A_2460 : f32 to vector<24x512xf32>
    %broadcast_in_dim3A_2463 = vector.broadcast %jit3A_2461 : f32 to vector<24x512xf32>
    %select_n3A_2464 = arith.select %eq3A_2459, %broadcast_in_dim3A_2462, %broadcast_in_dim3A_2463 : vector<24x512xi1>, vector<24x512xf32>
    %convert_element_type3A_2465 = arith.truncf %select_n3A_2464 : vector<24x512xf32> to vector<24x512xbf16>
    %eq3A_2466 = arith.constant 20 : i32
    %eq3A_2467 = vector.broadcast %eq3A_2466 : i32 to vector<1x512xi32>
    %eq3A_2468 = arith.cmpi eq, %slice3A_2456, %eq3A_2467 : vector<1x512xi32>
    %broadcast_in_dim3A_2469 = vector.shape_cast %eq3A_2468 : vector<1x512xi1> to vector<1x512xi1>
    %broadcast_in_dim3A_2470 = vector.broadcast %broadcast_in_dim3A_2469 : vector<1x512xi1> to vector<16x512xi1>
    %jit3A_2471 = arith.constant -2.000000e+08 : f32
    %jit3A_2472 = arith.constant 0.000000e+00 : f32
    %broadcast_in_dim3A_2473 = vector.broadcast %jit3A_2471 : f32 to vector<16x512xf32>
    %broadcast_in_dim3A_2474 = vector.broadcast %jit3A_2472 : f32 to vector<16x512xf32>
    %select_n3A_2475 = arith.select %broadcast_in_dim3A_2470, %broadcast_in_dim3A_2473, %broadcast_in_dim3A_2474 : vector<16x512xi1>, vector<16x512xf32>
    %slice3A_2476 = vector.extract_strided_slice %get3A_1 {offsets = [124, 0], sizes = [1, 512], strides = [1, 1]} : vector<128x512xi32> to vector<1x512xi32>
    %broadcast_in_dim3A_2477 = vector.shape_cast %slice3A_2476 : vector<1x512xi32> to vector<1x512xi32>
    %broadcast_in_dim3A_2478 = vector.broadcast %broadcast_in_dim3A_2477 : vector<1x512xi32> to vector<24x512xi32>
    %eq3A_2479 = arith.cmpi eq, %broadcast_in_dim3A_2478, %iota3A : vector<24x512xi32>
    %jit3A_2480 = arith.constant 1.000000e+00 : f32
    %jit3A_2481 = arith.constant 0.000000e+00 : f32
    %broadcast_in_dim3A_2482 = vector.broadcast %jit3A_2480 : f32 to vector<24x512xf32>
    %broadcast_in_dim3A_2483 = vector.broadcast %jit3A_2481 : f32 to vector<24x512xf32>
    %select_n3A_2484 = arith.select %eq3A_2479, %broadcast_in_dim3A_2482, %broadcast_in_dim3A_2483 : vector<24x512xi1>, vector<24x512xf32>
    %convert_element_type3A_2485 = arith.truncf %select_n3A_2484 : vector<24x512xf32> to vector<24x512xbf16>
    %eq3A_2486 = arith.constant 20 : i32
    %eq3A_2487 = vector.broadcast %eq3A_2486 : i32 to vector<1x512xi32>
    %eq3A_2488 = arith.cmpi eq, %slice3A_2476, %eq3A_2487 : vector<1x512xi32>
    %broadcast_in_dim3A_2489 = vector.shape_cast %eq3A_2488 : vector<1x512xi1> to vector<1x512xi1>
    %broadcast_in_dim3A_2490 = vector.broadcast %broadcast_in_dim3A_2489 : vector<1x512xi1> to vector<16x512xi1>
    %jit3A_2491 = arith.constant -2.000000e+08 : f32
    %jit3A_2492 = arith.constant 0.000000e+00 : f32
    %broadcast_in_dim3A_2493 = vector.broadcast %jit3A_2491 : f32 to vector<16x512xf32>
    %broadcast_in_dim3A_2494 = vector.broadcast %jit3A_2492 : f32 to vector<16x512xf32>
    %select_n3A_2495 = arith.select %broadcast_in_dim3A_2490, %broadcast_in_dim3A_2493, %broadcast_in_dim3A_2494 : vector<16x512xi1>, vector<16x512xf32>
    %slice3A_2496 = vector.extract_strided_slice %get3A_1 {offsets = [125, 0], sizes = [1, 512], strides = [1, 1]} : vector<128x512xi32> to vector<1x512xi32>
    %broadcast_in_dim3A_2497 = vector.shape_cast %slice3A_2496 : vector<1x512xi32> to vector<1x512xi32>
    %broadcast_in_dim3A_2498 = vector.broadcast %broadcast_in_dim3A_2497 : vector<1x512xi32> to vector<24x512xi32>
    %eq3A_2499 = arith.cmpi eq, %broadcast_in_dim3A_2498, %iota3A : vector<24x512xi32>
    %jit3A_2500 = arith.constant 1.000000e+00 : f32
    %jit3A_2501 = arith.constant 0.000000e+00 : f32
    %broadcast_in_dim3A_2502 = vector.broadcast %jit3A_2500 : f32 to vector<24x512xf32>
    %broadcast_in_dim3A_2503 = vector.broadcast %jit3A_2501 : f32 to vector<24x512xf32>
    %select_n3A_2504 = arith.select %eq3A_2499, %broadcast_in_dim3A_2502, %broadcast_in_dim3A_2503 : vector<24x512xi1>, vector<24x512xf32>
    %convert_element_type3A_2505 = arith.truncf %select_n3A_2504 : vector<24x512xf32> to vector<24x512xbf16>
    %eq3A_2506 = arith.constant 20 : i32
    %eq3A_2507 = vector.broadcast %eq3A_2506 : i32 to vector<1x512xi32>
    %eq3A_2508 = arith.cmpi eq, %slice3A_2496, %eq3A_2507 : vector<1x512xi32>
    %broadcast_in_dim3A_2509 = vector.shape_cast %eq3A_2508 : vector<1x512xi1> to vector<1x512xi1>
    %broadcast_in_dim3A_2510 = vector.broadcast %broadcast_in_dim3A_2509 : vector<1x512xi1> to vector<16x512xi1>
    %jit3A_2511 = arith.constant -2.000000e+08 : f32
    %jit3A_2512 = arith.constant 0.000000e+00 : f32
    %broadcast_in_dim3A_2513 = vector.broadcast %jit3A_2511 : f32 to vector<16x512xf32>
    %broadcast_in_dim3A_2514 = vector.broadcast %jit3A_2512 : f32 to vector<16x512xf32>
    %select_n3A_2515 = arith.select %broadcast_in_dim3A_2510, %broadcast_in_dim3A_2513, %broadcast_in_dim3A_2514 : vector<16x512xi1>, vector<16x512xf32>
    %slice3A_2516 = vector.extract_strided_slice %get3A_1 {offsets = [126, 0], sizes = [1, 512], strides = [1, 1]} : vector<128x512xi32> to vector<1x512xi32>
    %broadcast_in_dim3A_2517 = vector.shape_cast %slice3A_2516 : vector<1x512xi32> to vector<1x512xi32>
    %broadcast_in_dim3A_2518 = vector.broadcast %broadcast_in_dim3A_2517 : vector<1x512xi32> to vector<24x512xi32>
    %eq3A_2519 = arith.cmpi eq, %broadcast_in_dim3A_2518, %iota3A : vector<24x512xi32>
    %jit3A_2520 = arith.constant 1.000000e+00 : f32
    %jit3A_2521 = arith.constant 0.000000e+00 : f32
    %broadcast_in_dim3A_2522 = vector.broadcast %jit3A_2520 : f32 to vector<24x512xf32>
    %broadcast_in_dim3A_2523 = vector.broadcast %jit3A_2521 : f32 to vector<24x512xf32>
    %select_n3A_2524 = arith.select %eq3A_2519, %broadcast_in_dim3A_2522, %broadcast_in_dim3A_2523 : vector<24x512xi1>, vector<24x512xf32>
    %convert_element_type3A_2525 = arith.truncf %select_n3A_2524 : vector<24x512xf32> to vector<24x512xbf16>
    %eq3A_2526 = arith.constant 20 : i32
    %eq3A_2527 = vector.broadcast %eq3A_2526 : i32 to vector<1x512xi32>
    %eq3A_2528 = arith.cmpi eq, %slice3A_2516, %eq3A_2527 : vector<1x512xi32>
    %broadcast_in_dim3A_2529 = vector.shape_cast %eq3A_2528 : vector<1x512xi1> to vector<1x512xi1>
    %broadcast_in_dim3A_2530 = vector.broadcast %broadcast_in_dim3A_2529 : vector<1x512xi1> to vector<16x512xi1>
    %jit3A_2531 = arith.constant -2.000000e+08 : f32
    %jit3A_2532 = arith.constant 0.000000e+00 : f32
    %broadcast_in_dim3A_2533 = vector.broadcast %jit3A_2531 : f32 to vector<16x512xf32>
    %broadcast_in_dim3A_2534 = vector.broadcast %jit3A_2532 : f32 to vector<16x512xf32>
    %select_n3A_2535 = arith.select %broadcast_in_dim3A_2530, %broadcast_in_dim3A_2533, %broadcast_in_dim3A_2534 : vector<16x512xi1>, vector<16x512xf32>
    %slice3A_2536 = vector.extract_strided_slice %get3A_1 {offsets = [127, 0], sizes = [1, 512], strides = [1, 1]} : vector<128x512xi32> to vector<1x512xi32>
    %broadcast_in_dim3A_2537 = vector.shape_cast %slice3A_2536 : vector<1x512xi32> to vector<1x512xi32>
    %broadcast_in_dim3A_2538 = vector.broadcast %broadcast_in_dim3A_2537 : vector<1x512xi32> to vector<24x512xi32>
    %eq3A_2539 = arith.cmpi eq, %broadcast_in_dim3A_2538, %iota3A : vector<24x512xi32>
    %jit3A_2540 = arith.constant 1.000000e+00 : f32
    %jit3A_2541 = arith.constant 0.000000e+00 : f32
    %broadcast_in_dim3A_2542 = vector.broadcast %jit3A_2540 : f32 to vector<24x512xf32>
    %broadcast_in_dim3A_2543 = vector.broadcast %jit3A_2541 : f32 to vector<24x512xf32>
    %select_n3A_2544 = arith.select %eq3A_2539, %broadcast_in_dim3A_2542, %broadcast_in_dim3A_2543 : vector<24x512xi1>, vector<24x512xf32>
    %convert_element_type3A_2545 = arith.truncf %select_n3A_2544 : vector<24x512xf32> to vector<24x512xbf16>
    %eq3A_2546 = arith.constant 20 : i32
    %eq3A_2547 = vector.broadcast %eq3A_2546 : i32 to vector<1x512xi32>
    %eq3A_2548 = arith.cmpi eq, %slice3A_2536, %eq3A_2547 : vector<1x512xi32>
    %broadcast_in_dim3A_2549 = vector.shape_cast %eq3A_2548 : vector<1x512xi1> to vector<1x512xi1>
    %broadcast_in_dim3A_2550 = vector.broadcast %broadcast_in_dim3A_2549 : vector<1x512xi1> to vector<16x512xi1>
    %jit3A_2551 = arith.constant -2.000000e+08 : f32
    %jit3A_2552 = arith.constant 0.000000e+00 : f32
    %broadcast_in_dim3A_2553 = vector.broadcast %jit3A_2551 : f32 to vector<16x512xf32>
    %broadcast_in_dim3A_2554 = vector.broadcast %jit3A_2552 : f32 to vector<16x512xf32>
    %select_n3A_2555 = arith.select %broadcast_in_dim3A_2550, %broadcast_in_dim3A_2553, %broadcast_in_dim3A_2554 : vector<16x512xi1>, vector<16x512xf32>
    %concatenate3A = tpu.concatenate %convert_element_type3A, %convert_element_type3A_25, %convert_element_type3A_45, %convert_element_type3A_65, %convert_element_type3A_85, %convert_element_type3A_105, %convert_element_type3A_125, %convert_element_type3A_145, %convert_element_type3A_165, %convert_element_type3A_185, %convert_element_type3A_205, %convert_element_type3A_225, %convert_element_type3A_245, %convert_element_type3A_265, %convert_element_type3A_285, %convert_element_type3A_305, %convert_element_type3A_325, %convert_element_type3A_345, %convert_element_type3A_365, %convert_element_type3A_385, %convert_element_type3A_405, %convert_element_type3A_425, %convert_element_type3A_445, %convert_element_type3A_465, %convert_element_type3A_485, %convert_element_type3A_505, %convert_element_type3A_525, %convert_element_type3A_545, %convert_element_type3A_565, %convert_element_type3A_585, %convert_element_type3A_605, %convert_element_type3A_625, %convert_element_type3A_645, %convert_element_type3A_665, %convert_element_type3A_685, %convert_element_type3A_705, %convert_element_type3A_725, %convert_element_type3A_745, %convert_element_type3A_765, %convert_element_type3A_785, %convert_element_type3A_805, %convert_element_type3A_825, %convert_element_type3A_845, %convert_element_type3A_865, %convert_element_type3A_885, %convert_element_type3A_905, %convert_element_type3A_925, %convert_element_type3A_945, %convert_element_type3A_965, %convert_element_type3A_985, %convert_element_type3A_1005, %convert_element_type3A_1025, %convert_element_type3A_1045, %convert_element_type3A_1065, %convert_element_type3A_1085, %convert_element_type3A_1105, %convert_element_type3A_1125, %convert_element_type3A_1145, %convert_element_type3A_1165, %convert_element_type3A_1185, %convert_element_type3A_1205, %convert_element_type3A_1225, %convert_element_type3A_1245, %convert_element_type3A_1265, %convert_element_type3A_1285, %convert_element_type3A_1305, %convert_element_type3A_1325, %convert_element_type3A_1345, %convert_element_type3A_1365, %convert_element_type3A_1385, %convert_element_type3A_1405, %convert_element_type3A_1425, %convert_element_type3A_1445, %convert_element_type3A_1465, %convert_element_type3A_1485, %convert_element_type3A_1505, %convert_element_type3A_1525, %convert_element_type3A_1545, %convert_element_type3A_1565, %convert_element_type3A_1585, %convert_element_type3A_1605, %convert_element_type3A_1625, %convert_element_type3A_1645, %convert_element_type3A_1665, %convert_element_type3A_1685, %convert_element_type3A_1705, %convert_element_type3A_1725, %convert_element_type3A_1745, %convert_element_type3A_1765, %convert_element_type3A_1785, %convert_element_type3A_1805, %convert_element_type3A_1825, %convert_element_type3A_1845, %convert_element_type3A_1865, %convert_element_type3A_1885, %convert_element_type3A_1905, %convert_element_type3A_1925, %convert_element_type3A_1945, %convert_element_type3A_1965, %convert_element_type3A_1985, %convert_element_type3A_2005, %convert_element_type3A_2025, %convert_element_type3A_2045, %convert_element_type3A_2065, %convert_element_type3A_2085, %convert_element_type3A_2105, %convert_element_type3A_2125, %convert_element_type3A_2145, %convert_element_type3A_2165, %convert_element_type3A_2185, %convert_element_type3A_2205, %convert_element_type3A_2225, %convert_element_type3A_2245, %convert_element_type3A_2265, %convert_element_type3A_2285, %convert_element_type3A_2305, %convert_element_type3A_2325, %convert_element_type3A_2345, %convert_element_type3A_2365, %convert_element_type3A_2385, %convert_element_type3A_2405, %convert_element_type3A_2425, %convert_element_type3A_2445, %convert_element_type3A_2465, %convert_element_type3A_2485, %convert_element_type3A_2505, %convert_element_type3A_2525, %convert_element_type3A_2545 in 1 : vector<24x512xbf16>, vector<24x512xbf16>, vector<24x512xbf16>, vector<24x512xbf16>, vector<24x512xbf16>, vector<24x512xbf16>, vector<24x512xbf16>, vector<24x512xbf16>, vector<24x512xbf16>, vector<24x512xbf16>, vector<24x512xbf16>, vector<24x512xbf16>, vector<24x512xbf16>, vector<24x512xbf16>, vector<24x512xbf16>, vector<24x512xbf16>, vector<24x512xbf16>, vector<24x512xbf16>, vector<24x512xbf16>, vector<24x512xbf16>, vector<24x512xbf16>, vector<24x512xbf16>, vector<24x512xbf16>, vector<24x512xbf16>, vector<24x512xbf16>, vector<24x512xbf16>, vector<24x512xbf16>, vector<24x512xbf16>, vector<24x512xbf16>, vector<24x512xbf16>, vector<24x512xbf16>, vector<24x512xbf16>, vector<24x512xbf16>, vector<24x512xbf16>, vector<24x512xbf16>, vector<24x512xbf16>, vector<24x512xbf16>, vector<24x512xbf16>, vector<24x512xbf16>, vector<24x512xbf16>, vector<24x512xbf16>, vector<24x512xbf16>, vector<24x512xbf16>, vector<24x512xbf16>, vector<24x512xbf16>, vector<24x512xbf16>, vector<24x512xbf16>, vector<24x512xbf16>, vector<24x512xbf16>, vector<24x512xbf16>, vector<24x512xbf16>, vector<24x512xbf16>, vector<24x512xbf16>, vector<24x512xbf16>, vector<24x512xbf16>, vector<24x512xbf16>, vector<24x512xbf16>, vector<24x512xbf16>, vector<24x512xbf16>, vector<24x512xbf16>, vector<24x512xbf16>, vector<24x512xbf16>, vector<24x512xbf16>, vector<24x512xbf16>, vector<24x512xbf16>, vector<24x512xbf16>, vector<24x512xbf16>, vector<24x512xbf16>, vector<24x512xbf16>, vector<24x512xbf16>, vector<24x512xbf16>, vector<24x512xbf16>, vector<24x512xbf16>, vector<24x512xbf16>, vector<24x512xbf16>, vector<24x512xbf16>, vector<24x512xbf16>, vector<24x512xbf16>, vector<24x512xbf16>, vector<24x512xbf16>, vector<24x512xbf16>, vector<24x512xbf16>, vector<24x512xbf16>, vector<24x512xbf16>, vector<24x512xbf16>, vector<24x512xbf16>, vector<24x512xbf16>, vector<24x512xbf16>, vector<24x512xbf16>, vector<24x512xbf16>, vector<24x512xbf16>, vector<24x512xbf16>, vector<24x512xbf16>, vector<24x512xbf16>, vector<24x512xbf16>, vector<24x512xbf16>, vector<24x512xbf16>, vector<24x512xbf16>, vector<24x512xbf16>, vector<24x512xbf16>, vector<24x512xbf16>, vector<24x512xbf16>, vector<24x512xbf16>, vector<24x512xbf16>, vector<24x512xbf16>, vector<24x512xbf16>, vector<24x512xbf16>, vector<24x512xbf16>, vector<24x512xbf16>, vector<24x512xbf16>, vector<24x512xbf16>, vector<24x512xbf16>, vector<24x512xbf16>, vector<24x512xbf16>, vector<24x512xbf16>, vector<24x512xbf16>, vector<24x512xbf16>, vector<24x512xbf16>, vector<24x512xbf16>, vector<24x512xbf16>, vector<24x512xbf16>, vector<24x512xbf16>, vector<24x512xbf16>, vector<24x512xbf16>, vector<24x512xbf16>, vector<24x512xbf16>, vector<24x512xbf16>, vector<24x512xbf16> -> vector<24x65536xbf16>
    %get3A_2556 = arith.constant 0 : index
    %get3A_2557 = arith.constant 0 : index
    %get3A_2558 = vector.load %arg2[%get3A_2556, %get3A_2557] : memref<32x24xbf16, #tpu.memory_space<vmem>>, vector<32x24xbf16>
    %dot_general3A = arith.constant dense<0.000000e+00> : vector<32x65536xf32>
    %dot_general3A_2559 = tpu.matmul %get3A_2558, %concatenate3A, %dot_general3A {dimension_numbers = #tpu.dot_dimension_numbers<[1], [0], [0], [1], [0, 0, 1, 1], [], []>, transpose_lhs_hint = false} : vector<32x24xbf16>, vector<24x65536xbf16>, vector<32x65536xf32> -> vector<32x65536xf32>
    %slice3A_2560 = vector.extract_strided_slice %dot_general3A_2559 {offsets = [0, 0], sizes = [16, 65536], strides = [1, 1]} : vector<32x65536xf32> to vector<16x65536xf32>
    %slice3A_2561 = vector.extract_strided_slice %dot_general3A_2559 {offsets = [16, 0], sizes = [16, 65536], strides = [1, 1]} : vector<32x65536xf32> to vector<16x65536xf32>
    %add3A = arith.addf %slice3A_2560, %slice3A_2561 : vector<16x65536xf32>
    %slice3A_2562 = vector.extract_strided_slice %add3A {offsets = [0, 0], sizes = [16, 512], strides = [1, 1]} : vector<16x65536xf32> to vector<16x512xf32>
    %add3A_2563 = arith.addf %slice3A_2562, %select_n3A_15 : vector<16x512xf32>
    %swap3A = arith.constant 0 : index
    %swap3A_2564 = arith.constant 1 : index
    %swap3A_2565 = vector.load %arg3[%swap3A, %swap3A_2564] : memref<2048x513xf32, #tpu.memory_space<vmem>>, vector<16x512xf32>
    tpu.vector_store %arg3[%swap3A, %swap3A_2564], %add3A_2563 {strides = array<i32>} : memref<2048x513xf32, #tpu.memory_space<vmem>>, vector<16x512xf32>,
    %slice3A_2566 = vector.extract_strided_slice %add3A {offsets = [0, 512], sizes = [16, 512], strides = [1, 1]} : vector<16x65536xf32> to vector<16x512xf32>
    %add3A_2567 = arith.addf %slice3A_2566, %select_n3A_35 : vector<16x512xf32>
    %swap3A_2568 = arith.constant 16 : index
    %swap3A_2569 = arith.constant 1 : index
    %swap3A_2570 = vector.load %arg3[%swap3A_2568, %swap3A_2569] : memref<2048x513xf32, #tpu.memory_space<vmem>>, vector<16x512xf32>
    tpu.vector_store %arg3[%swap3A_2568, %swap3A_2569], %add3A_2567 {strides = array<i32>} : memref<2048x513xf32, #tpu.memory_space<vmem>>, vector<16x512xf32>,
    %slice3A_2571 = vector.extract_strided_slice %add3A {offsets = [0, 1024], sizes = [16, 512], strides = [1, 1]} : vector<16x65536xf32> to vector<16x512xf32>
    %add3A_2572 = arith.addf %slice3A_2571, %select_n3A_55 : vector<16x512xf32>
    %swap3A_2573 = arith.constant 32 : index
    %swap3A_2574 = arith.constant 1 : index
    %swap3A_2575 = vector.load %arg3[%swap3A_2573, %swap3A_2574] : memref<2048x513xf32, #tpu.memory_space<vmem>>, vector<16x512xf32>
    tpu.vector_store %arg3[%swap3A_2573, %swap3A_2574], %add3A_2572 {strides = array<i32>} : memref<2048x513xf32, #tpu.memory_space<vmem>>, vector<16x512xf32>,
    %slice3A_2576 = vector.extract_strided_slice %add3A {offsets = [0, 1536], sizes = [16, 512], strides = [1, 1]} : vector<16x65536xf32> to vector<16x512xf32>
    %add3A_2577 = arith.addf %slice3A_2576, %select_n3A_75 : vector<16x512xf32>
    %swap3A_2578 = arith.constant 48 : index
    %swap3A_2579 = arith.constant 1 : index
    %swap3A_2580 = vector.load %arg3[%swap3A_2578, %swap3A_2579] : memref<2048x513xf32, #tpu.memory_space<vmem>>, vector<16x512xf32>
    tpu.vector_store %arg3[%swap3A_2578, %swap3A_2579], %add3A_2577 {strides = array<i32>} : memref<2048x513xf32, #tpu.memory_space<vmem>>, vector<16x512xf32>,
    %slice3A_2581 = vector.extract_strided_slice %add3A {offsets = [0, 2048], sizes = [16, 512], strides = [1, 1]} : vector<16x65536xf32> to vector<16x512xf32>
    %add3A_2582 = arith.addf %slice3A_2581, %select_n3A_95 : vector<16x512xf32>
    %swap3A_2583 = arith.constant 64 : index
    %swap3A_2584 = arith.constant 1 : index
    %swap3A_2585 = vector.load %arg3[%swap3A_2583, %swap3A_2584] : memref<2048x513xf32, #tpu.memory_space<vmem>>, vector<16x512xf32>
    tpu.vector_store %arg3[%swap3A_2583, %swap3A_2584], %add3A_2582 {strides = array<i32>} : memref<2048x513xf32, #tpu.memory_space<vmem>>, vector<16x512xf32>,
    %slice3A_2586 = vector.extract_strided_slice %add3A {offsets = [0, 2560], sizes = [16, 512], strides = [1, 1]} : vector<16x65536xf32> to vector<16x512xf32>
    %add3A_2587 = arith.addf %slice3A_2586, %select_n3A_115 : vector<16x512xf32>
    %swap3A_2588 = arith.constant 80 : index
    %swap3A_2589 = arith.constant 1 : index
    %swap3A_2590 = vector.load %arg3[%swap3A_2588, %swap3A_2589] : memref<2048x513xf32, #tpu.memory_space<vmem>>, vector<16x512xf32>
    tpu.vector_store %arg3[%swap3A_2588, %swap3A_2589], %add3A_2587 {strides = array<i32>} : memref<2048x513xf32, #tpu.memory_space<vmem>>, vector<16x512xf32>,
    %slice3A_2591 = vector.extract_strided_slice %add3A {offsets = [0, 3072], sizes = [16, 512], strides = [1, 1]} : vector<16x65536xf32> to vector<16x512xf32>
    %add3A_2592 = arith.addf %slice3A_2591, %select_n3A_135 : vector<16x512xf32>
    %swap3A_2593 = arith.constant 96 : index
    %swap3A_2594 = arith.constant 1 : index
    %swap3A_2595 = vector.load %arg3[%swap3A_2593, %swap3A_2594] : memref<2048x513xf32, #tpu.memory_space<vmem>>, vector<16x512xf32>
    tpu.vector_store %arg3[%swap3A_2593, %swap3A_2594], %add3A_2592 {strides = array<i32>} : memref<2048x513xf32, #tpu.memory_space<vmem>>, vector<16x512xf32>,
    %slice3A_2596 = vector.extract_strided_slice %add3A {offsets = [0, 3584], sizes = [16, 512], strides = [1, 1]} : vector<16x65536xf32> to vector<16x512xf32>
    %add3A_2597 = arith.addf %slice3A_2596, %select_n3A_155 : vector<16x512xf32>
    %swap3A_2598 = arith.constant 112 : index
    %swap3A_2599 = arith.constant 1 : index
    %swap3A_2600 = vector.load %arg3[%swap3A_2598, %swap3A_2599] : memref<2048x513xf32, #tpu.memory_space<vmem>>, vector<16x512xf32>
    tpu.vector_store %arg3[%swap3A_2598, %swap3A_2599], %add3A_2597 {strides = array<i32>} : memref<2048x513xf32, #tpu.memory_space<vmem>>, vector<16x512xf32>,
    %slice3A_2601 = vector.extract_strided_slice %add3A {offsets = [0, 4096], sizes = [16, 512], strides = [1, 1]} : vector<16x65536xf32> to vector<16x512xf32>
    %add3A_2602 = arith.addf %slice3A_2601, %select_n3A_175 : vector<16x512xf32>
    %swap3A_2603 = arith.constant 128 : index
    %swap3A_2604 = arith.constant 1 : index
    %swap3A_2605 = vector.load %arg3[%swap3A_2603, %swap3A_2604] : memref<2048x513xf32, #tpu.memory_space<vmem>>, vector<16x512xf32>
    tpu.vector_store %arg3[%swap3A_2603, %swap3A_2604], %add3A_2602 {strides = array<i32>} : memref<2048x513xf32, #tpu.memory_space<vmem>>, vector<16x512xf32>,
    %slice3A_2606 = vector.extract_strided_slice %add3A {offsets = [0, 4608], sizes = [16, 512], strides = [1, 1]} : vector<16x65536xf32> to vector<16x512xf32>
    %add3A_2607 = arith.addf %slice3A_2606, %select_n3A_195 : vector<16x512xf32>
    %swap3A_2608 = arith.constant 144 : index
    %swap3A_2609 = arith.constant 1 : index
    %swap3A_2610 = vector.load %arg3[%swap3A_2608, %swap3A_2609] : memref<2048x513xf32, #tpu.memory_space<vmem>>, vector<16x512xf32>
    tpu.vector_store %arg3[%swap3A_2608, %swap3A_2609], %add3A_2607 {strides = array<i32>} : memref<2048x513xf32, #tpu.memory_space<vmem>>, vector<16x512xf32>,
    %slice3A_2611 = vector.extract_strided_slice %add3A {offsets = [0, 5120], sizes = [16, 512], strides = [1, 1]} : vector<16x65536xf32> to vector<16x512xf32>
    %add3A_2612 = arith.addf %slice3A_2611, %select_n3A_215 : vector<16x512xf32>
    %swap3A_2613 = arith.constant 160 : index
    %swap3A_2614 = arith.constant 1 : index
    %swap3A_2615 = vector.load %arg3[%swap3A_2613, %swap3A_2614] : memref<2048x513xf32, #tpu.memory_space<vmem>>, vector<16x512xf32>
    tpu.vector_store %arg3[%swap3A_2613, %swap3A_2614], %add3A_2612 {strides = array<i32>} : memref<2048x513xf32, #tpu.memory_space<vmem>>, vector<16x512xf32>,
    %slice3A_2616 = vector.extract_strided_slice %add3A {offsets = [0, 5632], sizes = [16, 512], strides = [1, 1]} : vector<16x65536xf32> to vector<16x512xf32>
    %add3A_2617 = arith.addf %slice3A_2616, %select_n3A_235 : vector<16x512xf32>
    %swap3A_2618 = arith.constant 176 : index
    %swap3A_2619 = arith.constant 1 : index
    %swap3A_2620 = vector.load %arg3[%swap3A_2618, %swap3A_2619] : memref<2048x513xf32, #tpu.memory_space<vmem>>, vector<16x512xf32>
    tpu.vector_store %arg3[%swap3A_2618, %swap3A_2619], %add3A_2617 {strides = array<i32>} : memref<2048x513xf32, #tpu.memory_space<vmem>>, vector<16x512xf32>,
    %slice3A_2621 = vector.extract_strided_slice %add3A {offsets = [0, 6144], sizes = [16, 512], strides = [1, 1]} : vector<16x65536xf32> to vector<16x512xf32>
    %add3A_2622 = arith.addf %slice3A_2621, %select_n3A_255 : vector<16x512xf32>
    %swap3A_2623 = arith.constant 192 : index
    %swap3A_2624 = arith.constant 1 : index
    %swap3A_2625 = vector.load %arg3[%swap3A_2623, %swap3A_2624] : memref<2048x513xf32, #tpu.memory_space<vmem>>, vector<16x512xf32>
    tpu.vector_store %arg3[%swap3A_2623, %swap3A_2624], %add3A_2622 {strides = array<i32>} : memref<2048x513xf32, #tpu.memory_space<vmem>>, vector<16x512xf32>,
    %slice3A_2626 = vector.extract_strided_slice %add3A {offsets = [0, 6656], sizes = [16, 512], strides = [1, 1]} : vector<16x65536xf32> to vector<16x512xf32>
    %add3A_2627 = arith.addf %slice3A_2626, %select_n3A_275 : vector<16x512xf32>
    %swap3A_2628 = arith.constant 208 : index
    %swap3A_2629 = arith.constant 1 : index
    %swap3A_2630 = vector.load %arg3[%swap3A_2628, %swap3A_2629] : memref<2048x513xf32, #tpu.memory_space<vmem>>, vector<16x512xf32>
    tpu.vector_store %arg3[%swap3A_2628, %swap3A_2629], %add3A_2627 {strides = array<i32>} : memref<2048x513xf32, #tpu.memory_space<vmem>>, vector<16x512xf32>,
    %slice3A_2631 = vector.extract_strided_slice %add3A {offsets = [0, 7168], sizes = [16, 512], strides = [1, 1]} : vector<16x65536xf32> to vector<16x512xf32>
    %add3A_2632 = arith.addf %slice3A_2631, %select_n3A_295 : vector<16x512xf32>
    %swap3A_2633 = arith.constant 224 : index
    %swap3A_2634 = arith.constant 1 : index
    %swap3A_2635 = vector.load %arg3[%swap3A_2633, %swap3A_2634] : memref<2048x513xf32, #tpu.memory_space<vmem>>, vector<16x512xf32>
    tpu.vector_store %arg3[%swap3A_2633, %swap3A_2634], %add3A_2632 {strides = array<i32>} : memref<2048x513xf32, #tpu.memory_space<vmem>>, vector<16x512xf32>,
    %slice3A_2636 = vector.extract_strided_slice %add3A {offsets = [0, 7680], sizes = [16, 512], strides = [1, 1]} : vector<16x65536xf32> to vector<16x512xf32>
    %add3A_2637 = arith.addf %slice3A_2636, %select_n3A_315 : vector<16x512xf32>
    %swap3A_2638 = arith.constant 240 : index
    %swap3A_2639 = arith.constant 1 : index
    %swap3A_2640 = vector.load %arg3[%swap3A_2638, %swap3A_2639] : memref<2048x513xf32, #tpu.memory_space<vmem>>, vector<16x512xf32>
    tpu.vector_store %arg3[%swap3A_2638, %swap3A_2639], %add3A_2637 {strides = array<i32>} : memref<2048x513xf32, #tpu.memory_space<vmem>>, vector<16x512xf32>,
    %slice3A_2641 = vector.extract_strided_slice %add3A {offsets = [0, 8192], sizes = [16, 512], strides = [1, 1]} : vector<16x65536xf32> to vector<16x512xf32>
    %add3A_2642 = arith.addf %slice3A_2641, %select_n3A_335 : vector<16x512xf32>
    %swap3A_2643 = arith.constant 256 : index
    %swap3A_2644 = arith.constant 1 : index
    %swap3A_2645 = vector.load %arg3[%swap3A_2643, %swap3A_2644] : memref<2048x513xf32, #tpu.memory_space<vmem>>, vector<16x512xf32>
    tpu.vector_store %arg3[%swap3A_2643, %swap3A_2644], %add3A_2642 {strides = array<i32>} : memref<2048x513xf32, #tpu.memory_space<vmem>>, vector<16x512xf32>,
    %slice3A_2646 = vector.extract_strided_slice %add3A {offsets = [0, 8704], sizes = [16, 512], strides = [1, 1]} : vector<16x65536xf32> to vector<16x512xf32>
    %add3A_2647 = arith.addf %slice3A_2646, %select_n3A_355 : vector<16x512xf32>
    %swap3A_2648 = arith.constant 272 : index
    %swap3A_2649 = arith.constant 1 : index
    %swap3A_2650 = vector.load %arg3[%swap3A_2648, %swap3A_2649] : memref<2048x513xf32, #tpu.memory_space<vmem>>, vector<16x512xf32>
    tpu.vector_store %arg3[%swap3A_2648, %swap3A_2649], %add3A_2647 {strides = array<i32>} : memref<2048x513xf32, #tpu.memory_space<vmem>>, vector<16x512xf32>,
    %slice3A_2651 = vector.extract_strided_slice %add3A {offsets = [0, 9216], sizes = [16, 512], strides = [1, 1]} : vector<16x65536xf32> to vector<16x512xf32>
    %add3A_2652 = arith.addf %slice3A_2651, %select_n3A_375 : vector<16x512xf32>
    %swap3A_2653 = arith.constant 288 : index
    %swap3A_2654 = arith.constant 1 : index
    %swap3A_2655 = vector.load %arg3[%swap3A_2653, %swap3A_2654] : memref<2048x513xf32, #tpu.memory_space<vmem>>, vector<16x512xf32>
    tpu.vector_store %arg3[%swap3A_2653, %swap3A_2654], %add3A_2652 {strides = array<i32>} : memref<2048x513xf32, #tpu.memory_space<vmem>>, vector<16x512xf32>,
    %slice3A_2656 = vector.extract_strided_slice %add3A {offsets = [0, 9728], sizes = [16, 512], strides = [1, 1]} : vector<16x65536xf32> to vector<16x512xf32>
    %add3A_2657 = arith.addf %slice3A_2656, %select_n3A_395 : vector<16x512xf32>
    %swap3A_2658 = arith.constant 304 : index
    %swap3A_2659 = arith.constant 1 : index
    %swap3A_2660 = vector.load %arg3[%swap3A_2658, %swap3A_2659] : memref<2048x513xf32, #tpu.memory_space<vmem>>, vector<16x512xf32>
    tpu.vector_store %arg3[%swap3A_2658, %swap3A_2659], %add3A_2657 {strides = array<i32>} : memref<2048x513xf32, #tpu.memory_space<vmem>>, vector<16x512xf32>,
    %slice3A_2661 = vector.extract_strided_slice %add3A {offsets = [0, 10240], sizes = [16, 512], strides = [1, 1]} : vector<16x65536xf32> to vector<16x512xf32>
    %add3A_2662 = arith.addf %slice3A_2661, %select_n3A_415 : vector<16x512xf32>
    %swap3A_2663 = arith.constant 320 : index
    %swap3A_2664 = arith.constant 1 : index
    %swap3A_2665 = vector.load %arg3[%swap3A_2663, %swap3A_2664] : memref<2048x513xf32, #tpu.memory_space<vmem>>, vector<16x512xf32>
    tpu.vector_store %arg3[%swap3A_2663, %swap3A_2664], %add3A_2662 {strides = array<i32>} : memref<2048x513xf32, #tpu.memory_space<vmem>>, vector<16x512xf32>,
    %slice3A_2666 = vector.extract_strided_slice %add3A {offsets = [0, 10752], sizes = [16, 512], strides = [1, 1]} : vector<16x65536xf32> to vector<16x512xf32>
    %add3A_2667 = arith.addf %slice3A_2666, %select_n3A_435 : vector<16x512xf32>
    %swap3A_2668 = arith.constant 336 : index
    %swap3A_2669 = arith.constant 1 : index
    %swap3A_2670 = vector.load %arg3[%swap3A_2668, %swap3A_2669] : memref<2048x513xf32, #tpu.memory_space<vmem>>, vector<16x512xf32>
    tpu.vector_store %arg3[%swap3A_2668, %swap3A_2669], %add3A_2667 {strides = array<i32>} : memref<2048x513xf32, #tpu.memory_space<vmem>>, vector<16x512xf32>,
    %slice3A_2671 = vector.extract_strided_slice %add3A {offsets = [0, 11264], sizes = [16, 512], strides = [1, 1]} : vector<16x65536xf32> to vector<16x512xf32>
    %add3A_2672 = arith.addf %slice3A_2671, %select_n3A_455 : vector<16x512xf32>
    %swap3A_2673 = arith.constant 352 : index
    %swap3A_2674 = arith.constant 1 : index
    %swap3A_2675 = vector.load %arg3[%swap3A_2673, %swap3A_2674] : memref<2048x513xf32, #tpu.memory_space<vmem>>, vector<16x512xf32>
    tpu.vector_store %arg3[%swap3A_2673, %swap3A_2674], %add3A_2672 {strides = array<i32>} : memref<2048x513xf32, #tpu.memory_space<vmem>>, vector<16x512xf32>,
    %slice3A_2676 = vector.extract_strided_slice %add3A {offsets = [0, 11776], sizes = [16, 512], strides = [1, 1]} : vector<16x65536xf32> to vector<16x512xf32>
    %add3A_2677 = arith.addf %slice3A_2676, %select_n3A_475 : vector<16x512xf32>
    %swap3A_2678 = arith.constant 368 : index
    %swap3A_2679 = arith.constant 1 : index
    %swap3A_2680 = vector.load %arg3[%swap3A_2678, %swap3A_2679] : memref<2048x513xf32, #tpu.memory_space<vmem>>, vector<16x512xf32>
    tpu.vector_store %arg3[%swap3A_2678, %swap3A_2679], %add3A_2677 {strides = array<i32>} : memref<2048x513xf32, #tpu.memory_space<vmem>>, vector<16x512xf32>,
    %slice3A_2681 = vector.extract_strided_slice %add3A {offsets = [0, 12288], sizes = [16, 512], strides = [1, 1]} : vector<16x65536xf32> to vector<16x512xf32>
    %add3A_2682 = arith.addf %slice3A_2681, %select_n3A_495 : vector<16x512xf32>
    %swap3A_2683 = arith.constant 384 : index
    %swap3A_2684 = arith.constant 1 : index
    %swap3A_2685 = vector.load %arg3[%swap3A_2683, %swap3A_2684] : memref<2048x513xf32, #tpu.memory_space<vmem>>, vector<16x512xf32>
    tpu.vector_store %arg3[%swap3A_2683, %swap3A_2684], %add3A_2682 {strides = array<i32>} : memref<2048x513xf32, #tpu.memory_space<vmem>>, vector<16x512xf32>,
    %slice3A_2686 = vector.extract_strided_slice %add3A {offsets = [0, 12800], sizes = [16, 512], strides = [1, 1]} : vector<16x65536xf32> to vector<16x512xf32>
    %add3A_2687 = arith.addf %slice3A_2686, %select_n3A_515 : vector<16x512xf32>
    %swap3A_2688 = arith.constant 400 : index
    %swap3A_2689 = arith.constant 1 : index
    %swap3A_2690 = vector.load %arg3[%swap3A_2688, %swap3A_2689] : memref<2048x513xf32, #tpu.memory_space<vmem>>, vector<16x512xf32>
    tpu.vector_store %arg3[%swap3A_2688, %swap3A_2689], %add3A_2687 {strides = array<i32>} : memref<2048x513xf32, #tpu.memory_space<vmem>>, vector<16x512xf32>,
    %slice3A_2691 = vector.extract_strided_slice %add3A {offsets = [0, 13312], sizes = [16, 512], strides = [1, 1]} : vector<16x65536xf32> to vector<16x512xf32>
    %add3A_2692 = arith.addf %slice3A_2691, %select_n3A_535 : vector<16x512xf32>
    %swap3A_2693 = arith.constant 416 : index
    %swap3A_2694 = arith.constant 1 : index
    %swap3A_2695 = vector.load %arg3[%swap3A_2693, %swap3A_2694] : memref<2048x513xf32, #tpu.memory_space<vmem>>, vector<16x512xf32>
    tpu.vector_store %arg3[%swap3A_2693, %swap3A_2694], %add3A_2692 {strides = array<i32>} : memref<2048x513xf32, #tpu.memory_space<vmem>>, vector<16x512xf32>,
    %slice3A_2696 = vector.extract_strided_slice %add3A {offsets = [0, 13824], sizes = [16, 512], strides = [1, 1]} : vector<16x65536xf32> to vector<16x512xf32>
    %add3A_2697 = arith.addf %slice3A_2696, %select_n3A_555 : vector<16x512xf32>
    %swap3A_2698 = arith.constant 432 : index
    %swap3A_2699 = arith.constant 1 : index
    %swap3A_2700 = vector.load %arg3[%swap3A_2698, %swap3A_2699] : memref<2048x513xf32, #tpu.memory_space<vmem>>, vector<16x512xf32>
    tpu.vector_store %arg3[%swap3A_2698, %swap3A_2699], %add3A_2697 {strides = array<i32>} : memref<2048x513xf32, #tpu.memory_space<vmem>>, vector<16x512xf32>,
    %slice3A_2701 = vector.extract_strided_slice %add3A {offsets = [0, 14336], sizes = [16, 512], strides = [1, 1]} : vector<16x65536xf32> to vector<16x512xf32>
    %add3A_2702 = arith.addf %slice3A_2701, %select_n3A_575 : vector<16x512xf32>
    %swap3A_2703 = arith.constant 448 : index
    %swap3A_2704 = arith.constant 1 : index
    %swap3A_2705 = vector.load %arg3[%swap3A_2703, %swap3A_2704] : memref<2048x513xf32, #tpu.memory_space<vmem>>, vector<16x512xf32>
    tpu.vector_store %arg3[%swap3A_2703, %swap3A_2704], %add3A_2702 {strides = array<i32>} : memref<2048x513xf32, #tpu.memory_space<vmem>>, vector<16x512xf32>,
    %slice3A_2706 = vector.extract_strided_slice %add3A {offsets = [0, 14848], sizes = [16, 512], strides = [1, 1]} : vector<16x65536xf32> to vector<16x512xf32>
    %add3A_2707 = arith.addf %slice3A_2706, %select_n3A_595 : vector<16x512xf32>
    %swap3A_2708 = arith.constant 464 : index
    %swap3A_2709 = arith.constant 1 : index
    %swap3A_2710 = vector.load %arg3[%swap3A_2708, %swap3A_2709] : memref<2048x513xf32, #tpu.memory_space<vmem>>, vector<16x512xf32>
    tpu.vector_store %arg3[%swap3A_2708, %swap3A_2709], %add3A_2707 {strides = array<i32>} : memref<2048x513xf32, #tpu.memory_space<vmem>>, vector<16x512xf32>,
    %slice3A_2711 = vector.extract_strided_slice %add3A {offsets = [0, 15360], sizes = [16, 512], strides = [1, 1]} : vector<16x65536xf32> to vector<16x512xf32>
    %add3A_2712 = arith.addf %slice3A_2711, %select_n3A_615 : vector<16x512xf32>
    %swap3A_2713 = arith.constant 480 : index
    %swap3A_2714 = arith.constant 1 : index
    %swap3A_2715 = vector.load %arg3[%swap3A_2713, %swap3A_2714] : memref<2048x513xf32, #tpu.memory_space<vmem>>, vector<16x512xf32>
    tpu.vector_store %arg3[%swap3A_2713, %swap3A_2714], %add3A_2712 {strides = array<i32>} : memref<2048x513xf32, #tpu.memory_space<vmem>>, vector<16x512xf32>,
    %slice3A_2716 = vector.extract_strided_slice %add3A {offsets = [0, 15872], sizes = [16, 512], strides = [1, 1]} : vector<16x65536xf32> to vector<16x512xf32>
    %add3A_2717 = arith.addf %slice3A_2716, %select_n3A_635 : vector<16x512xf32>
    %swap3A_2718 = arith.constant 496 : index
    %swap3A_2719 = arith.constant 1 : index
    %swap3A_2720 = vector.load %arg3[%swap3A_2718, %swap3A_2719] : memref<2048x513xf32, #tpu.memory_space<vmem>>, vector<16x512xf32>
    tpu.vector_store %arg3[%swap3A_2718, %swap3A_2719], %add3A_2717 {strides = array<i32>} : memref<2048x513xf32, #tpu.memory_space<vmem>>, vector<16x512xf32>,
    %slice3A_2721 = vector.extract_strided_slice %add3A {offsets = [0, 16384], sizes = [16, 512], strides = [1, 1]} : vector<16x65536xf32> to vector<16x512xf32>
    %add3A_2722 = arith.addf %slice3A_2721, %select_n3A_655 : vector<16x512xf32>
    %swap3A_2723 = arith.constant 512 : index
    %swap3A_2724 = arith.constant 1 : index
    %swap3A_2725 = vector.load %arg3[%swap3A_2723, %swap3A_2724] : memref<2048x513xf32, #tpu.memory_space<vmem>>, vector<16x512xf32>
    tpu.vector_store %arg3[%swap3A_2723, %swap3A_2724], %add3A_2722 {strides = array<i32>} : memref<2048x513xf32, #tpu.memory_space<vmem>>, vector<16x512xf32>,
    %slice3A_2726 = vector.extract_strided_slice %add3A {offsets = [0, 16896], sizes = [16, 512], strides = [1, 1]} : vector<16x65536xf32> to vector<16x512xf32>
    %add3A_2727 = arith.addf %slice3A_2726, %select_n3A_675 : vector<16x512xf32>
    %swap3A_2728 = arith.constant 528 : index
    %swap3A_2729 = arith.constant 1 : index
    %swap3A_2730 = vector.load %arg3[%swap3A_2728, %swap3A_2729] : memref<2048x513xf32, #tpu.memory_space<vmem>>, vector<16x512xf32>
    tpu.vector_store %arg3[%swap3A_2728, %swap3A_2729], %add3A_2727 {strides = array<i32>} : memref<2048x513xf32, #tpu.memory_space<vmem>>, vector<16x512xf32>,
    %slice3A_2731 = vector.extract_strided_slice %add3A {offsets = [0, 17408], sizes = [16, 512], strides = [1, 1]} : vector<16x65536xf32> to vector<16x512xf32>
    %add3A_2732 = arith.addf %slice3A_2731, %select_n3A_695 : vector<16x512xf32>
    %swap3A_2733 = arith.constant 544 : index
    %swap3A_2734 = arith.constant 1 : index
    %swap3A_2735 = vector.load %arg3[%swap3A_2733, %swap3A_2734] : memref<2048x513xf32, #tpu.memory_space<vmem>>, vector<16x512xf32>
    tpu.vector_store %arg3[%swap3A_2733, %swap3A_2734], %add3A_2732 {strides = array<i32>} : memref<2048x513xf32, #tpu.memory_space<vmem>>, vector<16x512xf32>,
    %slice3A_2736 = vector.extract_strided_slice %add3A {offsets = [0, 17920], sizes = [16, 512], strides = [1, 1]} : vector<16x65536xf32> to vector<16x512xf32>
    %add3A_2737 = arith.addf %slice3A_2736, %select_n3A_715 : vector<16x512xf32>
    %swap3A_2738 = arith.constant 560 : index
    %swap3A_2739 = arith.constant 1 : index
    %swap3A_2740 = vector.load %arg3[%swap3A_2738, %swap3A_2739] : memref<2048x513xf32, #tpu.memory_space<vmem>>, vector<16x512xf32>
    tpu.vector_store %arg3[%swap3A_2738, %swap3A_2739], %add3A_2737 {strides = array<i32>} : memref<2048x513xf32, #tpu.memory_space<vmem>>, vector<16x512xf32>,
    %slice3A_2741 = vector.extract_strided_slice %add3A {offsets = [0, 18432], sizes = [16, 512], strides = [1, 1]} : vector<16x65536xf32> to vector<16x512xf32>
    %add3A_2742 = arith.addf %slice3A_2741, %select_n3A_735 : vector<16x512xf32>
    %swap3A_2743 = arith.constant 576 : index
    %swap3A_2744 = arith.constant 1 : index
    %swap3A_2745 = vector.load %arg3[%swap3A_2743, %swap3A_2744] : memref<2048x513xf32, #tpu.memory_space<vmem>>, vector<16x512xf32>
    tpu.vector_store %arg3[%swap3A_2743, %swap3A_2744], %add3A_2742 {strides = array<i32>} : memref<2048x513xf32, #tpu.memory_space<vmem>>, vector<16x512xf32>,
    %slice3A_2746 = vector.extract_strided_slice %add3A {offsets = [0, 18944], sizes = [16, 512], strides = [1, 1]} : vector<16x65536xf32> to vector<16x512xf32>
    %add3A_2747 = arith.addf %slice3A_2746, %select_n3A_755 : vector<16x512xf32>
    %swap3A_2748 = arith.constant 592 : index
    %swap3A_2749 = arith.constant 1 : index
    %swap3A_2750 = vector.load %arg3[%swap3A_2748, %swap3A_2749] : memref<2048x513xf32, #tpu.memory_space<vmem>>, vector<16x512xf32>
    tpu.vector_store %arg3[%swap3A_2748, %swap3A_2749], %add3A_2747 {strides = array<i32>} : memref<2048x513xf32, #tpu.memory_space<vmem>>, vector<16x512xf32>,
    %slice3A_2751 = vector.extract_strided_slice %add3A {offsets = [0, 19456], sizes = [16, 512], strides = [1, 1]} : vector<16x65536xf32> to vector<16x512xf32>
    %add3A_2752 = arith.addf %slice3A_2751, %select_n3A_775 : vector<16x512xf32>
    %swap3A_2753 = arith.constant 608 : index
    %swap3A_2754 = arith.constant 1 : index
    %swap3A_2755 = vector.load %arg3[%swap3A_2753, %swap3A_2754] : memref<2048x513xf32, #tpu.memory_space<vmem>>, vector<16x512xf32>
    tpu.vector_store %arg3[%swap3A_2753, %swap3A_2754], %add3A_2752 {strides = array<i32>} : memref<2048x513xf32, #tpu.memory_space<vmem>>, vector<16x512xf32>,
    %slice3A_2756 = vector.extract_strided_slice %add3A {offsets = [0, 19968], sizes = [16, 512], strides = [1, 1]} : vector<16x65536xf32> to vector<16x512xf32>
    %add3A_2757 = arith.addf %slice3A_2756, %select_n3A_795 : vector<16x512xf32>
    %swap3A_2758 = arith.constant 624 : index
    %swap3A_2759 = arith.constant 1 : index
    %swap3A_2760 = vector.load %arg3[%swap3A_2758, %swap3A_2759] : memref<2048x513xf32, #tpu.memory_space<vmem>>, vector<16x512xf32>
    tpu.vector_store %arg3[%swap3A_2758, %swap3A_2759], %add3A_2757 {strides = array<i32>} : memref<2048x513xf32, #tpu.memory_space<vmem>>, vector<16x512xf32>,
    %slice3A_2761 = vector.extract_strided_slice %add3A {offsets = [0, 20480], sizes = [16, 512], strides = [1, 1]} : vector<16x65536xf32> to vector<16x512xf32>
    %add3A_2762 = arith.addf %slice3A_2761, %select_n3A_815 : vector<16x512xf32>
    %swap3A_2763 = arith.constant 640 : index
    %swap3A_2764 = arith.constant 1 : index
    %swap3A_2765 = vector.load %arg3[%swap3A_2763, %swap3A_2764] : memref<2048x513xf32, #tpu.memory_space<vmem>>, vector<16x512xf32>
    tpu.vector_store %arg3[%swap3A_2763, %swap3A_2764], %add3A_2762 {strides = array<i32>} : memref<2048x513xf32, #tpu.memory_space<vmem>>, vector<16x512xf32>,
    %slice3A_2766 = vector.extract_strided_slice %add3A {offsets = [0, 20992], sizes = [16, 512], strides = [1, 1]} : vector<16x65536xf32> to vector<16x512xf32>
    %add3A_2767 = arith.addf %slice3A_2766, %select_n3A_835 : vector<16x512xf32>
    %swap3A_2768 = arith.constant 656 : index
    %swap3A_2769 = arith.constant 1 : index
    %swap3A_2770 = vector.load %arg3[%swap3A_2768, %swap3A_2769] : memref<2048x513xf32, #tpu.memory_space<vmem>>, vector<16x512xf32>
    tpu.vector_store %arg3[%swap3A_2768, %swap3A_2769], %add3A_2767 {strides = array<i32>} : memref<2048x513xf32, #tpu.memory_space<vmem>>, vector<16x512xf32>,
    %slice3A_2771 = vector.extract_strided_slice %add3A {offsets = [0, 21504], sizes = [16, 512], strides = [1, 1]} : vector<16x65536xf32> to vector<16x512xf32>
    %add3A_2772 = arith.addf %slice3A_2771, %select_n3A_855 : vector<16x512xf32>
    %swap3A_2773 = arith.constant 672 : index
    %swap3A_2774 = arith.constant 1 : index
    %swap3A_2775 = vector.load %arg3[%swap3A_2773, %swap3A_2774] : memref<2048x513xf32, #tpu.memory_space<vmem>>, vector<16x512xf32>
    tpu.vector_store %arg3[%swap3A_2773, %swap3A_2774], %add3A_2772 {strides = array<i32>} : memref<2048x513xf32, #tpu.memory_space<vmem>>, vector<16x512xf32>,
    %slice3A_2776 = vector.extract_strided_slice %add3A {offsets = [0, 22016], sizes = [16, 512], strides = [1, 1]} : vector<16x65536xf32> to vector<16x512xf32>
    %add3A_2777 = arith.addf %slice3A_2776, %select_n3A_875 : vector<16x512xf32>
    %swap3A_2778 = arith.constant 688 : index
    %swap3A_2779 = arith.constant 1 : index
    %swap3A_2780 = vector.load %arg3[%swap3A_2778, %swap3A_2779] : memref<2048x513xf32, #tpu.memory_space<vmem>>, vector<16x512xf32>
    tpu.vector_store %arg3[%swap3A_2778, %swap3A_2779], %add3A_2777 {strides = array<i32>} : memref<2048x513xf32, #tpu.memory_space<vmem>>, vector<16x512xf32>,
    %slice3A_2781 = vector.extract_strided_slice %add3A {offsets = [0, 22528], sizes = [16, 512], strides = [1, 1]} : vector<16x65536xf32> to vector<16x512xf32>
    %add3A_2782 = arith.addf %slice3A_2781, %select_n3A_895 : vector<16x512xf32>
    %swap3A_2783 = arith.constant 704 : index
    %swap3A_2784 = arith.constant 1 : index
    %swap3A_2785 = vector.load %arg3[%swap3A_2783, %swap3A_2784] : memref<2048x513xf32, #tpu.memory_space<vmem>>, vector<16x512xf32>
    tpu.vector_store %arg3[%swap3A_2783, %swap3A_2784], %add3A_2782 {strides = array<i32>} : memref<2048x513xf32, #tpu.memory_space<vmem>>, vector<16x512xf32>,
    %slice3A_2786 = vector.extract_strided_slice %add3A {offsets = [0, 23040], sizes = [16, 512], strides = [1, 1]} : vector<16x65536xf32> to vector<16x512xf32>
    %add3A_2787 = arith.addf %slice3A_2786, %select_n3A_915 : vector<16x512xf32>
    %swap3A_2788 = arith.constant 720 : index
    %swap3A_2789 = arith.constant 1 : index
    %swap3A_2790 = vector.load %arg3[%swap3A_2788, %swap3A_2789] : memref<2048x513xf32, #tpu.memory_space<vmem>>, vector<16x512xf32>
    tpu.vector_store %arg3[%swap3A_2788, %swap3A_2789], %add3A_2787 {strides = array<i32>} : memref<2048x513xf32, #tpu.memory_space<vmem>>, vector<16x512xf32>,
    %slice3A_2791 = vector.extract_strided_slice %add3A {offsets = [0, 23552], sizes = [16, 512], strides = [1, 1]} : vector<16x65536xf32> to vector<16x512xf32>
    %add3A_2792 = arith.addf %slice3A_2791, %select_n3A_935 : vector<16x512xf32>
    %swap3A_2793 = arith.constant 736 : index
    %swap3A_2794 = arith.constant 1 : index
    %swap3A_2795 = vector.load %arg3[%swap3A_2793, %swap3A_2794] : memref<2048x513xf32, #tpu.memory_space<vmem>>, vector<16x512xf32>
    tpu.vector_store %arg3[%swap3A_2793, %swap3A_2794], %add3A_2792 {strides = array<i32>} : memref<2048x513xf32, #tpu.memory_space<vmem>>, vector<16x512xf32>,
    %slice3A_2796 = vector.extract_strided_slice %add3A {offsets = [0, 24064], sizes = [16, 512], strides = [1, 1]} : vector<16x65536xf32> to vector<16x512xf32>
    %add3A_2797 = arith.addf %slice3A_2796, %select_n3A_955 : vector<16x512xf32>
    %swap3A_2798 = arith.constant 752 : index
    %swap3A_2799 = arith.constant 1 : index
    %swap3A_2800 = vector.load %arg3[%swap3A_2798, %swap3A_2799] : memref<2048x513xf32, #tpu.memory_space<vmem>>, vector<16x512xf32>
    tpu.vector_store %arg3[%swap3A_2798, %swap3A_2799], %add3A_2797 {strides = array<i32>} : memref<2048x513xf32, #tpu.memory_space<vmem>>, vector<16x512xf32>,
    %slice3A_2801 = vector.extract_strided_slice %add3A {offsets = [0, 24576], sizes = [16, 512], strides = [1, 1]} : vector<16x65536xf32> to vector<16x512xf32>
    %add3A_2802 = arith.addf %slice3A_2801, %select_n3A_975 : vector<16x512xf32>
    %swap3A_2803 = arith.constant 768 : index
    %swap3A_2804 = arith.constant 1 : index
    %swap3A_2805 = vector.load %arg3[%swap3A_2803, %swap3A_2804] : memref<2048x513xf32, #tpu.memory_space<vmem>>, vector<16x512xf32>
    tpu.vector_store %arg3[%swap3A_2803, %swap3A_2804], %add3A_2802 {strides = array<i32>} : memref<2048x513xf32, #tpu.memory_space<vmem>>, vector<16x512xf32>,
    %slice3A_2806 = vector.extract_strided_slice %add3A {offsets = [0, 25088], sizes = [16, 512], strides = [1, 1]} : vector<16x65536xf32> to vector<16x512xf32>
    %add3A_2807 = arith.addf %slice3A_2806, %select_n3A_995 : vector<16x512xf32>
    %swap3A_2808 = arith.constant 784 : index
    %swap3A_2809 = arith.constant 1 : index
    %swap3A_2810 = vector.load %arg3[%swap3A_2808, %swap3A_2809] : memref<2048x513xf32, #tpu.memory_space<vmem>>, vector<16x512xf32>
    tpu.vector_store %arg3[%swap3A_2808, %swap3A_2809], %add3A_2807 {strides = array<i32>} : memref<2048x513xf32, #tpu.memory_space<vmem>>, vector<16x512xf32>,
    %slice3A_2811 = vector.extract_strided_slice %add3A {offsets = [0, 25600], sizes = [16, 512], strides = [1, 1]} : vector<16x65536xf32> to vector<16x512xf32>
    %add3A_2812 = arith.addf %slice3A_2811, %select_n3A_1015 : vector<16x512xf32>
    %swap3A_2813 = arith.constant 800 : index
    %swap3A_2814 = arith.constant 1 : index
    %swap3A_2815 = vector.load %arg3[%swap3A_2813, %swap3A_2814] : memref<2048x513xf32, #tpu.memory_space<vmem>>, vector<16x512xf32>
    tpu.vector_store %arg3[%swap3A_2813, %swap3A_2814], %add3A_2812 {strides = array<i32>} : memref<2048x513xf32, #tpu.memory_space<vmem>>, vector<16x512xf32>,
    %slice3A_2816 = vector.extract_strided_slice %add3A {offsets = [0, 26112], sizes = [16, 512], strides = [1, 1]} : vector<16x65536xf32> to vector<16x512xf32>
    %add3A_2817 = arith.addf %slice3A_2816, %select_n3A_1035 : vector<16x512xf32>
    %swap3A_2818 = arith.constant 816 : index
    %swap3A_2819 = arith.constant 1 : index
    %swap3A_2820 = vector.load %arg3[%swap3A_2818, %swap3A_2819] : memref<2048x513xf32, #tpu.memory_space<vmem>>, vector<16x512xf32>
    tpu.vector_store %arg3[%swap3A_2818, %swap3A_2819], %add3A_2817 {strides = array<i32>} : memref<2048x513xf32, #tpu.memory_space<vmem>>, vector<16x512xf32>,
    %slice3A_2821 = vector.extract_strided_slice %add3A {offsets = [0, 26624], sizes = [16, 512], strides = [1, 1]} : vector<16x65536xf32> to vector<16x512xf32>
    %add3A_2822 = arith.addf %slice3A_2821, %select_n3A_1055 : vector<16x512xf32>
    %swap3A_2823 = arith.constant 832 : index
    %swap3A_2824 = arith.constant 1 : index
    %swap3A_2825 = vector.load %arg3[%swap3A_2823, %swap3A_2824] : memref<2048x513xf32, #tpu.memory_space<vmem>>, vector<16x512xf32>
    tpu.vector_store %arg3[%swap3A_2823, %swap3A_2824], %add3A_2822 {strides = array<i32>} : memref<2048x513xf32, #tpu.memory_space<vmem>>, vector<16x512xf32>,
    %slice3A_2826 = vector.extract_strided_slice %add3A {offsets = [0, 27136], sizes = [16, 512], strides = [1, 1]} : vector<16x65536xf32> to vector<16x512xf32>
    %add3A_2827 = arith.addf %slice3A_2826, %select_n3A_1075 : vector<16x512xf32>
    %swap3A_2828 = arith.constant 848 : index
    %swap3A_2829 = arith.constant 1 : index
    %swap3A_2830 = vector.load %arg3[%swap3A_2828, %swap3A_2829] : memref<2048x513xf32, #tpu.memory_space<vmem>>, vector<16x512xf32>
    tpu.vector_store %arg3[%swap3A_2828, %swap3A_2829], %add3A_2827 {strides = array<i32>} : memref<2048x513xf32, #tpu.memory_space<vmem>>, vector<16x512xf32>,
    %slice3A_2831 = vector.extract_strided_slice %add3A {offsets = [0, 27648], sizes = [16, 512], strides = [1, 1]} : vector<16x65536xf32> to vector<16x512xf32>
    %add3A_2832 = arith.addf %slice3A_2831, %select_n3A_1095 : vector<16x512xf32>
    %swap3A_2833 = arith.constant 864 : index
    %swap3A_2834 = arith.constant 1 : index
    %swap3A_2835 = vector.load %arg3[%swap3A_2833, %swap3A_2834] : memref<2048x513xf32, #tpu.memory_space<vmem>>, vector<16x512xf32>
    tpu.vector_store %arg3[%swap3A_2833, %swap3A_2834], %add3A_2832 {strides = array<i32>} : memref<2048x513xf32, #tpu.memory_space<vmem>>, vector<16x512xf32>,
    %slice3A_2836 = vector.extract_strided_slice %add3A {offsets = [0, 28160], sizes = [16, 512], strides = [1, 1]} : vector<16x65536xf32> to vector<16x512xf32>
    %add3A_2837 = arith.addf %slice3A_2836, %select_n3A_1115 : vector<16x512xf32>
    %swap3A_2838 = arith.constant 880 : index
    %swap3A_2839 = arith.constant 1 : index
    %swap3A_2840 = vector.load %arg3[%swap3A_2838, %swap3A_2839] : memref<2048x513xf32, #tpu.memory_space<vmem>>, vector<16x512xf32>
    tpu.vector_store %arg3[%swap3A_2838, %swap3A_2839], %add3A_2837 {strides = array<i32>} : memref<2048x513xf32, #tpu.memory_space<vmem>>, vector<16x512xf32>,
    %slice3A_2841 = vector.extract_strided_slice %add3A {offsets = [0, 28672], sizes = [16, 512], strides = [1, 1]} : vector<16x65536xf32> to vector<16x512xf32>
    %add3A_2842 = arith.addf %slice3A_2841, %select_n3A_1135 : vector<16x512xf32>
    %swap3A_2843 = arith.constant 896 : index
    %swap3A_2844 = arith.constant 1 : index
    %swap3A_2845 = vector.load %arg3[%swap3A_2843, %swap3A_2844] : memref<2048x513xf32, #tpu.memory_space<vmem>>, vector<16x512xf32>
    tpu.vector_store %arg3[%swap3A_2843, %swap3A_2844], %add3A_2842 {strides = array<i32>} : memref<2048x513xf32, #tpu.memory_space<vmem>>, vector<16x512xf32>,
    %slice3A_2846 = vector.extract_strided_slice %add3A {offsets = [0, 29184], sizes = [16, 512], strides = [1, 1]} : vector<16x65536xf32> to vector<16x512xf32>
    %add3A_2847 = arith.addf %slice3A_2846, %select_n3A_1155 : vector<16x512xf32>
    %swap3A_2848 = arith.constant 912 : index
    %swap3A_2849 = arith.constant 1 : index
    %swap3A_2850 = vector.load %arg3[%swap3A_2848, %swap3A_2849] : memref<2048x513xf32, #tpu.memory_space<vmem>>, vector<16x512xf32>
    tpu.vector_store %arg3[%swap3A_2848, %swap3A_2849], %add3A_2847 {strides = array<i32>} : memref<2048x513xf32, #tpu.memory_space<vmem>>, vector<16x512xf32>,
    %slice3A_2851 = vector.extract_strided_slice %add3A {offsets = [0, 29696], sizes = [16, 512], strides = [1, 1]} : vector<16x65536xf32> to vector<16x512xf32>
    %add3A_2852 = arith.addf %slice3A_2851, %select_n3A_1175 : vector<16x512xf32>
    %swap3A_2853 = arith.constant 928 : index
    %swap3A_2854 = arith.constant 1 : index
    %swap3A_2855 = vector.load %arg3[%swap3A_2853, %swap3A_2854] : memref<2048x513xf32, #tpu.memory_space<vmem>>, vector<16x512xf32>
    tpu.vector_store %arg3[%swap3A_2853, %swap3A_2854], %add3A_2852 {strides = array<i32>} : memref<2048x513xf32, #tpu.memory_space<vmem>>, vector<16x512xf32>,
    %slice3A_2856 = vector.extract_strided_slice %add3A {offsets = [0, 30208], sizes = [16, 512], strides = [1, 1]} : vector<16x65536xf32> to vector<16x512xf32>
    %add3A_2857 = arith.addf %slice3A_2856, %select_n3A_1195 : vector<16x512xf32>
    %swap3A_2858 = arith.constant 944 : index
    %swap3A_2859 = arith.constant 1 : index
    %swap3A_2860 = vector.load %arg3[%swap3A_2858, %swap3A_2859] : memref<2048x513xf32, #tpu.memory_space<vmem>>, vector<16x512xf32>
    tpu.vector_store %arg3[%swap3A_2858, %swap3A_2859], %add3A_2857 {strides = array<i32>} : memref<2048x513xf32, #tpu.memory_space<vmem>>, vector<16x512xf32>,
    %slice3A_2861 = vector.extract_strided_slice %add3A {offsets = [0, 30720], sizes = [16, 512], strides = [1, 1]} : vector<16x65536xf32> to vector<16x512xf32>
    %add3A_2862 = arith.addf %slice3A_2861, %select_n3A_1215 : vector<16x512xf32>
    %swap3A_2863 = arith.constant 960 : index
    %swap3A_2864 = arith.constant 1 : index
    %swap3A_2865 = vector.load %arg3[%swap3A_2863, %swap3A_2864] : memref<2048x513xf32, #tpu.memory_space<vmem>>, vector<16x512xf32>
    tpu.vector_store %arg3[%swap3A_2863, %swap3A_2864], %add3A_2862 {strides = array<i32>} : memref<2048x513xf32, #tpu.memory_space<vmem>>, vector<16x512xf32>,
    %slice3A_2866 = vector.extract_strided_slice %add3A {offsets = [0, 31232], sizes = [16, 512], strides = [1, 1]} : vector<16x65536xf32> to vector<16x512xf32>
    %add3A_2867 = arith.addf %slice3A_2866, %select_n3A_1235 : vector<16x512xf32>
    %swap3A_2868 = arith.constant 976 : index
    %swap3A_2869 = arith.constant 1 : index
    %swap3A_2870 = vector.load %arg3[%swap3A_2868, %swap3A_2869] : memref<2048x513xf32, #tpu.memory_space<vmem>>, vector<16x512xf32>
    tpu.vector_store %arg3[%swap3A_2868, %swap3A_2869], %add3A_2867 {strides = array<i32>} : memref<2048x513xf32, #tpu.memory_space<vmem>>, vector<16x512xf32>,
    %slice3A_2871 = vector.extract_strided_slice %add3A {offsets = [0, 31744], sizes = [16, 512], strides = [1, 1]} : vector<16x65536xf32> to vector<16x512xf32>
    %add3A_2872 = arith.addf %slice3A_2871, %select_n3A_1255 : vector<16x512xf32>
    %swap3A_2873 = arith.constant 992 : index
    %swap3A_2874 = arith.constant 1 : index
    %swap3A_2875 = vector.load %arg3[%swap3A_2873, %swap3A_2874] : memref<2048x513xf32, #tpu.memory_space<vmem>>, vector<16x512xf32>
    tpu.vector_store %arg3[%swap3A_2873, %swap3A_2874], %add3A_2872 {strides = array<i32>} : memref<2048x513xf32, #tpu.memory_space<vmem>>, vector<16x512xf32>,
    %slice3A_2876 = vector.extract_strided_slice %add3A {offsets = [0, 32256], sizes = [16, 512], strides = [1, 1]} : vector<16x65536xf32> to vector<16x512xf32>
    %add3A_2877 = arith.addf %slice3A_2876, %select_n3A_1275 : vector<16x512xf32>
    %swap3A_2878 = arith.constant 1008 : index
    %swap3A_2879 = arith.constant 1 : index
    %swap3A_2880 = vector.load %arg3[%swap3A_2878, %swap3A_2879] : memref<2048x513xf32, #tpu.memory_space<vmem>>, vector<16x512xf32>
    tpu.vector_store %arg3[%swap3A_2878, %swap3A_2879], %add3A_2877 {strides = array<i32>} : memref<2048x513xf32, #tpu.memory_space<vmem>>, vector<16x512xf32>,
    %slice3A_2881 = vector.extract_strided_slice %add3A {offsets = [0, 32768], sizes = [16, 512], strides = [1, 1]} : vector<16x65536xf32> to vector<16x512xf32>
    %add3A_2882 = arith.addf %slice3A_2881, %select_n3A_1295 : vector<16x512xf32>
    %swap3A_2883 = arith.constant 1024 : index
    %swap3A_2884 = arith.constant 1 : index
    %swap3A_2885 = vector.load %arg3[%swap3A_2883, %swap3A_2884] : memref<2048x513xf32, #tpu.memory_space<vmem>>, vector<16x512xf32>
    tpu.vector_store %arg3[%swap3A_2883, %swap3A_2884], %add3A_2882 {strides = array<i32>} : memref<2048x513xf32, #tpu.memory_space<vmem>>, vector<16x512xf32>,
    %slice3A_2886 = vector.extract_strided_slice %add3A {offsets = [0, 33280], sizes = [16, 512], strides = [1, 1]} : vector<16x65536xf32> to vector<16x512xf32>
    %add3A_2887 = arith.addf %slice3A_2886, %select_n3A_1315 : vector<16x512xf32>
    %swap3A_2888 = arith.constant 1040 : index
    %swap3A_2889 = arith.constant 1 : index
    %swap3A_2890 = vector.load %arg3[%swap3A_2888, %swap3A_2889] : memref<2048x513xf32, #tpu.memory_space<vmem>>, vector<16x512xf32>
    tpu.vector_store %arg3[%swap3A_2888, %swap3A_2889], %add3A_2887 {strides = array<i32>} : memref<2048x513xf32, #tpu.memory_space<vmem>>, vector<16x512xf32>,
    %slice3A_2891 = vector.extract_strided_slice %add3A {offsets = [0, 33792], sizes = [16, 512], strides = [1, 1]} : vector<16x65536xf32> to vector<16x512xf32>
    %add3A_2892 = arith.addf %slice3A_2891, %select_n3A_1335 : vector<16x512xf32>
    %swap3A_2893 = arith.constant 1056 : index
    %swap3A_2894 = arith.constant 1 : index
    %swap3A_2895 = vector.load %arg3[%swap3A_2893, %swap3A_2894] : memref<2048x513xf32, #tpu.memory_space<vmem>>, vector<16x512xf32>
    tpu.vector_store %arg3[%swap3A_2893, %swap3A_2894], %add3A_2892 {strides = array<i32>} : memref<2048x513xf32, #tpu.memory_space<vmem>>, vector<16x512xf32>,
    %slice3A_2896 = vector.extract_strided_slice %add3A {offsets = [0, 34304], sizes = [16, 512], strides = [1, 1]} : vector<16x65536xf32> to vector<16x512xf32>
    %add3A_2897 = arith.addf %slice3A_2896, %select_n3A_1355 : vector<16x512xf32>
    %swap3A_2898 = arith.constant 1072 : index
    %swap3A_2899 = arith.constant 1 : index
    %swap3A_2900 = vector.load %arg3[%swap3A_2898, %swap3A_2899] : memref<2048x513xf32, #tpu.memory_space<vmem>>, vector<16x512xf32>
    tpu.vector_store %arg3[%swap3A_2898, %swap3A_2899], %add3A_2897 {strides = array<i32>} : memref<2048x513xf32, #tpu.memory_space<vmem>>, vector<16x512xf32>,
    %slice3A_2901 = vector.extract_strided_slice %add3A {offsets = [0, 34816], sizes = [16, 512], strides = [1, 1]} : vector<16x65536xf32> to vector<16x512xf32>
    %add3A_2902 = arith.addf %slice3A_2901, %select_n3A_1375 : vector<16x512xf32>
    %swap3A_2903 = arith.constant 1088 : index
    %swap3A_2904 = arith.constant 1 : index
    %swap3A_2905 = vector.load %arg3[%swap3A_2903, %swap3A_2904] : memref<2048x513xf32, #tpu.memory_space<vmem>>, vector<16x512xf32>
    tpu.vector_store %arg3[%swap3A_2903, %swap3A_2904], %add3A_2902 {strides = array<i32>} : memref<2048x513xf32, #tpu.memory_space<vmem>>, vector<16x512xf32>,
    %slice3A_2906 = vector.extract_strided_slice %add3A {offsets = [0, 35328], sizes = [16, 512], strides = [1, 1]} : vector<16x65536xf32> to vector<16x512xf32>
    %add3A_2907 = arith.addf %slice3A_2906, %select_n3A_1395 : vector<16x512xf32>
    %swap3A_2908 = arith.constant 1104 : index
    %swap3A_2909 = arith.constant 1 : index
    %swap3A_2910 = vector.load %arg3[%swap3A_2908, %swap3A_2909] : memref<2048x513xf32, #tpu.memory_space<vmem>>, vector<16x512xf32>
    tpu.vector_store %arg3[%swap3A_2908, %swap3A_2909], %add3A_2907 {strides = array<i32>} : memref<2048x513xf32, #tpu.memory_space<vmem>>, vector<16x512xf32>,
    %slice3A_2911 = vector.extract_strided_slice %add3A {offsets = [0, 35840], sizes = [16, 512], strides = [1, 1]} : vector<16x65536xf32> to vector<16x512xf32>
    %add3A_2912 = arith.addf %slice3A_2911, %select_n3A_1415 : vector<16x512xf32>
    %swap3A_2913 = arith.constant 1120 : index
    %swap3A_2914 = arith.constant 1 : index
    %swap3A_2915 = vector.load %arg3[%swap3A_2913, %swap3A_2914] : memref<2048x513xf32, #tpu.memory_space<vmem>>, vector<16x512xf32>
    tpu.vector_store %arg3[%swap3A_2913, %swap3A_2914], %add3A_2912 {strides = array<i32>} : memref<2048x513xf32, #tpu.memory_space<vmem>>, vector<16x512xf32>,
    %slice3A_2916 = vector.extract_strided_slice %add3A {offsets = [0, 36352], sizes = [16, 512], strides = [1, 1]} : vector<16x65536xf32> to vector<16x512xf32>
    %add3A_2917 = arith.addf %slice3A_2916, %select_n3A_1435 : vector<16x512xf32>
    %swap3A_2918 = arith.constant 1136 : index
    %swap3A_2919 = arith.constant 1 : index
    %swap3A_2920 = vector.load %arg3[%swap3A_2918, %swap3A_2919] : memref<2048x513xf32, #tpu.memory_space<vmem>>, vector<16x512xf32>
    tpu.vector_store %arg3[%swap3A_2918, %swap3A_2919], %add3A_2917 {strides = array<i32>} : memref<2048x513xf32, #tpu.memory_space<vmem>>, vector<16x512xf32>,
    %slice3A_2921 = vector.extract_strided_slice %add3A {offsets = [0, 36864], sizes = [16, 512], strides = [1, 1]} : vector<16x65536xf32> to vector<16x512xf32>
    %add3A_2922 = arith.addf %slice3A_2921, %select_n3A_1455 : vector<16x512xf32>
    %swap3A_2923 = arith.constant 1152 : index
    %swap3A_2924 = arith.constant 1 : index
    %swap3A_2925 = vector.load %arg3[%swap3A_2923, %swap3A_2924] : memref<2048x513xf32, #tpu.memory_space<vmem>>, vector<16x512xf32>
    tpu.vector_store %arg3[%swap3A_2923, %swap3A_2924], %add3A_2922 {strides = array<i32>} : memref<2048x513xf32, #tpu.memory_space<vmem>>, vector<16x512xf32>,
    %slice3A_2926 = vector.extract_strided_slice %add3A {offsets = [0, 37376], sizes = [16, 512], strides = [1, 1]} : vector<16x65536xf32> to vector<16x512xf32>
    %add3A_2927 = arith.addf %slice3A_2926, %select_n3A_1475 : vector<16x512xf32>
    %swap3A_2928 = arith.constant 1168 : index
    %swap3A_2929 = arith.constant 1 : index
    %swap3A_2930 = vector.load %arg3[%swap3A_2928, %swap3A_2929] : memref<2048x513xf32, #tpu.memory_space<vmem>>, vector<16x512xf32>
    tpu.vector_store %arg3[%swap3A_2928, %swap3A_2929], %add3A_2927 {strides = array<i32>} : memref<2048x513xf32, #tpu.memory_space<vmem>>, vector<16x512xf32>,
    %slice3A_2931 = vector.extract_strided_slice %add3A {offsets = [0, 37888], sizes = [16, 512], strides = [1, 1]} : vector<16x65536xf32> to vector<16x512xf32>
    %add3A_2932 = arith.addf %slice3A_2931, %select_n3A_1495 : vector<16x512xf32>
    %swap3A_2933 = arith.constant 1184 : index
    %swap3A_2934 = arith.constant 1 : index
    %swap3A_2935 = vector.load %arg3[%swap3A_2933, %swap3A_2934] : memref<2048x513xf32, #tpu.memory_space<vmem>>, vector<16x512xf32>
    tpu.vector_store %arg3[%swap3A_2933, %swap3A_2934], %add3A_2932 {strides = array<i32>} : memref<2048x513xf32, #tpu.memory_space<vmem>>, vector<16x512xf32>,
    %slice3A_2936 = vector.extract_strided_slice %add3A {offsets = [0, 38400], sizes = [16, 512], strides = [1, 1]} : vector<16x65536xf32> to vector<16x512xf32>
    %add3A_2937 = arith.addf %slice3A_2936, %select_n3A_1515 : vector<16x512xf32>
    %swap3A_2938 = arith.constant 1200 : index
    %swap3A_2939 = arith.constant 1 : index
    %swap3A_2940 = vector.load %arg3[%swap3A_2938, %swap3A_2939] : memref<2048x513xf32, #tpu.memory_space<vmem>>, vector<16x512xf32>
    tpu.vector_store %arg3[%swap3A_2938, %swap3A_2939], %add3A_2937 {strides = array<i32>} : memref<2048x513xf32, #tpu.memory_space<vmem>>, vector<16x512xf32>,
    %slice3A_2941 = vector.extract_strided_slice %add3A {offsets = [0, 38912], sizes = [16, 512], strides = [1, 1]} : vector<16x65536xf32> to vector<16x512xf32>
    %add3A_2942 = arith.addf %slice3A_2941, %select_n3A_1535 : vector<16x512xf32>
    %swap3A_2943 = arith.constant 1216 : index
    %swap3A_2944 = arith.constant 1 : index
    %swap3A_2945 = vector.load %arg3[%swap3A_2943, %swap3A_2944] : memref<2048x513xf32, #tpu.memory_space<vmem>>, vector<16x512xf32>
    tpu.vector_store %arg3[%swap3A_2943, %swap3A_2944], %add3A_2942 {strides = array<i32>} : memref<2048x513xf32, #tpu.memory_space<vmem>>, vector<16x512xf32>,
    %slice3A_2946 = vector.extract_strided_slice %add3A {offsets = [0, 39424], sizes = [16, 512], strides = [1, 1]} : vector<16x65536xf32> to vector<16x512xf32>
    %add3A_2947 = arith.addf %slice3A_2946, %select_n3A_1555 : vector<16x512xf32>
    %swap3A_2948 = arith.constant 1232 : index
    %swap3A_2949 = arith.constant 1 : index
    %swap3A_2950 = vector.load %arg3[%swap3A_2948, %swap3A_2949] : memref<2048x513xf32, #tpu.memory_space<vmem>>, vector<16x512xf32>
    tpu.vector_store %arg3[%swap3A_2948, %swap3A_2949], %add3A_2947 {strides = array<i32>} : memref<2048x513xf32, #tpu.memory_space<vmem>>, vector<16x512xf32>,
    %slice3A_2951 = vector.extract_strided_slice %add3A {offsets = [0, 39936], sizes = [16, 512], strides = [1, 1]} : vector<16x65536xf32> to vector<16x512xf32>
    %add3A_2952 = arith.addf %slice3A_2951, %select_n3A_1575 : vector<16x512xf32>
    %swap3A_2953 = arith.constant 1248 : index
    %swap3A_2954 = arith.constant 1 : index
    %swap3A_2955 = vector.load %arg3[%swap3A_2953, %swap3A_2954] : memref<2048x513xf32, #tpu.memory_space<vmem>>, vector<16x512xf32>
    tpu.vector_store %arg3[%swap3A_2953, %swap3A_2954], %add3A_2952 {strides = array<i32>} : memref<2048x513xf32, #tpu.memory_space<vmem>>, vector<16x512xf32>,
    %slice3A_2956 = vector.extract_strided_slice %add3A {offsets = [0, 40448], sizes = [16, 512], strides = [1, 1]} : vector<16x65536xf32> to vector<16x512xf32>
    %add3A_2957 = arith.addf %slice3A_2956, %select_n3A_1595 : vector<16x512xf32>
    %swap3A_2958 = arith.constant 1264 : index
    %swap3A_2959 = arith.constant 1 : index
    %swap3A_2960 = vector.load %arg3[%swap3A_2958, %swap3A_2959] : memref<2048x513xf32, #tpu.memory_space<vmem>>, vector<16x512xf32>
    tpu.vector_store %arg3[%swap3A_2958, %swap3A_2959], %add3A_2957 {strides = array<i32>} : memref<2048x513xf32, #tpu.memory_space<vmem>>, vector<16x512xf32>,
    %slice3A_2961 = vector.extract_strided_slice %add3A {offsets = [0, 40960], sizes = [16, 512], strides = [1, 1]} : vector<16x65536xf32> to vector<16x512xf32>
    %add3A_2962 = arith.addf %slice3A_2961, %select_n3A_1615 : vector<16x512xf32>
    %swap3A_2963 = arith.constant 1280 : index
    %swap3A_2964 = arith.constant 1 : index
    %swap3A_2965 = vector.load %arg3[%swap3A_2963, %swap3A_2964] : memref<2048x513xf32, #tpu.memory_space<vmem>>, vector<16x512xf32>
    tpu.vector_store %arg3[%swap3A_2963, %swap3A_2964], %add3A_2962 {strides = array<i32>} : memref<2048x513xf32, #tpu.memory_space<vmem>>, vector<16x512xf32>,
    %slice3A_2966 = vector.extract_strided_slice %add3A {offsets = [0, 41472], sizes = [16, 512], strides = [1, 1]} : vector<16x65536xf32> to vector<16x512xf32>
    %add3A_2967 = arith.addf %slice3A_2966, %select_n3A_1635 : vector<16x512xf32>
    %swap3A_2968 = arith.constant 1296 : index
    %swap3A_2969 = arith.constant 1 : index
    %swap3A_2970 = vector.load %arg3[%swap3A_2968, %swap3A_2969] : memref<2048x513xf32, #tpu.memory_space<vmem>>, vector<16x512xf32>
    tpu.vector_store %arg3[%swap3A_2968, %swap3A_2969], %add3A_2967 {strides = array<i32>} : memref<2048x513xf32, #tpu.memory_space<vmem>>, vector<16x512xf32>,
    %slice3A_2971 = vector.extract_strided_slice %add3A {offsets = [0, 41984], sizes = [16, 512], strides = [1, 1]} : vector<16x65536xf32> to vector<16x512xf32>
    %add3A_2972 = arith.addf %slice3A_2971, %select_n3A_1655 : vector<16x512xf32>
    %swap3A_2973 = arith.constant 1312 : index
    %swap3A_2974 = arith.constant 1 : index
    %swap3A_2975 = vector.load %arg3[%swap3A_2973, %swap3A_2974] : memref<2048x513xf32, #tpu.memory_space<vmem>>, vector<16x512xf32>
    tpu.vector_store %arg3[%swap3A_2973, %swap3A_2974], %add3A_2972 {strides = array<i32>} : memref<2048x513xf32, #tpu.memory_space<vmem>>, vector<16x512xf32>,
    %slice3A_2976 = vector.extract_strided_slice %add3A {offsets = [0, 42496], sizes = [16, 512], strides = [1, 1]} : vector<16x65536xf32> to vector<16x512xf32>
    %add3A_2977 = arith.addf %slice3A_2976, %select_n3A_1675 : vector<16x512xf32>
    %swap3A_2978 = arith.constant 1328 : index
    %swap3A_2979 = arith.constant 1 : index
    %swap3A_2980 = vector.load %arg3[%swap3A_2978, %swap3A_2979] : memref<2048x513xf32, #tpu.memory_space<vmem>>, vector<16x512xf32>
    tpu.vector_store %arg3[%swap3A_2978, %swap3A_2979], %add3A_2977 {strides = array<i32>} : memref<2048x513xf32, #tpu.memory_space<vmem>>, vector<16x512xf32>,
    %slice3A_2981 = vector.extract_strided_slice %add3A {offsets = [0, 43008], sizes = [16, 512], strides = [1, 1]} : vector<16x65536xf32> to vector<16x512xf32>
    %add3A_2982 = arith.addf %slice3A_2981, %select_n3A_1695 : vector<16x512xf32>
    %swap3A_2983 = arith.constant 1344 : index
    %swap3A_2984 = arith.constant 1 : index
    %swap3A_2985 = vector.load %arg3[%swap3A_2983, %swap3A_2984] : memref<2048x513xf32, #tpu.memory_space<vmem>>, vector<16x512xf32>
    tpu.vector_store %arg3[%swap3A_2983, %swap3A_2984], %add3A_2982 {strides = array<i32>} : memref<2048x513xf32, #tpu.memory_space<vmem>>, vector<16x512xf32>,
    %slice3A_2986 = vector.extract_strided_slice %add3A {offsets = [0, 43520], sizes = [16, 512], strides = [1, 1]} : vector<16x65536xf32> to vector<16x512xf32>
    %add3A_2987 = arith.addf %slice3A_2986, %select_n3A_1715 : vector<16x512xf32>
    %swap3A_2988 = arith.constant 1360 : index
    %swap3A_2989 = arith.constant 1 : index
    %swap3A_2990 = vector.load %arg3[%swap3A_2988, %swap3A_2989] : memref<2048x513xf32, #tpu.memory_space<vmem>>, vector<16x512xf32>
    tpu.vector_store %arg3[%swap3A_2988, %swap3A_2989], %add3A_2987 {strides = array<i32>} : memref<2048x513xf32, #tpu.memory_space<vmem>>, vector<16x512xf32>,
    %slice3A_2991 = vector.extract_strided_slice %add3A {offsets = [0, 44032], sizes = [16, 512], strides = [1, 1]} : vector<16x65536xf32> to vector<16x512xf32>
    %add3A_2992 = arith.addf %slice3A_2991, %select_n3A_1735 : vector<16x512xf32>
    %swap3A_2993 = arith.constant 1376 : index
    %swap3A_2994 = arith.constant 1 : index
    %swap3A_2995 = vector.load %arg3[%swap3A_2993, %swap3A_2994] : memref<2048x513xf32, #tpu.memory_space<vmem>>, vector<16x512xf32>
    tpu.vector_store %arg3[%swap3A_2993, %swap3A_2994], %add3A_2992 {strides = array<i32>} : memref<2048x513xf32, #tpu.memory_space<vmem>>, vector<16x512xf32>,
    %slice3A_2996 = vector.extract_strided_slice %add3A {offsets = [0, 44544], sizes = [16, 512], strides = [1, 1]} : vector<16x65536xf32> to vector<16x512xf32>
    %add3A_2997 = arith.addf %slice3A_2996, %select_n3A_1755 : vector<16x512xf32>
    %swap3A_2998 = arith.constant 1392 : index
    %swap3A_2999 = arith.constant 1 : index
    %swap3A_3000 = vector.load %arg3[%swap3A_2998, %swap3A_2999] : memref<2048x513xf32, #tpu.memory_space<vmem>>, vector<16x512xf32>
    tpu.vector_store %arg3[%swap3A_2998, %swap3A_2999], %add3A_2997 {strides = array<i32>} : memref<2048x513xf32, #tpu.memory_space<vmem>>, vector<16x512xf32>,
    %slice3A_3001 = vector.extract_strided_slice %add3A {offsets = [0, 45056], sizes = [16, 512], strides = [1, 1]} : vector<16x65536xf32> to vector<16x512xf32>
    %add3A_3002 = arith.addf %slice3A_3001, %select_n3A_1775 : vector<16x512xf32>
    %swap3A_3003 = arith.constant 1408 : index
    %swap3A_3004 = arith.constant 1 : index
    %swap3A_3005 = vector.load %arg3[%swap3A_3003, %swap3A_3004] : memref<2048x513xf32, #tpu.memory_space<vmem>>, vector<16x512xf32>
    tpu.vector_store %arg3[%swap3A_3003, %swap3A_3004], %add3A_3002 {strides = array<i32>} : memref<2048x513xf32, #tpu.memory_space<vmem>>, vector<16x512xf32>,
    %slice3A_3006 = vector.extract_strided_slice %add3A {offsets = [0, 45568], sizes = [16, 512], strides = [1, 1]} : vector<16x65536xf32> to vector<16x512xf32>
    %add3A_3007 = arith.addf %slice3A_3006, %select_n3A_1795 : vector<16x512xf32>
    %swap3A_3008 = arith.constant 1424 : index
    %swap3A_3009 = arith.constant 1 : index
    %swap3A_3010 = vector.load %arg3[%swap3A_3008, %swap3A_3009] : memref<2048x513xf32, #tpu.memory_space<vmem>>, vector<16x512xf32>
    tpu.vector_store %arg3[%swap3A_3008, %swap3A_3009], %add3A_3007 {strides = array<i32>} : memref<2048x513xf32, #tpu.memory_space<vmem>>, vector<16x512xf32>,
    %slice3A_3011 = vector.extract_strided_slice %add3A {offsets = [0, 46080], sizes = [16, 512], strides = [1, 1]} : vector<16x65536xf32> to vector<16x512xf32>
    %add3A_3012 = arith.addf %slice3A_3011, %select_n3A_1815 : vector<16x512xf32>
    %swap3A_3013 = arith.constant 1440 : index
    %swap3A_3014 = arith.constant 1 : index
    %swap3A_3015 = vector.load %arg3[%swap3A_3013, %swap3A_3014] : memref<2048x513xf32, #tpu.memory_space<vmem>>, vector<16x512xf32>
    tpu.vector_store %arg3[%swap3A_3013, %swap3A_3014], %add3A_3012 {strides = array<i32>} : memref<2048x513xf32, #tpu.memory_space<vmem>>, vector<16x512xf32>,
    %slice3A_3016 = vector.extract_strided_slice %add3A {offsets = [0, 46592], sizes = [16, 512], strides = [1, 1]} : vector<16x65536xf32> to vector<16x512xf32>
    %add3A_3017 = arith.addf %slice3A_3016, %select_n3A_1835 : vector<16x512xf32>
    %swap3A_3018 = arith.constant 1456 : index
    %swap3A_3019 = arith.constant 1 : index
    %swap3A_3020 = vector.load %arg3[%swap3A_3018, %swap3A_3019] : memref<2048x513xf32, #tpu.memory_space<vmem>>, vector<16x512xf32>
    tpu.vector_store %arg3[%swap3A_3018, %swap3A_3019], %add3A_3017 {strides = array<i32>} : memref<2048x513xf32, #tpu.memory_space<vmem>>, vector<16x512xf32>,
    %slice3A_3021 = vector.extract_strided_slice %add3A {offsets = [0, 47104], sizes = [16, 512], strides = [1, 1]} : vector<16x65536xf32> to vector<16x512xf32>
    %add3A_3022 = arith.addf %slice3A_3021, %select_n3A_1855 : vector<16x512xf32>
    %swap3A_3023 = arith.constant 1472 : index
    %swap3A_3024 = arith.constant 1 : index
    %swap3A_3025 = vector.load %arg3[%swap3A_3023, %swap3A_3024] : memref<2048x513xf32, #tpu.memory_space<vmem>>, vector<16x512xf32>
    tpu.vector_store %arg3[%swap3A_3023, %swap3A_3024], %add3A_3022 {strides = array<i32>} : memref<2048x513xf32, #tpu.memory_space<vmem>>, vector<16x512xf32>,
    %slice3A_3026 = vector.extract_strided_slice %add3A {offsets = [0, 47616], sizes = [16, 512], strides = [1, 1]} : vector<16x65536xf32> to vector<16x512xf32>
    %add3A_3027 = arith.addf %slice3A_3026, %select_n3A_1875 : vector<16x512xf32>
    %swap3A_3028 = arith.constant 1488 : index
    %swap3A_3029 = arith.constant 1 : index
    %swap3A_3030 = vector.load %arg3[%swap3A_3028, %swap3A_3029] : memref<2048x513xf32, #tpu.memory_space<vmem>>, vector<16x512xf32>
    tpu.vector_store %arg3[%swap3A_3028, %swap3A_3029], %add3A_3027 {strides = array<i32>} : memref<2048x513xf32, #tpu.memory_space<vmem>>, vector<16x512xf32>,
    %slice3A_3031 = vector.extract_strided_slice %add3A {offsets = [0, 48128], sizes = [16, 512], strides = [1, 1]} : vector<16x65536xf32> to vector<16x512xf32>
    %add3A_3032 = arith.addf %slice3A_3031, %select_n3A_1895 : vector<16x512xf32>
    %swap3A_3033 = arith.constant 1504 : index
    %swap3A_3034 = arith.constant 1 : index
    %swap3A_3035 = vector.load %arg3[%swap3A_3033, %swap3A_3034] : memref<2048x513xf32, #tpu.memory_space<vmem>>, vector<16x512xf32>
    tpu.vector_store %arg3[%swap3A_3033, %swap3A_3034], %add3A_3032 {strides = array<i32>} : memref<2048x513xf32, #tpu.memory_space<vmem>>, vector<16x512xf32>,
    %slice3A_3036 = vector.extract_strided_slice %add3A {offsets = [0, 48640], sizes = [16, 512], strides = [1, 1]} : vector<16x65536xf32> to vector<16x512xf32>
    %add3A_3037 = arith.addf %slice3A_3036, %select_n3A_1915 : vector<16x512xf32>
    %swap3A_3038 = arith.constant 1520 : index
    %swap3A_3039 = arith.constant 1 : index
    %swap3A_3040 = vector.load %arg3[%swap3A_3038, %swap3A_3039] : memref<2048x513xf32, #tpu.memory_space<vmem>>, vector<16x512xf32>
    tpu.vector_store %arg3[%swap3A_3038, %swap3A_3039], %add3A_3037 {strides = array<i32>} : memref<2048x513xf32, #tpu.memory_space<vmem>>, vector<16x512xf32>,
    %slice3A_3041 = vector.extract_strided_slice %add3A {offsets = [0, 49152], sizes = [16, 512], strides = [1, 1]} : vector<16x65536xf32> to vector<16x512xf32>
    %add3A_3042 = arith.addf %slice3A_3041, %select_n3A_1935 : vector<16x512xf32>
    %swap3A_3043 = arith.constant 1536 : index
    %swap3A_3044 = arith.constant 1 : index
    %swap3A_3045 = vector.load %arg3[%swap3A_3043, %swap3A_3044] : memref<2048x513xf32, #tpu.memory_space<vmem>>, vector<16x512xf32>
    tpu.vector_store %arg3[%swap3A_3043, %swap3A_3044], %add3A_3042 {strides = array<i32>} : memref<2048x513xf32, #tpu.memory_space<vmem>>, vector<16x512xf32>,
    %slice3A_3046 = vector.extract_strided_slice %add3A {offsets = [0, 49664], sizes = [16, 512], strides = [1, 1]} : vector<16x65536xf32> to vector<16x512xf32>
    %add3A_3047 = arith.addf %slice3A_3046, %select_n3A_1955 : vector<16x512xf32>
    %swap3A_3048 = arith.constant 1552 : index
    %swap3A_3049 = arith.constant 1 : index
    %swap3A_3050 = vector.load %arg3[%swap3A_3048, %swap3A_3049] : memref<2048x513xf32, #tpu.memory_space<vmem>>, vector<16x512xf32>
    tpu.vector_store %arg3[%swap3A_3048, %swap3A_3049], %add3A_3047 {strides = array<i32>} : memref<2048x513xf32, #tpu.memory_space<vmem>>, vector<16x512xf32>,
    %slice3A_3051 = vector.extract_strided_slice %add3A {offsets = [0, 50176], sizes = [16, 512], strides = [1, 1]} : vector<16x65536xf32> to vector<16x512xf32>
    %add3A_3052 = arith.addf %slice3A_3051, %select_n3A_1975 : vector<16x512xf32>
    %swap3A_3053 = arith.constant 1568 : index
    %swap3A_3054 = arith.constant 1 : index
    %swap3A_3055 = vector.load %arg3[%swap3A_3053, %swap3A_3054] : memref<2048x513xf32, #tpu.memory_space<vmem>>, vector<16x512xf32>
    tpu.vector_store %arg3[%swap3A_3053, %swap3A_3054], %add3A_3052 {strides = array<i32>} : memref<2048x513xf32, #tpu.memory_space<vmem>>, vector<16x512xf32>,
    %slice3A_3056 = vector.extract_strided_slice %add3A {offsets = [0, 50688], sizes = [16, 512], strides = [1, 1]} : vector<16x65536xf32> to vector<16x512xf32>
    %add3A_3057 = arith.addf %slice3A_3056, %select_n3A_1995 : vector<16x512xf32>
    %swap3A_3058 = arith.constant 1584 : index
    %swap3A_3059 = arith.constant 1 : index
    %swap3A_3060 = vector.load %arg3[%swap3A_3058, %swap3A_3059] : memref<2048x513xf32, #tpu.memory_space<vmem>>, vector<16x512xf32>
    tpu.vector_store %arg3[%swap3A_3058, %swap3A_3059], %add3A_3057 {strides = array<i32>} : memref<2048x513xf32, #tpu.memory_space<vmem>>, vector<16x512xf32>,
    %slice3A_3061 = vector.extract_strided_slice %add3A {offsets = [0, 51200], sizes = [16, 512], strides = [1, 1]} : vector<16x65536xf32> to vector<16x512xf32>
    %add3A_3062 = arith.addf %slice3A_3061, %select_n3A_2015 : vector<16x512xf32>
    %swap3A_3063 = arith.constant 1600 : index
    %swap3A_3064 = arith.constant 1 : index
    %swap3A_3065 = vector.load %arg3[%swap3A_3063, %swap3A_3064] : memref<2048x513xf32, #tpu.memory_space<vmem>>, vector<16x512xf32>
    tpu.vector_store %arg3[%swap3A_3063, %swap3A_3064], %add3A_3062 {strides = array<i32>} : memref<2048x513xf32, #tpu.memory_space<vmem>>, vector<16x512xf32>,
    %slice3A_3066 = vector.extract_strided_slice %add3A {offsets = [0, 51712], sizes = [16, 512], strides = [1, 1]} : vector<16x65536xf32> to vector<16x512xf32>
    %add3A_3067 = arith.addf %slice3A_3066, %select_n3A_2035 : vector<16x512xf32>
    %swap3A_3068 = arith.constant 1616 : index
    %swap3A_3069 = arith.constant 1 : index
    %swap3A_3070 = vector.load %arg3[%swap3A_3068, %swap3A_3069] : memref<2048x513xf32, #tpu.memory_space<vmem>>, vector<16x512xf32>
    tpu.vector_store %arg3[%swap3A_3068, %swap3A_3069], %add3A_3067 {strides = array<i32>} : memref<2048x513xf32, #tpu.memory_space<vmem>>, vector<16x512xf32>,
    %slice3A_3071 = vector.extract_strided_slice %add3A {offsets = [0, 52224], sizes = [16, 512], strides = [1, 1]} : vector<16x65536xf32> to vector<16x512xf32>
    %add3A_3072 = arith.addf %slice3A_3071, %select_n3A_2055 : vector<16x512xf32>
    %swap3A_3073 = arith.constant 1632 : index
    %swap3A_3074 = arith.constant 1 : index
    %swap3A_3075 = vector.load %arg3[%swap3A_3073, %swap3A_3074] : memref<2048x513xf32, #tpu.memory_space<vmem>>, vector<16x512xf32>
    tpu.vector_store %arg3[%swap3A_3073, %swap3A_3074], %add3A_3072 {strides = array<i32>} : memref<2048x513xf32, #tpu.memory_space<vmem>>, vector<16x512xf32>,
    %slice3A_3076 = vector.extract_strided_slice %add3A {offsets = [0, 52736], sizes = [16, 512], strides = [1, 1]} : vector<16x65536xf32> to vector<16x512xf32>
    %add3A_3077 = arith.addf %slice3A_3076, %select_n3A_2075 : vector<16x512xf32>
    %swap3A_3078 = arith.constant 1648 : index
    %swap3A_3079 = arith.constant 1 : index
    %swap3A_3080 = vector.load %arg3[%swap3A_3078, %swap3A_3079] : memref<2048x513xf32, #tpu.memory_space<vmem>>, vector<16x512xf32>
    tpu.vector_store %arg3[%swap3A_3078, %swap3A_3079], %add3A_3077 {strides = array<i32>} : memref<2048x513xf32, #tpu.memory_space<vmem>>, vector<16x512xf32>,
    %slice3A_3081 = vector.extract_strided_slice %add3A {offsets = [0, 53248], sizes = [16, 512], strides = [1, 1]} : vector<16x65536xf32> to vector<16x512xf32>
    %add3A_3082 = arith.addf %slice3A_3081, %select_n3A_2095 : vector<16x512xf32>
    %swap3A_3083 = arith.constant 1664 : index
    %swap3A_3084 = arith.constant 1 : index
    %swap3A_3085 = vector.load %arg3[%swap3A_3083, %swap3A_3084] : memref<2048x513xf32, #tpu.memory_space<vmem>>, vector<16x512xf32>
    tpu.vector_store %arg3[%swap3A_3083, %swap3A_3084], %add3A_3082 {strides = array<i32>} : memref<2048x513xf32, #tpu.memory_space<vmem>>, vector<16x512xf32>,
    %slice3A_3086 = vector.extract_strided_slice %add3A {offsets = [0, 53760], sizes = [16, 512], strides = [1, 1]} : vector<16x65536xf32> to vector<16x512xf32>
    %add3A_3087 = arith.addf %slice3A_3086, %select_n3A_2115 : vector<16x512xf32>
    %swap3A_3088 = arith.constant 1680 : index
    %swap3A_3089 = arith.constant 1 : index
    %swap3A_3090 = vector.load %arg3[%swap3A_3088, %swap3A_3089] : memref<2048x513xf32, #tpu.memory_space<vmem>>, vector<16x512xf32>
    tpu.vector_store %arg3[%swap3A_3088, %swap3A_3089], %add3A_3087 {strides = array<i32>} : memref<2048x513xf32, #tpu.memory_space<vmem>>, vector<16x512xf32>,
    %slice3A_3091 = vector.extract_strided_slice %add3A {offsets = [0, 54272], sizes = [16, 512], strides = [1, 1]} : vector<16x65536xf32> to vector<16x512xf32>
    %add3A_3092 = arith.addf %slice3A_3091, %select_n3A_2135 : vector<16x512xf32>
    %swap3A_3093 = arith.constant 1696 : index
    %swap3A_3094 = arith.constant 1 : index
    %swap3A_3095 = vector.load %arg3[%swap3A_3093, %swap3A_3094] : memref<2048x513xf32, #tpu.memory_space<vmem>>, vector<16x512xf32>
    tpu.vector_store %arg3[%swap3A_3093, %swap3A_3094], %add3A_3092 {strides = array<i32>} : memref<2048x513xf32, #tpu.memory_space<vmem>>, vector<16x512xf32>,
    %slice3A_3096 = vector.extract_strided_slice %add3A {offsets = [0, 54784], sizes = [16, 512], strides = [1, 1]} : vector<16x65536xf32> to vector<16x512xf32>
    %add3A_3097 = arith.addf %slice3A_3096, %select_n3A_2155 : vector<16x512xf32>
    %swap3A_3098 = arith.constant 1712 : index
    %swap3A_3099 = arith.constant 1 : index
    %swap3A_3100 = vector.load %arg3[%swap3A_3098, %swap3A_3099] : memref<2048x513xf32, #tpu.memory_space<vmem>>, vector<16x512xf32>
    tpu.vector_store %arg3[%swap3A_3098, %swap3A_3099], %add3A_3097 {strides = array<i32>} : memref<2048x513xf32, #tpu.memory_space<vmem>>, vector<16x512xf32>,
    %slice3A_3101 = vector.extract_strided_slice %add3A {offsets = [0, 55296], sizes = [16, 512], strides = [1, 1]} : vector<16x65536xf32> to vector<16x512xf32>
    %add3A_3102 = arith.addf %slice3A_3101, %select_n3A_2175 : vector<16x512xf32>
    %swap3A_3103 = arith.constant 1728 : index
    %swap3A_3104 = arith.constant 1 : index
    %swap3A_3105 = vector.load %arg3[%swap3A_3103, %swap3A_3104] : memref<2048x513xf32, #tpu.memory_space<vmem>>, vector<16x512xf32>
    tpu.vector_store %arg3[%swap3A_3103, %swap3A_3104], %add3A_3102 {strides = array<i32>} : memref<2048x513xf32, #tpu.memory_space<vmem>>, vector<16x512xf32>,
    %slice3A_3106 = vector.extract_strided_slice %add3A {offsets = [0, 55808], sizes = [16, 512], strides = [1, 1]} : vector<16x65536xf32> to vector<16x512xf32>
    %add3A_3107 = arith.addf %slice3A_3106, %select_n3A_2195 : vector<16x512xf32>
    %swap3A_3108 = arith.constant 1744 : index
    %swap3A_3109 = arith.constant 1 : index
    %swap3A_3110 = vector.load %arg3[%swap3A_3108, %swap3A_3109] : memref<2048x513xf32, #tpu.memory_space<vmem>>, vector<16x512xf32>
    tpu.vector_store %arg3[%swap3A_3108, %swap3A_3109], %add3A_3107 {strides = array<i32>} : memref<2048x513xf32, #tpu.memory_space<vmem>>, vector<16x512xf32>,
    %slice3A_3111 = vector.extract_strided_slice %add3A {offsets = [0, 56320], sizes = [16, 512], strides = [1, 1]} : vector<16x65536xf32> to vector<16x512xf32>
    %add3A_3112 = arith.addf %slice3A_3111, %select_n3A_2215 : vector<16x512xf32>
    %swap3A_3113 = arith.constant 1760 : index
    %swap3A_3114 = arith.constant 1 : index
    %swap3A_3115 = vector.load %arg3[%swap3A_3113, %swap3A_3114] : memref<2048x513xf32, #tpu.memory_space<vmem>>, vector<16x512xf32>
    tpu.vector_store %arg3[%swap3A_3113, %swap3A_3114], %add3A_3112 {strides = array<i32>} : memref<2048x513xf32, #tpu.memory_space<vmem>>, vector<16x512xf32>,
    %slice3A_3116 = vector.extract_strided_slice %add3A {offsets = [0, 56832], sizes = [16, 512], strides = [1, 1]} : vector<16x65536xf32> to vector<16x512xf32>
    %add3A_3117 = arith.addf %slice3A_3116, %select_n3A_2235 : vector<16x512xf32>
    %swap3A_3118 = arith.constant 1776 : index
    %swap3A_3119 = arith.constant 1 : index
    %swap3A_3120 = vector.load %arg3[%swap3A_3118, %swap3A_3119] : memref<2048x513xf32, #tpu.memory_space<vmem>>, vector<16x512xf32>
    tpu.vector_store %arg3[%swap3A_3118, %swap3A_3119], %add3A_3117 {strides = array<i32>} : memref<2048x513xf32, #tpu.memory_space<vmem>>, vector<16x512xf32>,
    %slice3A_3121 = vector.extract_strided_slice %add3A {offsets = [0, 57344], sizes = [16, 512], strides = [1, 1]} : vector<16x65536xf32> to vector<16x512xf32>
    %add3A_3122 = arith.addf %slice3A_3121, %select_n3A_2255 : vector<16x512xf32>
    %swap3A_3123 = arith.constant 1792 : index
    %swap3A_3124 = arith.constant 1 : index
    %swap3A_3125 = vector.load %arg3[%swap3A_3123, %swap3A_3124] : memref<2048x513xf32, #tpu.memory_space<vmem>>, vector<16x512xf32>
    tpu.vector_store %arg3[%swap3A_3123, %swap3A_3124], %add3A_3122 {strides = array<i32>} : memref<2048x513xf32, #tpu.memory_space<vmem>>, vector<16x512xf32>,
    %slice3A_3126 = vector.extract_strided_slice %add3A {offsets = [0, 57856], sizes = [16, 512], strides = [1, 1]} : vector<16x65536xf32> to vector<16x512xf32>
    %add3A_3127 = arith.addf %slice3A_3126, %select_n3A_2275 : vector<16x512xf32>
    %swap3A_3128 = arith.constant 1808 : index
    %swap3A_3129 = arith.constant 1 : index
    %swap3A_3130 = vector.load %arg3[%swap3A_3128, %swap3A_3129] : memref<2048x513xf32, #tpu.memory_space<vmem>>, vector<16x512xf32>
    tpu.vector_store %arg3[%swap3A_3128, %swap3A_3129], %add3A_3127 {strides = array<i32>} : memref<2048x513xf32, #tpu.memory_space<vmem>>, vector<16x512xf32>,
    %slice3A_3131 = vector.extract_strided_slice %add3A {offsets = [0, 58368], sizes = [16, 512], strides = [1, 1]} : vector<16x65536xf32> to vector<16x512xf32>
    %add3A_3132 = arith.addf %slice3A_3131, %select_n3A_2295 : vector<16x512xf32>
    %swap3A_3133 = arith.constant 1824 : index
    %swap3A_3134 = arith.constant 1 : index
    %swap3A_3135 = vector.load %arg3[%swap3A_3133, %swap3A_3134] : memref<2048x513xf32, #tpu.memory_space<vmem>>, vector<16x512xf32>
    tpu.vector_store %arg3[%swap3A_3133, %swap3A_3134], %add3A_3132 {strides = array<i32>} : memref<2048x513xf32, #tpu.memory_space<vmem>>, vector<16x512xf32>,
    %slice3A_3136 = vector.extract_strided_slice %add3A {offsets = [0, 58880], sizes = [16, 512], strides = [1, 1]} : vector<16x65536xf32> to vector<16x512xf32>
    %add3A_3137 = arith.addf %slice3A_3136, %select_n3A_2315 : vector<16x512xf32>
    %swap3A_3138 = arith.constant 1840 : index
    %swap3A_3139 = arith.constant 1 : index
    %swap3A_3140 = vector.load %arg3[%swap3A_3138, %swap3A_3139] : memref<2048x513xf32, #tpu.memory_space<vmem>>, vector<16x512xf32>
    tpu.vector_store %arg3[%swap3A_3138, %swap3A_3139], %add3A_3137 {strides = array<i32>} : memref<2048x513xf32, #tpu.memory_space<vmem>>, vector<16x512xf32>,
    %slice3A_3141 = vector.extract_strided_slice %add3A {offsets = [0, 59392], sizes = [16, 512], strides = [1, 1]} : vector<16x65536xf32> to vector<16x512xf32>
    %add3A_3142 = arith.addf %slice3A_3141, %select_n3A_2335 : vector<16x512xf32>
    %swap3A_3143 = arith.constant 1856 : index
    %swap3A_3144 = arith.constant 1 : index
    %swap3A_3145 = vector.load %arg3[%swap3A_3143, %swap3A_3144] : memref<2048x513xf32, #tpu.memory_space<vmem>>, vector<16x512xf32>
    tpu.vector_store %arg3[%swap3A_3143, %swap3A_3144], %add3A_3142 {strides = array<i32>} : memref<2048x513xf32, #tpu.memory_space<vmem>>, vector<16x512xf32>,
    %slice3A_3146 = vector.extract_strided_slice %add3A {offsets = [0, 59904], sizes = [16, 512], strides = [1, 1]} : vector<16x65536xf32> to vector<16x512xf32>
    %add3A_3147 = arith.addf %slice3A_3146, %select_n3A_2355 : vector<16x512xf32>
    %swap3A_3148 = arith.constant 1872 : index
    %swap3A_3149 = arith.constant 1 : index
    %swap3A_3150 = vector.load %arg3[%swap3A_3148, %swap3A_3149] : memref<2048x513xf32, #tpu.memory_space<vmem>>, vector<16x512xf32>
    tpu.vector_store %arg3[%swap3A_3148, %swap3A_3149], %add3A_3147 {strides = array<i32>} : memref<2048x513xf32, #tpu.memory_space<vmem>>, vector<16x512xf32>,
    %slice3A_3151 = vector.extract_strided_slice %add3A {offsets = [0, 60416], sizes = [16, 512], strides = [1, 1]} : vector<16x65536xf32> to vector<16x512xf32>
    %add3A_3152 = arith.addf %slice3A_3151, %select_n3A_2375 : vector<16x512xf32>
    %swap3A_3153 = arith.constant 1888 : index
    %swap3A_3154 = arith.constant 1 : index
    %swap3A_3155 = vector.load %arg3[%swap3A_3153, %swap3A_3154] : memref<2048x513xf32, #tpu.memory_space<vmem>>, vector<16x512xf32>
    tpu.vector_store %arg3[%swap3A_3153, %swap3A_3154], %add3A_3152 {strides = array<i32>} : memref<2048x513xf32, #tpu.memory_space<vmem>>, vector<16x512xf32>,
    %slice3A_3156 = vector.extract_strided_slice %add3A {offsets = [0, 60928], sizes = [16, 512], strides = [1, 1]} : vector<16x65536xf32> to vector<16x512xf32>
    %add3A_3157 = arith.addf %slice3A_3156, %select_n3A_2395 : vector<16x512xf32>
    %swap3A_3158 = arith.constant 1904 : index
    %swap3A_3159 = arith.constant 1 : index
    %swap3A_3160 = vector.load %arg3[%swap3A_3158, %swap3A_3159] : memref<2048x513xf32, #tpu.memory_space<vmem>>, vector<16x512xf32>
    tpu.vector_store %arg3[%swap3A_3158, %swap3A_3159], %add3A_3157 {strides = array<i32>} : memref<2048x513xf32, #tpu.memory_space<vmem>>, vector<16x512xf32>,
    %slice3A_3161 = vector.extract_strided_slice %add3A {offsets = [0, 61440], sizes = [16, 512], strides = [1, 1]} : vector<16x65536xf32> to vector<16x512xf32>
    %add3A_3162 = arith.addf %slice3A_3161, %select_n3A_2415 : vector<16x512xf32>
    %swap3A_3163 = arith.constant 1920 : index
    %swap3A_3164 = arith.constant 1 : index
    %swap3A_3165 = vector.load %arg3[%swap3A_3163, %swap3A_3164] : memref<2048x513xf32, #tpu.memory_space<vmem>>, vector<16x512xf32>
    tpu.vector_store %arg3[%swap3A_3163, %swap3A_3164], %add3A_3162 {strides = array<i32>} : memref<2048x513xf32, #tpu.memory_space<vmem>>, vector<16x512xf32>,
    %slice3A_3166 = vector.extract_strided_slice %add3A {offsets = [0, 61952], sizes = [16, 512], strides = [1, 1]} : vector<16x65536xf32> to vector<16x512xf32>
    %add3A_3167 = arith.addf %slice3A_3166, %select_n3A_2435 : vector<16x512xf32>
    %swap3A_3168 = arith.constant 1936 : index
    %swap3A_3169 = arith.constant 1 : index
    %swap3A_3170 = vector.load %arg3[%swap3A_3168, %swap3A_3169] : memref<2048x513xf32, #tpu.memory_space<vmem>>, vector<16x512xf32>
    tpu.vector_store %arg3[%swap3A_3168, %swap3A_3169], %add3A_3167 {strides = array<i32>} : memref<2048x513xf32, #tpu.memory_space<vmem>>, vector<16x512xf32>,
    %slice3A_3171 = vector.extract_strided_slice %add3A {offsets = [0, 62464], sizes = [16, 512], strides = [1, 1]} : vector<16x65536xf32> to vector<16x512xf32>
    %add3A_3172 = arith.addf %slice3A_3171, %select_n3A_2455 : vector<16x512xf32>
    %swap3A_3173 = arith.constant 1952 : index
    %swap3A_3174 = arith.constant 1 : index
    %swap3A_3175 = vector.load %arg3[%swap3A_3173, %swap3A_3174] : memref<2048x513xf32, #tpu.memory_space<vmem>>, vector<16x512xf32>
    tpu.vector_store %arg3[%swap3A_3173, %swap3A_3174], %add3A_3172 {strides = array<i32>} : memref<2048x513xf32, #tpu.memory_space<vmem>>, vector<16x512xf32>,
    %slice3A_3176 = vector.extract_strided_slice %add3A {offsets = [0, 62976], sizes = [16, 512], strides = [1, 1]} : vector<16x65536xf32> to vector<16x512xf32>
    %add3A_3177 = arith.addf %slice3A_3176, %select_n3A_2475 : vector<16x512xf32>
    %swap3A_3178 = arith.constant 1968 : index
    %swap3A_3179 = arith.constant 1 : index
    %swap3A_3180 = vector.load %arg3[%swap3A_3178, %swap3A_3179] : memref<2048x513xf32, #tpu.memory_space<vmem>>, vector<16x512xf32>
    tpu.vector_store %arg3[%swap3A_3178, %swap3A_3179], %add3A_3177 {strides = array<i32>} : memref<2048x513xf32, #tpu.memory_space<vmem>>, vector<16x512xf32>,
    %slice3A_3181 = vector.extract_strided_slice %add3A {offsets = [0, 63488], sizes = [16, 512], strides = [1, 1]} : vector<16x65536xf32> to vector<16x512xf32>
    %add3A_3182 = arith.addf %slice3A_3181, %select_n3A_2495 : vector<16x512xf32>
    %swap3A_3183 = arith.constant 1984 : index
    %swap3A_3184 = arith.constant 1 : index
    %swap3A_3185 = vector.load %arg3[%swap3A_3183, %swap3A_3184] : memref<2048x513xf32, #tpu.memory_space<vmem>>, vector<16x512xf32>
    tpu.vector_store %arg3[%swap3A_3183, %swap3A_3184], %add3A_3182 {strides = array<i32>} : memref<2048x513xf32, #tpu.memory_space<vmem>>, vector<16x512xf32>,
    %slice3A_3186 = vector.extract_strided_slice %add3A {offsets = [0, 64000], sizes = [16, 512], strides = [1, 1]} : vector<16x65536xf32> to vector<16x512xf32>
    %add3A_3187 = arith.addf %slice3A_3186, %select_n3A_2515 : vector<16x512xf32>
    %swap3A_3188 = arith.constant 2000 : index
    %swap3A_3189 = arith.constant 1 : index
    %swap3A_3190 = vector.load %arg3[%swap3A_3188, %swap3A_3189] : memref<2048x513xf32, #tpu.memory_space<vmem>>, vector<16x512xf32>
    tpu.vector_store %arg3[%swap3A_3188, %swap3A_3189], %add3A_3187 {strides = array<i32>} : memref<2048x513xf32, #tpu.memory_space<vmem>>, vector<16x512xf32>,
    %slice3A_3191 = vector.extract_strided_slice %add3A {offsets = [0, 64512], sizes = [16, 512], strides = [1, 1]} : vector<16x65536xf32> to vector<16x512xf32>
    %add3A_3192 = arith.addf %slice3A_3191, %select_n3A_2535 : vector<16x512xf32>
    %swap3A_3193 = arith.constant 2016 : index
    %swap3A_3194 = arith.constant 1 : index
    %swap3A_3195 = vector.load %arg3[%swap3A_3193, %swap3A_3194] : memref<2048x513xf32, #tpu.memory_space<vmem>>, vector<16x512xf32>
    tpu.vector_store %arg3[%swap3A_3193, %swap3A_3194], %add3A_3192 {strides = array<i32>} : memref<2048x513xf32, #tpu.memory_space<vmem>>, vector<16x512xf32>,
    %slice3A_3196 = vector.extract_strided_slice %add3A {offsets = [0, 65024], sizes = [16, 512], strides = [1, 1]} : vector<16x65536xf32> to vector<16x512xf32>
    %add3A_3197 = arith.addf %slice3A_3196, %select_n3A_2555 : vector<16x512xf32>
    %swap3A_3198 = arith.constant 2032 : index
    %swap3A_3199 = arith.constant 1 : index
    %swap3A_3200 = vector.load %arg3[%swap3A_3198, %swap3A_3199] : memref<2048x513xf32, #tpu.memory_space<vmem>>, vector<16x512xf32>
    tpu.vector_store %arg3[%swap3A_3198, %swap3A_3199], %add3A_3197 {strides = array<i32>} : memref<2048x513xf32, #tpu.memory_space<vmem>>, vector<16x512xf32>,
    %broadcast_in_dim3A_3201 = arith.constant 0.000000e+00 : f32
    %broadcast_in_dim3A_3202 = vector.broadcast %broadcast_in_dim3A_3201 : f32 to vector<2048x1xf32>
    %swap3A_3203 = arith.constant 0 : index
    %swap3A_3204 = arith.constant 0 : index
    %swap3A_3205 = vector.load %arg3[%swap3A_3203, %swap3A_3204] : memref<2048x513xf32, #tpu.memory_space<vmem>>, vector<2048x1xf32>
    tpu.vector_store %arg3[%swap3A_3203, %swap3A_3204], %broadcast_in_dim3A_3202 {strides = array<i32>} : memref<2048x513xf32, #tpu.memory_space<vmem>>, vector<2048x1xf32>,
    return
  }
  func.func @transform_0(%arg0: i32) -> (i32, i32) {
    %c0_i32 = arith.constant 0 : i32
    %c0_i32_0 = arith.constant 0 : i32
    return %arg0, %c0_i32 : i32, i32
  }
  func.func @transform_1(%arg0: i32) -> (i32, i32) {
    %c0_i32 = arith.constant 0 : i32
    %c0_i32_0 = arith.constant 0 : i32
    %c0_i32_1 = arith.constant 0 : i32
    return %c0_i32, %c0_i32_0 : i32, i32
  }
  func.func @transform_2(%arg0: i32) -> (i32, i32) {
    %c0_i32 = arith.constant 0 : i32
    %c0_i32_0 = arith.constant 0 : i32
    return %arg0, %c0_i32 : i32, i32
  }
}

</mosaic_0001>

<sc_bundles>
// kernel: kernel.5.cloned.1.call-start
scs
__scs_entry_jumppad:
0x0: {  	(pc) =	sbr.rel $0x88, $3  }
0x1: {  	(tag) =	ssettag $0x0;
	lr =	simm.s32 $0x1  }
0x2: {  	[smem:$0x3F9B] =	sst lr;
	_ =	strace $0xD0000000  }
0x3: {  	_ = 	snop  }
0x4: {  	_ = 	snop  }
0x5: {  	_ = 	snop  }
0x6: {  	_ = 	snop  }
0x7: {  	_ = 	snop  }
__scs_overlays_trampoline_lowered:
0x8: {  	[smem:$0x3FAA] =	sst s0  }
0x9: {  	[smem:$0x3FAB] =	sst s1  }
0xa: {  	[smem:$0x3FAC] =	sst s2  }
0xb: {  	[smem:$0x3FAD] =	sst s3  }
0xc: {  	[smem:$0x3FAE] =	sst s4  }
0xd: {  	[smem:$0x3FAF] =	sst s5  }
0xe: {  	[smem:$0x3FB0] =	sst s6  }
0xf: {  	[smem:$0x3FB1] =	sst s7  }
0x10: {  	[smem:$0x3FB2] =	sst s8  }
0x11: {  	[smem:$0x3FB3] =	sst s9;
	s0 =	simm.s32 @!p0 $0x0  }
0x12: {  	s1 =	sld [smem:$0x3F99];
	s0 =	simm.s32 @p0 $0x1  }
0x13: {  	[smem:$0x3FB4] =	sst s0;
	s0 =	simm.s32 @!p1 $0x0  }
0x14: {  	s2 =	sld [smem:$0x3F98];
	s0 =	simm.s32 @p1 $0x1  }
0x15: {  	[smem:$0x3FB5] =	sst s0;
	s0 =	simm.s32 @!p2 $0x0  }
0x16: {  	s3 =	sld [smem:$0x3FDB];
	s0 =	simm.s32 @p2 $0x1  }
0x17: {  	s4 =	simm.s32 $0x1BF5;
	[smem:$0x3FB7] =	sst s0  }
0x18: {  	s0 =	sld [smem:$0x3F9A];
	_ =	swait.ge [sflag:s4], $0x0  }
0x19: {  	s7 =	sld [smem:$0x3F9B]  }
0x1a: {  	s8 =	sadd.s32 $0xFFFFE003, lr  }
0x1b: {  	s9 =	sadd.s32 $0xFFFFFEF7, lr;
	s5 =	simm.s32 $0xFFFFFFFF;
	p2 =	slt.u32 s8, $0xFFFFF086  }
0x1c: {  	p1 =	slt.u32 s9, $0xF7A;
	s5 =	simm.s32 @!p2 $0x0  }
0x1d: {  	s5 =	simm.s32 @p1 $0x1;
	p0 =	seq.s32 s7, s2  }
0x1e: {  	s7 =	smul.u32 @!p0 $0xF7A, s2;
	p2 =	seq.s32 @!p0 s5, $0x0  }
0x1f: {  	s9 =	smul.u32 $0xF7A, s1;
	s8 =	simm.s32 @!p0 $0x1BF5;
	p2 =	por !p2, p0  }
0x20: {  	[sflag:s8] =	ssyncset.s32 @!p0 $0xFFFFF086;
	s6 =	sadd.s32 @!p0 s3, s7;
	s7 =	simm.s32 @!p0 $0x108  }
0x21: {  	s3 =	sadd.s32 s3, s9;
	s6 =	sadd.s32 @!p0 $0x88, s6;
	s7 =	simm.s32 @p2 $0x1082  }
0x22: {  	[simem:s7], [sflag:s8] =	dma.local @!p0 [hbm:s6], $0xF7A  }
0x23: {  	s9 =	sor.u32 $0xD0000000, s2;
	s6 =	simm.s32 $0x108;
	_ =	swait.ge @!p0 [sflag:s8], $0x0  }
0x24: {  	s3 =	sadd.s32 $0x88, s3;
	s6 =	simm.s32 @!p1 $0x1082;
	[sflag:s4] =	ssyncset.s32 $0xFFFFF086  }
0x25: {  	[simem:s6], [sflag:s4] =	dma.local [hbm:s3], $0xF7A  }
0x26: {  	[smem:$0x3F9B] =	sst s1;
	(tag) =	ssettag s2;
	_ =	strace s9  }
0x27: {  	s1 =	sld [smem:$0x3FAB]  }
0x28: {  	s2 =	sld [smem:$0x3FAC]  }
0x29: {  	s4 =	sld [smem:$0x3FAE]  }
0x2a: {  	p0 =	seq.s32 s5, $0x0;
	s5 =	sld [smem:$0x3FAF]  }
0x2b: {  	s6 =	sld [smem:$0x3FB0]  }
0x2c: {  	s7 =	sld [smem:$0x3FB1]  }
0x2d: {  	s3 =	simm.s32 $0x108;
	s8 =	sld [smem:$0x3FB2]  }
0x2e: {  	s3 =	simm.s32 @!p0 $0x1082;
	s9 =	sld [smem:$0x3FB3]  }
0x2f: {  	lr =	sadd.s32 s0, s3;
	s0 =	sld [smem:$0x3FAA]  }
0x30: {  	s3 =	sld [smem:$0x3FAD]  }
0x31: {  	[smem:$0x3FB6] =	sst s10  }
0x32: {  	s10 =	sld [smem:$0x3FB4];
	_ =	sdelay $0x3  }
0x33: {  	p0 =	seq.s32 s10, $0x1;
	s10 =	sld [smem:$0x3FB6];
	_ =	sdelay $0x3  }
0x34: {  	[smem:$0x3FB6] =	sst s10  }
0x35: {  	s10 =	sld [smem:$0x3FB5];
	_ =	sdelay $0x3  }
0x36: {  	p1 =	seq.s32 s10, $0x1;
	s10 =	sld [smem:$0x3FB6];
	_ =	sdelay $0x3  }
0x37: {  	[smem:$0x3FB6] =	sst s10  }
0x38: {  	s10 =	sld [smem:$0x3FB7]  }
0x39: {  	_ = 	snop;
	(pc) =	sbr.ind lr, $3  }
0x3a: {  	_ = 	snop  }
0x3b: {  	_ = 	snop  }
0x3c: {  	p2 =	seq.s32 s10, $0x1;
	s10 =	sld [smem:$0x3FB6]  }
0x3d: {  	_ =	shalt  }
0x3e: {  	_ =	shalt  }
0x3f: {  	_ =	shalt  }
0x40: {  	_ =	shalt  }
0x41: {  	_ =	shalt  }
0x42: {  	_ =	shalt  }
0x43: {  	_ =	shalt  }
0x44: {  	_ =	shalt  }
0x45: {  	_ =	shalt  }
0x46: {  	_ =	shalt  }
0x47: {  	_ =	shalt  }
0x48: {  	_ =	shalt  }
0x49: {  	_ =	shalt  }
0x4a: {  	_ =	shalt  }
0x4b: {  	_ =	shalt  }
0x4c: {  	_ =	shalt  }
0x4d: {  	_ =	shalt  }
0x4e: {  	_ =	shalt  }
0x4f: {  	_ =	shalt  }
0x50: {  	_ =	shalt  }
0x51: {  	_ =	shalt  }
0x52: {  	_ =	shalt  }
0x53: {  	_ =	shalt  }
0x54: {  	_ =	shalt  }
0x55: {  	_ =	shalt  }
0x56: {  	_ =	shalt  }
0x57: {  	_ =	shalt  }
0x58: {  	_ =	shalt  }
0x59: {  	_ =	shalt  }
0x5a: {  	_ =	shalt  }
0x5b: {  	_ =	shalt  }
0x5c: {  	_ =	shalt  }
0x5d: {  	_ =	shalt  }
0x5e: {  	_ =	shalt  }
0x5f: {  	_ =	shalt  }
0x60: {  	_ =	shalt  }
0x61: {  	_ =	shalt  }
0x62: {  	_ =	shalt  }
0x63: {  	_ =	shalt  }
0x64: {  	_ =	shalt  }
0x65: {  	_ =	shalt  }
0x66: {  	_ =	shalt  }
0x67: {  	_ =	shalt  }
0x68: {  	_ =	shalt  }
0x69: {  	_ =	shalt  }
0x6a: {  	_ =	shalt  }
0x6b: {  	_ =	shalt  }
0x6c: {  	_ =	shalt  }
0x6d: {  	_ =	shalt  }
0x6e: {  	_ =	shalt  }
0x6f: {  	_ =	shalt  }
0x70: {  	_ =	shalt  }
0x71: {  	_ =	shalt  }
0x72: {  	_ =	shalt  }
0x73: {  	_ =	shalt  }
0x74: {  	_ =	shalt  }
0x75: {  	_ =	shalt  }
0x76: {  	_ =	shalt  }
0x77: {  	_ =	shalt  }
0x78: {  	_ =	shalt  }
0x79: {  	_ =	shalt  }
0x7a: {  	_ =	shalt  }
0x7b: {  	_ =	shalt  }
0x7c: {  	_ =	shalt  }
0x7d: {  	_ =	shalt  }
0x7e: {  	_ =	shalt  }
0x7f: {  	_ =	shalt  }
0x80: {  	_ =	shalt  }
0x81: {  	_ =	shalt  }
0x82: {  	_ =	shalt  }
0x83: {  	_ =	shalt  }
0x84: {  	_ =	shalt  }
0x85: {  	_ =	shalt  }
0x86: {  	_ =	shalt  }
0x87: {  	_ =	shalt  }
.Lfunc_end0:
.L_simem_size_0:
called_computation_lowered:
.L_overlay_start_0:
0x88: {  	s2 =	sld [smem:$0x3FD9]  }
0x89: {  	s3 =	sld [smem:$0x3FFE];
	_ =	sdelay $0x1  }
0x8a: {  	s1 =	srdreg.scid  }
0x8b: {  	s0 =	sand.u32 $0x1, s1  }
0x8c: {  	s15 =	sshll.u32 s0, $0xA;
	s2 =	sadd.s32 s3, s2  }
0x8d: {  	s2 =	sadd.s32 s2, s15  }
0x8e: {  	[smem:$0x3FC2] =	sst s2  }
0x8f: {  	_ = 	snop  }
0x90: {  	s2 =	sld [smem:$0x3FD0];
	_ =	sdelay $0x2  }
0x91: {  	s16 =	simm.s32 $0xA;
	s4 =	simm.s32 $0x10  }
0x92: {  	[smem:s4], [sflag:s16] =	dma.local [hbm:s2], $0x1  }
0x93: {  	_ =	swait.eq [sflag:s16], $0x1  }
0x94: {  	[sflag:s16] =	ssyncset.done $0x0  }
0x95: {  	s17 =	sld [smem:$0x10];
	[sflag:s16] =	ssyncadd.s32 $0xFFFFFFFF  }
0x96: {  	s18 =	sld [smem:$0x11];
	(tm) =	ssettm $0x1  }
0x97: {  	s19 =	sld [smem:$0x3FFB];
	_ =	sdelay $0x3  }
0x98: {  	_ =	strace s19  }
0x99: {  	s4 =	sld [smem:$0x3FFC];
	_ =	sdelay $0x3  }
0x9a: {  	_ =	strace s4  }
0x9b: {  	s4 =	sld [smem:$0x3FFD];
	_ =	sdelay $0x3  }
0x9c: {  	_ =	strace s4  }
0x9d: {  	_ =	strace $0x8FFFFFFF  }
0x9e: {  	s20 =	sld [smem:$0x3FDB];
	_ =	sdelay $0x1  }
0x9f: {  	s5 =	simm.s32 $_scs_section_size  }
0xa0: {  	s6 =	simm.s32 $_size__tile_overlayer_lowered;
	s7 =	simm.s32 $_tile_overlayer_lowered  }
0xa1: {  	s23 =	simm.s32 $0x1BFF;
	s22 =	sshll.u32 s7, $0x1;
	s4 =	sadd.s32 s5, s20  }
0xa2: {  	s8 =	simm.s32 $0x0;
	s21 =	sshll.u32 s6, $0x1;
	s6 =	sadd.s32 s22, s4  }
0xa3: {  	[timem:s8], [sflag:s23] =	dma.local [hbm:s6], s21  }
0xa4: {  	_ =	swait.ge [sflag:s23], s21  }
0xa5: {  	s5 =	ssub.s32 $0x0, s21;
	[sflag:s23] =	ssyncset.done $0x0  }
0xa6: {  	[sflag:s23] =	ssyncadd.s32 s5;
	_ =	sdelay $0x1  }
0xa7: {  	s24 =	simm.s32 $0x1B8B  }
0xa8: {  	_ =	swait.ge [sflag:s24], $0x1  }
0xa9: {  	[sflag:s24] =	ssyncset.done $0x0  }
0xaa: {  	s25 =	simm.s32 $0x1B8E;
	[sflag:s24] =	ssyncadd.s32 $0xFFFFFFFF  }
0xab: {  	s26 =	simm.s32 $execute0_lowered;
	[smem:$0x3FD2] =	sst s25  }
0xac: {  	s5 =	sshll.u32 s26, $0x1;
	_ =	strace $0x80000046;
	[dreg:$0x1] =	wrdreg $0xFFFFFFFF  }
0xad: {  	s28 =	simm.s32 $_size_execute0_lowered;
	s4 =	sadd.s32 s4, s5;
	[dreg:$0x0] =	wrdreg $0x0  }
0xae: {  	s5 =	sshll.u32 s28, $0x1;
	[dreg:$0x2] =	wrdreg s4  }
0xaf: {  	[dreg:$0x3] =	wrdreg s5  }
0xb0: {  	[dreg:$0x4] =	wrdreg $0xC0  }
0xb1: {  	_ =	task [dreg:s8], $0x5FFFF  }
0xb2: {  	[dreg:$0x1] =	wrdreg $0xFFFFFFFF  }
0xb3: {  	[dreg:$0x0] =	wrdreg $0x60  }
0xb4: {  	[dreg:$0x2] =	wrdreg s17  }
0xb5: {  	[dreg:$0x3] =	wrdreg s18  }
0xb6: {  	[dreg:$0x4] =	wrdreg $0x9  }
0xb7: {  	_ =	task.clear_ibuf [dreg:s8], $0x5FFFF;
	_ =	strace $0x90000046  }
0xb8: {  	s29 =	simm.s32 $0x9;
	_ =	strace $0x80000048  }
0xb9: {  	_ =	swait.ge [sflag:s29], $0x1  }
0xba: {  	[sflag:s29] =	ssyncadd.s32 $0xFFFFFFFF  }
0xbb: {  	_ =	strace $0x90000048  }
0xbc: {  	_ =	sfence  }
0xbd: {  	s30 =	sld [smem:$0x0];
	_ =	sdelay $0x2  }
0xbe: {  	s31 =	sshll.u32 s1, $0xD;
	s1 =	sshrl.u32 s1, $0x2  }
0xbf: {  	s3 =	sand.u32 $0x4000, s31;
	s1 =	sadd.s32 s1, s30  }
0xc0: {  	s0 =	sor.u32 s3, s0;
	s1 =	sshll.u32 s1, $0x11  }
0xc1: {  	s0 =	sor.u32 s1, s0  }
0xc2: {  	s0 =	sadd.s32 $0x8F2B, s0  }
0xc3: {  	[sflag:s0] =	ssyncadd.remote.s32 $0x1  }
0xc4: {  	_ =	sfence.sel $0xFFFF  }
0xc5: {  	[dreg:$0x0] =	wrdreg $0xFFFFFFFF;
	(pc) =	sbr.abs _section_cstart, $3  }
0xc6: {  	[dreg:$0x1] =	wrdreg $0xFFFFFFFF  }
0xc7: {  	_ =	task.clear_ibuf [dreg:s8], $0x2FFFF;
	_ =	strace $0x9FFFFFFF  }
0xc8: {  	(tm) =	ssettm $0x7FFFFFFF  }
0xc9: {  	_ =	shalt  }
tec
execute0_lowered:
.L_overlay_start_1:
0x0: {  	(tag) =	ssettag $0x1  }
0x1: {  	s2 =	rddreg [dreg:$0x0];
	s0 =	srdreg.scid  }
0x2: {  	s4 =	rddreg [dreg:$0x1];
	s1 =	stileid.u32;
	s3 =	simm.s32 $0x0  }
0x3: {  	s9 =	simm.s32 $0x1;
	s11 =	simm.s32 $0x2;
	s12 =	simm.s32 $0x4800  }
0x4: {  	s14 =	simm.s32 $0x5800;
	s15 =	simm.s32 $0x0;
	s5 =	sand.u32 $0x1, s0  }
0x5: {  	s0 =	rddreg [dreg:$0x2];
	s6 =	sshll.u32 s1, $0x5;
	s7 =	sshll.u32 s5, $0x4  }
0x6: {  	[smem:$0x7FF] =	sst s3;
	s5 =	ssub.s32 $0x2, s5;
	s10 =	sor.u32 s7, s6  }
0x7: {  	_ =	strace $0x80000047;
	s31 =	sshrl.u32 s5, $0x1;
	s7 =	sshll.u32 s10, $0x4  }
0x8: {  	s8 =	ssub.s32 s5, s31;
	s13 =	sadd.s32 $0x10, s10;
	v0 =	vmov s10;
	s10 =	simm.s32 $0x4000  }
0x9: {  	s4 =	sadd.s32 s4, s7;
	s8 =	smax.u32 s8, $0x1;
	v1 =	vmov s13;
	s13 =	simm.s32 $0x5000  }
0xa: {  	v2 =	vimm.s32 $0x0;
	v3 =	vimm.s32 $0x1;
	s5 =	sadd.s32 $0x2000, s4;
	s6 =	sadd.s32 $0x4000, s4;
	s7 =	sadd.s32 $0x6000, s4  }
.LBB2_1:
0xb: {  	[tilespmem:s3], [sflag:$0x1] =	stream.linear.gather [hbm4b:s2+s3], $0x4000, $0x38;
	[tilespmem:$0x6000] =	vst v63  }
0xc: {  	[tilespmem:$0x4000] =	vst v2  }
0xd: {  	[tilespmem:$0x4010] =	vst v2  }
0xe: {  	[tilespmem:$0x4020] =	vst v2  }
0xf: {  	[tilespmem:$0x4030] =	vst v2  }
0x10: {  	[tilespmem:$0x4040] =	vst v2  }
0x11: {  	[tilespmem:$0x4050] =	vst v2  }
0x12: {  	[tilespmem:$0x4060] =	vst v2  }
0x13: {  	[tilespmem:$0x4070] =	vst v2  }
0x14: {  	[tilespmem:$0x4080] =	vst v2  }
0x15: {  	[tilespmem:$0x4090] =	vst v2  }
0x16: {  	[tilespmem:$0x40A0] =	vst v2  }
0x17: {  	[tilespmem:$0x40B0] =	vst v2  }
0x18: {  	[tilespmem:$0x40C0] =	vst v2  }
0x19: {  	[tilespmem:$0x40D0] =	vst v2  }
0x1a: {  	[tilespmem:$0x40E0] =	vst v2  }
0x1b: {  	[tilespmem:$0x40F0] =	vst v2  }
0x1c: {  	[tilespmem:$0x4100] =	vst v2  }
0x1d: {  	[tilespmem:$0x4110] =	vst v2  }
0x1e: {  	[tilespmem:$0x4120] =	vst v2  }
0x1f: {  	[tilespmem:$0x4130] =	vst v2  }
0x20: {  	[tilespmem:$0x4140] =	vst v2  }
0x21: {  	[tilespmem:$0x4150] =	vst v2  }
0x22: {  	[tilespmem:$0x4160] =	vst v2  }
0x23: {  	[tilespmem:$0x4170] =	vst v2  }
0x24: {  	[tilespmem:$0x4180] =	vst v2  }
0x25: {  	[tilespmem:$0x4190] =	vst v2  }
0x26: {  	[tilespmem:$0x41A0] =	vst v2  }
0x27: {  	[tilespmem:$0x41B0] =	vst v2  }
0x28: {  	[tilespmem:$0x41C0] =	vst v2  }
0x29: {  	[tilespmem:$0x41D0] =	vst v2  }
0x2a: {  	[tilespmem:$0x41E0] =	vst v2  }
0x2b: {  	[tilespmem:$0x41F0] =	vst v2  }
0x2c: {  	[tilespmem:$0x4200] =	vst v2  }
0x2d: {  	[tilespmem:$0x4210] =	vst v2  }
0x2e: {  	[tilespmem:$0x4220] =	vst v2  }
0x2f: {  	[tilespmem:$0x4230] =	vst v2  }
0x30: {  	[tilespmem:$0x4240] =	vst v2  }
0x31: {  	[tilespmem:$0x4250] =	vst v2  }
0x32: {  	[tilespmem:$0x4260] =	vst v2  }
0x33: {  	[tilespmem:$0x4270] =	vst v2  }
0x34: {  	[tilespmem:$0x4280] =	vst v2  }
0x35: {  	[tilespmem:$0x4290] =	vst v2  }
0x36: {  	[tilespmem:$0x42A0] =	vst v2  }
0x37: {  	[tilespmem:$0x42B0] =	vst v2  }
0x38: {  	[tilespmem:$0x42C0] =	vst v2  }
0x39: {  	[tilespmem:$0x42D0] =	vst v2  }
0x3a: {  	[tilespmem:$0x42E0] =	vst v2  }
0x3b: {  	[tilespmem:$0x42F0] =	vst v2  }
0x3c: {  	[tilespmem:$0x4300] =	vst v2  }
0x3d: {  	[tilespmem:$0x4310] =	vst v2  }
0x3e: {  	[tilespmem:$0x4320] =	vst v2  }
0x3f: {  	[tilespmem:$0x4330] =	vst v2  }
0x40: {  	[tilespmem:$0x4340] =	vst v2  }
0x41: {  	[tilespmem:$0x4350] =	vst v2  }
0x42: {  	[tilespmem:$0x4360] =	vst v2  }
0x43: {  	[tilespmem:$0x4370] =	vst v2  }
0x44: {  	[tilespmem:$0x4380] =	vst v2  }
0x45: {  	[tilespmem:$0x4390] =	vst v2  }
0x46: {  	[tilespmem:$0x43A0] =	vst v2  }
0x47: {  	[tilespmem:$0x43B0] =	vst v2  }
0x48: {  	[tilespmem:$0x43C0] =	vst v2  }
0x49: {  	[tilespmem:$0x43D0] =	vst v2  }
0x4a: {  	[tilespmem:$0x43E0] =	vst v2  }
0x4b: {  	[tilespmem:$0x43F0] =	vst v2  }
0x4c: {  	[tilespmem:$0x4400] =	vst v2  }
0x4d: {  	[tilespmem:$0x4410] =	vst v2  }
0x4e: {  	[tilespmem:$0x4420] =	vst v2  }
0x4f: {  	[tilespmem:$0x4430] =	vst v2  }
0x50: {  	[tilespmem:$0x4440] =	vst v2  }
0x51: {  	[tilespmem:$0x4450] =	vst v2  }
0x52: {  	[tilespmem:$0x4460] =	vst v2  }
0x53: {  	[tilespmem:$0x4470] =	vst v2  }
0x54: {  	[tilespmem:$0x4480] =	vst v2  }
0x55: {  	[tilespmem:$0x4490] =	vst v2  }
0x56: {  	[tilespmem:$0x44A0] =	vst v2  }
0x57: {  	[tilespmem:$0x44B0] =	vst v2  }
0x58: {  	[tilespmem:$0x44C0] =	vst v2  }
0x59: {  	[tilespmem:$0x44D0] =	vst v2  }
0x5a: {  	[tilespmem:$0x44E0] =	vst v2  }
0x5b: {  	[tilespmem:$0x44F0] =	vst v2  }
0x5c: {  	[tilespmem:$0x4500] =	vst v2  }
0x5d: {  	[tilespmem:$0x4510] =	vst v2  }
0x5e: {  	[tilespmem:$0x4520] =	vst v2  }
0x5f: {  	[tilespmem:$0x4530] =	vst v2  }
0x60: {  	[tilespmem:$0x4540] =	vst v2  }
0x61: {  	[tilespmem:$0x4550] =	vst v2  }
0x62: {  	[tilespmem:$0x4560] =	vst v2  }
0x63: {  	[tilespmem:$0x4570] =	vst v2  }
0x64: {  	[tilespmem:$0x4580] =	vst v2  }
0x65: {  	[tilespmem:$0x4590] =	vst v2  }
0x66: {  	[tilespmem:$0x45A0] =	vst v2  }
0x67: {  	[tilespmem:$0x45B0] =	vst v2  }
0x68: {  	[tilespmem:$0x45C0] =	vst v2  }
0x69: {  	[tilespmem:$0x45D0] =	vst v2  }
0x6a: {  	[tilespmem:$0x45E0] =	vst v2  }
0x6b: {  	[tilespmem:$0x45F0] =	vst v2  }
0x6c: {  	[tilespmem:$0x4600] =	vst v2  }
0x6d: {  	[tilespmem:$0x4610] =	vst v2  }
0x6e: {  	[tilespmem:$0x4620] =	vst v2  }
0x6f: {  	[tilespmem:$0x4630] =	vst v2  }
0x70: {  	[tilespmem:$0x4640] =	vst v2  }
0x71: {  	[tilespmem:$0x4650] =	vst v2  }
0x72: {  	[tilespmem:$0x4660] =	vst v2  }
0x73: {  	[tilespmem:$0x4670] =	vst v2  }
0x74: {  	[tilespmem:$0x4680] =	vst v2  }
0x75: {  	[tilespmem:$0x4690] =	vst v2  }
0x76: {  	[tilespmem:$0x46A0] =	vst v2  }
0x77: {  	[tilespmem:$0x46B0] =	vst v2  }
0x78: {  	[tilespmem:$0x46C0] =	vst v2  }
0x79: {  	[tilespmem:$0x46D0] =	vst v2  }
0x7a: {  	[tilespmem:$0x46E0] =	vst v2  }
0x7b: {  	[tilespmem:$0x46F0] =	vst v2  }
0x7c: {  	[tilespmem:$0x4700] =	vst v2  }
0x7d: {  	[tilespmem:$0x4710] =	vst v2  }
0x7e: {  	[tilespmem:$0x4720] =	vst v2  }
0x7f: {  	[tilespmem:$0x4730] =	vst v2  }
0x80: {  	[tilespmem:$0x4740] =	vst v2  }
0x81: {  	[tilespmem:$0x4750] =	vst v2  }
0x82: {  	[tilespmem:$0x4760] =	vst v2  }
0x83: {  	[tilespmem:$0x4770] =	vst v2  }
0x84: {  	[tilespmem:$0x4780] =	vst v2  }
0x85: {  	[tilespmem:$0x4790] =	vst v2  }
0x86: {  	[tilespmem:$0x47A0] =	vst v2  }
0x87: {  	[tilespmem:$0x47B0] =	vst v2  }
0x88: {  	[tilespmem:$0x47C0] =	vst v2  }
0x89: {  	[tilespmem:$0x47D0] =	vst v2  }
0x8a: {  	[tilespmem:$0x47E0] =	vst v2  }
0x8b: {  	[tilespmem:$0x47F0] =	vst v2  }
0x8c: {  	[tilespmem:$0x4800] =	vst v2  }
0x8d: {  	[tilespmem:$0x4810] =	vst v2  }
0x8e: {  	[tilespmem:$0x4820] =	vst v2  }
0x8f: {  	[tilespmem:$0x4830] =	vst v2  }
0x90: {  	[tilespmem:$0x4840] =	vst v2  }
0x91: {  	[tilespmem:$0x4850] =	vst v2  }
0x92: {  	[tilespmem:$0x4860] =	vst v2  }
0x93: {  	[tilespmem:$0x4870] =	vst v2  }
0x94: {  	[tilespmem:$0x4880] =	vst v2  }
0x95: {  	[tilespmem:$0x4890] =	vst v2  }
0x96: {  	[tilespmem:$0x48A0] =	vst v2  }
0x97: {  	[tilespmem:$0x48B0] =	vst v2  }
0x98: {  	[tilespmem:$0x48C0] =	vst v2  }
0x99: {  	[tilespmem:$0x48D0] =	vst v2  }
0x9a: {  	[tilespmem:$0x48E0] =	vst v2  }
0x9b: {  	[tilespmem:$0x48F0] =	vst v2  }
0x9c: {  	[tilespmem:$0x4900] =	vst v2  }
0x9d: {  	[tilespmem:$0x4910] =	vst v2  }
0x9e: {  	[tilespmem:$0x4920] =	vst v2  }
0x9f: {  	[tilespmem:$0x4930] =	vst v2  }
0xa0: {  	[tilespmem:$0x4940] =	vst v2  }
0xa1: {  	[tilespmem:$0x4950] =	vst v2  }
0xa2: {  	[tilespmem:$0x4960] =	vst v2  }
0xa3: {  	[tilespmem:$0x4970] =	vst v2  }
0xa4: {  	[tilespmem:$0x4980] =	vst v2  }
0xa5: {  	[tilespmem:$0x4990] =	vst v2  }
0xa6: {  	[tilespmem:$0x49A0] =	vst v2  }
0xa7: {  	[tilespmem:$0x49B0] =	vst v2  }
0xa8: {  	[tilespmem:$0x49C0] =	vst v2  }
0xa9: {  	[tilespmem:$0x49D0] =	vst v2  }
0xaa: {  	[tilespmem:$0x49E0] =	vst v2  }
0xab: {  	[tilespmem:$0x49F0] =	vst v2  }
0xac: {  	[tilespmem:$0x4A00] =	vst v2  }
0xad: {  	[tilespmem:$0x4A10] =	vst v2  }
0xae: {  	[tilespmem:$0x4A20] =	vst v2  }
0xaf: {  	[tilespmem:$0x4A30] =	vst v2  }
0xb0: {  	[tilespmem:$0x4A40] =	vst v2  }
0xb1: {  	[tilespmem:$0x4A50] =	vst v2  }
0xb2: {  	[tilespmem:$0x4A60] =	vst v2  }
0xb3: {  	[tilespmem:$0x4A70] =	vst v2  }
0xb4: {  	[tilespmem:$0x4A80] =	vst v2  }
0xb5: {  	[tilespmem:$0x4A90] =	vst v2  }
0xb6: {  	[tilespmem:$0x4AA0] =	vst v2  }
0xb7: {  	[tilespmem:$0x4AB0] =	vst v2  }
0xb8: {  	[tilespmem:$0x4AC0] =	vst v2  }
0xb9: {  	[tilespmem:$0x4AD0] =	vst v2  }
0xba: {  	[tilespmem:$0x4AE0] =	vst v2  }
0xbb: {  	[tilespmem:$0x4AF0] =	vst v2  }
0xbc: {  	[tilespmem:$0x4B00] =	vst v2  }
0xbd: {  	[tilespmem:$0x4B10] =	vst v2  }
0xbe: {  	[tilespmem:$0x4B20] =	vst v2  }
0xbf: {  	[tilespmem:$0x4B30] =	vst v2  }
0xc0: {  	[tilespmem:$0x4B40] =	vst v2  }
0xc1: {  	[tilespmem:$0x4B50] =	vst v2  }
0xc2: {  	[tilespmem:$0x4B60] =	vst v2  }
0xc3: {  	[tilespmem:$0x4B70] =	vst v2  }
0xc4: {  	[tilespmem:$0x4B80] =	vst v2  }
0xc5: {  	[tilespmem:$0x4B90] =	vst v2  }
0xc6: {  	[tilespmem:$0x4BA0] =	vst v2  }
0xc7: {  	[tilespmem:$0x4BB0] =	vst v2  }
0xc8: {  	[tilespmem:$0x4BC0] =	vst v2  }
0xc9: {  	[tilespmem:$0x4BD0] =	vst v2  }
0xca: {  	[tilespmem:$0x4BE0] =	vst v2  }
0xcb: {  	[tilespmem:$0x4BF0] =	vst v2  }
0xcc: {  	[tilespmem:$0x4C00] =	vst v2  }
0xcd: {  	[tilespmem:$0x4C10] =	vst v2  }
0xce: {  	[tilespmem:$0x4C20] =	vst v2  }
0xcf: {  	[tilespmem:$0x4C30] =	vst v2  }
0xd0: {  	[tilespmem:$0x4C40] =	vst v2  }
0xd1: {  	[tilespmem:$0x4C50] =	vst v2  }
0xd2: {  	[tilespmem:$0x4C60] =	vst v2  }
0xd3: {  	[tilespmem:$0x4C70] =	vst v2  }
0xd4: {  	[tilespmem:$0x4C80] =	vst v2  }
0xd5: {  	[tilespmem:$0x4C90] =	vst v2  }
0xd6: {  	[tilespmem:$0x4CA0] =	vst v2  }
0xd7: {  	[tilespmem:$0x4CB0] =	vst v2  }
0xd8: {  	[tilespmem:$0x4CC0] =	vst v2  }
0xd9: {  	[tilespmem:$0x4CD0] =	vst v2  }
0xda: {  	[tilespmem:$0x4CE0] =	vst v2  }
0xdb: {  	[tilespmem:$0x4CF0] =	vst v2  }
0xdc: {  	[tilespmem:$0x4D00] =	vst v2  }
0xdd: {  	[tilespmem:$0x4D10] =	vst v2  }
0xde: {  	[tilespmem:$0x4D20] =	vst v2  }
0xdf: {  	[tilespmem:$0x4D30] =	vst v2  }
0xe0: {  	[tilespmem:$0x4D40] =	vst v2  }
0xe1: {  	[tilespmem:$0x4D50] =	vst v2  }
0xe2: {  	[tilespmem:$0x4D60] =	vst v2  }
0xe3: {  	[tilespmem:$0x4D70] =	vst v2  }
0xe4: {  	[tilespmem:$0x4D80] =	vst v2  }
0xe5: {  	[tilespmem:$0x4D90] =	vst v2  }
0xe6: {  	[tilespmem:$0x4DA0] =	vst v2  }
0xe7: {  	[tilespmem:$0x4DB0] =	vst v2  }
0xe8: {  	[tilespmem:$0x4DC0] =	vst v2  }
0xe9: {  	[tilespmem:$0x4DD0] =	vst v2  }
0xea: {  	[tilespmem:$0x4DE0] =	vst v2  }
0xeb: {  	[tilespmem:$0x4DF0] =	vst v2  }
0xec: {  	[tilespmem:$0x4E00] =	vst v2  }
0xed: {  	[tilespmem:$0x4E10] =	vst v2  }
0xee: {  	[tilespmem:$0x4E20] =	vst v2  }
0xef: {  	[tilespmem:$0x4E30] =	vst v2  }
0xf0: {  	[tilespmem:$0x4E40] =	vst v2  }
0xf1: {  	[tilespmem:$0x4E50] =	vst v2  }
0xf2: {  	[tilespmem:$0x4E60] =	vst v2  }
0xf3: {  	[tilespmem:$0x4E70] =	vst v2  }
0xf4: {  	[tilespmem:$0x4E80] =	vst v2  }
0xf5: {  	[tilespmem:$0x4E90] =	vst v2  }
0xf6: {  	[tilespmem:$0x4EA0] =	vst v2  }
0xf7: {  	[tilespmem:$0x4EB0] =	vst v2  }
0xf8: {  	[tilespmem:$0x4EC0] =	vst v2  }
0xf9: {  	[tilespmem:$0x4ED0] =	vst v2  }
0xfa: {  	[tilespmem:$0x4EE0] =	vst v2  }
0xfb: {  	[tilespmem:$0x4EF0] =	vst v2  }
0xfc: {  	[tilespmem:$0x4F00] =	vst v2  }
0xfd: {  	[tilespmem:$0x4F10] =	vst v2  }
0xfe: {  	[tilespmem:$0x4F20] =	vst v2  }
0xff: {  	[tilespmem:$0x4F30] =	vst v2  }
0x100: {  	[tilespmem:$0x4F40] =	vst v2  }
0x101: {  	[tilespmem:$0x4F50] =	vst v2  }
0x102: {  	[tilespmem:$0x4F60] =	vst v2  }
0x103: {  	[tilespmem:$0x4F70] =	vst v2  }
0x104: {  	[tilespmem:$0x4F80] =	vst v2  }
0x105: {  	[tilespmem:$0x4F90] =	vst v2  }
0x106: {  	[tilespmem:$0x4FA0] =	vst v2  }
0x107: {  	[tilespmem:$0x4FB0] =	vst v2  }
0x108: {  	[tilespmem:$0x4FC0] =	vst v2  }
0x109: {  	[tilespmem:$0x4FD0] =	vst v2  }
0x10a: {  	[tilespmem:$0x4FE0] =	vst v2  }
0x10b: {  	[tilespmem:$0x4FF0] =	vst v2  }
0x10c: {  	[tilespmem:$0x5000] =	vst v2  }
0x10d: {  	[tilespmem:$0x5010] =	vst v2  }
0x10e: {  	[tilespmem:$0x5020] =	vst v2  }
0x10f: {  	[tilespmem:$0x5030] =	vst v2  }
0x110: {  	[tilespmem:$0x5040] =	vst v2  }
0x111: {  	[tilespmem:$0x5050] =	vst v2  }
0x112: {  	[tilespmem:$0x5060] =	vst v2  }
0x113: {  	[tilespmem:$0x5070] =	vst v2  }
0x114: {  	[tilespmem:$0x5080] =	vst v2  }
0x115: {  	[tilespmem:$0x5090] =	vst v2  }
0x116: {  	[tilespmem:$0x50A0] =	vst v2  }
0x117: {  	[tilespmem:$0x50B0] =	vst v2  }
0x118: {  	[tilespmem:$0x50C0] =	vst v2  }
0x119: {  	[tilespmem:$0x50D0] =	vst v2  }
0x11a: {  	[tilespmem:$0x50E0] =	vst v2  }
0x11b: {  	[tilespmem:$0x50F0] =	vst v2  }
0x11c: {  	[tilespmem:$0x5100] =	vst v2  }
0x11d: {  	[tilespmem:$0x5110] =	vst v2  }
0x11e: {  	[tilespmem:$0x5120] =	vst v2  }
0x11f: {  	[tilespmem:$0x5130] =	vst v2  }
0x120: {  	[tilespmem:$0x5140] =	vst v2  }
0x121: {  	[tilespmem:$0x5150] =	vst v2  }
0x122: {  	[tilespmem:$0x5160] =	vst v2  }
0x123: {  	[tilespmem:$0x5170] =	vst v2  }
0x124: {  	[tilespmem:$0x5180] =	vst v2  }
0x125: {  	[tilespmem:$0x5190] =	vst v2  }
0x126: {  	[tilespmem:$0x51A0] =	vst v2  }
0x127: {  	[tilespmem:$0x51B0] =	vst v2  }
0x128: {  	[tilespmem:$0x51C0] =	vst v2  }
0x129: {  	[tilespmem:$0x51D0] =	vst v2  }
0x12a: {  	[tilespmem:$0x51E0] =	vst v2  }
0x12b: {  	[tilespmem:$0x51F0] =	vst v2  }
0x12c: {  	[tilespmem:$0x5200] =	vst v2  }
0x12d: {  	[tilespmem:$0x5210] =	vst v2  }
0x12e: {  	[tilespmem:$0x5220] =	vst v2  }
0x12f: {  	[tilespmem:$0x5230] =	vst v2  }
0x130: {  	[tilespmem:$0x5240] =	vst v2  }
0x131: {  	[tilespmem:$0x5250] =	vst v2  }
0x132: {  	[tilespmem:$0x5260] =	vst v2  }
0x133: {  	[tilespmem:$0x5270] =	vst v2  }
0x134: {  	[tilespmem:$0x5280] =	vst v2  }
0x135: {  	[tilespmem:$0x5290] =	vst v2  }
0x136: {  	[tilespmem:$0x52A0] =	vst v2  }
0x137: {  	[tilespmem:$0x52B0] =	vst v2  }
0x138: {  	[tilespmem:$0x52C0] =	vst v2  }
0x139: {  	[tilespmem:$0x52D0] =	vst v2  }
0x13a: {  	[tilespmem:$0x52E0] =	vst v2  }
0x13b: {  	[tilespmem:$0x52F0] =	vst v2  }
0x13c: {  	[tilespmem:$0x5300] =	vst v2  }
0x13d: {  	[tilespmem:$0x5310] =	vst v2  }
0x13e: {  	[tilespmem:$0x5320] =	vst v2  }
0x13f: {  	[tilespmem:$0x5330] =	vst v2  }
0x140: {  	[tilespmem:$0x5340] =	vst v2  }
0x141: {  	[tilespmem:$0x5350] =	vst v2  }
0x142: {  	[tilespmem:$0x5360] =	vst v2  }
0x143: {  	[tilespmem:$0x5370] =	vst v2  }
0x144: {  	[tilespmem:$0x5380] =	vst v2  }
0x145: {  	[tilespmem:$0x5390] =	vst v2  }
0x146: {  	[tilespmem:$0x53A0] =	vst v2  }
0x147: {  	[tilespmem:$0x53B0] =	vst v2  }
0x148: {  	[tilespmem:$0x53C0] =	vst v2  }
0x149: {  	[tilespmem:$0x53D0] =	vst v2  }
0x14a: {  	[tilespmem:$0x53E0] =	vst v2  }
0x14b: {  	[tilespmem:$0x53F0] =	vst v2  }
0x14c: {  	[tilespmem:$0x5400] =	vst v2  }
0x14d: {  	[tilespmem:$0x5410] =	vst v2  }
0x14e: {  	[tilespmem:$0x5420] =	vst v2  }
0x14f: {  	[tilespmem:$0x5430] =	vst v2  }
0x150: {  	[tilespmem:$0x5440] =	vst v2  }
0x151: {  	[tilespmem:$0x5450] =	vst v2  }
0x152: {  	[tilespmem:$0x5460] =	vst v2  }
0x153: {  	[tilespmem:$0x5470] =	vst v2  }
0x154: {  	[tilespmem:$0x5480] =	vst v2  }
0x155: {  	[tilespmem:$0x5490] =	vst v2  }
0x156: {  	[tilespmem:$0x54A0] =	vst v2  }
0x157: {  	[tilespmem:$0x54B0] =	vst v2  }
0x158: {  	[tilespmem:$0x54C0] =	vst v2  }
0x159: {  	[tilespmem:$0x54D0] =	vst v2  }
0x15a: {  	[tilespmem:$0x54E0] =	vst v2  }
0x15b: {  	[tilespmem:$0x54F0] =	vst v2  }
0x15c: {  	[tilespmem:$0x5500] =	vst v2  }
0x15d: {  	[tilespmem:$0x5510] =	vst v2  }
0x15e: {  	[tilespmem:$0x5520] =	vst v2  }
0x15f: {  	[tilespmem:$0x5530] =	vst v2  }
0x160: {  	[tilespmem:$0x5540] =	vst v2  }
0x161: {  	[tilespmem:$0x5550] =	vst v2  }
0x162: {  	[tilespmem:$0x5560] =	vst v2  }
0x163: {  	[tilespmem:$0x5570] =	vst v2  }
0x164: {  	[tilespmem:$0x5580] =	vst v2  }
0x165: {  	[tilespmem:$0x5590] =	vst v2  }
0x166: {  	[tilespmem:$0x55A0] =	vst v2  }
0x167: {  	[tilespmem:$0x55B0] =	vst v2  }
0x168: {  	[tilespmem:$0x55C0] =	vst v2  }
0x169: {  	[tilespmem:$0x55D0] =	vst v2  }
0x16a: {  	[tilespmem:$0x55E0] =	vst v2  }
0x16b: {  	[tilespmem:$0x55F0] =	vst v2  }
0x16c: {  	[tilespmem:$0x5600] =	vst v2  }
0x16d: {  	[tilespmem:$0x5610] =	vst v2  }
0x16e: {  	[tilespmem:$0x5620] =	vst v2  }
0x16f: {  	[tilespmem:$0x5630] =	vst v2  }
0x170: {  	[tilespmem:$0x5640] =	vst v2  }
0x171: {  	[tilespmem:$0x5650] =	vst v2  }
0x172: {  	[tilespmem:$0x5660] =	vst v2  }
0x173: {  	[tilespmem:$0x5670] =	vst v2  }
0x174: {  	[tilespmem:$0x5680] =	vst v2  }
0x175: {  	[tilespmem:$0x5690] =	vst v2  }
0x176: {  	[tilespmem:$0x56A0] =	vst v2  }
0x177: {  	[tilespmem:$0x56B0] =	vst v2  }
0x178: {  	[tilespmem:$0x56C0] =	vst v2  }
0x179: {  	[tilespmem:$0x56D0] =	vst v2  }
0x17a: {  	[tilespmem:$0x56E0] =	vst v2  }
0x17b: {  	[tilespmem:$0x56F0] =	vst v2  }
0x17c: {  	[tilespmem:$0x5700] =	vst v2  }
0x17d: {  	[tilespmem:$0x5710] =	vst v2  }
0x17e: {  	[tilespmem:$0x5720] =	vst v2  }
0x17f: {  	[tilespmem:$0x5730] =	vst v2  }
0x180: {  	[tilespmem:$0x5740] =	vst v2  }
0x181: {  	[tilespmem:$0x5750] =	vst v2  }
0x182: {  	[tilespmem:$0x5760] =	vst v2  }
0x183: {  	[tilespmem:$0x5770] =	vst v2  }
0x184: {  	[tilespmem:$0x5780] =	vst v2  }
0x185: {  	[tilespmem:$0x5790] =	vst v2  }
0x186: {  	[tilespmem:$0x57A0] =	vst v2  }
0x187: {  	[tilespmem:$0x57B0] =	vst v2  }
0x188: {  	[tilespmem:$0x57C0] =	vst v2  }
0x189: {  	[tilespmem:$0x57D0] =	vst v2  }
0x18a: {  	[tilespmem:$0x57E0] =	vst v2  }
0x18b: {  	[tilespmem:$0x57F0] =	vst v2  }
0x18c: {  	[tilespmem:$0x5800] =	vst v2  }
0x18d: {  	[tilespmem:$0x5810] =	vst v2  }
0x18e: {  	[tilespmem:$0x5820] =	vst v2  }
0x18f: {  	[tilespmem:$0x5830] =	vst v2  }
0x190: {  	[tilespmem:$0x5840] =	vst v2  }
0x191: {  	[tilespmem:$0x5850] =	vst v2  }
0x192: {  	[tilespmem:$0x5860] =	vst v2  }
0x193: {  	[tilespmem:$0x5870] =	vst v2  }
0x194: {  	[tilespmem:$0x5880] =	vst v2  }
0x195: {  	[tilespmem:$0x5890] =	vst v2  }
0x196: {  	[tilespmem:$0x58A0] =	vst v2  }
0x197: {  	[tilespmem:$0x58B0] =	vst v2  }
0x198: {  	[tilespmem:$0x58C0] =	vst v2  }
0x199: {  	[tilespmem:$0x58D0] =	vst v2  }
0x19a: {  	[tilespmem:$0x58E0] =	vst v2  }
0x19b: {  	[tilespmem:$0x58F0] =	vst v2  }
0x19c: {  	[tilespmem:$0x5900] =	vst v2  }
0x19d: {  	[tilespmem:$0x5910] =	vst v2  }
0x19e: {  	[tilespmem:$0x5920] =	vst v2  }
0x19f: {  	[tilespmem:$0x5930] =	vst v2  }
0x1a0: {  	[tilespmem:$0x5940] =	vst v2  }
0x1a1: {  	[tilespmem:$0x5950] =	vst v2  }
0x1a2: {  	[tilespmem:$0x5960] =	vst v2  }
0x1a3: {  	[tilespmem:$0x5970] =	vst v2  }
0x1a4: {  	[tilespmem:$0x5980] =	vst v2  }
0x1a5: {  	[tilespmem:$0x5990] =	vst v2  }
0x1a6: {  	[tilespmem:$0x59A0] =	vst v2  }
0x1a7: {  	[tilespmem:$0x59B0] =	vst v2  }
0x1a8: {  	[tilespmem:$0x59C0] =	vst v2  }
0x1a9: {  	[tilespmem:$0x59D0] =	vst v2  }
0x1aa: {  	[tilespmem:$0x59E0] =	vst v2  }
0x1ab: {  	[tilespmem:$0x59F0] =	vst v2  }
0x1ac: {  	[tilespmem:$0x5A00] =	vst v2  }
0x1ad: {  	[tilespmem:$0x5A10] =	vst v2  }
0x1ae: {  	[tilespmem:$0x5A20] =	vst v2  }
0x1af: {  	[tilespmem:$0x5A30] =	vst v2  }
0x1b0: {  	[tilespmem:$0x5A40] =	vst v2  }
0x1b1: {  	[tilespmem:$0x5A50] =	vst v2  }
0x1b2: {  	[tilespmem:$0x5A60] =	vst v2  }
0x1b3: {  	[tilespmem:$0x5A70] =	vst v2  }
0x1b4: {  	[tilespmem:$0x5A80] =	vst v2  }
0x1b5: {  	[tilespmem:$0x5A90] =	vst v2  }
0x1b6: {  	[tilespmem:$0x5AA0] =	vst v2  }
0x1b7: {  	[tilespmem:$0x5AB0] =	vst v2  }
0x1b8: {  	[tilespmem:$0x5AC0] =	vst v2  }
0x1b9: {  	[tilespmem:$0x5AD0] =	vst v2  }
0x1ba: {  	[tilespmem:$0x5AE0] =	vst v2  }
0x1bb: {  	[tilespmem:$0x5AF0] =	vst v2  }
0x1bc: {  	[tilespmem:$0x5B00] =	vst v2  }
0x1bd: {  	[tilespmem:$0x5B10] =	vst v2  }
0x1be: {  	[tilespmem:$0x5B20] =	vst v2  }
0x1bf: {  	[tilespmem:$0x5B30] =	vst v2  }
0x1c0: {  	[tilespmem:$0x5B40] =	vst v2  }
0x1c1: {  	[tilespmem:$0x5B50] =	vst v2  }
0x1c2: {  	[tilespmem:$0x5B60] =	vst v2  }
0x1c3: {  	[tilespmem:$0x5B70] =	vst v2  }
0x1c4: {  	[tilespmem:$0x5B80] =	vst v2  }
0x1c5: {  	[tilespmem:$0x5B90] =	vst v2  }
0x1c6: {  	[tilespmem:$0x5BA0] =	vst v2  }
0x1c7: {  	[tilespmem:$0x5BB0] =	vst v2  }
0x1c8: {  	[tilespmem:$0x5BC0] =	vst v2  }
0x1c9: {  	[tilespmem:$0x5BD0] =	vst v2  }
0x1ca: {  	[tilespmem:$0x5BE0] =	vst v2  }
0x1cb: {  	[tilespmem:$0x5BF0] =	vst v2  }
0x1cc: {  	[tilespmem:$0x5C00] =	vst v2  }
0x1cd: {  	[tilespmem:$0x5C10] =	vst v2  }
0x1ce: {  	[tilespmem:$0x5C20] =	vst v2  }
0x1cf: {  	[tilespmem:$0x5C30] =	vst v2  }
0x1d0: {  	[tilespmem:$0x5C40] =	vst v2  }
0x1d1: {  	[tilespmem:$0x5C50] =	vst v2  }
0x1d2: {  	[tilespmem:$0x5C60] =	vst v2  }
0x1d3: {  	[tilespmem:$0x5C70] =	vst v2  }
0x1d4: {  	[tilespmem:$0x5C80] =	vst v2  }
0x1d5: {  	[tilespmem:$0x5C90] =	vst v2  }
0x1d6: {  	[tilespmem:$0x5CA0] =	vst v2  }
0x1d7: {  	[tilespmem:$0x5CB0] =	vst v2  }
0x1d8: {  	[tilespmem:$0x5CC0] =	vst v2  }
0x1d9: {  	[tilespmem:$0x5CD0] =	vst v2  }
0x1da: {  	[tilespmem:$0x5CE0] =	vst v2  }
0x1db: {  	[tilespmem:$0x5CF0] =	vst v2  }
0x1dc: {  	[tilespmem:$0x5D00] =	vst v2  }
0x1dd: {  	[tilespmem:$0x5D10] =	vst v2  }
0x1de: {  	[tilespmem:$0x5D20] =	vst v2  }
0x1df: {  	[tilespmem:$0x5D30] =	vst v2  }
0x1e0: {  	[tilespmem:$0x5D40] =	vst v2  }
0x1e1: {  	[tilespmem:$0x5D50] =	vst v2  }
0x1e2: {  	[tilespmem:$0x5D60] =	vst v2  }
0x1e3: {  	[tilespmem:$0x5D70] =	vst v2  }
0x1e4: {  	[tilespmem:$0x5D80] =	vst v2  }
0x1e5: {  	[tilespmem:$0x5D90] =	vst v2  }
0x1e6: {  	[tilespmem:$0x5DA0] =	vst v2  }
0x1e7: {  	[tilespmem:$0x5DB0] =	vst v2  }
0x1e8: {  	[tilespmem:$0x5DC0] =	vst v2  }
0x1e9: {  	[tilespmem:$0x5DD0] =	vst v2  }
0x1ea: {  	[tilespmem:$0x5DE0] =	vst v2  }
0x1eb: {  	[tilespmem:$0x5DF0] =	vst v2  }
0x1ec: {  	[tilespmem:$0x5E00] =	vst v2  }
0x1ed: {  	[tilespmem:$0x5E10] =	vst v2  }
0x1ee: {  	[tilespmem:$0x5E20] =	vst v2  }
0x1ef: {  	[tilespmem:$0x5E30] =	vst v2  }
0x1f0: {  	[tilespmem:$0x5E40] =	vst v2  }
0x1f1: {  	[tilespmem:$0x5E50] =	vst v2  }
0x1f2: {  	[tilespmem:$0x5E60] =	vst v2  }
0x1f3: {  	[tilespmem:$0x5E70] =	vst v2  }
0x1f4: {  	[tilespmem:$0x5E80] =	vst v2  }
0x1f5: {  	[tilespmem:$0x5E90] =	vst v2  }
0x1f6: {  	[tilespmem:$0x5EA0] =	vst v2  }
0x1f7: {  	[tilespmem:$0x5EB0] =	vst v2  }
0x1f8: {  	[tilespmem:$0x5EC0] =	vst v2  }
0x1f9: {  	[tilespmem:$0x5ED0] =	vst v2  }
0x1fa: {  	[tilespmem:$0x5EE0] =	vst v2  }
0x1fb: {  	[tilespmem:$0x5EF0] =	vst v2  }
0x1fc: {  	[tilespmem:$0x5F00] =	vst v2  }
0x1fd: {  	[tilespmem:$0x5F10] =	vst v2  }
0x1fe: {  	[tilespmem:$0x5F20] =	vst v2  }
0x1ff: {  	[tilespmem:$0x5F30] =	vst v2  }
0x200: {  	[tilespmem:$0x5F40] =	vst v2  }
0x201: {  	[tilespmem:$0x5F50] =	vst v2  }
0x202: {  	[tilespmem:$0x5F60] =	vst v2  }
0x203: {  	[tilespmem:$0x5F70] =	vst v2  }
0x204: {  	[tilespmem:$0x5F80] =	vst v2  }
0x205: {  	[tilespmem:$0x5F90] =	vst v2  }
0x206: {  	[tilespmem:$0x5FA0] =	vst v2  }
0x207: {  	[tilespmem:$0x5FB0] =	vst v2  }
0x208: {  	[tilespmem:$0x5FC0] =	vst v2  }
0x209: {  	[tilespmem:$0x5FD0] =	vst v2  }
0x20a: {  	[tilespmem:$0x5FE0] =	vst v2  }
0x20b: {  	[tilespmem:$0x5FF0] =	vst v2  }
0x20c: {  	_ =	swait.ge [sflag:s9], $0x4000  }
0x20d: {  	[sflag:s9] =	ssyncset.done $0x0  }
0x20e: {  	s16 =	simm.s32 $0x2000;
	[sflag:s9] =	ssyncadd.s32 $0xFFFFC000  }
0x20f: {  	v10 =	vld [tilespmem:s16+$0xFFFFE030]  }
0x210: {  	v11 =	vld [tilespmem:s16+$0x30]  }
0x211: {  	v8 =	vld [tilespmem:s16+$0x0]  }
0x212: {  	v5 =	vld [tilespmem:s16+$0xFFFFE010]  }
0x213: {  	v6 =	vld [tilespmem:s16+$0x10]  }
0x214: {  	v9 =	vld [tilespmem:s16+$0xFFFFE000]  }
0x215: {  	v4 =	vld [tilespmem:s16+$0x20]  }
0x216: {  	v7 =	vld [tilespmem:s16+$0xFFFFE020];
	vm0 =	vge.s32 v10, v0;
	v12 =	vsub.s32 v10, v0;
	v13 =	vshll.u32 v11, $0x4  }
0x217: {  	vm1 =	vlt.s32 v10, v1;
	v10 =	vand.u32 $0xFFFFF800, v13;
	v12 =	vshll.u32 v12, $0x7  }
0x218: {  	v11 =	vand.u32 $0x7F, v11;
	vm0 =	vmand vm0, vm1;
	v10 =	vadd.s32 v12, v10  }
0x219: {  	v14 =	vsub.s32 v5, v0;
	v16 =	vsub.s32 v9, v0;
	v10 =	vor.u32 v11, v10  }
0x21a: {  	v15 =	vshll.u32 v14, $0x7;
	v14 =	vshll.u32 v4, $0x4;
	v12 =	vshll.u32 v8, $0x4  }
0x21b: {  	v13 =	vand.u32 $0xFFFFF800, v12;
	v11 =	vshll.u32 v6, $0x4;
	v12 =	vsub.s32 v7, v0  }
0x21c: {  	v17 =	vand.u32 $0xFFFFF800, v14;
	v11 =	vand.u32 $0xFFFFF800, v11;
	v18 =	vshll.u32 v12, $0x7  }
0x21d: {  	s17 =	simm.s32 $0x2040;
	s16 =	simm.s32 $0x0;
	v14 =	vshll.u32 v16, $0x7;
	v12 =	vadd.s32 v15, v11;
	v11 =	vadd.s32 v18, v17  }
.LBB2_2:
0x21e: {  	v15 =	vld [tilespmem:s17+$0xFFFFE030];
	vm1 =	vge.s32 v9, v0;
	v13 =	vadd.s32 v14, v13;
	v14 =	vand.u32 $0x7F, v8;
	[tilespmem:v10+s10+$0x0] =	vst.idx.msk vm0, v3  }
0x21f: {  	s16 =	sadd.s32 $0x4, s16;
	vm0 =	vlt.s32 v9, v1;
	vm2 =	vge.s32 v5, v0;
	vm3 =	vlt.s32 v5, v1;
	v10 =	vld [tilespmem:s17+$0x30]  }
0x220: {  	v6 =	vand.u32 $0x7F, v6;
	vm4 =	vge.s32 v7, v0;
	vm5 =	vlt.s32 v7, v1;
	p0 =	slt.u32 s16, $0x1FC;
	v8 =	vld [tilespmem:s17+$0x0]  }
0x221: {  	v4 =	vand.u32 $0x7F, v4;
	v14 =	vor.u32 v14, v13;
	v12 =	vor.u32 v6, v12;
	v5 =	vld [tilespmem:s17+$0xFFFFE010]  }
0x222: {  	vm6 =	vmand vm1, vm0;
	vm2 =	vmand vm2, vm3;
	v11 =	vor.u32 v4, v11;
	v6 =	vld [tilespmem:s17+$0x10]  }
0x223: {  	vm1 =	vmand vm4, vm5;
	v7 =	vld [tilespmem:s17+$0xFFFFE020]  }
0x224: {  	vm0 =	vge.s32 v15, v0;
	v13 =	vsub.s32 v15, v0;
	v4 =	vld [tilespmem:s17+$0x20];
	v16 =	vshll.u32 v10, $0x4  }
0x225: {  	vm3 =	vlt.s32 v15, v1;
	v13 =	vshll.u32 v13, $0x7;
	v9 =	vld [tilespmem:s17+$0xFFFFE000];
	v15 =	vand.u32 $0xFFFFF800, v16  }
0x226: {  	vm0 =	vmand vm0, vm3;
	v10 =	vand.u32 $0x7F, v10;
	v13 =	vadd.s32 v13, v15  }
.Ltmp0:
0x227: {  	v15 =	vshll.u32 v8, $0x4;
	v16 =	vsub.s32 v5, v0;
	v10 =	vor.u32 v10, v13;
	(pc) =	sbr.rel @p0 .LBB2_2-.Ltmp0, $4  }
0x228: {  	v13 =	vand.u32 $0xFFFFF800, v15;
	v15 =	vshll.u32 v6, $0x4;
	v17 =	vsub.s32 v7, v0;
	[tilespmem:v14+s10+$0x0] =	vst.idx.msk vm6, v3  }
0x229: {  	v16 =	vshll.u32 v16, $0x7;
	v15 =	vand.u32 $0xFFFFF800, v15;
	v14 =	vshll.u32 v4, $0x4;
	[tilespmem:v12+s10+$0x0] =	vst.idx.msk vm2, v3  }
0x22a: {  	v17 =	vshll.u32 v17, $0x7;
	v12 =	vsub.s32 v9, v0;
	v18 =	vand.u32 $0xFFFFF800, v14;
	[tilespmem:v11+s10+$0x0] =	vst.idx.msk vm1, v3  }
0x22b: {  	s17 =	sadd.s32 $0x40, s17;
	v14 =	vshll.u32 v12, $0x7;
	v12 =	vadd.s32 v16, v15;
	v11 =	vadd.s32 v17, v18  }
0x22c: {  	vm1 =	vge.s32 v9, v0;
	v13 =	vadd.s32 v14, v13;
	v8 =	vand.u32 $0x7F, v8  }
0x22d: {  	vm2 =	vlt.s32 v9, v1;
	vm3 =	vge.s32 v5, v0;
	vm4 =	vlt.s32 v5, v1  }
0x22e: {  	v5 =	vand.u32 $0x7F, v6;
	vm15 =	vge.s32 v7, v0;
	vm1 =	vmand vm1, vm2  }
0x22f: {  	vm5 =	vlt.s32 v7, v1;
	v63 =	vor.u32 v8, v13;
	vm3 =	vmand vm3, vm4  }
0x230: {  	v4 =	vand.u32 $0x7F, v4;
	v5 =	vor.u32 v5, v12;
	vm2 =	vmand vm15, vm5  }
0x231: {  	v4 =	vor.u32 v4, v11;
	_ =	sdelay $0x1  }
0x232: {  	[tilespmem:v10+s10+$0x0] =	vst.idx.msk vm0, v3  }
0x233: {  	[tilespmem:v63+s10+$0x0] =	vst.idx.msk vm1, v3  }
0x234: {  	[tilespmem:v5+s10+$0x0] =	vst.idx.msk vm3, v3  }
0x235: {  	[tilespmem:v4+s10+$0x0] =	vst.idx.msk vm2, v3  }
0x236: {  	[hbm4b:s4+s3] =	stream.linear.scatter [tilespmem:s10], [sflag:$0x2], $0x800, $0x38;
	[tilespmem:$0x6000] =	vst v63  }
0x237: {  	_ =	swait.ge [sflag:s11], $0x800  }
0x238: {  	[sflag:s11] =	ssyncset.done $0x0  }
0x239: {  	[sflag:s11] =	ssyncadd.s32 $0xFFFFF800  }
0x23a: {  	[hbm4b:s5+s3] =	stream.linear.scatter [tilespmem:s12], [sflag:$0x2], $0x800, $0x38;
	[tilespmem:$0x6000] =	vst v63  }
0x23b: {  	_ =	swait.ge [sflag:s11], $0x800  }
0x23c: {  	[sflag:s11] =	ssyncset.done $0x0  }
0x23d: {  	[sflag:s11] =	ssyncadd.s32 $0xFFFFF800  }
0x23e: {  	[hbm4b:s6+s3] =	stream.linear.scatter [tilespmem:s13], [sflag:$0x2], $0x800, $0x38;
	[tilespmem:$0x6000] =	vst v63  }
0x23f: {  	s15 =	sadd.s32 $0x1, s15;
	_ =	swait.ge [sflag:s11], $0x800  }
0x240: {  	p0 =	sne.s32 s15, s8;
	[sflag:s11] =	ssyncset.done $0x0  }
.Ltmp1:
0x241: {  	[sflag:s11] =	ssyncadd.s32 $0xFFFFF800;
	(pc) =	sbr.rel @p0 .LBB2_1-.Ltmp1, $4  }
0x242: {  	[hbm4b:s7+s3] =	stream.linear.scatter [tilespmem:s14], [sflag:$0x2], $0x800, $0x38;
	[tilespmem:$0x6000] =	vst v63  }
0x243: {  	_ =	swait.ge [sflag:s11], $0x800  }
0x244: {  	[sflag:s11] =	ssyncset.done $0x0  }
0x245: {  	[sflag:s11] =	ssyncadd.s32 $0xFFFFF800  }
0x246: {  	_ =	sfence.sel $0x180000  }
0x247: {  	[bflag:$0x0] =	sbarrier.arrive $0xFFFF  }
0x248: {  	p0 =	sne.s32 s1, $0x0;
	_ =	strace $0x90000047  }
0x249: {  	s0 =	sadd.s32 @!p0 $0x100000, s0;
	[bflag:$0x2] =	sbarrier.arrive $0xFFFF  }
0x24a: {  	[sflag:s0] =	ssyncadd.tile.s32 @!p0 $0x1;
	_ =	shalt  }
.Lfunc_end2:
_tile_overlayer_lowered:
.L_overlay_start_2:
0x24b: {  	(tag) =	ssettag $0x2  }
0x24c: {  	s0 =	rddreg [dreg:$0x0];
	s2 =	stileid.u32  }
0x24d: {  	s1 =	rddreg [dreg:$0x1];
	p0 =	sne.s32 s2, $0x0  }
0x24e: {  	s3 =	rddreg [dreg:$0x2];
	[bflag:$0x3] =	sbarrier.arrive $0xFFFF;
	s2 =	simm.s32 @!p0 $0x1C02  }
0x24f: {  	[timem:s3], [sflag:s2] =	dma.local @!p0 [hbm:s0], s1  }
0x250: {  	s0 =	simm.s32 @!p0 $0x2  }
0x251: {  	_ =	swait.ge @!p0 [sflag:s0], s1  }
0x252: {  	s1 =	ssub.s32 @!p0 $0x0, s1;
	[sflag:s0] =	ssyncset.done @!p0 $0x0  }
0x253: {  	[sflag:s0] =	ssyncadd.s32 @!p0 s1  }
0x254: {  	[bflag:$0x3] =	sbarrier.arrive $0xFFFF  }
0x255: {  	_ =	shalt  }

</sc_bundles>
